<compile_context>
chip_gen: v7x
topology: tpu7x:2x2x1
jax: 0.10.2.dev20260603
libtpu: 0.0.44.dev20260713+nightly
codegen_flags: <defaults>
</compile_context>

<pallas_src>
import functools

import jax
import jax.numpy as jnp
from jax import lax
from jax.experimental import pallas as pl
from jax.experimental.pallas import tpu as pltpu
from jax.experimental.pallas import tpu_sc as plsc

NC = 2
NS = 16
NW = NC * NS
D = 64
M = 1000000
B = 16384
CKW = 256
CAP = 768
SPAN = 31232
FULL_END = 999936
NPIECE = 8192
_MESH = dict(core_axis_name="c", subcore_axis_name="s")
_SC_PARAMS = pltpu.CompilerParams(needs_layout_passes=False)


def _prescan(nodes_hbm, nodes_v, matched_v, s_w, e_w):
    cnt0 = jnp.zeros((16,), jnp.int32)
    for piece in range(B // NPIECE):
        pltpu.sync_copy(nodes_hbm.at[pl.ds(piece * NPIECE, NPIECE)], nodes_v)

        @pl.loop(0, NPIECE // 16, init_carry=cnt0)
        def cnt0(g, cnt):
            v = nodes_v[pl.ds(g * 16, 16)]
            m = (v >= s_w) & (v < e_w)
            pos = cnt + plsc.cumsum(jnp.where(m, 1, 0).astype(jnp.int32)) - 1
            plsc.store_scatter(matched_v, [pos], v, mask=m & (pos < CAP))
            return cnt + plsc.all_reduce_population_count(m)

    return cnt0


MAXM = 64


def _for_matched(matched_v, cnt_vec, px_v, sx_v, c0, width, fn):
    iota16 = lax.iota(jnp.int32, 16)

    @pl.loop(0, CAP // 16, init_carry=jnp.zeros((16,), jnp.int32))
    def cm_vec(g, cm):
        slots = g * 16 + iota16
        mv = matched_v[pl.ds(g * 16, 16)]
        inck = (slots < cnt_vec) & (mv >= c0) & (mv < c0 + width)
        pos = cm + plsc.cumsum(jnp.where(inck, 1, 0).astype(jnp.int32)) - 1
        ok = inck & (pos < MAXM)
        plsc.store_scatter(px_v, [pos], mv - c0, mask=ok)
        plsc.store_scatter(sx_v, [pos], slots, mask=ok)
        return cm + plsc.all_reduce_population_count(inck)

    @pl.loop(0, MAXM // 16)
    def _(gg):
        base = gg * 16

        @pl.when(base < cm_vec[0])
        def _():
            lanes = base + iota16
            mask = lanes < cm_vec
            p = px_v[pl.ds(base, 16)]
            s = sx_v[pl.ds(base, 16)]

            @pl.loop(0, D, unroll=8)
            def _(d):
                d_vec = jnp.broadcast_to(d, (16,))
                fn(d_vec, p, s, mask)


def _sc_gather_sweep(memT, nodes):
    mesh = plsc.VectorSubcoreMesh(**_MESH)

    @functools.partial(
        pl.kernel,
        mesh=mesh,
        out_type=jax.ShapeDtypeStruct((D, NW * CAP), jnp.float32),
        scratch_types=[
            pltpu.VMEM((NPIECE,), jnp.int32),
            pltpu.VMEM((CAP,), jnp.int32),
            pltpu.VMEM((D, CKW), jnp.float32),
            pltpu.VMEM((D, CKW), jnp.float32),
            pltpu.VMEM((D, CKW), jnp.float32),
            pltpu.VMEM((D, CKW), jnp.float32),
            pltpu.VMEM((D, CAP), jnp.float32),
            pltpu.VMEM((MAXM,), jnp.int32),
            pltpu.VMEM((MAXM,), jnp.int32),
            pltpu.SemaphoreType.DMA,
            pltpu.SemaphoreType.DMA,
            pltpu.SemaphoreType.DMA,
            pltpu.SemaphoreType.DMA,
        ],
        compiler_params=_SC_PARAMS,
    )
    def k(memT_hbm, nodes_hbm, selB_hbm, nodes_v, matched_v, ch0, ch1,
          ch2, ch3, colbuf, px_v, sx_v, sem0, sem1, sem2, sem3):
        wid = lax.axis_index("s") * NC + lax.axis_index("c")
        s_w = wid * SPAN
        e_w = jnp.where(wid == NW - 1, FULL_END, s_w + SPAN)
        nck = jnp.where(wid == NW - 1, (FULL_END - (NW - 1) * SPAN) // CKW,
                        SPAN // CKW)

        cnt_vec = _prescan(nodes_hbm, nodes_v, matched_v, s_w, e_w)

        chs = (ch0, ch1, ch2, ch3)
        sems = (sem0, sem1, sem2, sem3)

        def c_of(kk):
            return pl.multiple_of(s_w + kk * CKW, 128)

        for b in range(3):
            pltpu.async_copy(
                memT_hbm.at[:, pl.ds(c_of(b), CKW)], chs[b], sems[b])

        def extract(ch):
            def fn(d_vec, p, slots, mask):
                vals = plsc.load_gather(ch, [d_vec, p], mask=mask)
                plsc.store_scatter(colbuf, [d_vec, slots], vals, mask=mask)
            return fn

        @pl.loop(0, (FULL_END - (NW - 1) * SPAN) // CKW // 4)
        def _(k4):
            for b in range(4):
                kk = 4 * k4 + b

                @pl.when(kk < nck)
                def _():
                    pltpu.make_async_copy(
                        memT_hbm.at[:, pl.ds(0, CKW)], chs[b], sems[b]
                    ).wait()
                    _for_matched(matched_v, cnt_vec, px_v, sx_v,
                                 c_of(kk), CKW, extract(chs[b]))

                    @pl.when(kk + 3 < nck)
                    def _():
                        pltpu.async_copy(
                            memT_hbm.at[:, pl.ds(c_of(kk + 3), CKW)],
                            chs[(b + 3) % 4], sems[(b + 3) % 4])

        pltpu.sync_copy(colbuf, selB_hbm.at[:, pl.ds(wid * CAP, CAP)])

    return k(memT, nodes)


def _sc_merge_sweep(memT, nodes, outB):
    mesh = plsc.VectorSubcoreMesh(**_MESH)

    @functools.partial(
        pl.kernel,
        mesh=mesh,
        out_type=jax.ShapeDtypeStruct((D, M), jnp.float32),
        scratch_types=[
            pltpu.VMEM((NPIECE,), jnp.int32),
            pltpu.VMEM((CAP,), jnp.int32),
            pltpu.VMEM((D, CKW), jnp.float32),
            pltpu.VMEM((D, CKW), jnp.float32),
            pltpu.VMEM((D, CKW), jnp.float32),
            pltpu.VMEM((D, CKW), jnp.float32),
            pltpu.VMEM((D, CAP), jnp.float32),
            pltpu.VMEM((MAXM,), jnp.int32),
            pltpu.VMEM((MAXM,), jnp.int32),
            pltpu.SemaphoreType.DMA,
            pltpu.SemaphoreType.DMA,
            pltpu.SemaphoreType.DMA,
            pltpu.SemaphoreType.DMA,
            pltpu.SemaphoreType.DMA,
            pltpu.SemaphoreType.DMA,
            pltpu.SemaphoreType.DMA,
            pltpu.SemaphoreType.DMA,
        ],
        compiler_params=_SC_PARAMS,
    )
    def k(memT_hbm, nodes_hbm, outB_hbm, out_hbm, nodes_v, matched_v,
          ch0, ch1, ch2, ch3, colbuf, px_v, sx_v, si0, si1, si2, si3,
          so0, so1, so2, so3):
        wid = lax.axis_index("s") * NC + lax.axis_index("c")
        s_w = wid * SPAN
        e_w = jnp.where(wid == NW - 1, FULL_END, s_w + SPAN)
        nck = jnp.where(wid == NW - 1, (FULL_END - (NW - 1) * SPAN) // CKW,
                        SPAN // CKW)

        cnt_vec = _prescan(nodes_hbm, nodes_v, matched_v, s_w, e_w)
        pltpu.sync_copy(outB_hbm.at[:, pl.ds(wid * CAP, CAP)], colbuf)

        chs = (ch0, ch1, ch2, ch3)
        sin = (si0, si1, si2, si3)
        sout = (so0, so1, so2, so3)

        def c_of(kk):
            return pl.multiple_of(s_w + kk * CKW, 128)

        for b in range(2):
            pltpu.async_copy(
                memT_hbm.at[:, pl.ds(c_of(b), CKW)], chs[b], sin[b])

        def inject(ch):
            def fn(d_vec, p, slots, mask):
                vals = plsc.load_gather(colbuf, [d_vec, slots], mask=mask)
                plsc.store_scatter(ch, [d_vec, p], vals, mask=mask)
            return fn

        def wait_out(bb):
            pltpu.make_async_copy(
                chs[bb], out_hbm.at[:, pl.ds(0, CKW)], sout[bb]).wait()

        @pl.loop(0, (FULL_END - (NW - 1) * SPAN) // CKW // 4)
        def _(k4):
            for b in range(4):
                kk = 4 * k4 + b

                @pl.when(kk < nck)
                def _():
                    pltpu.make_async_copy(
                        memT_hbm.at[:, pl.ds(0, CKW)], chs[b], sin[b]
                    ).wait()
                    _for_matched(matched_v, cnt_vec, px_v, sx_v,
                                 c_of(kk), CKW, inject(chs[b]))
                    pltpu.async_copy(
                        chs[b], out_hbm.at[:, pl.ds(c_of(kk), CKW)], sout[b])

                    @pl.when(kk + 2 < nck)
                    def _():
                        bn = (b + 2) % 4

                        @pl.when(kk >= 2)
                        def _():
                            wait_out(bn)

                        pltpu.async_copy(
                            memT_hbm.at[:, pl.ds(c_of(kk + 2), CKW)],
                            chs[bn], sin[bn])

        for off in (2, 1):
            for bb in range(4):
                @pl.when((nck - off) % 4 == bb)
                def _():
                    wait_out(bb)

    return k(memT, nodes, outB)


def _tc_mlp_T(selB, W1, b1, W2, b2):
    Dn, N = selB.shape
    H = W1.shape[0]
    BLK = 2048

    def body(x_ref, w1_ref, b1_ref, w2_ref, b2_ref, o_ref):
        x = x_ref[...]
        h = lax.dot_general(
            w1_ref[...], x, (((1,), (0,)), ((), ())),
            preferred_element_type=jnp.float32,
        ) + b1_ref[...]
        h = jnp.where(h >= 0, h, 0.01 * h)
        o_ref[...] = lax.dot_general(
            w2_ref[...], h, (((1,), (0,)), ((), ())),
            preferred_element_type=jnp.float32,
        ) + b2_ref[...]

    return pl.pallas_call(
        body,
        out_shape=jax.ShapeDtypeStruct((Dn, N), jnp.float32),
        grid=(N // BLK,),
        in_specs=[
            pl.BlockSpec((Dn, BLK), lambda i: (0, i)),
            pl.BlockSpec((H, Dn), lambda i: (0, 0)),
            pl.BlockSpec((H, 1), lambda i: (0, 0)),
            pl.BlockSpec((Dn, H), lambda i: (0, 0)),
            pl.BlockSpec((Dn, 1), lambda i: (0, 0)),
        ],
        out_specs=pl.BlockSpec((Dn, BLK), lambda i: (0, i)),
    )(selB, W1, b1.reshape(H, 1), W2, b2.reshape(Dn, 1))


def _tc_tail_fix(out_full, memT, nodes128, W1, b1, W2, b2):
    TW = 128
    H = W1.shape[0]

    def body(o_alias, x_ref, n_ref, w1_ref, b1_ref, w2_ref, b2_ref, o_ref):
        del o_alias
        x = x_ref[...]
        h = lax.dot_general(
            w1_ref[...], x, (((1,), (0,)), ((), ())),
            preferred_element_type=jnp.float32,
        ) + b1_ref[...]
        h = jnp.where(h >= 0, h, 0.01 * h)
        o = lax.dot_general(
            w2_ref[...], h, (((1,), (0,)), ((), ())),
            preferred_element_type=jnp.float32,
        ) + b2_ref[...]
        nb = n_ref[...]
        iota_row = lax.broadcasted_iota(jnp.int32, (1, TW), 1)
        hit_row = jnp.zeros((1, TW), jnp.float32)
        for j in range(M - FULL_END):
            hj = jnp.where(jnp.any(nb == FULL_END + j), 1.0, 0.0)
            hit_row = jnp.where(iota_row == j, hj, hit_row)
        o_ref[...] = jnp.where(hit_row > 0, o, x)

    blk = FULL_END // TW
    return pl.pallas_call(
        body,
        out_shape=jax.ShapeDtypeStruct((D, M), jnp.float32),
        grid=(1,),
        in_specs=[
            pl.BlockSpec(memory_space=pl.ANY),
            pl.BlockSpec((D, TW), lambda i: (0, blk)),
            pl.BlockSpec((128, 128), lambda i: (0, 0)),
            pl.BlockSpec((H, D), lambda i: (0, 0)),
            pl.BlockSpec((H, 1), lambda i: (0, 0)),
            pl.BlockSpec((D, H), lambda i: (0, 0)),
            pl.BlockSpec((D, 1), lambda i: (0, 0)),
        ],
        out_specs=pl.BlockSpec((D, TW), lambda i: (0, blk)),
        input_output_aliases={0: 0},
    )(out_full, memT, nodes128, W1, b1.reshape(H, 1), W2, b2.reshape(D, 1))


def kernel(memory, nodes, W1, b1, W2, b2):
    memT = memory.T
    selB = _sc_gather_sweep(memT, nodes)
    outB = _tc_mlp_T(selB, W1, b1, W2, b2)
    out = _sc_merge_sweep(memT, nodes, outB)
    out = _tc_tail_fix(out, memT, nodes.reshape(128, 128), W1, b1, W2, b2)
    return out.T

# --- scband reference (transcript-rebuilt; emitter-appended) ---
"""Pipeline reference for scband-mlpembedding-23785528885488 (READ-ONLY COPY).

The authoritative reference and input builder live on the scoring server;
editing this copy changes nothing except your own understanding.
"""

import jax, jax.numpy as jnp
import numpy as np

M = 1000000
D = 64      # n_node_features (== mess_dim so scatter-back is shape-consistent)
H = 32      # n_node_features // 2
B = 16384   # number of nodes updated


def _linear_init(key, fan_in, fan_out):
    # mimic torch nn.Linear default init: U(-1/sqrt(fan_in), 1/sqrt(fan_in))
    kw, kb = jax.random.split(key)
    bound = 1.0 / np.sqrt(fan_in)
    W = jax.random.uniform(kw, (fan_out, fan_in), minval=-bound, maxval=bound, dtype=jnp.float32)
    b = jax.random.uniform(kb, (fan_out,), minval=-bound, maxval=bound, dtype=jnp.float32)
    return W, b


def setup_inputs(seed: int = 0) -> dict:
    key = jax.random.key(seed)
    k1, k2, k3, k4 = jax.random.split(key, 4)
    memory = jax.random.normal(k1, (M, D), dtype=jnp.float32)
    nodes = jax.random.randint(k2, (B,), 0, M, dtype=jnp.int32)
    W1, b1 = _linear_init(k3, D, H)
    W2, b2 = _linear_init(k4, H, D)
    return {"memory": memory, "nodes": nodes, "W1": W1, "b1": b1, "W2": W2, "b2": b2}


def reference(memory, nodes, W1, b1, W2, b2):
    # memory = memory.data.clone(); memory[nodes, :] = self.mlp(memory[nodes, :])
    sel = jnp.take(memory, nodes, axis=0)          # gather [B, D]
    h = sel @ W1.T + b1                             # Linear(D -> D//2)
    h = jnp.where(h >= 0, h, 0.01 * h)              # LeakyReLU(negative_slope=0.01)
    out = h @ W2.T + b2                             # Linear(D//2 -> mess_dim == D)
    return memory.at[nodes].set(out)                # scatter-overwrite into cloned memory

if __name__ == "__main__":
    import jax
    _d = setup_inputs()
    print(jax.jit(kernel)(*tuple(_d.values())))

</pallas_src>

<mosaic_0001>
#map = affine_map<(d0, d1) -> (0, 0)>
#map1 = affine_map<(d0, d1) -> (0)>
module attributes {stable_mosaic.version = 14 : i64} {
  func.func @k(%arg0: i32, %arg1: i32, %arg2: memref<64x1000000xf32, #tpu.memory_space<hbm>>, %arg3: memref<16384xi32, #tpu.memory_space<hbm>>, %arg4: memref<64x24576xf32, #tpu.memory_space<hbm>>, %arg5: memref<64x1000000xf32, #tpu.memory_space<hbm>>, %arg6: memref<8192xi32, #tpu.memory_space<vmem>>, %arg7: memref<768xi32, #tpu.memory_space<vmem>>, %arg8: memref<64x256xf32, #tpu.memory_space<vmem>>, %arg9: memref<64x256xf32, #tpu.memory_space<vmem>>, %arg10: memref<64x256xf32, #tpu.memory_space<vmem>>, %arg11: memref<64x256xf32, #tpu.memory_space<vmem>>, %arg12: memref<64x768xf32, #tpu.memory_space<vmem>>, %arg13: memref<64xi32, #tpu.memory_space<vmem>>, %arg14: memref<64xi32, #tpu.memory_space<vmem>>, %arg15: memref<!tpu.dma_semaphore, #tpu.memory_space<semaphore_mem>>, %arg16: memref<!tpu.dma_semaphore, #tpu.memory_space<semaphore_mem>>, %arg17: memref<!tpu.dma_semaphore, #tpu.memory_space<semaphore_mem>>, %arg18: memref<!tpu.dma_semaphore, #tpu.memory_space<semaphore_mem>>, %arg19: memref<!tpu.dma_semaphore, #tpu.memory_space<semaphore_mem>>, %arg20: memref<!tpu.dma_semaphore, #tpu.memory_space<semaphore_mem>>, %arg21: memref<!tpu.dma_semaphore, #tpu.memory_space<semaphore_mem>>, %arg22: memref<!tpu.dma_semaphore, #tpu.memory_space<semaphore_mem>>) attributes {dimension_semantics = [#tpu.dimension_semantics<core_parallel>, #tpu.dimension_semantics<subcore_parallel>], iteration_bounds = array<i64: 2, 16>, scalar_prefetch = 0 : i64, scratch_operands = 17 : i64, tpu.core_type = #tpu.core_type<sc_vector_subcore>, window_params = [{transform_indices = #map}, {transform_indices = #map1}, {transform_indices = #map}, {transform_indices = #map}]} {
    %mul3A = arith.constant 2 : i32
    %mul3A_0 = arith.muli %arg1, %mul3A : i32
    %add3A = arith.addi %mul3A_0, %arg0 : i32
    %mul3A_1 = arith.constant 31232 : i32
    %mul3A_2 = arith.muli %add3A, %mul3A_1 : i32
    %eq3A = arith.constant 31 : i32
    %eq3A_3 = arith.cmpi eq, %add3A, %eq3A : i32
    %add3A_4 = arith.constant 31232 : i32
    %add3A_5 = arith.addi %mul3A_2, %add3A_4 : i32
    %jit3A = arith.constant 999936 : i32
    %select_n3A = arith.select %eq3A_3, %jit3A, %add3A_5 : i32
    %eq3A_6 = arith.constant 31 : i32
    %eq3A_7 = arith.cmpi eq, %add3A, %eq3A_6 : i32
    %jit3A_8 = arith.constant 124 : i32
    %jit3A_9 = arith.constant 122 : i32
    %select_n3A_10 = arith.select %eq3A_7, %jit3A_8, %jit3A_9 : i32
    %broadcast_in_dim3A = arith.constant 0 : i32
    %broadcast_in_dim3A_11 = vector.broadcast %broadcast_in_dim3A : i32 to vector<16xi32>
    "tpu.region"() ({
      %run_scoped3A = tpu.sem_alloc : memref<!tpu.dma_semaphore, #tpu.memory_space<semaphore_mem>>
      %dma_start3A_219 = arith.constant 0 : i32
      %dma_start3A_220 = tpu.memref_slice %arg3[%dma_start3A_219] : memref<16384xi32, #tpu.memory_space<hbm>> -> memref<8192xi32, #tpu.memory_space<hbm>>
      %dma_start3A_221 = arith.constant 0 : i32
      %dma_start3A_222 = tpu.memref_slice %arg3[%dma_start3A_221] : memref<16384xi32, #tpu.memory_space<hbm>> -> memref<8192xi32, #tpu.memory_space<hbm>>
      tpu.enqueue_dma source(%dma_start3A_222 : memref<8192xi32, #tpu.memory_space<hbm>>) target(%arg6 : memref<8192xi32, #tpu.memory_space<vmem>>) target_semaphore(%run_scoped3A : memref<!tpu.dma_semaphore, #tpu.memory_space<semaphore_mem>>)
      %dma_wait3A = arith.constant 0 : i32
      %dma_wait3A_223 = tpu.memref_slice %arg3[%dma_wait3A] : memref<16384xi32, #tpu.memory_space<hbm>> -> memref<8192xi32, #tpu.memory_space<hbm>>
      %dma_wait3A_224 = arith.constant 0 : i32
      %dma_wait3A_225 = tpu.memref_slice %arg3[%dma_wait3A_224] : memref<16384xi32, #tpu.memory_space<hbm>> -> memref<8192xi32, #tpu.memory_space<hbm>>
      tpu.wait_dma2 semaphore(%run_scoped3A : memref<!tpu.dma_semaphore, #tpu.memory_space<semaphore_mem>>) src(%dma_wait3A_225 : memref<8192xi32, #tpu.memory_space<hbm>>) dst(%arg6 : memref<8192xi32, #tpu.memory_space<vmem>>)
      tpu.yield
    }) : () -> ()
    %scan3A = arith.constant 0 : i32
    %scan3A_12 = arith.constant 512 : i32
    %scan3A_13 = arith.addi %scan3A, %scan3A_12 : i32
    %scan3A_14 = arith.constant 1 : i32
    %scan3A_15 = scf.for %scan3A_219 = %scan3A to %scan3A_13 step %scan3A_14 iter_args(%scan3A_220 = %broadcast_in_dim3A_11) -> (vector<16xi32>)  : i32 {
      %mul3A_221 = arith.constant 1 : i32
      %mul3A_222 = arith.muli %scan3A_219, %mul3A_221 : i32
      %add3A_223 = arith.constant 0 : i32
      %add3A_224 = arith.addi %add3A_223, %mul3A_222 : i32
      %mul3A_225 = arith.constant 16 : i32
      %mul3A_226 = arith.muli %add3A_224, %mul3A_225 : i32
      %get3A = arith.index_cast %mul3A_226 : i32 to index
      %get3A_227 = tpu.vector_load %arg6[%get3A] {strides = array<i32>} : memref<8192xi32, #tpu.memory_space<vmem>>, vector<16xi32>,
      %ge3A = vector.broadcast %mul3A_2 : i32 to vector<16xi32>
      %ge3A_228 = arith.cmpi sge, %get3A_227, %ge3A : vector<16xi32>
      %lt3A_229 = vector.broadcast %select_n3A : i32 to vector<16xi32>
      %lt3A_230 = arith.cmpi slt, %get3A_227, %lt3A_229 : vector<16xi32>
      %and3A_231 = arith.andi %ge3A_228, %lt3A_230 : vector<16xi1>
      %jit3A_232 = arith.constant 1 : i32
      %jit3A_233 = arith.constant 0 : i32
      %broadcast_in_dim3A_234 = vector.broadcast %jit3A_232 : i32 to vector<16xi32>
      %broadcast_in_dim3A_235 = vector.broadcast %jit3A_233 : i32 to vector<16xi32>
      %select_n3A_236 = arith.select %and3A_231, %broadcast_in_dim3A_234, %broadcast_in_dim3A_235 : vector<16xi1>, vector<16xi32>
      %broadcast_in_dim3A_237 = arith.constant true
      %broadcast_in_dim3A_238 = vector.broadcast %broadcast_in_dim3A_237 : i1 to vector<16xi1>
      %masked_cumsum3A = tpu.scan <sum>, %select_n3A_236 masked %broadcast_in_dim3A_238 : vector<16xi32>, vector<16xi1> -> vector<16xi32>
      %add3A_239 = arith.addi %scan3A_220, %masked_cumsum3A : vector<16xi32>
      %sub3A_240 = arith.constant 1 : i32
      %sub3A_241 = vector.broadcast %sub3A_240 : i32 to vector<16xi32>
      %sub3A_242 = arith.subi %add3A_239, %sub3A_241 : vector<16xi32>
      %lt3A_243 = arith.constant 768 : i32
      %lt3A_244 = vector.broadcast %lt3A_243 : i32 to vector<16xi32>
      %lt3A_245 = arith.cmpi slt, %sub3A_242, %lt3A_244 : vector<16xi32>
      %and3A_246 = arith.andi %and3A_231, %lt3A_245 : vector<16xi1>
      tpu.vector_store_idx %arg7[%sub3A_242], %get3A_227 masked %and3A_246 : memref<768xi32, #tpu.memory_space<vmem>>[vector<16xi32>], vector<16xi32>, vector<16xi1>
      %all_reduce_population_count3A = tpu.all_reduce %and3A_231 {dim = 0 : i64, kind = #tpu.reduction_kind<sum>} : vector<16xi1> -> vector<16xi32>
      %add3A_247 = arith.addi %scan3A_220, %all_reduce_population_count3A : vector<16xi32>
      scf.yield %add3A_247 : vector<16xi32>
    }
    %scan3A_16 = arith.constant 512 : i32
    "tpu.region"() ({
      %run_scoped3A = tpu.sem_alloc : memref<!tpu.dma_semaphore, #tpu.memory_space<semaphore_mem>>
      %dma_start3A_219 = arith.constant 8192 : i32
      %dma_start3A_220 = tpu.memref_slice %arg3[%dma_start3A_219] : memref<16384xi32, #tpu.memory_space<hbm>> -> memref<8192xi32, #tpu.memory_space<hbm>>
      %dma_start3A_221 = arith.constant 8192 : i32
      %dma_start3A_222 = tpu.memref_slice %arg3[%dma_start3A_221] : memref<16384xi32, #tpu.memory_space<hbm>> -> memref<8192xi32, #tpu.memory_space<hbm>>
      tpu.enqueue_dma source(%dma_start3A_222 : memref<8192xi32, #tpu.memory_space<hbm>>) target(%arg6 : memref<8192xi32, #tpu.memory_space<vmem>>) target_semaphore(%run_scoped3A : memref<!tpu.dma_semaphore, #tpu.memory_space<semaphore_mem>>)
      %dma_wait3A = arith.constant 8192 : i32
      %dma_wait3A_223 = tpu.memref_slice %arg3[%dma_wait3A] : memref<16384xi32, #tpu.memory_space<hbm>> -> memref<8192xi32, #tpu.memory_space<hbm>>
      %dma_wait3A_224 = arith.constant 8192 : i32
      %dma_wait3A_225 = tpu.memref_slice %arg3[%dma_wait3A_224] : memref<16384xi32, #tpu.memory_space<hbm>> -> memref<8192xi32, #tpu.memory_space<hbm>>
      tpu.wait_dma2 semaphore(%run_scoped3A : memref<!tpu.dma_semaphore, #tpu.memory_space<semaphore_mem>>) src(%dma_wait3A_225 : memref<8192xi32, #tpu.memory_space<hbm>>) dst(%arg6 : memref<8192xi32, #tpu.memory_space<vmem>>)
      tpu.yield
    }) : () -> ()
    %scan3A_17 = arith.constant 0 : i32
    %scan3A_18 = arith.constant 512 : i32
    %scan3A_19 = arith.addi %scan3A_17, %scan3A_18 : i32
    %scan3A_20 = arith.constant 1 : i32
    %scan3A_21 = scf.for %scan3A_219 = %scan3A_17 to %scan3A_19 step %scan3A_20 iter_args(%scan3A_220 = %scan3A_15) -> (vector<16xi32>)  : i32 {
      %mul3A_221 = arith.constant 1 : i32
      %mul3A_222 = arith.muli %scan3A_219, %mul3A_221 : i32
      %add3A_223 = arith.constant 0 : i32
      %add3A_224 = arith.addi %add3A_223, %mul3A_222 : i32
      %mul3A_225 = arith.constant 16 : i32
      %mul3A_226 = arith.muli %add3A_224, %mul3A_225 : i32
      %get3A = arith.index_cast %mul3A_226 : i32 to index
      %get3A_227 = tpu.vector_load %arg6[%get3A] {strides = array<i32>} : memref<8192xi32, #tpu.memory_space<vmem>>, vector<16xi32>,
      %ge3A = vector.broadcast %mul3A_2 : i32 to vector<16xi32>
      %ge3A_228 = arith.cmpi sge, %get3A_227, %ge3A : vector<16xi32>
      %lt3A_229 = vector.broadcast %select_n3A : i32 to vector<16xi32>
      %lt3A_230 = arith.cmpi slt, %get3A_227, %lt3A_229 : vector<16xi32>
      %and3A_231 = arith.andi %ge3A_228, %lt3A_230 : vector<16xi1>
      %jit3A_232 = arith.constant 1 : i32
      %jit3A_233 = arith.constant 0 : i32
      %broadcast_in_dim3A_234 = vector.broadcast %jit3A_232 : i32 to vector<16xi32>
      %broadcast_in_dim3A_235 = vector.broadcast %jit3A_233 : i32 to vector<16xi32>
      %select_n3A_236 = arith.select %and3A_231, %broadcast_in_dim3A_234, %broadcast_in_dim3A_235 : vector<16xi1>, vector<16xi32>
      %broadcast_in_dim3A_237 = arith.constant true
      %broadcast_in_dim3A_238 = vector.broadcast %broadcast_in_dim3A_237 : i1 to vector<16xi1>
      %masked_cumsum3A = tpu.scan <sum>, %select_n3A_236 masked %broadcast_in_dim3A_238 : vector<16xi32>, vector<16xi1> -> vector<16xi32>
      %add3A_239 = arith.addi %scan3A_220, %masked_cumsum3A : vector<16xi32>
      %sub3A_240 = arith.constant 1 : i32
      %sub3A_241 = vector.broadcast %sub3A_240 : i32 to vector<16xi32>
      %sub3A_242 = arith.subi %add3A_239, %sub3A_241 : vector<16xi32>
      %lt3A_243 = arith.constant 768 : i32
      %lt3A_244 = vector.broadcast %lt3A_243 : i32 to vector<16xi32>
      %lt3A_245 = arith.cmpi slt, %sub3A_242, %lt3A_244 : vector<16xi32>
      %and3A_246 = arith.andi %and3A_231, %lt3A_245 : vector<16xi1>
      tpu.vector_store_idx %arg7[%sub3A_242], %get3A_227 masked %and3A_246 : memref<768xi32, #tpu.memory_space<vmem>>[vector<16xi32>], vector<16xi32>, vector<16xi1>
      %all_reduce_population_count3A = tpu.all_reduce %and3A_231 {dim = 0 : i64, kind = #tpu.reduction_kind<sum>} : vector<16xi1> -> vector<16xi32>
      %add3A_247 = arith.addi %scan3A_220, %all_reduce_population_count3A : vector<16xi32>
      scf.yield %add3A_247 : vector<16xi32>
    }
    %scan3A_22 = arith.constant 512 : i32
    %mul3A_23 = arith.constant 768 : i32
    %mul3A_24 = arith.muli %add3A, %mul3A_23 : i32
    "tpu.region"() ({
      %run_scoped3A = tpu.sem_alloc : memref<!tpu.dma_semaphore, #tpu.memory_space<semaphore_mem>>
      %dma_start3A_219 = arith.constant 0 : i32
      %dma_start3A_220 = tpu.memref_slice %arg4[%dma_start3A_219, %mul3A_24] : memref<64x24576xf32, #tpu.memory_space<hbm>> -> memref<64x768xf32, #tpu.memory_space<hbm>>
      %dma_start3A_221 = arith.constant 0 : i32
      %dma_start3A_222 = tpu.memref_slice %arg4[%dma_start3A_221, %mul3A_24] : memref<64x24576xf32, #tpu.memory_space<hbm>> -> memref<64x768xf32, #tpu.memory_space<hbm>>
      tpu.enqueue_dma source(%dma_start3A_222 : memref<64x768xf32, #tpu.memory_space<hbm>>) target(%arg12 : memref<64x768xf32, #tpu.memory_space<vmem>>) target_semaphore(%run_scoped3A : memref<!tpu.dma_semaphore, #tpu.memory_space<semaphore_mem>>)
      %dma_wait3A = arith.constant 0 : i32
      %dma_wait3A_223 = tpu.memref_slice %arg4[%dma_wait3A, %mul3A_24] : memref<64x24576xf32, #tpu.memory_space<hbm>> -> memref<64x768xf32, #tpu.memory_space<hbm>>
      %dma_wait3A_224 = arith.constant 0 : i32
      %dma_wait3A_225 = tpu.memref_slice %arg4[%dma_wait3A_224, %mul3A_24] : memref<64x24576xf32, #tpu.memory_space<hbm>> -> memref<64x768xf32, #tpu.memory_space<hbm>>
      tpu.wait_dma2 semaphore(%run_scoped3A : memref<!tpu.dma_semaphore, #tpu.memory_space<semaphore_mem>>) src(%dma_wait3A_225 : memref<64x768xf32, #tpu.memory_space<hbm>>) dst(%arg12 : memref<64x768xf32, #tpu.memory_space<vmem>>)
      tpu.yield
    }) : () -> ()
    %add3A_25 = arith.constant 0 : i32
    %add3A_26 = arith.addi %mul3A_2, %add3A_25 : i32
    %multiple_of3A = tpu.assume_multiple %add3A_26, 128 : i32
    %dma_start3A = arith.constant 0 : i32
    %dma_start3A_27 = tpu.memref_slice %arg2[%dma_start3A, %multiple_of3A] : memref<64x1000000xf32, #tpu.memory_space<hbm>> -> memref<64x256xf32, #tpu.memory_space<hbm>>
    %dma_start3A_28 = arith.constant 0 : i32
    %dma_start3A_29 = tpu.memref_slice %arg2[%dma_start3A_28, %multiple_of3A] : memref<64x1000000xf32, #tpu.memory_space<hbm>> -> memref<64x256xf32, #tpu.memory_space<hbm>>
    tpu.enqueue_dma source(%dma_start3A_29 : memref<64x256xf32, #tpu.memory_space<hbm>>) target(%arg8 : memref<64x256xf32, #tpu.memory_space<vmem>>) target_semaphore(%arg15 : memref<!tpu.dma_semaphore, #tpu.memory_space<semaphore_mem>>)
    %add3A_30 = arith.constant 256 : i32
    %add3A_31 = arith.addi %mul3A_2, %add3A_30 : i32
    %multiple_of3A_32 = tpu.assume_multiple %add3A_31, 128 : i32
    %dma_start3A_33 = arith.constant 0 : i32
    %dma_start3A_34 = tpu.memref_slice %arg2[%dma_start3A_33, %multiple_of3A_32] : memref<64x1000000xf32, #tpu.memory_space<hbm>> -> memref<64x256xf32, #tpu.memory_space<hbm>>
    %dma_start3A_35 = arith.constant 0 : i32
    %dma_start3A_36 = tpu.memref_slice %arg2[%dma_start3A_35, %multiple_of3A_32] : memref<64x1000000xf32, #tpu.memory_space<hbm>> -> memref<64x256xf32, #tpu.memory_space<hbm>>
    tpu.enqueue_dma source(%dma_start3A_36 : memref<64x256xf32, #tpu.memory_space<hbm>>) target(%arg9 : memref<64x256xf32, #tpu.memory_space<vmem>>) target_semaphore(%arg16 : memref<!tpu.dma_semaphore, #tpu.memory_space<semaphore_mem>>)
    %scan3A_37 = arith.constant 0 : i32
    %scan3A_38 = arith.constant 31 : i32
    %scan3A_39 = arith.addi %scan3A_37, %scan3A_38 : i32
    %scan3A_40 = arith.constant 1 : i32
    scf.for %scan3A_219 = %scan3A_37 to %scan3A_39 step %scan3A_40  : i32 {
      %mul3A_220 = arith.constant 1 : i32
      %mul3A_221 = arith.muli %scan3A_219, %mul3A_220 : i32
      %add3A_222 = arith.constant 0 : i32
      %add3A_223 = arith.addi %add3A_222, %mul3A_221 : i32
      %mul3A_224 = arith.constant 4 : i32
      %mul3A_225 = arith.muli %mul3A_224, %add3A_223 : i32
      %add3A_226 = arith.constant 0 : i32
      %add3A_227 = arith.addi %mul3A_225, %add3A_226 : i32
      %lt3A_228 = arith.cmpi slt, %add3A_227, %select_n3A_10 : i32
      %convert_element_type3A_229 = arith.extui %lt3A_228 : i1 to i32
      %cond3A_230 = arith.constant 0 : i32
      %cond3A_231 = arith.cmpi ne, %convert_element_type3A_229, %cond3A_230 : i32
      scf.if %cond3A_231 {
        %dma_wait3A = arith.constant 0 : i32
        %dma_wait3A_256 = arith.constant 0 : i32
        %dma_wait3A_257 = tpu.memref_slice %arg2[%dma_wait3A, %dma_wait3A_256] : memref<64x1000000xf32, #tpu.memory_space<hbm>> -> memref<64x256xf32, #tpu.memory_space<hbm>>
        %dma_wait3A_258 = arith.constant 0 : i32
        %dma_wait3A_259 = arith.constant 0 : i32
        %dma_wait3A_260 = tpu.memref_slice %arg2[%dma_wait3A_258, %dma_wait3A_259] : memref<64x1000000xf32, #tpu.memory_space<hbm>> -> memref<64x256xf32, #tpu.memory_space<hbm>>
        tpu.wait_dma2 semaphore(%arg15 : memref<!tpu.dma_semaphore, #tpu.memory_space<semaphore_mem>>) src(%dma_wait3A_260 : memref<64x256xf32, #tpu.memory_space<hbm>>) dst(%arg8 : memref<64x256xf32, #tpu.memory_space<vmem>>)
        %mul3A_261 = arith.constant 256 : i32
        %mul3A_262 = arith.muli %add3A_227, %mul3A_261 : i32
        %add3A_263 = arith.addi %mul3A_2, %mul3A_262 : i32
        %multiple_of3A_264 = tpu.assume_multiple %add3A_263, 128 : i32
        %iota3A = tpu.iota {dimensions = array<i32: 0>} : vector<16xi32>
        %broadcast_in_dim3A_265 = arith.constant 0 : i32
        %broadcast_in_dim3A_266 = vector.broadcast %broadcast_in_dim3A_265 : i32 to vector<16xi32>
        %scan3A_267 = arith.constant 0 : i32
        %scan3A_268 = arith.constant 48 : i32
        %scan3A_269 = arith.addi %scan3A_267, %scan3A_268 : i32
        %scan3A_270 = arith.constant 1 : i32
        %scan3A_271 = scf.for %scan3A_292 = %scan3A_267 to %scan3A_269 step %scan3A_270 iter_args(%scan3A_293 = %broadcast_in_dim3A_266) -> (vector<16xi32>)  : i32 {
          %mul3A_294 = arith.constant 1 : i32
          %mul3A_295 = arith.muli %scan3A_292, %mul3A_294 : i32
          %add3A_296 = arith.constant 0 : i32
          %add3A_297 = arith.addi %add3A_296, %mul3A_295 : i32
          %mul3A_298 = arith.constant 16 : i32
          %mul3A_299 = arith.muli %add3A_297, %mul3A_298 : i32
          %add3A_300 = vector.broadcast %mul3A_299 : i32 to vector<16xi32>
          %add3A_301 = arith.addi %add3A_300, %iota3A : vector<16xi32>
          %mul3A_302 = arith.constant 16 : i32
          %mul3A_303 = arith.muli %add3A_297, %mul3A_302 : i32
          %get3A = arith.index_cast %mul3A_303 : i32 to index
          %get3A_304 = tpu.vector_load %arg7[%get3A] {strides = array<i32>} : memref<768xi32, #tpu.memory_space<vmem>>, vector<16xi32>,
          %lt3A_305 = arith.cmpi slt, %add3A_301, %scan3A_21 : vector<16xi32>
          %ge3A = vector.broadcast %multiple_of3A_264 : i32 to vector<16xi32>
          %ge3A_306 = arith.cmpi sge, %get3A_304, %ge3A : vector<16xi32>
          %and3A_307 = arith.andi %lt3A_305, %ge3A_306 : vector<16xi1>
          %add3A_308 = arith.constant 256 : i32
          %add3A_309 = arith.addi %multiple_of3A_264, %add3A_308 : i32
          %lt3A_310 = vector.broadcast %add3A_309 : i32 to vector<16xi32>
          %lt3A_311 = arith.cmpi slt, %get3A_304, %lt3A_310 : vector<16xi32>
          %and3A_312 = arith.andi %and3A_307, %lt3A_311 : vector<16xi1>
          %jit3A_313 = arith.constant 1 : i32
          %jit3A_314 = arith.constant 0 : i32
          %broadcast_in_dim3A_315 = vector.broadcast %jit3A_313 : i32 to vector<16xi32>
          %broadcast_in_dim3A_316 = vector.broadcast %jit3A_314 : i32 to vector<16xi32>
          %select_n3A_317 = arith.select %and3A_312, %broadcast_in_dim3A_315, %broadcast_in_dim3A_316 : vector<16xi1>, vector<16xi32>
          %broadcast_in_dim3A_318 = arith.constant true
          %broadcast_in_dim3A_319 = vector.broadcast %broadcast_in_dim3A_318 : i1 to vector<16xi1>
          %masked_cumsum3A = tpu.scan <sum>, %select_n3A_317 masked %broadcast_in_dim3A_319 : vector<16xi32>, vector<16xi1> -> vector<16xi32>
          %add3A_320 = arith.addi %scan3A_293, %masked_cumsum3A : vector<16xi32>
          %sub3A_321 = arith.constant 1 : i32
          %sub3A_322 = vector.broadcast %sub3A_321 : i32 to vector<16xi32>
          %sub3A_323 = arith.subi %add3A_320, %sub3A_322 : vector<16xi32>
          %lt3A_324 = arith.constant 64 : i32
          %lt3A_325 = vector.broadcast %lt3A_324 : i32 to vector<16xi32>
          %lt3A_326 = arith.cmpi slt, %sub3A_323, %lt3A_325 : vector<16xi32>
          %and3A_327 = arith.andi %and3A_312, %lt3A_326 : vector<16xi1>
          %sub3A_328 = vector.broadcast %multiple_of3A_264 : i32 to vector<16xi32>
          %sub3A_329 = arith.subi %get3A_304, %sub3A_328 : vector<16xi32>
          tpu.vector_store_idx %arg13[%sub3A_323], %sub3A_329 masked %and3A_327 : memref<64xi32, #tpu.memory_space<vmem>>[vector<16xi32>], vector<16xi32>, vector<16xi1>
          tpu.vector_store_idx %arg14[%sub3A_323], %add3A_301 masked %and3A_327 : memref<64xi32, #tpu.memory_space<vmem>>[vector<16xi32>], vector<16xi32>, vector<16xi1>
          %all_reduce_population_count3A = tpu.all_reduce %and3A_312 {dim = 0 : i64, kind = #tpu.reduction_kind<sum>} : vector<16xi1> -> vector<16xi32>
          %add3A_330 = arith.addi %scan3A_293, %all_reduce_population_count3A : vector<16xi32>
          scf.yield %add3A_330 : vector<16xi32>
        }
        %scan3A_272 = arith.constant 48 : i32
        %scan3A_273 = arith.constant 0 : i32
        %scan3A_274 = arith.constant 4 : i32
        %scan3A_275 = arith.addi %scan3A_273, %scan3A_274 : i32
        %scan3A_276 = arith.constant 1 : i32
        scf.for %scan3A_292 = %scan3A_273 to %scan3A_275 step %scan3A_276  : i32 {
          %mul3A_293 = arith.constant 1 : i32
          %mul3A_294 = arith.muli %scan3A_292, %mul3A_293 : i32
          %add3A_295 = arith.constant 0 : i32
          %add3A_296 = arith.addi %add3A_295, %mul3A_294 : i32
          %mul3A_297 = arith.constant 16 : i32
          %mul3A_298 = arith.muli %add3A_296, %mul3A_297 : i32
          %slice3A = vector.extract_strided_slice %scan3A_271 {offsets = [0], sizes = [1], strides = [1]} : vector<16xi32> to vector<1xi32>
          %squeeze3A = vector.extract %slice3A[0] : i32 from vector<1xi32>
          %lt3A_299 = arith.cmpi slt, %mul3A_298, %squeeze3A : i32
          %convert_element_type3A_300 = arith.extui %lt3A_299 : i1 to i32
          %cond3A_301 = arith.constant 0 : i32
          %cond3A_302 = arith.cmpi ne, %convert_element_type3A_300, %cond3A_301 : i32
          scf.if %cond3A_302 {
            %add3A_303 = vector.broadcast %mul3A_298 : i32 to vector<16xi32>
            %add3A_304 = arith.addi %add3A_303, %iota3A : vector<16xi32>
            %lt3A_305 = arith.cmpi slt, %add3A_304, %scan3A_271 : vector<16xi32>
            %get3A = arith.index_cast %mul3A_298 : i32 to index
            %get3A_306 = tpu.vector_load %arg13[%get3A] {strides = array<i32>} : memref<64xi32, #tpu.memory_space<vmem>>, vector<16xi32>,
            %get3A_307 = arith.index_cast %mul3A_298 : i32 to index
            %get3A_308 = tpu.vector_load %arg14[%get3A_307] {strides = array<i32>} : memref<64xi32, #tpu.memory_space<vmem>>, vector<16xi32>,
            %scan3A_309 = arith.constant 0 : i32
            %scan3A_310 = arith.constant 64 : i32
            %scan3A_311 = arith.addi %scan3A_309, %scan3A_310 : i32
            %scan3A_312 = arith.constant 8 : i32
            scf.for %scan3A_314 = %scan3A_309 to %scan3A_311 step %scan3A_312  : i32 {
              %mul3A_315 = arith.constant 1 : i32
              %mul3A_316 = arith.muli %scan3A_314, %mul3A_315 : i32
              %add3A_317 = arith.constant 0 : i32
              %add3A_318 = arith.addi %add3A_317, %mul3A_316 : i32
              %broadcast_in_dim3A_319 = vector.broadcast %add3A_318 : i32 to vector<16xi32>
              %gather3A = tpu.vector_load_idx %arg12[%broadcast_in_dim3A_319, %get3A_308] masked %lt3A_305 : memref<64x768xf32, #tpu.memory_space<vmem>>[vector<16xi32>, vector<16xi32>], vector<16xf32>, vector<16xi1>
              tpu.vector_store_idx %arg8[%broadcast_in_dim3A_319, %get3A_306], %gather3A masked %lt3A_305 : memref<64x256xf32, #tpu.memory_space<vmem>>[vector<16xi32>, vector<16xi32>], vector<16xf32>, vector<16xi1>
              %scan3A_320 = arith.constant 1 : i32
              %scan3A_321 = arith.addi %scan3A_314, %scan3A_320 : i32
              %mul3A_322 = arith.constant 1 : i32
              %mul3A_323 = arith.muli %scan3A_321, %mul3A_322 : i32
              %add3A_324 = arith.constant 0 : i32
              %add3A_325 = arith.addi %add3A_324, %mul3A_323 : i32
              %broadcast_in_dim3A_326 = vector.broadcast %add3A_325 : i32 to vector<16xi32>
              %gather3A_327 = tpu.vector_load_idx %arg12[%broadcast_in_dim3A_326, %get3A_308] masked %lt3A_305 : memref<64x768xf32, #tpu.memory_space<vmem>>[vector<16xi32>, vector<16xi32>], vector<16xf32>, vector<16xi1>
              tpu.vector_store_idx %arg8[%broadcast_in_dim3A_326, %get3A_306], %gather3A_327 masked %lt3A_305 : memref<64x256xf32, #tpu.memory_space<vmem>>[vector<16xi32>, vector<16xi32>], vector<16xf32>, vector<16xi1>
              %scan3A_328 = arith.constant 2 : i32
              %scan3A_329 = arith.addi %scan3A_314, %scan3A_328 : i32
              %mul3A_330 = arith.constant 1 : i32
              %mul3A_331 = arith.muli %scan3A_329, %mul3A_330 : i32
              %add3A_332 = arith.constant 0 : i32
              %add3A_333 = arith.addi %add3A_332, %mul3A_331 : i32
              %broadcast_in_dim3A_334 = vector.broadcast %add3A_333 : i32 to vector<16xi32>
              %gather3A_335 = tpu.vector_load_idx %arg12[%broadcast_in_dim3A_334, %get3A_308] masked %lt3A_305 : memref<64x768xf32, #tpu.memory_space<vmem>>[vector<16xi32>, vector<16xi32>], vector<16xf32>, vector<16xi1>
              tpu.vector_store_idx %arg8[%broadcast_in_dim3A_334, %get3A_306], %gather3A_335 masked %lt3A_305 : memref<64x256xf32, #tpu.memory_space<vmem>>[vector<16xi32>, vector<16xi32>], vector<16xf32>, vector<16xi1>
              %scan3A_336 = arith.constant 3 : i32
              %scan3A_337 = arith.addi %scan3A_314, %scan3A_336 : i32
              %mul3A_338 = arith.constant 1 : i32
              %mul3A_339 = arith.muli %scan3A_337, %mul3A_338 : i32
              %add3A_340 = arith.constant 0 : i32
              %add3A_341 = arith.addi %add3A_340, %mul3A_339 : i32
              %broadcast_in_dim3A_342 = vector.broadcast %add3A_341 : i32 to vector<16xi32>
              %gather3A_343 = tpu.vector_load_idx %arg12[%broadcast_in_dim3A_342, %get3A_308] masked %lt3A_305 : memref<64x768xf32, #tpu.memory_space<vmem>>[vector<16xi32>, vector<16xi32>], vector<16xf32>, vector<16xi1>
              tpu.vector_store_idx %arg8[%broadcast_in_dim3A_342, %get3A_306], %gather3A_343 masked %lt3A_305 : memref<64x256xf32, #tpu.memory_space<vmem>>[vector<16xi32>, vector<16xi32>], vector<16xf32>, vector<16xi1>
              %scan3A_344 = arith.constant 4 : i32
              %scan3A_345 = arith.addi %scan3A_314, %scan3A_344 : i32
              %mul3A_346 = arith.constant 1 : i32
              %mul3A_347 = arith.muli %scan3A_345, %mul3A_346 : i32
              %add3A_348 = arith.constant 0 : i32
              %add3A_349 = arith.addi %add3A_348, %mul3A_347 : i32
              %broadcast_in_dim3A_350 = vector.broadcast %add3A_349 : i32 to vector<16xi32>
              %gather3A_351 = tpu.vector_load_idx %arg12[%broadcast_in_dim3A_350, %get3A_308] masked %lt3A_305 : memref<64x768xf32, #tpu.memory_space<vmem>>[vector<16xi32>, vector<16xi32>], vector<16xf32>, vector<16xi1>
              tpu.vector_store_idx %arg8[%broadcast_in_dim3A_350, %get3A_306], %gather3A_351 masked %lt3A_305 : memref<64x256xf32, #tpu.memory_space<vmem>>[vector<16xi32>, vector<16xi32>], vector<16xf32>, vector<16xi1>
              %scan3A_352 = arith.constant 5 : i32
              %scan3A_353 = arith.addi %scan3A_314, %scan3A_352 : i32
              %mul3A_354 = arith.constant 1 : i32
              %mul3A_355 = arith.muli %scan3A_353, %mul3A_354 : i32
              %add3A_356 = arith.constant 0 : i32
              %add3A_357 = arith.addi %add3A_356, %mul3A_355 : i32
              %broadcast_in_dim3A_358 = vector.broadcast %add3A_357 : i32 to vector<16xi32>
              %gather3A_359 = tpu.vector_load_idx %arg12[%broadcast_in_dim3A_358, %get3A_308] masked %lt3A_305 : memref<64x768xf32, #tpu.memory_space<vmem>>[vector<16xi32>, vector<16xi32>], vector<16xf32>, vector<16xi1>
              tpu.vector_store_idx %arg8[%broadcast_in_dim3A_358, %get3A_306], %gather3A_359 masked %lt3A_305 : memref<64x256xf32, #tpu.memory_space<vmem>>[vector<16xi32>, vector<16xi32>], vector<16xf32>, vector<16xi1>
              %scan3A_360 = arith.constant 6 : i32
              %scan3A_361 = arith.addi %scan3A_314, %scan3A_360 : i32
              %mul3A_362 = arith.constant 1 : i32
              %mul3A_363 = arith.muli %scan3A_361, %mul3A_362 : i32
              %add3A_364 = arith.constant 0 : i32
              %add3A_365 = arith.addi %add3A_364, %mul3A_363 : i32
              %broadcast_in_dim3A_366 = vector.broadcast %add3A_365 : i32 to vector<16xi32>
              %gather3A_367 = tpu.vector_load_idx %arg12[%broadcast_in_dim3A_366, %get3A_308] masked %lt3A_305 : memref<64x768xf32, #tpu.memory_space<vmem>>[vector<16xi32>, vector<16xi32>], vector<16xf32>, vector<16xi1>
              tpu.vector_store_idx %arg8[%broadcast_in_dim3A_366, %get3A_306], %gather3A_367 masked %lt3A_305 : memref<64x256xf32, #tpu.memory_space<vmem>>[vector<16xi32>, vector<16xi32>], vector<16xf32>, vector<16xi1>
              %scan3A_368 = arith.constant 7 : i32
              %scan3A_369 = arith.addi %scan3A_314, %scan3A_368 : i32
              %mul3A_370 = arith.constant 1 : i32
              %mul3A_371 = arith.muli %scan3A_369, %mul3A_370 : i32
              %add3A_372 = arith.constant 0 : i32
              %add3A_373 = arith.addi %add3A_372, %mul3A_371 : i32
              %broadcast_in_dim3A_374 = vector.broadcast %add3A_373 : i32 to vector<16xi32>
              %gather3A_375 = tpu.vector_load_idx %arg12[%broadcast_in_dim3A_374, %get3A_308] masked %lt3A_305 : memref<64x768xf32, #tpu.memory_space<vmem>>[vector<16xi32>, vector<16xi32>], vector<16xf32>, vector<16xi1>
              tpu.vector_store_idx %arg8[%broadcast_in_dim3A_374, %get3A_306], %gather3A_375 masked %lt3A_305 : memref<64x256xf32, #tpu.memory_space<vmem>>[vector<16xi32>, vector<16xi32>], vector<16xf32>, vector<16xi1>
            }
            %scan3A_313 = arith.constant 64 : i32
          } else {
          }
        }
        %scan3A_277 = arith.constant 4 : i32
        %mul3A_278 = arith.constant 256 : i32
        %mul3A_279 = arith.muli %add3A_227, %mul3A_278 : i32
        %add3A_280 = arith.addi %mul3A_2, %mul3A_279 : i32
        %multiple_of3A_281 = tpu.assume_multiple %add3A_280, 128 : i32
        %dma_start3A_282 = arith.constant 0 : i32
        %dma_start3A_283 = tpu.memref_slice %arg5[%dma_start3A_282, %multiple_of3A_281] : memref<64x1000000xf32, #tpu.memory_space<hbm>> -> memref<64x256xf32, #tpu.memory_space<hbm>>
        %dma_start3A_284 = arith.constant 0 : i32
        %dma_start3A_285 = tpu.memref_slice %arg5[%dma_start3A_284, %multiple_of3A_281] : memref<64x1000000xf32, #tpu.memory_space<hbm>> -> memref<64x256xf32, #tpu.memory_space<hbm>>
        tpu.enqueue_dma source(%arg8 : memref<64x256xf32, #tpu.memory_space<vmem>>) target(%dma_start3A_285 : memref<64x256xf32, #tpu.memory_space<hbm>>) target_semaphore(%arg19 : memref<!tpu.dma_semaphore, #tpu.memory_space<semaphore_mem>>)
        %add3A_286 = arith.constant 2 : i32
        %add3A_287 = arith.addi %add3A_227, %add3A_286 : i32
        %lt3A_288 = arith.cmpi slt, %add3A_287, %select_n3A_10 : i32
        %convert_element_type3A_289 = arith.extui %lt3A_288 : i1 to i32
        %cond3A_290 = arith.constant 0 : i32
        %cond3A_291 = arith.cmpi ne, %convert_element_type3A_289, %cond3A_290 : i32
        scf.if %cond3A_291 {
          %ge3A = arith.constant 2 : i32
          %ge3A_292 = arith.cmpi sge, %add3A_227, %ge3A : i32
          %convert_element_type3A_293 = arith.extui %ge3A_292 : i1 to i32
          %cond3A_294 = arith.constant 0 : i32
          %cond3A_295 = arith.cmpi ne, %convert_element_type3A_293, %cond3A_294 : i32
          scf.if %cond3A_295 {
            %dma_wait3A_306 = arith.constant 0 : i32
            %dma_wait3A_307 = arith.constant 0 : i32
            %dma_wait3A_308 = tpu.memref_slice %arg5[%dma_wait3A_306, %dma_wait3A_307] : memref<64x1000000xf32, #tpu.memory_space<hbm>> -> memref<64x256xf32, #tpu.memory_space<hbm>>
            %dma_wait3A_309 = arith.constant 0 : i32
            %dma_wait3A_310 = arith.constant 0 : i32
            %dma_wait3A_311 = tpu.memref_slice %arg5[%dma_wait3A_309, %dma_wait3A_310] : memref<64x1000000xf32, #tpu.memory_space<hbm>> -> memref<64x256xf32, #tpu.memory_space<hbm>>
            tpu.wait_dma2 semaphore(%arg21 : memref<!tpu.dma_semaphore, #tpu.memory_space<semaphore_mem>>) src(%arg10 : memref<64x256xf32, #tpu.memory_space<vmem>>) dst(%dma_wait3A_311 : memref<64x256xf32, #tpu.memory_space<hbm>>)
          } else {
          }
          %add3A_296 = arith.constant 2 : i32
          %add3A_297 = arith.addi %add3A_227, %add3A_296 : i32
          %mul3A_298 = arith.constant 256 : i32
          %mul3A_299 = arith.muli %add3A_297, %mul3A_298 : i32
          %add3A_300 = arith.addi %mul3A_2, %mul3A_299 : i32
          %multiple_of3A_301 = tpu.assume_multiple %add3A_300, 128 : i32
          %dma_start3A_302 = arith.constant 0 : i32
          %dma_start3A_303 = tpu.memref_slice %arg2[%dma_start3A_302, %multiple_of3A_301] : memref<64x1000000xf32, #tpu.memory_space<hbm>> -> memref<64x256xf32, #tpu.memory_space<hbm>>
          %dma_start3A_304 = arith.constant 0 : i32
          %dma_start3A_305 = tpu.memref_slice %arg2[%dma_start3A_304, %multiple_of3A_301] : memref<64x1000000xf32, #tpu.memory_space<hbm>> -> memref<64x256xf32, #tpu.memory_space<hbm>>
          tpu.enqueue_dma source(%dma_start3A_305 : memref<64x256xf32, #tpu.memory_space<hbm>>) target(%arg10 : memref<64x256xf32, #tpu.memory_space<vmem>>) target_semaphore(%arg17 : memref<!tpu.dma_semaphore, #tpu.memory_space<semaphore_mem>>)
        } else {
        }
      } else {
      }
      %mul3A_232 = arith.constant 4 : i32
      %mul3A_233 = arith.muli %mul3A_232, %add3A_223 : i32
      %add3A_234 = arith.constant 1 : i32
      %add3A_235 = arith.addi %mul3A_233, %add3A_234 : i32
      %lt3A_236 = arith.cmpi slt, %add3A_235, %select_n3A_10 : i32
      %convert_element_type3A_237 = arith.extui %lt3A_236 : i1 to i32
      %cond3A_238 = arith.constant 0 : i32
      %cond3A_239 = arith.cmpi ne, %convert_element_type3A_237, %cond3A_238 : i32
      scf.if %cond3A_239 {
        %dma_wait3A = arith.constant 0 : i32
        %dma_wait3A_256 = arith.constant 0 : i32
        %dma_wait3A_257 = tpu.memref_slice %arg2[%dma_wait3A, %dma_wait3A_256] : memref<64x1000000xf32, #tpu.memory_space<hbm>> -> memref<64x256xf32, #tpu.memory_space<hbm>>
        %dma_wait3A_258 = arith.constant 0 : i32
        %dma_wait3A_259 = arith.constant 0 : i32
        %dma_wait3A_260 = tpu.memref_slice %arg2[%dma_wait3A_258, %dma_wait3A_259] : memref<64x1000000xf32, #tpu.memory_space<hbm>> -> memref<64x256xf32, #tpu.memory_space<hbm>>
        tpu.wait_dma2 semaphore(%arg16 : memref<!tpu.dma_semaphore, #tpu.memory_space<semaphore_mem>>) src(%dma_wait3A_260 : memref<64x256xf32, #tpu.memory_space<hbm>>) dst(%arg9 : memref<64x256xf32, #tpu.memory_space<vmem>>)
        %mul3A_261 = arith.constant 256 : i32
        %mul3A_262 = arith.muli %add3A_235, %mul3A_261 : i32
        %add3A_263 = arith.addi %mul3A_2, %mul3A_262 : i32
        %multiple_of3A_264 = tpu.assume_multiple %add3A_263, 128 : i32
        %iota3A = tpu.iota {dimensions = array<i32: 0>} : vector<16xi32>
        %broadcast_in_dim3A_265 = arith.constant 0 : i32
        %broadcast_in_dim3A_266 = vector.broadcast %broadcast_in_dim3A_265 : i32 to vector<16xi32>
        %scan3A_267 = arith.constant 0 : i32
        %scan3A_268 = arith.constant 48 : i32
        %scan3A_269 = arith.addi %scan3A_267, %scan3A_268 : i32
        %scan3A_270 = arith.constant 1 : i32
        %scan3A_271 = scf.for %scan3A_292 = %scan3A_267 to %scan3A_269 step %scan3A_270 iter_args(%scan3A_293 = %broadcast_in_dim3A_266) -> (vector<16xi32>)  : i32 {
          %mul3A_294 = arith.constant 1 : i32
          %mul3A_295 = arith.muli %scan3A_292, %mul3A_294 : i32
          %add3A_296 = arith.constant 0 : i32
          %add3A_297 = arith.addi %add3A_296, %mul3A_295 : i32
          %mul3A_298 = arith.constant 16 : i32
          %mul3A_299 = arith.muli %add3A_297, %mul3A_298 : i32
          %add3A_300 = vector.broadcast %mul3A_299 : i32 to vector<16xi32>
          %add3A_301 = arith.addi %add3A_300, %iota3A : vector<16xi32>
          %mul3A_302 = arith.constant 16 : i32
          %mul3A_303 = arith.muli %add3A_297, %mul3A_302 : i32
          %get3A = arith.index_cast %mul3A_303 : i32 to index
          %get3A_304 = tpu.vector_load %arg7[%get3A] {strides = array<i32>} : memref<768xi32, #tpu.memory_space<vmem>>, vector<16xi32>,
          %lt3A_305 = arith.cmpi slt, %add3A_301, %scan3A_21 : vector<16xi32>
          %ge3A = vector.broadcast %multiple_of3A_264 : i32 to vector<16xi32>
          %ge3A_306 = arith.cmpi sge, %get3A_304, %ge3A : vector<16xi32>
          %and3A_307 = arith.andi %lt3A_305, %ge3A_306 : vector<16xi1>
          %add3A_308 = arith.constant 256 : i32
          %add3A_309 = arith.addi %multiple_of3A_264, %add3A_308 : i32
          %lt3A_310 = vector.broadcast %add3A_309 : i32 to vector<16xi32>
          %lt3A_311 = arith.cmpi slt, %get3A_304, %lt3A_310 : vector<16xi32>
          %and3A_312 = arith.andi %and3A_307, %lt3A_311 : vector<16xi1>
          %jit3A_313 = arith.constant 1 : i32
          %jit3A_314 = arith.constant 0 : i32
          %broadcast_in_dim3A_315 = vector.broadcast %jit3A_313 : i32 to vector<16xi32>
          %broadcast_in_dim3A_316 = vector.broadcast %jit3A_314 : i32 to vector<16xi32>
          %select_n3A_317 = arith.select %and3A_312, %broadcast_in_dim3A_315, %broadcast_in_dim3A_316 : vector<16xi1>, vector<16xi32>
          %broadcast_in_dim3A_318 = arith.constant true
          %broadcast_in_dim3A_319 = vector.broadcast %broadcast_in_dim3A_318 : i1 to vector<16xi1>
          %masked_cumsum3A = tpu.scan <sum>, %select_n3A_317 masked %broadcast_in_dim3A_319 : vector<16xi32>, vector<16xi1> -> vector<16xi32>
          %add3A_320 = arith.addi %scan3A_293, %masked_cumsum3A : vector<16xi32>
          %sub3A_321 = arith.constant 1 : i32
          %sub3A_322 = vector.broadcast %sub3A_321 : i32 to vector<16xi32>
          %sub3A_323 = arith.subi %add3A_320, %sub3A_322 : vector<16xi32>
          %lt3A_324 = arith.constant 64 : i32
          %lt3A_325 = vector.broadcast %lt3A_324 : i32 to vector<16xi32>
          %lt3A_326 = arith.cmpi slt, %sub3A_323, %lt3A_325 : vector<16xi32>
          %and3A_327 = arith.andi %and3A_312, %lt3A_326 : vector<16xi1>
          %sub3A_328 = vector.broadcast %multiple_of3A_264 : i32 to vector<16xi32>
          %sub3A_329 = arith.subi %get3A_304, %sub3A_328 : vector<16xi32>
          tpu.vector_store_idx %arg13[%sub3A_323], %sub3A_329 masked %and3A_327 : memref<64xi32, #tpu.memory_space<vmem>>[vector<16xi32>], vector<16xi32>, vector<16xi1>
          tpu.vector_store_idx %arg14[%sub3A_323], %add3A_301 masked %and3A_327 : memref<64xi32, #tpu.memory_space<vmem>>[vector<16xi32>], vector<16xi32>, vector<16xi1>
          %all_reduce_population_count3A = tpu.all_reduce %and3A_312 {dim = 0 : i64, kind = #tpu.reduction_kind<sum>} : vector<16xi1> -> vector<16xi32>
          %add3A_330 = arith.addi %scan3A_293, %all_reduce_population_count3A : vector<16xi32>
          scf.yield %add3A_330 : vector<16xi32>
        }
        %scan3A_272 = arith.constant 48 : i32
        %scan3A_273 = arith.constant 0 : i32
        %scan3A_274 = arith.constant 4 : i32
        %scan3A_275 = arith.addi %scan3A_273, %scan3A_274 : i32
        %scan3A_276 = arith.constant 1 : i32
        scf.for %scan3A_292 = %scan3A_273 to %scan3A_275 step %scan3A_276  : i32 {
          %mul3A_293 = arith.constant 1 : i32
          %mul3A_294 = arith.muli %scan3A_292, %mul3A_293 : i32
          %add3A_295 = arith.constant 0 : i32
          %add3A_296 = arith.addi %add3A_295, %mul3A_294 : i32
          %mul3A_297 = arith.constant 16 : i32
          %mul3A_298 = arith.muli %add3A_296, %mul3A_297 : i32
          %slice3A = vector.extract_strided_slice %scan3A_271 {offsets = [0], sizes = [1], strides = [1]} : vector<16xi32> to vector<1xi32>
          %squeeze3A = vector.extract %slice3A[0] : i32 from vector<1xi32>
          %lt3A_299 = arith.cmpi slt, %mul3A_298, %squeeze3A : i32
          %convert_element_type3A_300 = arith.extui %lt3A_299 : i1 to i32
          %cond3A_301 = arith.constant 0 : i32
          %cond3A_302 = arith.cmpi ne, %convert_element_type3A_300, %cond3A_301 : i32
          scf.if %cond3A_302 {
            %add3A_303 = vector.broadcast %mul3A_298 : i32 to vector<16xi32>
            %add3A_304 = arith.addi %add3A_303, %iota3A : vector<16xi32>
            %lt3A_305 = arith.cmpi slt, %add3A_304, %scan3A_271 : vector<16xi32>
            %get3A = arith.index_cast %mul3A_298 : i32 to index
            %get3A_306 = tpu.vector_load %arg13[%get3A] {strides = array<i32>} : memref<64xi32, #tpu.memory_space<vmem>>, vector<16xi32>,
            %get3A_307 = arith.index_cast %mul3A_298 : i32 to index
            %get3A_308 = tpu.vector_load %arg14[%get3A_307] {strides = array<i32>} : memref<64xi32, #tpu.memory_space<vmem>>, vector<16xi32>,
            %scan3A_309 = arith.constant 0 : i32
            %scan3A_310 = arith.constant 64 : i32
            %scan3A_311 = arith.addi %scan3A_309, %scan3A_310 : i32
            %scan3A_312 = arith.constant 8 : i32
            scf.for %scan3A_314 = %scan3A_309 to %scan3A_311 step %scan3A_312  : i32 {
              %mul3A_315 = arith.constant 1 : i32
              %mul3A_316 = arith.muli %scan3A_314, %mul3A_315 : i32
              %add3A_317 = arith.constant 0 : i32
              %add3A_318 = arith.addi %add3A_317, %mul3A_316 : i32
              %broadcast_in_dim3A_319 = vector.broadcast %add3A_318 : i32 to vector<16xi32>
              %gather3A = tpu.vector_load_idx %arg12[%broadcast_in_dim3A_319, %get3A_308] masked %lt3A_305 : memref<64x768xf32, #tpu.memory_space<vmem>>[vector<16xi32>, vector<16xi32>], vector<16xf32>, vector<16xi1>
              tpu.vector_store_idx %arg9[%broadcast_in_dim3A_319, %get3A_306], %gather3A masked %lt3A_305 : memref<64x256xf32, #tpu.memory_space<vmem>>[vector<16xi32>, vector<16xi32>], vector<16xf32>, vector<16xi1>
              %scan3A_320 = arith.constant 1 : i32
              %scan3A_321 = arith.addi %scan3A_314, %scan3A_320 : i32
              %mul3A_322 = arith.constant 1 : i32
              %mul3A_323 = arith.muli %scan3A_321, %mul3A_322 : i32
              %add3A_324 = arith.constant 0 : i32
              %add3A_325 = arith.addi %add3A_324, %mul3A_323 : i32
              %broadcast_in_dim3A_326 = vector.broadcast %add3A_325 : i32 to vector<16xi32>
              %gather3A_327 = tpu.vector_load_idx %arg12[%broadcast_in_dim3A_326, %get3A_308] masked %lt3A_305 : memref<64x768xf32, #tpu.memory_space<vmem>>[vector<16xi32>, vector<16xi32>], vector<16xf32>, vector<16xi1>
              tpu.vector_store_idx %arg9[%broadcast_in_dim3A_326, %get3A_306], %gather3A_327 masked %lt3A_305 : memref<64x256xf32, #tpu.memory_space<vmem>>[vector<16xi32>, vector<16xi32>], vector<16xf32>, vector<16xi1>
              %scan3A_328 = arith.constant 2 : i32
              %scan3A_329 = arith.addi %scan3A_314, %scan3A_328 : i32
              %mul3A_330 = arith.constant 1 : i32
              %mul3A_331 = arith.muli %scan3A_329, %mul3A_330 : i32
              %add3A_332 = arith.constant 0 : i32
              %add3A_333 = arith.addi %add3A_332, %mul3A_331 : i32
              %broadcast_in_dim3A_334 = vector.broadcast %add3A_333 : i32 to vector<16xi32>
              %gather3A_335 = tpu.vector_load_idx %arg12[%broadcast_in_dim3A_334, %get3A_308] masked %lt3A_305 : memref<64x768xf32, #tpu.memory_space<vmem>>[vector<16xi32>, vector<16xi32>], vector<16xf32>, vector<16xi1>
              tpu.vector_store_idx %arg9[%broadcast_in_dim3A_334, %get3A_306], %gather3A_335 masked %lt3A_305 : memref<64x256xf32, #tpu.memory_space<vmem>>[vector<16xi32>, vector<16xi32>], vector<16xf32>, vector<16xi1>
              %scan3A_336 = arith.constant 3 : i32
              %scan3A_337 = arith.addi %scan3A_314, %scan3A_336 : i32
              %mul3A_338 = arith.constant 1 : i32
              %mul3A_339 = arith.muli %scan3A_337, %mul3A_338 : i32
              %add3A_340 = arith.constant 0 : i32
              %add3A_341 = arith.addi %add3A_340, %mul3A_339 : i32
              %broadcast_in_dim3A_342 = vector.broadcast %add3A_341 : i32 to vector<16xi32>
              %gather3A_343 = tpu.vector_load_idx %arg12[%broadcast_in_dim3A_342, %get3A_308] masked %lt3A_305 : memref<64x768xf32, #tpu.memory_space<vmem>>[vector<16xi32>, vector<16xi32>], vector<16xf32>, vector<16xi1>
              tpu.vector_store_idx %arg9[%broadcast_in_dim3A_342, %get3A_306], %gather3A_343 masked %lt3A_305 : memref<64x256xf32, #tpu.memory_space<vmem>>[vector<16xi32>, vector<16xi32>], vector<16xf32>, vector<16xi1>
              %scan3A_344 = arith.constant 4 : i32
              %scan3A_345 = arith.addi %scan3A_314, %scan3A_344 : i32
              %mul3A_346 = arith.constant 1 : i32
              %mul3A_347 = arith.muli %scan3A_345, %mul3A_346 : i32
              %add3A_348 = arith.constant 0 : i32
              %add3A_349 = arith.addi %add3A_348, %mul3A_347 : i32
              %broadcast_in_dim3A_350 = vector.broadcast %add3A_349 : i32 to vector<16xi32>
              %gather3A_351 = tpu.vector_load_idx %arg12[%broadcast_in_dim3A_350, %get3A_308] masked %lt3A_305 : memref<64x768xf32, #tpu.memory_space<vmem>>[vector<16xi32>, vector<16xi32>], vector<16xf32>, vector<16xi1>
              tpu.vector_store_idx %arg9[%broadcast_in_dim3A_350, %get3A_306], %gather3A_351 masked %lt3A_305 : memref<64x256xf32, #tpu.memory_space<vmem>>[vector<16xi32>, vector<16xi32>], vector<16xf32>, vector<16xi1>
              %scan3A_352 = arith.constant 5 : i32
              %scan3A_353 = arith.addi %scan3A_314, %scan3A_352 : i32
              %mul3A_354 = arith.constant 1 : i32
              %mul3A_355 = arith.muli %scan3A_353, %mul3A_354 : i32
              %add3A_356 = arith.constant 0 : i32
              %add3A_357 = arith.addi %add3A_356, %mul3A_355 : i32
              %broadcast_in_dim3A_358 = vector.broadcast %add3A_357 : i32 to vector<16xi32>
              %gather3A_359 = tpu.vector_load_idx %arg12[%broadcast_in_dim3A_358, %get3A_308] masked %lt3A_305 : memref<64x768xf32, #tpu.memory_space<vmem>>[vector<16xi32>, vector<16xi32>], vector<16xf32>, vector<16xi1>
              tpu.vector_store_idx %arg9[%broadcast_in_dim3A_358, %get3A_306], %gather3A_359 masked %lt3A_305 : memref<64x256xf32, #tpu.memory_space<vmem>>[vector<16xi32>, vector<16xi32>], vector<16xf32>, vector<16xi1>
              %scan3A_360 = arith.constant 6 : i32
              %scan3A_361 = arith.addi %scan3A_314, %scan3A_360 : i32
              %mul3A_362 = arith.constant 1 : i32
              %mul3A_363 = arith.muli %scan3A_361, %mul3A_362 : i32
              %add3A_364 = arith.constant 0 : i32
              %add3A_365 = arith.addi %add3A_364, %mul3A_363 : i32
              %broadcast_in_dim3A_366 = vector.broadcast %add3A_365 : i32 to vector<16xi32>
              %gather3A_367 = tpu.vector_load_idx %arg12[%broadcast_in_dim3A_366, %get3A_308] masked %lt3A_305 : memref<64x768xf32, #tpu.memory_space<vmem>>[vector<16xi32>, vector<16xi32>], vector<16xf32>, vector<16xi1>
              tpu.vector_store_idx %arg9[%broadcast_in_dim3A_366, %get3A_306], %gather3A_367 masked %lt3A_305 : memref<64x256xf32, #tpu.memory_space<vmem>>[vector<16xi32>, vector<16xi32>], vector<16xf32>, vector<16xi1>
              %scan3A_368 = arith.constant 7 : i32
              %scan3A_369 = arith.addi %scan3A_314, %scan3A_368 : i32
              %mul3A_370 = arith.constant 1 : i32
              %mul3A_371 = arith.muli %scan3A_369, %mul3A_370 : i32
              %add3A_372 = arith.constant 0 : i32
              %add3A_373 = arith.addi %add3A_372, %mul3A_371 : i32
              %broadcast_in_dim3A_374 = vector.broadcast %add3A_373 : i32 to vector<16xi32>
              %gather3A_375 = tpu.vector_load_idx %arg12[%broadcast_in_dim3A_374, %get3A_308] masked %lt3A_305 : memref<64x768xf32, #tpu.memory_space<vmem>>[vector<16xi32>, vector<16xi32>], vector<16xf32>, vector<16xi1>
              tpu.vector_store_idx %arg9[%broadcast_in_dim3A_374, %get3A_306], %gather3A_375 masked %lt3A_305 : memref<64x256xf32, #tpu.memory_space<vmem>>[vector<16xi32>, vector<16xi32>], vector<16xf32>, vector<16xi1>
            }
            %scan3A_313 = arith.constant 64 : i32
          } else {
          }
        }
        %scan3A_277 = arith.constant 4 : i32
        %mul3A_278 = arith.constant 256 : i32
        %mul3A_279 = arith.muli %add3A_235, %mul3A_278 : i32
        %add3A_280 = arith.addi %mul3A_2, %mul3A_279 : i32
        %multiple_of3A_281 = tpu.assume_multiple %add3A_280, 128 : i32
        %dma_start3A_282 = arith.constant 0 : i32
        %dma_start3A_283 = tpu.memref_slice %arg5[%dma_start3A_282, %multiple_of3A_281] : memref<64x1000000xf32, #tpu.memory_space<hbm>> -> memref<64x256xf32, #tpu.memory_space<hbm>>
        %dma_start3A_284 = arith.constant 0 : i32
        %dma_start3A_285 = tpu.memref_slice %arg5[%dma_start3A_284, %multiple_of3A_281] : memref<64x1000000xf32, #tpu.memory_space<hbm>> -> memref<64x256xf32, #tpu.memory_space<hbm>>
        tpu.enqueue_dma source(%arg9 : memref<64x256xf32, #tpu.memory_space<vmem>>) target(%dma_start3A_285 : memref<64x256xf32, #tpu.memory_space<hbm>>) target_semaphore(%arg20 : memref<!tpu.dma_semaphore, #tpu.memory_space<semaphore_mem>>)
        %add3A_286 = arith.constant 2 : i32
        %add3A_287 = arith.addi %add3A_235, %add3A_286 : i32
        %lt3A_288 = arith.cmpi slt, %add3A_287, %select_n3A_10 : i32
        %convert_element_type3A_289 = arith.extui %lt3A_288 : i1 to i32
        %cond3A_290 = arith.constant 0 : i32
        %cond3A_291 = arith.cmpi ne, %convert_element_type3A_289, %cond3A_290 : i32
        scf.if %cond3A_291 {
          %ge3A = arith.constant 2 : i32
          %ge3A_292 = arith.cmpi sge, %add3A_235, %ge3A : i32
          %convert_element_type3A_293 = arith.extui %ge3A_292 : i1 to i32
          %cond3A_294 = arith.constant 0 : i32
          %cond3A_295 = arith.cmpi ne, %convert_element_type3A_293, %cond3A_294 : i32
          scf.if %cond3A_295 {
            %dma_wait3A_306 = arith.constant 0 : i32
            %dma_wait3A_307 = arith.constant 0 : i32
            %dma_wait3A_308 = tpu.memref_slice %arg5[%dma_wait3A_306, %dma_wait3A_307] : memref<64x1000000xf32, #tpu.memory_space<hbm>> -> memref<64x256xf32, #tpu.memory_space<hbm>>
            %dma_wait3A_309 = arith.constant 0 : i32
            %dma_wait3A_310 = arith.constant 0 : i32
            %dma_wait3A_311 = tpu.memref_slice %arg5[%dma_wait3A_309, %dma_wait3A_310] : memref<64x1000000xf32, #tpu.memory_space<hbm>> -> memref<64x256xf32, #tpu.memory_space<hbm>>
            tpu.wait_dma2 semaphore(%arg22 : memref<!tpu.dma_semaphore, #tpu.memory_space<semaphore_mem>>) src(%arg11 : memref<64x256xf32, #tpu.memory_space<vmem>>) dst(%dma_wait3A_311 : memref<64x256xf32, #tpu.memory_space<hbm>>)
          } else {
          }
          %add3A_296 = arith.constant 2 : i32
          %add3A_297 = arith.addi %add3A_235, %add3A_296 : i32
          %mul3A_298 = arith.constant 256 : i32
          %mul3A_299 = arith.muli %add3A_297, %mul3A_298 : i32
          %add3A_300 = arith.addi %mul3A_2, %mul3A_299 : i32
          %multiple_of3A_301 = tpu.assume_multiple %add3A_300, 128 : i32
          %dma_start3A_302 = arith.constant 0 : i32
          %dma_start3A_303 = tpu.memref_slice %arg2[%dma_start3A_302, %multiple_of3A_301] : memref<64x1000000xf32, #tpu.memory_space<hbm>> -> memref<64x256xf32, #tpu.memory_space<hbm>>
          %dma_start3A_304 = arith.constant 0 : i32
          %dma_start3A_305 = tpu.memref_slice %arg2[%dma_start3A_304, %multiple_of3A_301] : memref<64x1000000xf32, #tpu.memory_space<hbm>> -> memref<64x256xf32, #tpu.memory_space<hbm>>
          tpu.enqueue_dma source(%dma_start3A_305 : memref<64x256xf32, #tpu.memory_space<hbm>>) target(%arg11 : memref<64x256xf32, #tpu.memory_space<vmem>>) target_semaphore(%arg18 : memref<!tpu.dma_semaphore, #tpu.memory_space<semaphore_mem>>)
        } else {
        }
      } else {
      }
      %mul3A_240 = arith.constant 4 : i32
      %mul3A_241 = arith.muli %mul3A_240, %add3A_223 : i32
      %add3A_242 = arith.constant 2 : i32
      %add3A_243 = arith.addi %mul3A_241, %add3A_242 : i32
      %lt3A_244 = arith.cmpi slt, %add3A_243, %select_n3A_10 : i32
      %convert_element_type3A_245 = arith.extui %lt3A_244 : i1 to i32
      %cond3A_246 = arith.constant 0 : i32
      %cond3A_247 = arith.cmpi ne, %convert_element_type3A_245, %cond3A_246 : i32
      scf.if %cond3A_247 {
        %dma_wait3A = arith.constant 0 : i32
        %dma_wait3A_256 = arith.constant 0 : i32
        %dma_wait3A_257 = tpu.memref_slice %arg2[%dma_wait3A, %dma_wait3A_256] : memref<64x1000000xf32, #tpu.memory_space<hbm>> -> memref<64x256xf32, #tpu.memory_space<hbm>>
        %dma_wait3A_258 = arith.constant 0 : i32
        %dma_wait3A_259 = arith.constant 0 : i32
        %dma_wait3A_260 = tpu.memref_slice %arg2[%dma_wait3A_258, %dma_wait3A_259] : memref<64x1000000xf32, #tpu.memory_space<hbm>> -> memref<64x256xf32, #tpu.memory_space<hbm>>
        tpu.wait_dma2 semaphore(%arg17 : memref<!tpu.dma_semaphore, #tpu.memory_space<semaphore_mem>>) src(%dma_wait3A_260 : memref<64x256xf32, #tpu.memory_space<hbm>>) dst(%arg10 : memref<64x256xf32, #tpu.memory_space<vmem>>)
        %mul3A_261 = arith.constant 256 : i32
        %mul3A_262 = arith.muli %add3A_243, %mul3A_261 : i32
        %add3A_263 = arith.addi %mul3A_2, %mul3A_262 : i32
        %multiple_of3A_264 = tpu.assume_multiple %add3A_263, 128 : i32
        %iota3A = tpu.iota {dimensions = array<i32: 0>} : vector<16xi32>
        %broadcast_in_dim3A_265 = arith.constant 0 : i32
        %broadcast_in_dim3A_266 = vector.broadcast %broadcast_in_dim3A_265 : i32 to vector<16xi32>
        %scan3A_267 = arith.constant 0 : i32
        %scan3A_268 = arith.constant 48 : i32
        %scan3A_269 = arith.addi %scan3A_267, %scan3A_268 : i32
        %scan3A_270 = arith.constant 1 : i32
        %scan3A_271 = scf.for %scan3A_292 = %scan3A_267 to %scan3A_269 step %scan3A_270 iter_args(%scan3A_293 = %broadcast_in_dim3A_266) -> (vector<16xi32>)  : i32 {
          %mul3A_294 = arith.constant 1 : i32
          %mul3A_295 = arith.muli %scan3A_292, %mul3A_294 : i32
          %add3A_296 = arith.constant 0 : i32
          %add3A_297 = arith.addi %add3A_296, %mul3A_295 : i32
          %mul3A_298 = arith.constant 16 : i32
          %mul3A_299 = arith.muli %add3A_297, %mul3A_298 : i32
          %add3A_300 = vector.broadcast %mul3A_299 : i32 to vector<16xi32>
          %add3A_301 = arith.addi %add3A_300, %iota3A : vector<16xi32>
          %mul3A_302 = arith.constant 16 : i32
          %mul3A_303 = arith.muli %add3A_297, %mul3A_302 : i32
          %get3A = arith.index_cast %mul3A_303 : i32 to index
          %get3A_304 = tpu.vector_load %arg7[%get3A] {strides = array<i32>} : memref<768xi32, #tpu.memory_space<vmem>>, vector<16xi32>,
          %lt3A_305 = arith.cmpi slt, %add3A_301, %scan3A_21 : vector<16xi32>
          %ge3A = vector.broadcast %multiple_of3A_264 : i32 to vector<16xi32>
          %ge3A_306 = arith.cmpi sge, %get3A_304, %ge3A : vector<16xi32>
          %and3A_307 = arith.andi %lt3A_305, %ge3A_306 : vector<16xi1>
          %add3A_308 = arith.constant 256 : i32
          %add3A_309 = arith.addi %multiple_of3A_264, %add3A_308 : i32
          %lt3A_310 = vector.broadcast %add3A_309 : i32 to vector<16xi32>
          %lt3A_311 = arith.cmpi slt, %get3A_304, %lt3A_310 : vector<16xi32>
          %and3A_312 = arith.andi %and3A_307, %lt3A_311 : vector<16xi1>
          %jit3A_313 = arith.constant 1 : i32
          %jit3A_314 = arith.constant 0 : i32
          %broadcast_in_dim3A_315 = vector.broadcast %jit3A_313 : i32 to vector<16xi32>
          %broadcast_in_dim3A_316 = vector.broadcast %jit3A_314 : i32 to vector<16xi32>
          %select_n3A_317 = arith.select %and3A_312, %broadcast_in_dim3A_315, %broadcast_in_dim3A_316 : vector<16xi1>, vector<16xi32>
          %broadcast_in_dim3A_318 = arith.constant true
          %broadcast_in_dim3A_319 = vector.broadcast %broadcast_in_dim3A_318 : i1 to vector<16xi1>
          %masked_cumsum3A = tpu.scan <sum>, %select_n3A_317 masked %broadcast_in_dim3A_319 : vector<16xi32>, vector<16xi1> -> vector<16xi32>
          %add3A_320 = arith.addi %scan3A_293, %masked_cumsum3A : vector<16xi32>
          %sub3A_321 = arith.constant 1 : i32
          %sub3A_322 = vector.broadcast %sub3A_321 : i32 to vector<16xi32>
          %sub3A_323 = arith.subi %add3A_320, %sub3A_322 : vector<16xi32>
          %lt3A_324 = arith.constant 64 : i32
          %lt3A_325 = vector.broadcast %lt3A_324 : i32 to vector<16xi32>
          %lt3A_326 = arith.cmpi slt, %sub3A_323, %lt3A_325 : vector<16xi32>
          %and3A_327 = arith.andi %and3A_312, %lt3A_326 : vector<16xi1>
          %sub3A_328 = vector.broadcast %multiple_of3A_264 : i32 to vector<16xi32>
          %sub3A_329 = arith.subi %get3A_304, %sub3A_328 : vector<16xi32>
          tpu.vector_store_idx %arg13[%sub3A_323], %sub3A_329 masked %and3A_327 : memref<64xi32, #tpu.memory_space<vmem>>[vector<16xi32>], vector<16xi32>, vector<16xi1>
          tpu.vector_store_idx %arg14[%sub3A_323], %add3A_301 masked %and3A_327 : memref<64xi32, #tpu.memory_space<vmem>>[vector<16xi32>], vector<16xi32>, vector<16xi1>
          %all_reduce_population_count3A = tpu.all_reduce %and3A_312 {dim = 0 : i64, kind = #tpu.reduction_kind<sum>} : vector<16xi1> -> vector<16xi32>
          %add3A_330 = arith.addi %scan3A_293, %all_reduce_population_count3A : vector<16xi32>
          scf.yield %add3A_330 : vector<16xi32>
        }
        %scan3A_272 = arith.constant 48 : i32
        %scan3A_273 = arith.constant 0 : i32
        %scan3A_274 = arith.constant 4 : i32
        %scan3A_275 = arith.addi %scan3A_273, %scan3A_274 : i32
        %scan3A_276 = arith.constant 1 : i32
        scf.for %scan3A_292 = %scan3A_273 to %scan3A_275 step %scan3A_276  : i32 {
          %mul3A_293 = arith.constant 1 : i32
          %mul3A_294 = arith.muli %scan3A_292, %mul3A_293 : i32
          %add3A_295 = arith.constant 0 : i32
          %add3A_296 = arith.addi %add3A_295, %mul3A_294 : i32
          %mul3A_297 = arith.constant 16 : i32
          %mul3A_298 = arith.muli %add3A_296, %mul3A_297 : i32
          %slice3A = vector.extract_strided_slice %scan3A_271 {offsets = [0], sizes = [1], strides = [1]} : vector<16xi32> to vector<1xi32>
          %squeeze3A = vector.extract %slice3A[0] : i32 from vector<1xi32>
          %lt3A_299 = arith.cmpi slt, %mul3A_298, %squeeze3A : i32
          %convert_element_type3A_300 = arith.extui %lt3A_299 : i1 to i32
          %cond3A_301 = arith.constant 0 : i32
          %cond3A_302 = arith.cmpi ne, %convert_element_type3A_300, %cond3A_301 : i32
          scf.if %cond3A_302 {
            %add3A_303 = vector.broadcast %mul3A_298 : i32 to vector<16xi32>
            %add3A_304 = arith.addi %add3A_303, %iota3A : vector<16xi32>
            %lt3A_305 = arith.cmpi slt, %add3A_304, %scan3A_271 : vector<16xi32>
            %get3A = arith.index_cast %mul3A_298 : i32 to index
            %get3A_306 = tpu.vector_load %arg13[%get3A] {strides = array<i32>} : memref<64xi32, #tpu.memory_space<vmem>>, vector<16xi32>,
            %get3A_307 = arith.index_cast %mul3A_298 : i32 to index
            %get3A_308 = tpu.vector_load %arg14[%get3A_307] {strides = array<i32>} : memref<64xi32, #tpu.memory_space<vmem>>, vector<16xi32>,
            %scan3A_309 = arith.constant 0 : i32
            %scan3A_310 = arith.constant 64 : i32
            %scan3A_311 = arith.addi %scan3A_309, %scan3A_310 : i32
            %scan3A_312 = arith.constant 8 : i32
            scf.for %scan3A_314 = %scan3A_309 to %scan3A_311 step %scan3A_312  : i32 {
              %mul3A_315 = arith.constant 1 : i32
              %mul3A_316 = arith.muli %scan3A_314, %mul3A_315 : i32
              %add3A_317 = arith.constant 0 : i32
              %add3A_318 = arith.addi %add3A_317, %mul3A_316 : i32
              %broadcast_in_dim3A_319 = vector.broadcast %add3A_318 : i32 to vector<16xi32>
              %gather3A = tpu.vector_load_idx %arg12[%broadcast_in_dim3A_319, %get3A_308] masked %lt3A_305 : memref<64x768xf32, #tpu.memory_space<vmem>>[vector<16xi32>, vector<16xi32>], vector<16xf32>, vector<16xi1>
              tpu.vector_store_idx %arg10[%broadcast_in_dim3A_319, %get3A_306], %gather3A masked %lt3A_305 : memref<64x256xf32, #tpu.memory_space<vmem>>[vector<16xi32>, vector<16xi32>], vector<16xf32>, vector<16xi1>
              %scan3A_320 = arith.constant 1 : i32
              %scan3A_321 = arith.addi %scan3A_314, %scan3A_320 : i32
              %mul3A_322 = arith.constant 1 : i32
              %mul3A_323 = arith.muli %scan3A_321, %mul3A_322 : i32
              %add3A_324 = arith.constant 0 : i32
              %add3A_325 = arith.addi %add3A_324, %mul3A_323 : i32
              %broadcast_in_dim3A_326 = vector.broadcast %add3A_325 : i32 to vector<16xi32>
              %gather3A_327 = tpu.vector_load_idx %arg12[%broadcast_in_dim3A_326, %get3A_308] masked %lt3A_305 : memref<64x768xf32, #tpu.memory_space<vmem>>[vector<16xi32>, vector<16xi32>], vector<16xf32>, vector<16xi1>
              tpu.vector_store_idx %arg10[%broadcast_in_dim3A_326, %get3A_306], %gather3A_327 masked %lt3A_305 : memref<64x256xf32, #tpu.memory_space<vmem>>[vector<16xi32>, vector<16xi32>], vector<16xf32>, vector<16xi1>
              %scan3A_328 = arith.constant 2 : i32
              %scan3A_329 = arith.addi %scan3A_314, %scan3A_328 : i32
              %mul3A_330 = arith.constant 1 : i32
              %mul3A_331 = arith.muli %scan3A_329, %mul3A_330 : i32
              %add3A_332 = arith.constant 0 : i32
              %add3A_333 = arith.addi %add3A_332, %mul3A_331 : i32
              %broadcast_in_dim3A_334 = vector.broadcast %add3A_333 : i32 to vector<16xi32>
              %gather3A_335 = tpu.vector_load_idx %arg12[%broadcast_in_dim3A_334, %get3A_308] masked %lt3A_305 : memref<64x768xf32, #tpu.memory_space<vmem>>[vector<16xi32>, vector<16xi32>], vector<16xf32>, vector<16xi1>
              tpu.vector_store_idx %arg10[%broadcast_in_dim3A_334, %get3A_306], %gather3A_335 masked %lt3A_305 : memref<64x256xf32, #tpu.memory_space<vmem>>[vector<16xi32>, vector<16xi32>], vector<16xf32>, vector<16xi1>
              %scan3A_336 = arith.constant 3 : i32
              %scan3A_337 = arith.addi %scan3A_314, %scan3A_336 : i32
              %mul3A_338 = arith.constant 1 : i32
              %mul3A_339 = arith.muli %scan3A_337, %mul3A_338 : i32
              %add3A_340 = arith.constant 0 : i32
              %add3A_341 = arith.addi %add3A_340, %mul3A_339 : i32
              %broadcast_in_dim3A_342 = vector.broadcast %add3A_341 : i32 to vector<16xi32>
              %gather3A_343 = tpu.vector_load_idx %arg12[%broadcast_in_dim3A_342, %get3A_308] masked %lt3A_305 : memref<64x768xf32, #tpu.memory_space<vmem>>[vector<16xi32>, vector<16xi32>], vector<16xf32>, vector<16xi1>
              tpu.vector_store_idx %arg10[%broadcast_in_dim3A_342, %get3A_306], %gather3A_343 masked %lt3A_305 : memref<64x256xf32, #tpu.memory_space<vmem>>[vector<16xi32>, vector<16xi32>], vector<16xf32>, vector<16xi1>
              %scan3A_344 = arith.constant 4 : i32
              %scan3A_345 = arith.addi %scan3A_314, %scan3A_344 : i32
              %mul3A_346 = arith.constant 1 : i32
              %mul3A_347 = arith.muli %scan3A_345, %mul3A_346 : i32
              %add3A_348 = arith.constant 0 : i32
              %add3A_349 = arith.addi %add3A_348, %mul3A_347 : i32
              %broadcast_in_dim3A_350 = vector.broadcast %add3A_349 : i32 to vector<16xi32>
              %gather3A_351 = tpu.vector_load_idx %arg12[%broadcast_in_dim3A_350, %get3A_308] masked %lt3A_305 : memref<64x768xf32, #tpu.memory_space<vmem>>[vector<16xi32>, vector<16xi32>], vector<16xf32>, vector<16xi1>
              tpu.vector_store_idx %arg10[%broadcast_in_dim3A_350, %get3A_306], %gather3A_351 masked %lt3A_305 : memref<64x256xf32, #tpu.memory_space<vmem>>[vector<16xi32>, vector<16xi32>], vector<16xf32>, vector<16xi1>
              %scan3A_352 = arith.constant 5 : i32
              %scan3A_353 = arith.addi %scan3A_314, %scan3A_352 : i32
              %mul3A_354 = arith.constant 1 : i32
              %mul3A_355 = arith.muli %scan3A_353, %mul3A_354 : i32
              %add3A_356 = arith.constant 0 : i32
              %add3A_357 = arith.addi %add3A_356, %mul3A_355 : i32
              %broadcast_in_dim3A_358 = vector.broadcast %add3A_357 : i32 to vector<16xi32>
              %gather3A_359 = tpu.vector_load_idx %arg12[%broadcast_in_dim3A_358, %get3A_308] masked %lt3A_305 : memref<64x768xf32, #tpu.memory_space<vmem>>[vector<16xi32>, vector<16xi32>], vector<16xf32>, vector<16xi1>
              tpu.vector_store_idx %arg10[%broadcast_in_dim3A_358, %get3A_306], %gather3A_359 masked %lt3A_305 : memref<64x256xf32, #tpu.memory_space<vmem>>[vector<16xi32>, vector<16xi32>], vector<16xf32>, vector<16xi1>
              %scan3A_360 = arith.constant 6 : i32
              %scan3A_361 = arith.addi %scan3A_314, %scan3A_360 : i32
              %mul3A_362 = arith.constant 1 : i32
              %mul3A_363 = arith.muli %scan3A_361, %mul3A_362 : i32
              %add3A_364 = arith.constant 0 : i32
              %add3A_365 = arith.addi %add3A_364, %mul3A_363 : i32
              %broadcast_in_dim3A_366 = vector.broadcast %add3A_365 : i32 to vector<16xi32>
              %gather3A_367 = tpu.vector_load_idx %arg12[%broadcast_in_dim3A_366, %get3A_308] masked %lt3A_305 : memref<64x768xf32, #tpu.memory_space<vmem>>[vector<16xi32>, vector<16xi32>], vector<16xf32>, vector<16xi1>
              tpu.vector_store_idx %arg10[%broadcast_in_dim3A_366, %get3A_306], %gather3A_367 masked %lt3A_305 : memref<64x256xf32, #tpu.memory_space<vmem>>[vector<16xi32>, vector<16xi32>], vector<16xf32>, vector<16xi1>
              %scan3A_368 = arith.constant 7 : i32
              %scan3A_369 = arith.addi %scan3A_314, %scan3A_368 : i32
              %mul3A_370 = arith.constant 1 : i32
              %mul3A_371 = arith.muli %scan3A_369, %mul3A_370 : i32
              %add3A_372 = arith.constant 0 : i32
              %add3A_373 = arith.addi %add3A_372, %mul3A_371 : i32
              %broadcast_in_dim3A_374 = vector.broadcast %add3A_373 : i32 to vector<16xi32>
              %gather3A_375 = tpu.vector_load_idx %arg12[%broadcast_in_dim3A_374, %get3A_308] masked %lt3A_305 : memref<64x768xf32, #tpu.memory_space<vmem>>[vector<16xi32>, vector<16xi32>], vector<16xf32>, vector<16xi1>
              tpu.vector_store_idx %arg10[%broadcast_in_dim3A_374, %get3A_306], %gather3A_375 masked %lt3A_305 : memref<64x256xf32, #tpu.memory_space<vmem>>[vector<16xi32>, vector<16xi32>], vector<16xf32>, vector<16xi1>
            }
            %scan3A_313 = arith.constant 64 : i32
          } else {
          }
        }
        %scan3A_277 = arith.constant 4 : i32
        %mul3A_278 = arith.constant 256 : i32
        %mul3A_279 = arith.muli %add3A_243, %mul3A_278 : i32
        %add3A_280 = arith.addi %mul3A_2, %mul3A_279 : i32
        %multiple_of3A_281 = tpu.assume_multiple %add3A_280, 128 : i32
        %dma_start3A_282 = arith.constant 0 : i32
        %dma_start3A_283 = tpu.memref_slice %arg5[%dma_start3A_282, %multiple_of3A_281] : memref<64x1000000xf32, #tpu.memory_space<hbm>> -> memref<64x256xf32, #tpu.memory_space<hbm>>
        %dma_start3A_284 = arith.constant 0 : i32
        %dma_start3A_285 = tpu.memref_slice %arg5[%dma_start3A_284, %multiple_of3A_281] : memref<64x1000000xf32, #tpu.memory_space<hbm>> -> memref<64x256xf32, #tpu.memory_space<hbm>>
        tpu.enqueue_dma source(%arg10 : memref<64x256xf32, #tpu.memory_space<vmem>>) target(%dma_start3A_285 : memref<64x256xf32, #tpu.memory_space<hbm>>) target_semaphore(%arg21 : memref<!tpu.dma_semaphore, #tpu.memory_space<semaphore_mem>>)
        %add3A_286 = arith.constant 2 : i32
        %add3A_287 = arith.addi %add3A_243, %add3A_286 : i32
        %lt3A_288 = arith.cmpi slt, %add3A_287, %select_n3A_10 : i32
        %convert_element_type3A_289 = arith.extui %lt3A_288 : i1 to i32
        %cond3A_290 = arith.constant 0 : i32
        %cond3A_291 = arith.cmpi ne, %convert_element_type3A_289, %cond3A_290 : i32
        scf.if %cond3A_291 {
          %ge3A = arith.constant 2 : i32
          %ge3A_292 = arith.cmpi sge, %add3A_243, %ge3A : i32
          %convert_element_type3A_293 = arith.extui %ge3A_292 : i1 to i32
          %cond3A_294 = arith.constant 0 : i32
          %cond3A_295 = arith.cmpi ne, %convert_element_type3A_293, %cond3A_294 : i32
          scf.if %cond3A_295 {
            %dma_wait3A_306 = arith.constant 0 : i32
            %dma_wait3A_307 = arith.constant 0 : i32
            %dma_wait3A_308 = tpu.memref_slice %arg5[%dma_wait3A_306, %dma_wait3A_307] : memref<64x1000000xf32, #tpu.memory_space<hbm>> -> memref<64x256xf32, #tpu.memory_space<hbm>>
            %dma_wait3A_309 = arith.constant 0 : i32
            %dma_wait3A_310 = arith.constant 0 : i32
            %dma_wait3A_311 = tpu.memref_slice %arg5[%dma_wait3A_309, %dma_wait3A_310] : memref<64x1000000xf32, #tpu.memory_space<hbm>> -> memref<64x256xf32, #tpu.memory_space<hbm>>
            tpu.wait_dma2 semaphore(%arg19 : memref<!tpu.dma_semaphore, #tpu.memory_space<semaphore_mem>>) src(%arg8 : memref<64x256xf32, #tpu.memory_space<vmem>>) dst(%dma_wait3A_311 : memref<64x256xf32, #tpu.memory_space<hbm>>)
          } else {
          }
          %add3A_296 = arith.constant 2 : i32
          %add3A_297 = arith.addi %add3A_243, %add3A_296 : i32
          %mul3A_298 = arith.constant 256 : i32
          %mul3A_299 = arith.muli %add3A_297, %mul3A_298 : i32
          %add3A_300 = arith.addi %mul3A_2, %mul3A_299 : i32
          %multiple_of3A_301 = tpu.assume_multiple %add3A_300, 128 : i32
          %dma_start3A_302 = arith.constant 0 : i32
          %dma_start3A_303 = tpu.memref_slice %arg2[%dma_start3A_302, %multiple_of3A_301] : memref<64x1000000xf32, #tpu.memory_space<hbm>> -> memref<64x256xf32, #tpu.memory_space<hbm>>
          %dma_start3A_304 = arith.constant 0 : i32
          %dma_start3A_305 = tpu.memref_slice %arg2[%dma_start3A_304, %multiple_of3A_301] : memref<64x1000000xf32, #tpu.memory_space<hbm>> -> memref<64x256xf32, #tpu.memory_space<hbm>>
          tpu.enqueue_dma source(%dma_start3A_305 : memref<64x256xf32, #tpu.memory_space<hbm>>) target(%arg8 : memref<64x256xf32, #tpu.memory_space<vmem>>) target_semaphore(%arg15 : memref<!tpu.dma_semaphore, #tpu.memory_space<semaphore_mem>>)
        } else {
        }
      } else {
      }
      %mul3A_248 = arith.constant 4 : i32
      %mul3A_249 = arith.muli %mul3A_248, %add3A_223 : i32
      %add3A_250 = arith.constant 3 : i32
      %add3A_251 = arith.addi %mul3A_249, %add3A_250 : i32
      %lt3A_252 = arith.cmpi slt, %add3A_251, %select_n3A_10 : i32
      %convert_element_type3A_253 = arith.extui %lt3A_252 : i1 to i32
      %cond3A_254 = arith.constant 0 : i32
      %cond3A_255 = arith.cmpi ne, %convert_element_type3A_253, %cond3A_254 : i32
      scf.if %cond3A_255 {
        %dma_wait3A = arith.constant 0 : i32
        %dma_wait3A_256 = arith.constant 0 : i32
        %dma_wait3A_257 = tpu.memref_slice %arg2[%dma_wait3A, %dma_wait3A_256] : memref<64x1000000xf32, #tpu.memory_space<hbm>> -> memref<64x256xf32, #tpu.memory_space<hbm>>
        %dma_wait3A_258 = arith.constant 0 : i32
        %dma_wait3A_259 = arith.constant 0 : i32
        %dma_wait3A_260 = tpu.memref_slice %arg2[%dma_wait3A_258, %dma_wait3A_259] : memref<64x1000000xf32, #tpu.memory_space<hbm>> -> memref<64x256xf32, #tpu.memory_space<hbm>>
        tpu.wait_dma2 semaphore(%arg18 : memref<!tpu.dma_semaphore, #tpu.memory_space<semaphore_mem>>) src(%dma_wait3A_260 : memref<64x256xf32, #tpu.memory_space<hbm>>) dst(%arg11 : memref<64x256xf32, #tpu.memory_space<vmem>>)
        %mul3A_261 = arith.constant 256 : i32
        %mul3A_262 = arith.muli %add3A_251, %mul3A_261 : i32
        %add3A_263 = arith.addi %mul3A_2, %mul3A_262 : i32
        %multiple_of3A_264 = tpu.assume_multiple %add3A_263, 128 : i32
        %iota3A = tpu.iota {dimensions = array<i32: 0>} : vector<16xi32>
        %broadcast_in_dim3A_265 = arith.constant 0 : i32
        %broadcast_in_dim3A_266 = vector.broadcast %broadcast_in_dim3A_265 : i32 to vector<16xi32>
        %scan3A_267 = arith.constant 0 : i32
        %scan3A_268 = arith.constant 48 : i32
        %scan3A_269 = arith.addi %scan3A_267, %scan3A_268 : i32
        %scan3A_270 = arith.constant 1 : i32
        %scan3A_271 = scf.for %scan3A_292 = %scan3A_267 to %scan3A_269 step %scan3A_270 iter_args(%scan3A_293 = %broadcast_in_dim3A_266) -> (vector<16xi32>)  : i32 {
          %mul3A_294 = arith.constant 1 : i32
          %mul3A_295 = arith.muli %scan3A_292, %mul3A_294 : i32
          %add3A_296 = arith.constant 0 : i32
          %add3A_297 = arith.addi %add3A_296, %mul3A_295 : i32
          %mul3A_298 = arith.constant 16 : i32
          %mul3A_299 = arith.muli %add3A_297, %mul3A_298 : i32
          %add3A_300 = vector.broadcast %mul3A_299 : i32 to vector<16xi32>
          %add3A_301 = arith.addi %add3A_300, %iota3A : vector<16xi32>
          %mul3A_302 = arith.constant 16 : i32
          %mul3A_303 = arith.muli %add3A_297, %mul3A_302 : i32
          %get3A = arith.index_cast %mul3A_303 : i32 to index
          %get3A_304 = tpu.vector_load %arg7[%get3A] {strides = array<i32>} : memref<768xi32, #tpu.memory_space<vmem>>, vector<16xi32>,
          %lt3A_305 = arith.cmpi slt, %add3A_301, %scan3A_21 : vector<16xi32>
          %ge3A = vector.broadcast %multiple_of3A_264 : i32 to vector<16xi32>
          %ge3A_306 = arith.cmpi sge, %get3A_304, %ge3A : vector<16xi32>
          %and3A_307 = arith.andi %lt3A_305, %ge3A_306 : vector<16xi1>
          %add3A_308 = arith.constant 256 : i32
          %add3A_309 = arith.addi %multiple_of3A_264, %add3A_308 : i32
          %lt3A_310 = vector.broadcast %add3A_309 : i32 to vector<16xi32>
          %lt3A_311 = arith.cmpi slt, %get3A_304, %lt3A_310 : vector<16xi32>
          %and3A_312 = arith.andi %and3A_307, %lt3A_311 : vector<16xi1>
          %jit3A_313 = arith.constant 1 : i32
          %jit3A_314 = arith.constant 0 : i32
          %broadcast_in_dim3A_315 = vector.broadcast %jit3A_313 : i32 to vector<16xi32>
          %broadcast_in_dim3A_316 = vector.broadcast %jit3A_314 : i32 to vector<16xi32>
          %select_n3A_317 = arith.select %and3A_312, %broadcast_in_dim3A_315, %broadcast_in_dim3A_316 : vector<16xi1>, vector<16xi32>
          %broadcast_in_dim3A_318 = arith.constant true
          %broadcast_in_dim3A_319 = vector.broadcast %broadcast_in_dim3A_318 : i1 to vector<16xi1>
          %masked_cumsum3A = tpu.scan <sum>, %select_n3A_317 masked %broadcast_in_dim3A_319 : vector<16xi32>, vector<16xi1> -> vector<16xi32>
          %add3A_320 = arith.addi %scan3A_293, %masked_cumsum3A : vector<16xi32>
          %sub3A_321 = arith.constant 1 : i32
          %sub3A_322 = vector.broadcast %sub3A_321 : i32 to vector<16xi32>
          %sub3A_323 = arith.subi %add3A_320, %sub3A_322 : vector<16xi32>
          %lt3A_324 = arith.constant 64 : i32
          %lt3A_325 = vector.broadcast %lt3A_324 : i32 to vector<16xi32>
          %lt3A_326 = arith.cmpi slt, %sub3A_323, %lt3A_325 : vector<16xi32>
          %and3A_327 = arith.andi %and3A_312, %lt3A_326 : vector<16xi1>
          %sub3A_328 = vector.broadcast %multiple_of3A_264 : i32 to vector<16xi32>
          %sub3A_329 = arith.subi %get3A_304, %sub3A_328 : vector<16xi32>
          tpu.vector_store_idx %arg13[%sub3A_323], %sub3A_329 masked %and3A_327 : memref<64xi32, #tpu.memory_space<vmem>>[vector<16xi32>], vector<16xi32>, vector<16xi1>
          tpu.vector_store_idx %arg14[%sub3A_323], %add3A_301 masked %and3A_327 : memref<64xi32, #tpu.memory_space<vmem>>[vector<16xi32>], vector<16xi32>, vector<16xi1>
          %all_reduce_population_count3A = tpu.all_reduce %and3A_312 {dim = 0 : i64, kind = #tpu.reduction_kind<sum>} : vector<16xi1> -> vector<16xi32>
          %add3A_330 = arith.addi %scan3A_293, %all_reduce_population_count3A : vector<16xi32>
          scf.yield %add3A_330 : vector<16xi32>
        }
        %scan3A_272 = arith.constant 48 : i32
        %scan3A_273 = arith.constant 0 : i32
        %scan3A_274 = arith.constant 4 : i32
        %scan3A_275 = arith.addi %scan3A_273, %scan3A_274 : i32
        %scan3A_276 = arith.constant 1 : i32
        scf.for %scan3A_292 = %scan3A_273 to %scan3A_275 step %scan3A_276  : i32 {
          %mul3A_293 = arith.constant 1 : i32
          %mul3A_294 = arith.muli %scan3A_292, %mul3A_293 : i32
          %add3A_295 = arith.constant 0 : i32
          %add3A_296 = arith.addi %add3A_295, %mul3A_294 : i32
          %mul3A_297 = arith.constant 16 : i32
          %mul3A_298 = arith.muli %add3A_296, %mul3A_297 : i32
          %slice3A = vector.extract_strided_slice %scan3A_271 {offsets = [0], sizes = [1], strides = [1]} : vector<16xi32> to vector<1xi32>
          %squeeze3A = vector.extract %slice3A[0] : i32 from vector<1xi32>
          %lt3A_299 = arith.cmpi slt, %mul3A_298, %squeeze3A : i32
          %convert_element_type3A_300 = arith.extui %lt3A_299 : i1 to i32
          %cond3A_301 = arith.constant 0 : i32
          %cond3A_302 = arith.cmpi ne, %convert_element_type3A_300, %cond3A_301 : i32
          scf.if %cond3A_302 {
            %add3A_303 = vector.broadcast %mul3A_298 : i32 to vector<16xi32>
            %add3A_304 = arith.addi %add3A_303, %iota3A : vector<16xi32>
            %lt3A_305 = arith.cmpi slt, %add3A_304, %scan3A_271 : vector<16xi32>
            %get3A = arith.index_cast %mul3A_298 : i32 to index
            %get3A_306 = tpu.vector_load %arg13[%get3A] {strides = array<i32>} : memref<64xi32, #tpu.memory_space<vmem>>, vector<16xi32>,
            %get3A_307 = arith.index_cast %mul3A_298 : i32 to index
            %get3A_308 = tpu.vector_load %arg14[%get3A_307] {strides = array<i32>} : memref<64xi32, #tpu.memory_space<vmem>>, vector<16xi32>,
            %scan3A_309 = arith.constant 0 : i32
            %scan3A_310 = arith.constant 64 : i32
            %scan3A_311 = arith.addi %scan3A_309, %scan3A_310 : i32
            %scan3A_312 = arith.constant 8 : i32
            scf.for %scan3A_314 = %scan3A_309 to %scan3A_311 step %scan3A_312  : i32 {
              %mul3A_315 = arith.constant 1 : i32
              %mul3A_316 = arith.muli %scan3A_314, %mul3A_315 : i32
              %add3A_317 = arith.constant 0 : i32
              %add3A_318 = arith.addi %add3A_317, %mul3A_316 : i32
              %broadcast_in_dim3A_319 = vector.broadcast %add3A_318 : i32 to vector<16xi32>
              %gather3A = tpu.vector_load_idx %arg12[%broadcast_in_dim3A_319, %get3A_308] masked %lt3A_305 : memref<64x768xf32, #tpu.memory_space<vmem>>[vector<16xi32>, vector<16xi32>], vector<16xf32>, vector<16xi1>
              tpu.vector_store_idx %arg11[%broadcast_in_dim3A_319, %get3A_306], %gather3A masked %lt3A_305 : memref<64x256xf32, #tpu.memory_space<vmem>>[vector<16xi32>, vector<16xi32>], vector<16xf32>, vector<16xi1>
              %scan3A_320 = arith.constant 1 : i32
              %scan3A_321 = arith.addi %scan3A_314, %scan3A_320 : i32
              %mul3A_322 = arith.constant 1 : i32
              %mul3A_323 = arith.muli %scan3A_321, %mul3A_322 : i32
              %add3A_324 = arith.constant 0 : i32
              %add3A_325 = arith.addi %add3A_324, %mul3A_323 : i32
              %broadcast_in_dim3A_326 = vector.broadcast %add3A_325 : i32 to vector<16xi32>
              %gather3A_327 = tpu.vector_load_idx %arg12[%broadcast_in_dim3A_326, %get3A_308] masked %lt3A_305 : memref<64x768xf32, #tpu.memory_space<vmem>>[vector<16xi32>, vector<16xi32>], vector<16xf32>, vector<16xi1>
              tpu.vector_store_idx %arg11[%broadcast_in_dim3A_326, %get3A_306], %gather3A_327 masked %lt3A_305 : memref<64x256xf32, #tpu.memory_space<vmem>>[vector<16xi32>, vector<16xi32>], vector<16xf32>, vector<16xi1>
              %scan3A_328 = arith.constant 2 : i32
              %scan3A_329 = arith.addi %scan3A_314, %scan3A_328 : i32
              %mul3A_330 = arith.constant 1 : i32
              %mul3A_331 = arith.muli %scan3A_329, %mul3A_330 : i32
              %add3A_332 = arith.constant 0 : i32
              %add3A_333 = arith.addi %add3A_332, %mul3A_331 : i32
              %broadcast_in_dim3A_334 = vector.broadcast %add3A_333 : i32 to vector<16xi32>
              %gather3A_335 = tpu.vector_load_idx %arg12[%broadcast_in_dim3A_334, %get3A_308] masked %lt3A_305 : memref<64x768xf32, #tpu.memory_space<vmem>>[vector<16xi32>, vector<16xi32>], vector<16xf32>, vector<16xi1>
              tpu.vector_store_idx %arg11[%broadcast_in_dim3A_334, %get3A_306], %gather3A_335 masked %lt3A_305 : memref<64x256xf32, #tpu.memory_space<vmem>>[vector<16xi32>, vector<16xi32>], vector<16xf32>, vector<16xi1>
              %scan3A_336 = arith.constant 3 : i32
              %scan3A_337 = arith.addi %scan3A_314, %scan3A_336 : i32
              %mul3A_338 = arith.constant 1 : i32
              %mul3A_339 = arith.muli %scan3A_337, %mul3A_338 : i32
              %add3A_340 = arith.constant 0 : i32
              %add3A_341 = arith.addi %add3A_340, %mul3A_339 : i32
              %broadcast_in_dim3A_342 = vector.broadcast %add3A_341 : i32 to vector<16xi32>
              %gather3A_343 = tpu.vector_load_idx %arg12[%broadcast_in_dim3A_342, %get3A_308] masked %lt3A_305 : memref<64x768xf32, #tpu.memory_space<vmem>>[vector<16xi32>, vector<16xi32>], vector<16xf32>, vector<16xi1>
              tpu.vector_store_idx %arg11[%broadcast_in_dim3A_342, %get3A_306], %gather3A_343 masked %lt3A_305 : memref<64x256xf32, #tpu.memory_space<vmem>>[vector<16xi32>, vector<16xi32>], vector<16xf32>, vector<16xi1>
              %scan3A_344 = arith.constant 4 : i32
              %scan3A_345 = arith.addi %scan3A_314, %scan3A_344 : i32
              %mul3A_346 = arith.constant 1 : i32
              %mul3A_347 = arith.muli %scan3A_345, %mul3A_346 : i32
              %add3A_348 = arith.constant 0 : i32
              %add3A_349 = arith.addi %add3A_348, %mul3A_347 : i32
              %broadcast_in_dim3A_350 = vector.broadcast %add3A_349 : i32 to vector<16xi32>
              %gather3A_351 = tpu.vector_load_idx %arg12[%broadcast_in_dim3A_350, %get3A_308] masked %lt3A_305 : memref<64x768xf32, #tpu.memory_space<vmem>>[vector<16xi32>, vector<16xi32>], vector<16xf32>, vector<16xi1>
              tpu.vector_store_idx %arg11[%broadcast_in_dim3A_350, %get3A_306], %gather3A_351 masked %lt3A_305 : memref<64x256xf32, #tpu.memory_space<vmem>>[vector<16xi32>, vector<16xi32>], vector<16xf32>, vector<16xi1>
              %scan3A_352 = arith.constant 5 : i32
              %scan3A_353 = arith.addi %scan3A_314, %scan3A_352 : i32
              %mul3A_354 = arith.constant 1 : i32
              %mul3A_355 = arith.muli %scan3A_353, %mul3A_354 : i32
              %add3A_356 = arith.constant 0 : i32
              %add3A_357 = arith.addi %add3A_356, %mul3A_355 : i32
              %broadcast_in_dim3A_358 = vector.broadcast %add3A_357 : i32 to vector<16xi32>
              %gather3A_359 = tpu.vector_load_idx %arg12[%broadcast_in_dim3A_358, %get3A_308] masked %lt3A_305 : memref<64x768xf32, #tpu.memory_space<vmem>>[vector<16xi32>, vector<16xi32>], vector<16xf32>, vector<16xi1>
              tpu.vector_store_idx %arg11[%broadcast_in_dim3A_358, %get3A_306], %gather3A_359 masked %lt3A_305 : memref<64x256xf32, #tpu.memory_space<vmem>>[vector<16xi32>, vector<16xi32>], vector<16xf32>, vector<16xi1>
              %scan3A_360 = arith.constant 6 : i32
              %scan3A_361 = arith.addi %scan3A_314, %scan3A_360 : i32
              %mul3A_362 = arith.constant 1 : i32
              %mul3A_363 = arith.muli %scan3A_361, %mul3A_362 : i32
              %add3A_364 = arith.constant 0 : i32
              %add3A_365 = arith.addi %add3A_364, %mul3A_363 : i32
              %broadcast_in_dim3A_366 = vector.broadcast %add3A_365 : i32 to vector<16xi32>
              %gather3A_367 = tpu.vector_load_idx %arg12[%broadcast_in_dim3A_366, %get3A_308] masked %lt3A_305 : memref<64x768xf32, #tpu.memory_space<vmem>>[vector<16xi32>, vector<16xi32>], vector<16xf32>, vector<16xi1>
              tpu.vector_store_idx %arg11[%broadcast_in_dim3A_366, %get3A_306], %gather3A_367 masked %lt3A_305 : memref<64x256xf32, #tpu.memory_space<vmem>>[vector<16xi32>, vector<16xi32>], vector<16xf32>, vector<16xi1>
              %scan3A_368 = arith.constant 7 : i32
              %scan3A_369 = arith.addi %scan3A_314, %scan3A_368 : i32
              %mul3A_370 = arith.constant 1 : i32
              %mul3A_371 = arith.muli %scan3A_369, %mul3A_370 : i32
              %add3A_372 = arith.constant 0 : i32
              %add3A_373 = arith.addi %add3A_372, %mul3A_371 : i32
              %broadcast_in_dim3A_374 = vector.broadcast %add3A_373 : i32 to vector<16xi32>
              %gather3A_375 = tpu.vector_load_idx %arg12[%broadcast_in_dim3A_374, %get3A_308] masked %lt3A_305 : memref<64x768xf32, #tpu.memory_space<vmem>>[vector<16xi32>, vector<16xi32>], vector<16xf32>, vector<16xi1>
              tpu.vector_store_idx %arg11[%broadcast_in_dim3A_374, %get3A_306], %gather3A_375 masked %lt3A_305 : memref<64x256xf32, #tpu.memory_space<vmem>>[vector<16xi32>, vector<16xi32>], vector<16xf32>, vector<16xi1>
            }
            %scan3A_313 = arith.constant 64 : i32
          } else {
          }
        }
        %scan3A_277 = arith.constant 4 : i32
        %mul3A_278 = arith.constant 256 : i32
        %mul3A_279 = arith.muli %add3A_251, %mul3A_278 : i32
        %add3A_280 = arith.addi %mul3A_2, %mul3A_279 : i32
        %multiple_of3A_281 = tpu.assume_multiple %add3A_280, 128 : i32
        %dma_start3A_282 = arith.constant 0 : i32
        %dma_start3A_283 = tpu.memref_slice %arg5[%dma_start3A_282, %multiple_of3A_281] : memref<64x1000000xf32, #tpu.memory_space<hbm>> -> memref<64x256xf32, #tpu.memory_space<hbm>>
        %dma_start3A_284 = arith.constant 0 : i32
        %dma_start3A_285 = tpu.memref_slice %arg5[%dma_start3A_284, %multiple_of3A_281] : memref<64x1000000xf32, #tpu.memory_space<hbm>> -> memref<64x256xf32, #tpu.memory_space<hbm>>
        tpu.enqueue_dma source(%arg11 : memref<64x256xf32, #tpu.memory_space<vmem>>) target(%dma_start3A_285 : memref<64x256xf32, #tpu.memory_space<hbm>>) target_semaphore(%arg22 : memref<!tpu.dma_semaphore, #tpu.memory_space<semaphore_mem>>)
        %add3A_286 = arith.constant 2 : i32
        %add3A_287 = arith.addi %add3A_251, %add3A_286 : i32
        %lt3A_288 = arith.cmpi slt, %add3A_287, %select_n3A_10 : i32
        %convert_element_type3A_289 = arith.extui %lt3A_288 : i1 to i32
        %cond3A_290 = arith.constant 0 : i32
        %cond3A_291 = arith.cmpi ne, %convert_element_type3A_289, %cond3A_290 : i32
        scf.if %cond3A_291 {
          %ge3A = arith.constant 2 : i32
          %ge3A_292 = arith.cmpi sge, %add3A_251, %ge3A : i32
          %convert_element_type3A_293 = arith.extui %ge3A_292 : i1 to i32
          %cond3A_294 = arith.constant 0 : i32
          %cond3A_295 = arith.cmpi ne, %convert_element_type3A_293, %cond3A_294 : i32
          scf.if %cond3A_295 {
            %dma_wait3A_306 = arith.constant 0 : i32
            %dma_wait3A_307 = arith.constant 0 : i32
            %dma_wait3A_308 = tpu.memref_slice %arg5[%dma_wait3A_306, %dma_wait3A_307] : memref<64x1000000xf32, #tpu.memory_space<hbm>> -> memref<64x256xf32, #tpu.memory_space<hbm>>
            %dma_wait3A_309 = arith.constant 0 : i32
            %dma_wait3A_310 = arith.constant 0 : i32
            %dma_wait3A_311 = tpu.memref_slice %arg5[%dma_wait3A_309, %dma_wait3A_310] : memref<64x1000000xf32, #tpu.memory_space<hbm>> -> memref<64x256xf32, #tpu.memory_space<hbm>>
            tpu.wait_dma2 semaphore(%arg20 : memref<!tpu.dma_semaphore, #tpu.memory_space<semaphore_mem>>) src(%arg9 : memref<64x256xf32, #tpu.memory_space<vmem>>) dst(%dma_wait3A_311 : memref<64x256xf32, #tpu.memory_space<hbm>>)
          } else {
          }
          %add3A_296 = arith.constant 2 : i32
          %add3A_297 = arith.addi %add3A_251, %add3A_296 : i32
          %mul3A_298 = arith.constant 256 : i32
          %mul3A_299 = arith.muli %add3A_297, %mul3A_298 : i32
          %add3A_300 = arith.addi %mul3A_2, %mul3A_299 : i32
          %multiple_of3A_301 = tpu.assume_multiple %add3A_300, 128 : i32
          %dma_start3A_302 = arith.constant 0 : i32
          %dma_start3A_303 = tpu.memref_slice %arg2[%dma_start3A_302, %multiple_of3A_301] : memref<64x1000000xf32, #tpu.memory_space<hbm>> -> memref<64x256xf32, #tpu.memory_space<hbm>>
          %dma_start3A_304 = arith.constant 0 : i32
          %dma_start3A_305 = tpu.memref_slice %arg2[%dma_start3A_304, %multiple_of3A_301] : memref<64x1000000xf32, #tpu.memory_space<hbm>> -> memref<64x256xf32, #tpu.memory_space<hbm>>
          tpu.enqueue_dma source(%dma_start3A_305 : memref<64x256xf32, #tpu.memory_space<hbm>>) target(%arg9 : memref<64x256xf32, #tpu.memory_space<vmem>>) target_semaphore(%arg16 : memref<!tpu.dma_semaphore, #tpu.memory_space<semaphore_mem>>)
        } else {
        }
      } else {
      }
    }
    %scan3A_41 = arith.constant 31 : i32
    %sub3A = arith.constant 2 : i32
    %sub3A_42 = arith.subi %select_n3A_10, %sub3A : i32
    %jit3A_43 = arith.constant 4 : i32
    %eq3A_44 = arith.constant 0 : i32
    %eq3A_45 = arith.cmpi eq, %jit3A_43, %eq3A_44 : i32
    %jit3A_46 = arith.constant 1 : i32
    %select_n3A_47 = arith.select %eq3A_45, %jit3A_46, %jit3A_43 : i32
    %rem3A = arith.remsi %sub3A_42, %select_n3A_47 : i32
    %ne3A = arith.constant 0 : i32
    %ne3A_48 = arith.cmpi ne, %rem3A, %ne3A : i32
    %lt3A = arith.constant 0 : i32
    %lt3A_49 = arith.cmpi slt, %rem3A, %lt3A : i32
    %lt3A_50 = arith.constant 0 : i32
    %lt3A_51 = arith.cmpi slt, %select_n3A_47, %lt3A_50 : i32
    %ne3A_52 = arith.xori %lt3A_49, %lt3A_51 : i1
    %and3A = arith.andi %ne3A_52, %ne3A_48 : i1
    %add3A_53 = arith.addi %rem3A, %select_n3A_47 : i32
    %select_n3A_54 = arith.select %and3A, %add3A_53, %rem3A : i32
    %eq3A_55 = arith.constant 0 : i32
    %eq3A_56 = arith.cmpi eq, %select_n3A_54, %eq3A_55 : i32
    %convert_element_type3A = arith.extui %eq3A_56 : i1 to i32
    %cond3A = arith.constant 0 : i32
    %cond3A_57 = arith.cmpi ne, %convert_element_type3A, %cond3A : i32
    scf.if %cond3A_57 {
      %dma_wait3A = arith.constant 0 : i32
      %dma_wait3A_219 = arith.constant 0 : i32
      %dma_wait3A_220 = tpu.memref_slice %arg5[%dma_wait3A, %dma_wait3A_219] : memref<64x1000000xf32, #tpu.memory_space<hbm>> -> memref<64x256xf32, #tpu.memory_space<hbm>>
      %dma_wait3A_221 = arith.constant 0 : i32
      %dma_wait3A_222 = arith.constant 0 : i32
      %dma_wait3A_223 = tpu.memref_slice %arg5[%dma_wait3A_221, %dma_wait3A_222] : memref<64x1000000xf32, #tpu.memory_space<hbm>> -> memref<64x256xf32, #tpu.memory_space<hbm>>
      tpu.wait_dma2 semaphore(%arg19 : memref<!tpu.dma_semaphore, #tpu.memory_space<semaphore_mem>>) src(%arg8 : memref<64x256xf32, #tpu.memory_space<vmem>>) dst(%dma_wait3A_223 : memref<64x256xf32, #tpu.memory_space<hbm>>)
    } else {
    }
    %sub3A_58 = arith.constant 2 : i32
    %sub3A_59 = arith.subi %select_n3A_10, %sub3A_58 : i32
    %jit3A_60 = arith.constant 4 : i32
    %eq3A_61 = arith.constant 0 : i32
    %eq3A_62 = arith.cmpi eq, %jit3A_60, %eq3A_61 : i32
    %jit3A_63 = arith.constant 1 : i32
    %select_n3A_64 = arith.select %eq3A_62, %jit3A_63, %jit3A_60 : i32
    %rem3A_65 = arith.remsi %sub3A_59, %select_n3A_64 : i32
    %ne3A_66 = arith.constant 0 : i32
    %ne3A_67 = arith.cmpi ne, %rem3A_65, %ne3A_66 : i32
    %lt3A_68 = arith.constant 0 : i32
    %lt3A_69 = arith.cmpi slt, %rem3A_65, %lt3A_68 : i32
    %lt3A_70 = arith.constant 0 : i32
    %lt3A_71 = arith.cmpi slt, %select_n3A_64, %lt3A_70 : i32
    %ne3A_72 = arith.xori %lt3A_69, %lt3A_71 : i1
    %and3A_73 = arith.andi %ne3A_72, %ne3A_67 : i1
    %add3A_74 = arith.addi %rem3A_65, %select_n3A_64 : i32
    %select_n3A_75 = arith.select %and3A_73, %add3A_74, %rem3A_65 : i32
    %eq3A_76 = arith.constant 1 : i32
    %eq3A_77 = arith.cmpi eq, %select_n3A_75, %eq3A_76 : i32
    %convert_element_type3A_78 = arith.extui %eq3A_77 : i1 to i32
    %cond3A_79 = arith.constant 0 : i32
    %cond3A_80 = arith.cmpi ne, %convert_element_type3A_78, %cond3A_79 : i32
    scf.if %cond3A_80 {
      %dma_wait3A = arith.constant 0 : i32
      %dma_wait3A_219 = arith.constant 0 : i32
      %dma_wait3A_220 = tpu.memref_slice %arg5[%dma_wait3A, %dma_wait3A_219] : memref<64x1000000xf32, #tpu.memory_space<hbm>> -> memref<64x256xf32, #tpu.memory_space<hbm>>
      %dma_wait3A_221 = arith.constant 0 : i32
      %dma_wait3A_222 = arith.constant 0 : i32
      %dma_wait3A_223 = tpu.memref_slice %arg5[%dma_wait3A_221, %dma_wait3A_222] : memref<64x1000000xf32, #tpu.memory_space<hbm>> -> memref<64x256xf32, #tpu.memory_space<hbm>>
      tpu.wait_dma2 semaphore(%arg20 : memref<!tpu.dma_semaphore, #tpu.memory_space<semaphore_mem>>) src(%arg9 : memref<64x256xf32, #tpu.memory_space<vmem>>) dst(%dma_wait3A_223 : memref<64x256xf32, #tpu.memory_space<hbm>>)
    } else {
    }
    %sub3A_81 = arith.constant 2 : i32
    %sub3A_82 = arith.subi %select_n3A_10, %sub3A_81 : i32
    %jit3A_83 = arith.constant 4 : i32
    %eq3A_84 = arith.constant 0 : i32
    %eq3A_85 = arith.cmpi eq, %jit3A_83, %eq3A_84 : i32
    %jit3A_86 = arith.constant 1 : i32
    %select_n3A_87 = arith.select %eq3A_85, %jit3A_86, %jit3A_83 : i32
    %rem3A_88 = arith.remsi %sub3A_82, %select_n3A_87 : i32
    %ne3A_89 = arith.constant 0 : i32
    %ne3A_90 = arith.cmpi ne, %rem3A_88, %ne3A_89 : i32
    %lt3A_91 = arith.constant 0 : i32
    %lt3A_92 = arith.cmpi slt, %rem3A_88, %lt3A_91 : i32
    %lt3A_93 = arith.constant 0 : i32
    %lt3A_94 = arith.cmpi slt, %select_n3A_87, %lt3A_93 : i32
    %ne3A_95 = arith.xori %lt3A_92, %lt3A_94 : i1
    %and3A_96 = arith.andi %ne3A_95, %ne3A_90 : i1
    %add3A_97 = arith.addi %rem3A_88, %select_n3A_87 : i32
    %select_n3A_98 = arith.select %and3A_96, %add3A_97, %rem3A_88 : i32
    %eq3A_99 = arith.constant 2 : i32
    %eq3A_100 = arith.cmpi eq, %select_n3A_98, %eq3A_99 : i32
    %convert_element_type3A_101 = arith.extui %eq3A_100 : i1 to i32
    %cond3A_102 = arith.constant 0 : i32
    %cond3A_103 = arith.cmpi ne, %convert_element_type3A_101, %cond3A_102 : i32
    scf.if %cond3A_103 {
      %dma_wait3A = arith.constant 0 : i32
      %dma_wait3A_219 = arith.constant 0 : i32
      %dma_wait3A_220 = tpu.memref_slice %arg5[%dma_wait3A, %dma_wait3A_219] : memref<64x1000000xf32, #tpu.memory_space<hbm>> -> memref<64x256xf32, #tpu.memory_space<hbm>>
      %dma_wait3A_221 = arith.constant 0 : i32
      %dma_wait3A_222 = arith.constant 0 : i32
      %dma_wait3A_223 = tpu.memref_slice %arg5[%dma_wait3A_221, %dma_wait3A_222] : memref<64x1000000xf32, #tpu.memory_space<hbm>> -> memref<64x256xf32, #tpu.memory_space<hbm>>
      tpu.wait_dma2 semaphore(%arg21 : memref<!tpu.dma_semaphore, #tpu.memory_space<semaphore_mem>>) src(%arg10 : memref<64x256xf32, #tpu.memory_space<vmem>>) dst(%dma_wait3A_223 : memref<64x256xf32, #tpu.memory_space<hbm>>)
    } else {
    }
    %sub3A_104 = arith.constant 2 : i32
    %sub3A_105 = arith.subi %select_n3A_10, %sub3A_104 : i32
    %jit3A_106 = arith.constant 4 : i32
    %eq3A_107 = arith.constant 0 : i32
    %eq3A_108 = arith.cmpi eq, %jit3A_106, %eq3A_107 : i32
    %jit3A_109 = arith.constant 1 : i32
    %select_n3A_110 = arith.select %eq3A_108, %jit3A_109, %jit3A_106 : i32
    %rem3A_111 = arith.remsi %sub3A_105, %select_n3A_110 : i32
    %ne3A_112 = arith.constant 0 : i32
    %ne3A_113 = arith.cmpi ne, %rem3A_111, %ne3A_112 : i32
    %lt3A_114 = arith.constant 0 : i32
    %lt3A_115 = arith.cmpi slt, %rem3A_111, %lt3A_114 : i32
    %lt3A_116 = arith.constant 0 : i32
    %lt3A_117 = arith.cmpi slt, %select_n3A_110, %lt3A_116 : i32
    %ne3A_118 = arith.xori %lt3A_115, %lt3A_117 : i1
    %and3A_119 = arith.andi %ne3A_118, %ne3A_113 : i1
    %add3A_120 = arith.addi %rem3A_111, %select_n3A_110 : i32
    %select_n3A_121 = arith.select %and3A_119, %add3A_120, %rem3A_111 : i32
    %eq3A_122 = arith.constant 3 : i32
    %eq3A_123 = arith.cmpi eq, %select_n3A_121, %eq3A_122 : i32
    %convert_element_type3A_124 = arith.extui %eq3A_123 : i1 to i32
    %cond3A_125 = arith.constant 0 : i32
    %cond3A_126 = arith.cmpi ne, %convert_element_type3A_124, %cond3A_125 : i32
    scf.if %cond3A_126 {
      %dma_wait3A = arith.constant 0 : i32
      %dma_wait3A_219 = arith.constant 0 : i32
      %dma_wait3A_220 = tpu.memref_slice %arg5[%dma_wait3A, %dma_wait3A_219] : memref<64x1000000xf32, #tpu.memory_space<hbm>> -> memref<64x256xf32, #tpu.memory_space<hbm>>
      %dma_wait3A_221 = arith.constant 0 : i32
      %dma_wait3A_222 = arith.constant 0 : i32
      %dma_wait3A_223 = tpu.memref_slice %arg5[%dma_wait3A_221, %dma_wait3A_222] : memref<64x1000000xf32, #tpu.memory_space<hbm>> -> memref<64x256xf32, #tpu.memory_space<hbm>>
      tpu.wait_dma2 semaphore(%arg22 : memref<!tpu.dma_semaphore, #tpu.memory_space<semaphore_mem>>) src(%arg11 : memref<64x256xf32, #tpu.memory_space<vmem>>) dst(%dma_wait3A_223 : memref<64x256xf32, #tpu.memory_space<hbm>>)
    } else {
    }
    %sub3A_127 = arith.constant 1 : i32
    %sub3A_128 = arith.subi %select_n3A_10, %sub3A_127 : i32
    %jit3A_129 = arith.constant 4 : i32
    %eq3A_130 = arith.constant 0 : i32
    %eq3A_131 = arith.cmpi eq, %jit3A_129, %eq3A_130 : i32
    %jit3A_132 = arith.constant 1 : i32
    %select_n3A_133 = arith.select %eq3A_131, %jit3A_132, %jit3A_129 : i32
    %rem3A_134 = arith.remsi %sub3A_128, %select_n3A_133 : i32
    %ne3A_135 = arith.constant 0 : i32
    %ne3A_136 = arith.cmpi ne, %rem3A_134, %ne3A_135 : i32
    %lt3A_137 = arith.constant 0 : i32
    %lt3A_138 = arith.cmpi slt, %rem3A_134, %lt3A_137 : i32
    %lt3A_139 = arith.constant 0 : i32
    %lt3A_140 = arith.cmpi slt, %select_n3A_133, %lt3A_139 : i32
    %ne3A_141 = arith.xori %lt3A_138, %lt3A_140 : i1
    %and3A_142 = arith.andi %ne3A_141, %ne3A_136 : i1
    %add3A_143 = arith.addi %rem3A_134, %select_n3A_133 : i32
    %select_n3A_144 = arith.select %and3A_142, %add3A_143, %rem3A_134 : i32
    %eq3A_145 = arith.constant 0 : i32
    %eq3A_146 = arith.cmpi eq, %select_n3A_144, %eq3A_145 : i32
    %convert_element_type3A_147 = arith.extui %eq3A_146 : i1 to i32
    %cond3A_148 = arith.constant 0 : i32
    %cond3A_149 = arith.cmpi ne, %convert_element_type3A_147, %cond3A_148 : i32
    scf.if %cond3A_149 {
      %dma_wait3A = arith.constant 0 : i32
      %dma_wait3A_219 = arith.constant 0 : i32
      %dma_wait3A_220 = tpu.memref_slice %arg5[%dma_wait3A, %dma_wait3A_219] : memref<64x1000000xf32, #tpu.memory_space<hbm>> -> memref<64x256xf32, #tpu.memory_space<hbm>>
      %dma_wait3A_221 = arith.constant 0 : i32
      %dma_wait3A_222 = arith.constant 0 : i32
      %dma_wait3A_223 = tpu.memref_slice %arg5[%dma_wait3A_221, %dma_wait3A_222] : memref<64x1000000xf32, #tpu.memory_space<hbm>> -> memref<64x256xf32, #tpu.memory_space<hbm>>
      tpu.wait_dma2 semaphore(%arg19 : memref<!tpu.dma_semaphore, #tpu.memory_space<semaphore_mem>>) src(%arg8 : memref<64x256xf32, #tpu.memory_space<vmem>>) dst(%dma_wait3A_223 : memref<64x256xf32, #tpu.memory_space<hbm>>)
    } else {
    }
    %sub3A_150 = arith.constant 1 : i32
    %sub3A_151 = arith.subi %select_n3A_10, %sub3A_150 : i32
    %jit3A_152 = arith.constant 4 : i32
    %eq3A_153 = arith.constant 0 : i32
    %eq3A_154 = arith.cmpi eq, %jit3A_152, %eq3A_153 : i32
    %jit3A_155 = arith.constant 1 : i32
    %select_n3A_156 = arith.select %eq3A_154, %jit3A_155, %jit3A_152 : i32
    %rem3A_157 = arith.remsi %sub3A_151, %select_n3A_156 : i32
    %ne3A_158 = arith.constant 0 : i32
    %ne3A_159 = arith.cmpi ne, %rem3A_157, %ne3A_158 : i32
    %lt3A_160 = arith.constant 0 : i32
    %lt3A_161 = arith.cmpi slt, %rem3A_157, %lt3A_160 : i32
    %lt3A_162 = arith.constant 0 : i32
    %lt3A_163 = arith.cmpi slt, %select_n3A_156, %lt3A_162 : i32
    %ne3A_164 = arith.xori %lt3A_161, %lt3A_163 : i1
    %and3A_165 = arith.andi %ne3A_164, %ne3A_159 : i1
    %add3A_166 = arith.addi %rem3A_157, %select_n3A_156 : i32
    %select_n3A_167 = arith.select %and3A_165, %add3A_166, %rem3A_157 : i32
    %eq3A_168 = arith.constant 1 : i32
    %eq3A_169 = arith.cmpi eq, %select_n3A_167, %eq3A_168 : i32
    %convert_element_type3A_170 = arith.extui %eq3A_169 : i1 to i32
    %cond3A_171 = arith.constant 0 : i32
    %cond3A_172 = arith.cmpi ne, %convert_element_type3A_170, %cond3A_171 : i32
    scf.if %cond3A_172 {
      %dma_wait3A = arith.constant 0 : i32
      %dma_wait3A_219 = arith.constant 0 : i32
      %dma_wait3A_220 = tpu.memref_slice %arg5[%dma_wait3A, %dma_wait3A_219] : memref<64x1000000xf32, #tpu.memory_space<hbm>> -> memref<64x256xf32, #tpu.memory_space<hbm>>
      %dma_wait3A_221 = arith.constant 0 : i32
      %dma_wait3A_222 = arith.constant 0 : i32
      %dma_wait3A_223 = tpu.memref_slice %arg5[%dma_wait3A_221, %dma_wait3A_222] : memref<64x1000000xf32, #tpu.memory_space<hbm>> -> memref<64x256xf32, #tpu.memory_space<hbm>>
      tpu.wait_dma2 semaphore(%arg20 : memref<!tpu.dma_semaphore, #tpu.memory_space<semaphore_mem>>) src(%arg9 : memref<64x256xf32, #tpu.memory_space<vmem>>) dst(%dma_wait3A_223 : memref<64x256xf32, #tpu.memory_space<hbm>>)
    } else {
    }
    %sub3A_173 = arith.constant 1 : i32
    %sub3A_174 = arith.subi %select_n3A_10, %sub3A_173 : i32
    %jit3A_175 = arith.constant 4 : i32
    %eq3A_176 = arith.constant 0 : i32
    %eq3A_177 = arith.cmpi eq, %jit3A_175, %eq3A_176 : i32
    %jit3A_178 = arith.constant 1 : i32
    %select_n3A_179 = arith.select %eq3A_177, %jit3A_178, %jit3A_175 : i32
    %rem3A_180 = arith.remsi %sub3A_174, %select_n3A_179 : i32
    %ne3A_181 = arith.constant 0 : i32
    %ne3A_182 = arith.cmpi ne, %rem3A_180, %ne3A_181 : i32
    %lt3A_183 = arith.constant 0 : i32
    %lt3A_184 = arith.cmpi slt, %rem3A_180, %lt3A_183 : i32
    %lt3A_185 = arith.constant 0 : i32
    %lt3A_186 = arith.cmpi slt, %select_n3A_179, %lt3A_185 : i32
    %ne3A_187 = arith.xori %lt3A_184, %lt3A_186 : i1
    %and3A_188 = arith.andi %ne3A_187, %ne3A_182 : i1
    %add3A_189 = arith.addi %rem3A_180, %select_n3A_179 : i32
    %select_n3A_190 = arith.select %and3A_188, %add3A_189, %rem3A_180 : i32
    %eq3A_191 = arith.constant 2 : i32
    %eq3A_192 = arith.cmpi eq, %select_n3A_190, %eq3A_191 : i32
    %convert_element_type3A_193 = arith.extui %eq3A_192 : i1 to i32
    %cond3A_194 = arith.constant 0 : i32
    %cond3A_195 = arith.cmpi ne, %convert_element_type3A_193, %cond3A_194 : i32
    scf.if %cond3A_195 {
      %dma_wait3A = arith.constant 0 : i32
      %dma_wait3A_219 = arith.constant 0 : i32
      %dma_wait3A_220 = tpu.memref_slice %arg5[%dma_wait3A, %dma_wait3A_219] : memref<64x1000000xf32, #tpu.memory_space<hbm>> -> memref<64x256xf32, #tpu.memory_space<hbm>>
      %dma_wait3A_221 = arith.constant 0 : i32
      %dma_wait3A_222 = arith.constant 0 : i32
      %dma_wait3A_223 = tpu.memref_slice %arg5[%dma_wait3A_221, %dma_wait3A_222] : memref<64x1000000xf32, #tpu.memory_space<hbm>> -> memref<64x256xf32, #tpu.memory_space<hbm>>
      tpu.wait_dma2 semaphore(%arg21 : memref<!tpu.dma_semaphore, #tpu.memory_space<semaphore_mem>>) src(%arg10 : memref<64x256xf32, #tpu.memory_space<vmem>>) dst(%dma_wait3A_223 : memref<64x256xf32, #tpu.memory_space<hbm>>)
    } else {
    }
    %sub3A_196 = arith.constant 1 : i32
    %sub3A_197 = arith.subi %select_n3A_10, %sub3A_196 : i32
    %jit3A_198 = arith.constant 4 : i32
    %eq3A_199 = arith.constant 0 : i32
    %eq3A_200 = arith.cmpi eq, %jit3A_198, %eq3A_199 : i32
    %jit3A_201 = arith.constant 1 : i32
    %select_n3A_202 = arith.select %eq3A_200, %jit3A_201, %jit3A_198 : i32
    %rem3A_203 = arith.remsi %sub3A_197, %select_n3A_202 : i32
    %ne3A_204 = arith.constant 0 : i32
    %ne3A_205 = arith.cmpi ne, %rem3A_203, %ne3A_204 : i32
    %lt3A_206 = arith.constant 0 : i32
    %lt3A_207 = arith.cmpi slt, %rem3A_203, %lt3A_206 : i32
    %lt3A_208 = arith.constant 0 : i32
    %lt3A_209 = arith.cmpi slt, %select_n3A_202, %lt3A_208 : i32
    %ne3A_210 = arith.xori %lt3A_207, %lt3A_209 : i1
    %and3A_211 = arith.andi %ne3A_210, %ne3A_205 : i1
    %add3A_212 = arith.addi %rem3A_203, %select_n3A_202 : i32
    %select_n3A_213 = arith.select %and3A_211, %add3A_212, %rem3A_203 : i32
    %eq3A_214 = arith.constant 3 : i32
    %eq3A_215 = arith.cmpi eq, %select_n3A_213, %eq3A_214 : i32
    %convert_element_type3A_216 = arith.extui %eq3A_215 : i1 to i32
    %cond3A_217 = arith.constant 0 : i32
    %cond3A_218 = arith.cmpi ne, %convert_element_type3A_216, %cond3A_217 : i32
    scf.if %cond3A_218 {
      %dma_wait3A = arith.constant 0 : i32
      %dma_wait3A_219 = arith.constant 0 : i32
      %dma_wait3A_220 = tpu.memref_slice %arg5[%dma_wait3A, %dma_wait3A_219] : memref<64x1000000xf32, #tpu.memory_space<hbm>> -> memref<64x256xf32, #tpu.memory_space<hbm>>
      %dma_wait3A_221 = arith.constant 0 : i32
      %dma_wait3A_222 = arith.constant 0 : i32
      %dma_wait3A_223 = tpu.memref_slice %arg5[%dma_wait3A_221, %dma_wait3A_222] : memref<64x1000000xf32, #tpu.memory_space<hbm>> -> memref<64x256xf32, #tpu.memory_space<hbm>>
      tpu.wait_dma2 semaphore(%arg22 : memref<!tpu.dma_semaphore, #tpu.memory_space<semaphore_mem>>) src(%arg11 : memref<64x256xf32, #tpu.memory_space<vmem>>) dst(%dma_wait3A_223 : memref<64x256xf32, #tpu.memory_space<hbm>>)
    } else {
    }
    return
  }
}

#map = affine_map<(d0, d1) -> (0, 0)>
#map1 = affine_map<(d0, d1) -> (0)>
module attributes {stable_mosaic.version = 14 : i64} {
  func.func @k(%arg0: i32, %arg1: i32, %arg2: memref<64x1000000xf32, #tpu.memory_space<hbm>>, %arg3: memref<16384xi32, #tpu.memory_space<hbm>>, %arg4: memref<64x24576xf32, #tpu.memory_space<hbm>>, %arg5: memref<8192xi32, #tpu.memory_space<vmem>>, %arg6: memref<768xi32, #tpu.memory_space<vmem>>, %arg7: memref<64x256xf32, #tpu.memory_space<vmem>>, %arg8: memref<64x256xf32, #tpu.memory_space<vmem>>, %arg9: memref<64x256xf32, #tpu.memory_space<vmem>>, %arg10: memref<64x256xf32, #tpu.memory_space<vmem>>, %arg11: memref<64x768xf32, #tpu.memory_space<vmem>>, %arg12: memref<64xi32, #tpu.memory_space<vmem>>, %arg13: memref<64xi32, #tpu.memory_space<vmem>>, %arg14: memref<!tpu.dma_semaphore, #tpu.memory_space<semaphore_mem>>, %arg15: memref<!tpu.dma_semaphore, #tpu.memory_space<semaphore_mem>>, %arg16: memref<!tpu.dma_semaphore, #tpu.memory_space<semaphore_mem>>, %arg17: memref<!tpu.dma_semaphore, #tpu.memory_space<semaphore_mem>>) attributes {dimension_semantics = [#tpu.dimension_semantics<core_parallel>, #tpu.dimension_semantics<subcore_parallel>], iteration_bounds = array<i64: 2, 16>, scalar_prefetch = 0 : i64, scratch_operands = 13 : i64, tpu.core_type = #tpu.core_type<sc_vector_subcore>, window_params = [{transform_indices = #map}, {transform_indices = #map1}, {transform_indices = #map}]} {
    %mul3A = arith.constant 2 : i32
    %mul3A_0 = arith.muli %arg1, %mul3A : i32
    %add3A = arith.addi %mul3A_0, %arg0 : i32
    %mul3A_1 = arith.constant 31232 : i32
    %mul3A_2 = arith.muli %add3A, %mul3A_1 : i32
    %eq3A = arith.constant 31 : i32
    %eq3A_3 = arith.cmpi eq, %add3A, %eq3A : i32
    %add3A_4 = arith.constant 31232 : i32
    %add3A_5 = arith.addi %mul3A_2, %add3A_4 : i32
    %jit3A = arith.constant 999936 : i32
    %select_n3A = arith.select %eq3A_3, %jit3A, %add3A_5 : i32
    %eq3A_6 = arith.constant 31 : i32
    %eq3A_7 = arith.cmpi eq, %add3A, %eq3A_6 : i32
    %jit3A_8 = arith.constant 124 : i32
    %jit3A_9 = arith.constant 122 : i32
    %select_n3A_10 = arith.select %eq3A_7, %jit3A_8, %jit3A_9 : i32
    %broadcast_in_dim3A = arith.constant 0 : i32
    %broadcast_in_dim3A_11 = vector.broadcast %broadcast_in_dim3A : i32 to vector<16xi32>
    "tpu.region"() ({
      %run_scoped3A = tpu.sem_alloc : memref<!tpu.dma_semaphore, #tpu.memory_space<semaphore_mem>>
      %dma_start3A_49 = arith.constant 0 : i32
      %dma_start3A_50 = tpu.memref_slice %arg3[%dma_start3A_49] : memref<16384xi32, #tpu.memory_space<hbm>> -> memref<8192xi32, #tpu.memory_space<hbm>>
      %dma_start3A_51 = arith.constant 0 : i32
      %dma_start3A_52 = tpu.memref_slice %arg3[%dma_start3A_51] : memref<16384xi32, #tpu.memory_space<hbm>> -> memref<8192xi32, #tpu.memory_space<hbm>>
      tpu.enqueue_dma source(%dma_start3A_52 : memref<8192xi32, #tpu.memory_space<hbm>>) target(%arg5 : memref<8192xi32, #tpu.memory_space<vmem>>) target_semaphore(%run_scoped3A : memref<!tpu.dma_semaphore, #tpu.memory_space<semaphore_mem>>)
      %dma_wait3A = arith.constant 0 : i32
      %dma_wait3A_53 = tpu.memref_slice %arg3[%dma_wait3A] : memref<16384xi32, #tpu.memory_space<hbm>> -> memref<8192xi32, #tpu.memory_space<hbm>>
      %dma_wait3A_54 = arith.constant 0 : i32
      %dma_wait3A_55 = tpu.memref_slice %arg3[%dma_wait3A_54] : memref<16384xi32, #tpu.memory_space<hbm>> -> memref<8192xi32, #tpu.memory_space<hbm>>
      tpu.wait_dma2 semaphore(%run_scoped3A : memref<!tpu.dma_semaphore, #tpu.memory_space<semaphore_mem>>) src(%dma_wait3A_55 : memref<8192xi32, #tpu.memory_space<hbm>>) dst(%arg5 : memref<8192xi32, #tpu.memory_space<vmem>>)
      tpu.yield
    }) : () -> ()
    %scan3A = arith.constant 0 : i32
    %scan3A_12 = arith.constant 512 : i32
    %scan3A_13 = arith.addi %scan3A, %scan3A_12 : i32
    %scan3A_14 = arith.constant 1 : i32
    %scan3A_15 = scf.for %scan3A_49 = %scan3A to %scan3A_13 step %scan3A_14 iter_args(%scan3A_50 = %broadcast_in_dim3A_11) -> (vector<16xi32>)  : i32 {
      %mul3A_51 = arith.constant 1 : i32
      %mul3A_52 = arith.muli %scan3A_49, %mul3A_51 : i32
      %add3A_53 = arith.constant 0 : i32
      %add3A_54 = arith.addi %add3A_53, %mul3A_52 : i32
      %mul3A_55 = arith.constant 16 : i32
      %mul3A_56 = arith.muli %add3A_54, %mul3A_55 : i32
      %get3A = arith.index_cast %mul3A_56 : i32 to index
      %get3A_57 = tpu.vector_load %arg5[%get3A] {strides = array<i32>} : memref<8192xi32, #tpu.memory_space<vmem>>, vector<16xi32>,
      %ge3A = vector.broadcast %mul3A_2 : i32 to vector<16xi32>
      %ge3A_58 = arith.cmpi sge, %get3A_57, %ge3A : vector<16xi32>
      %lt3A = vector.broadcast %select_n3A : i32 to vector<16xi32>
      %lt3A_59 = arith.cmpi slt, %get3A_57, %lt3A : vector<16xi32>
      %and3A = arith.andi %ge3A_58, %lt3A_59 : vector<16xi1>
      %jit3A_60 = arith.constant 1 : i32
      %jit3A_61 = arith.constant 0 : i32
      %broadcast_in_dim3A_62 = vector.broadcast %jit3A_60 : i32 to vector<16xi32>
      %broadcast_in_dim3A_63 = vector.broadcast %jit3A_61 : i32 to vector<16xi32>
      %select_n3A_64 = arith.select %and3A, %broadcast_in_dim3A_62, %broadcast_in_dim3A_63 : vector<16xi1>, vector<16xi32>
      %broadcast_in_dim3A_65 = arith.constant true
      %broadcast_in_dim3A_66 = vector.broadcast %broadcast_in_dim3A_65 : i1 to vector<16xi1>
      %masked_cumsum3A = tpu.scan <sum>, %select_n3A_64 masked %broadcast_in_dim3A_66 : vector<16xi32>, vector<16xi1> -> vector<16xi32>
      %add3A_67 = arith.addi %scan3A_50, %masked_cumsum3A : vector<16xi32>
      %sub3A = arith.constant 1 : i32
      %sub3A_68 = vector.broadcast %sub3A : i32 to vector<16xi32>
      %sub3A_69 = arith.subi %add3A_67, %sub3A_68 : vector<16xi32>
      %lt3A_70 = arith.constant 768 : i32
      %lt3A_71 = vector.broadcast %lt3A_70 : i32 to vector<16xi32>
      %lt3A_72 = arith.cmpi slt, %sub3A_69, %lt3A_71 : vector<16xi32>
      %and3A_73 = arith.andi %and3A, %lt3A_72 : vector<16xi1>
      tpu.vector_store_idx %arg6[%sub3A_69], %get3A_57 masked %and3A_73 : memref<768xi32, #tpu.memory_space<vmem>>[vector<16xi32>], vector<16xi32>, vector<16xi1>
      %all_reduce_population_count3A = tpu.all_reduce %and3A {dim = 0 : i64, kind = #tpu.reduction_kind<sum>} : vector<16xi1> -> vector<16xi32>
      %add3A_74 = arith.addi %scan3A_50, %all_reduce_population_count3A : vector<16xi32>
      scf.yield %add3A_74 : vector<16xi32>
    }
    %scan3A_16 = arith.constant 512 : i32
    "tpu.region"() ({
      %run_scoped3A = tpu.sem_alloc : memref<!tpu.dma_semaphore, #tpu.memory_space<semaphore_mem>>
      %dma_start3A_49 = arith.constant 8192 : i32
      %dma_start3A_50 = tpu.memref_slice %arg3[%dma_start3A_49] : memref<16384xi32, #tpu.memory_space<hbm>> -> memref<8192xi32, #tpu.memory_space<hbm>>
      %dma_start3A_51 = arith.constant 8192 : i32
      %dma_start3A_52 = tpu.memref_slice %arg3[%dma_start3A_51] : memref<16384xi32, #tpu.memory_space<hbm>> -> memref<8192xi32, #tpu.memory_space<hbm>>
      tpu.enqueue_dma source(%dma_start3A_52 : memref<8192xi32, #tpu.memory_space<hbm>>) target(%arg5 : memref<8192xi32, #tpu.memory_space<vmem>>) target_semaphore(%run_scoped3A : memref<!tpu.dma_semaphore, #tpu.memory_space<semaphore_mem>>)
      %dma_wait3A = arith.constant 8192 : i32
      %dma_wait3A_53 = tpu.memref_slice %arg3[%dma_wait3A] : memref<16384xi32, #tpu.memory_space<hbm>> -> memref<8192xi32, #tpu.memory_space<hbm>>
      %dma_wait3A_54 = arith.constant 8192 : i32
      %dma_wait3A_55 = tpu.memref_slice %arg3[%dma_wait3A_54] : memref<16384xi32, #tpu.memory_space<hbm>> -> memref<8192xi32, #tpu.memory_space<hbm>>
      tpu.wait_dma2 semaphore(%run_scoped3A : memref<!tpu.dma_semaphore, #tpu.memory_space<semaphore_mem>>) src(%dma_wait3A_55 : memref<8192xi32, #tpu.memory_space<hbm>>) dst(%arg5 : memref<8192xi32, #tpu.memory_space<vmem>>)
      tpu.yield
    }) : () -> ()
    %scan3A_17 = arith.constant 0 : i32
    %scan3A_18 = arith.constant 512 : i32
    %scan3A_19 = arith.addi %scan3A_17, %scan3A_18 : i32
    %scan3A_20 = arith.constant 1 : i32
    %scan3A_21 = scf.for %scan3A_49 = %scan3A_17 to %scan3A_19 step %scan3A_20 iter_args(%scan3A_50 = %scan3A_15) -> (vector<16xi32>)  : i32 {
      %mul3A_51 = arith.constant 1 : i32
      %mul3A_52 = arith.muli %scan3A_49, %mul3A_51 : i32
      %add3A_53 = arith.constant 0 : i32
      %add3A_54 = arith.addi %add3A_53, %mul3A_52 : i32
      %mul3A_55 = arith.constant 16 : i32
      %mul3A_56 = arith.muli %add3A_54, %mul3A_55 : i32
      %get3A = arith.index_cast %mul3A_56 : i32 to index
      %get3A_57 = tpu.vector_load %arg5[%get3A] {strides = array<i32>} : memref<8192xi32, #tpu.memory_space<vmem>>, vector<16xi32>,
      %ge3A = vector.broadcast %mul3A_2 : i32 to vector<16xi32>
      %ge3A_58 = arith.cmpi sge, %get3A_57, %ge3A : vector<16xi32>
      %lt3A = vector.broadcast %select_n3A : i32 to vector<16xi32>
      %lt3A_59 = arith.cmpi slt, %get3A_57, %lt3A : vector<16xi32>
      %and3A = arith.andi %ge3A_58, %lt3A_59 : vector<16xi1>
      %jit3A_60 = arith.constant 1 : i32
      %jit3A_61 = arith.constant 0 : i32
      %broadcast_in_dim3A_62 = vector.broadcast %jit3A_60 : i32 to vector<16xi32>
      %broadcast_in_dim3A_63 = vector.broadcast %jit3A_61 : i32 to vector<16xi32>
      %select_n3A_64 = arith.select %and3A, %broadcast_in_dim3A_62, %broadcast_in_dim3A_63 : vector<16xi1>, vector<16xi32>
      %broadcast_in_dim3A_65 = arith.constant true
      %broadcast_in_dim3A_66 = vector.broadcast %broadcast_in_dim3A_65 : i1 to vector<16xi1>
      %masked_cumsum3A = tpu.scan <sum>, %select_n3A_64 masked %broadcast_in_dim3A_66 : vector<16xi32>, vector<16xi1> -> vector<16xi32>
      %add3A_67 = arith.addi %scan3A_50, %masked_cumsum3A : vector<16xi32>
      %sub3A = arith.constant 1 : i32
      %sub3A_68 = vector.broadcast %sub3A : i32 to vector<16xi32>
      %sub3A_69 = arith.subi %add3A_67, %sub3A_68 : vector<16xi32>
      %lt3A_70 = arith.constant 768 : i32
      %lt3A_71 = vector.broadcast %lt3A_70 : i32 to vector<16xi32>
      %lt3A_72 = arith.cmpi slt, %sub3A_69, %lt3A_71 : vector<16xi32>
      %and3A_73 = arith.andi %and3A, %lt3A_72 : vector<16xi1>
      tpu.vector_store_idx %arg6[%sub3A_69], %get3A_57 masked %and3A_73 : memref<768xi32, #tpu.memory_space<vmem>>[vector<16xi32>], vector<16xi32>, vector<16xi1>
      %all_reduce_population_count3A = tpu.all_reduce %and3A {dim = 0 : i64, kind = #tpu.reduction_kind<sum>} : vector<16xi1> -> vector<16xi32>
      %add3A_74 = arith.addi %scan3A_50, %all_reduce_population_count3A : vector<16xi32>
      scf.yield %add3A_74 : vector<16xi32>
    }
    %scan3A_22 = arith.constant 512 : i32
    %add3A_23 = arith.constant 0 : i32
    %add3A_24 = arith.addi %mul3A_2, %add3A_23 : i32
    %multiple_of3A = tpu.assume_multiple %add3A_24, 128 : i32
    %dma_start3A = arith.constant 0 : i32
    %dma_start3A_25 = tpu.memref_slice %arg2[%dma_start3A, %multiple_of3A] : memref<64x1000000xf32, #tpu.memory_space<hbm>> -> memref<64x256xf32, #tpu.memory_space<hbm>>
    %dma_start3A_26 = arith.constant 0 : i32
    %dma_start3A_27 = tpu.memref_slice %arg2[%dma_start3A_26, %multiple_of3A] : memref<64x1000000xf32, #tpu.memory_space<hbm>> -> memref<64x256xf32, #tpu.memory_space<hbm>>
    tpu.enqueue_dma source(%dma_start3A_27 : memref<64x256xf32, #tpu.memory_space<hbm>>) target(%arg7 : memref<64x256xf32, #tpu.memory_space<vmem>>) target_semaphore(%arg14 : memref<!tpu.dma_semaphore, #tpu.memory_space<semaphore_mem>>)
    %add3A_28 = arith.constant 256 : i32
    %add3A_29 = arith.addi %mul3A_2, %add3A_28 : i32
    %multiple_of3A_30 = tpu.assume_multiple %add3A_29, 128 : i32
    %dma_start3A_31 = arith.constant 0 : i32
    %dma_start3A_32 = tpu.memref_slice %arg2[%dma_start3A_31, %multiple_of3A_30] : memref<64x1000000xf32, #tpu.memory_space<hbm>> -> memref<64x256xf32, #tpu.memory_space<hbm>>
    %dma_start3A_33 = arith.constant 0 : i32
    %dma_start3A_34 = tpu.memref_slice %arg2[%dma_start3A_33, %multiple_of3A_30] : memref<64x1000000xf32, #tpu.memory_space<hbm>> -> memref<64x256xf32, #tpu.memory_space<hbm>>
    tpu.enqueue_dma source(%dma_start3A_34 : memref<64x256xf32, #tpu.memory_space<hbm>>) target(%arg8 : memref<64x256xf32, #tpu.memory_space<vmem>>) target_semaphore(%arg15 : memref<!tpu.dma_semaphore, #tpu.memory_space<semaphore_mem>>)
    %add3A_35 = arith.constant 512 : i32
    %add3A_36 = arith.addi %mul3A_2, %add3A_35 : i32
    %multiple_of3A_37 = tpu.assume_multiple %add3A_36, 128 : i32
    %dma_start3A_38 = arith.constant 0 : i32
    %dma_start3A_39 = tpu.memref_slice %arg2[%dma_start3A_38, %multiple_of3A_37] : memref<64x1000000xf32, #tpu.memory_space<hbm>> -> memref<64x256xf32, #tpu.memory_space<hbm>>
    %dma_start3A_40 = arith.constant 0 : i32
    %dma_start3A_41 = tpu.memref_slice %arg2[%dma_start3A_40, %multiple_of3A_37] : memref<64x1000000xf32, #tpu.memory_space<hbm>> -> memref<64x256xf32, #tpu.memory_space<hbm>>
    tpu.enqueue_dma source(%dma_start3A_41 : memref<64x256xf32, #tpu.memory_space<hbm>>) target(%arg9 : memref<64x256xf32, #tpu.memory_space<vmem>>) target_semaphore(%arg16 : memref<!tpu.dma_semaphore, #tpu.memory_space<semaphore_mem>>)
    %scan3A_42 = arith.constant 0 : i32
    %scan3A_43 = arith.constant 31 : i32
    %scan3A_44 = arith.addi %scan3A_42, %scan3A_43 : i32
    %scan3A_45 = arith.constant 1 : i32
    scf.for %scan3A_49 = %scan3A_42 to %scan3A_44 step %scan3A_45  : i32 {
      %mul3A_50 = arith.constant 1 : i32
      %mul3A_51 = arith.muli %scan3A_49, %mul3A_50 : i32
      %add3A_52 = arith.constant 0 : i32
      %add3A_53 = arith.addi %add3A_52, %mul3A_51 : i32
      %mul3A_54 = arith.constant 4 : i32
      %mul3A_55 = arith.muli %mul3A_54, %add3A_53 : i32
      %add3A_56 = arith.constant 0 : i32
      %add3A_57 = arith.addi %mul3A_55, %add3A_56 : i32
      %lt3A = arith.cmpi slt, %add3A_57, %select_n3A_10 : i32
      %convert_element_type3A = arith.extui %lt3A : i1 to i32
      %cond3A = arith.constant 0 : i32
      %cond3A_58 = arith.cmpi ne, %convert_element_type3A, %cond3A : i32
      scf.if %cond3A_58 {
        %dma_wait3A = arith.constant 0 : i32
        %dma_wait3A_83 = arith.constant 0 : i32
        %dma_wait3A_84 = tpu.memref_slice %arg2[%dma_wait3A, %dma_wait3A_83] : memref<64x1000000xf32, #tpu.memory_space<hbm>> -> memref<64x256xf32, #tpu.memory_space<hbm>>
        %dma_wait3A_85 = arith.constant 0 : i32
        %dma_wait3A_86 = arith.constant 0 : i32
        %dma_wait3A_87 = tpu.memref_slice %arg2[%dma_wait3A_85, %dma_wait3A_86] : memref<64x1000000xf32, #tpu.memory_space<hbm>> -> memref<64x256xf32, #tpu.memory_space<hbm>>
        tpu.wait_dma2 semaphore(%arg14 : memref<!tpu.dma_semaphore, #tpu.memory_space<semaphore_mem>>) src(%dma_wait3A_87 : memref<64x256xf32, #tpu.memory_space<hbm>>) dst(%arg7 : memref<64x256xf32, #tpu.memory_space<vmem>>)
        %mul3A_88 = arith.constant 256 : i32
        %mul3A_89 = arith.muli %add3A_57, %mul3A_88 : i32
        %add3A_90 = arith.addi %mul3A_2, %mul3A_89 : i32
        %multiple_of3A_91 = tpu.assume_multiple %add3A_90, 128 : i32
        %iota3A = tpu.iota {dimensions = array<i32: 0>} : vector<16xi32>
        %broadcast_in_dim3A_92 = arith.constant 0 : i32
        %broadcast_in_dim3A_93 = vector.broadcast %broadcast_in_dim3A_92 : i32 to vector<16xi32>
        %scan3A_94 = arith.constant 0 : i32
        %scan3A_95 = arith.constant 48 : i32
        %scan3A_96 = arith.addi %scan3A_94, %scan3A_95 : i32
        %scan3A_97 = arith.constant 1 : i32
        %scan3A_98 = scf.for %scan3A_111 = %scan3A_94 to %scan3A_96 step %scan3A_97 iter_args(%scan3A_112 = %broadcast_in_dim3A_93) -> (vector<16xi32>)  : i32 {
          %mul3A_113 = arith.constant 1 : i32
          %mul3A_114 = arith.muli %scan3A_111, %mul3A_113 : i32
          %add3A_115 = arith.constant 0 : i32
          %add3A_116 = arith.addi %add3A_115, %mul3A_114 : i32
          %mul3A_117 = arith.constant 16 : i32
          %mul3A_118 = arith.muli %add3A_116, %mul3A_117 : i32
          %add3A_119 = vector.broadcast %mul3A_118 : i32 to vector<16xi32>
          %add3A_120 = arith.addi %add3A_119, %iota3A : vector<16xi32>
          %mul3A_121 = arith.constant 16 : i32
          %mul3A_122 = arith.muli %add3A_116, %mul3A_121 : i32
          %get3A = arith.index_cast %mul3A_122 : i32 to index
          %get3A_123 = tpu.vector_load %arg6[%get3A] {strides = array<i32>} : memref<768xi32, #tpu.memory_space<vmem>>, vector<16xi32>,
          %lt3A_124 = arith.cmpi slt, %add3A_120, %scan3A_21 : vector<16xi32>
          %ge3A = vector.broadcast %multiple_of3A_91 : i32 to vector<16xi32>
          %ge3A_125 = arith.cmpi sge, %get3A_123, %ge3A : vector<16xi32>
          %and3A = arith.andi %lt3A_124, %ge3A_125 : vector<16xi1>
          %add3A_126 = arith.constant 256 : i32
          %add3A_127 = arith.addi %multiple_of3A_91, %add3A_126 : i32
          %lt3A_128 = vector.broadcast %add3A_127 : i32 to vector<16xi32>
          %lt3A_129 = arith.cmpi slt, %get3A_123, %lt3A_128 : vector<16xi32>
          %and3A_130 = arith.andi %and3A, %lt3A_129 : vector<16xi1>
          %jit3A_131 = arith.constant 1 : i32
          %jit3A_132 = arith.constant 0 : i32
          %broadcast_in_dim3A_133 = vector.broadcast %jit3A_131 : i32 to vector<16xi32>
          %broadcast_in_dim3A_134 = vector.broadcast %jit3A_132 : i32 to vector<16xi32>
          %select_n3A_135 = arith.select %and3A_130, %broadcast_in_dim3A_133, %broadcast_in_dim3A_134 : vector<16xi1>, vector<16xi32>
          %broadcast_in_dim3A_136 = arith.constant true
          %broadcast_in_dim3A_137 = vector.broadcast %broadcast_in_dim3A_136 : i1 to vector<16xi1>
          %masked_cumsum3A = tpu.scan <sum>, %select_n3A_135 masked %broadcast_in_dim3A_137 : vector<16xi32>, vector<16xi1> -> vector<16xi32>
          %add3A_138 = arith.addi %scan3A_112, %masked_cumsum3A : vector<16xi32>
          %sub3A = arith.constant 1 : i32
          %sub3A_139 = vector.broadcast %sub3A : i32 to vector<16xi32>
          %sub3A_140 = arith.subi %add3A_138, %sub3A_139 : vector<16xi32>
          %lt3A_141 = arith.constant 64 : i32
          %lt3A_142 = vector.broadcast %lt3A_141 : i32 to vector<16xi32>
          %lt3A_143 = arith.cmpi slt, %sub3A_140, %lt3A_142 : vector<16xi32>
          %and3A_144 = arith.andi %and3A_130, %lt3A_143 : vector<16xi1>
          %sub3A_145 = vector.broadcast %multiple_of3A_91 : i32 to vector<16xi32>
          %sub3A_146 = arith.subi %get3A_123, %sub3A_145 : vector<16xi32>
          tpu.vector_store_idx %arg12[%sub3A_140], %sub3A_146 masked %and3A_144 : memref<64xi32, #tpu.memory_space<vmem>>[vector<16xi32>], vector<16xi32>, vector<16xi1>
          tpu.vector_store_idx %arg13[%sub3A_140], %add3A_120 masked %and3A_144 : memref<64xi32, #tpu.memory_space<vmem>>[vector<16xi32>], vector<16xi32>, vector<16xi1>
          %all_reduce_population_count3A = tpu.all_reduce %and3A_130 {dim = 0 : i64, kind = #tpu.reduction_kind<sum>} : vector<16xi1> -> vector<16xi32>
          %add3A_147 = arith.addi %scan3A_112, %all_reduce_population_count3A : vector<16xi32>
          scf.yield %add3A_147 : vector<16xi32>
        }
        %scan3A_99 = arith.constant 48 : i32
        %scan3A_100 = arith.constant 0 : i32
        %scan3A_101 = arith.constant 4 : i32
        %scan3A_102 = arith.addi %scan3A_100, %scan3A_101 : i32
        %scan3A_103 = arith.constant 1 : i32
        scf.for %scan3A_111 = %scan3A_100 to %scan3A_102 step %scan3A_103  : i32 {
          %mul3A_112 = arith.constant 1 : i32
          %mul3A_113 = arith.muli %scan3A_111, %mul3A_112 : i32
          %add3A_114 = arith.constant 0 : i32
          %add3A_115 = arith.addi %add3A_114, %mul3A_113 : i32
          %mul3A_116 = arith.constant 16 : i32
          %mul3A_117 = arith.muli %add3A_115, %mul3A_116 : i32
          %slice3A = vector.extract_strided_slice %scan3A_98 {offsets = [0], sizes = [1], strides = [1]} : vector<16xi32> to vector<1xi32>
          %squeeze3A = vector.extract %slice3A[0] : i32 from vector<1xi32>
          %lt3A_118 = arith.cmpi slt, %mul3A_117, %squeeze3A : i32
          %convert_element_type3A_119 = arith.extui %lt3A_118 : i1 to i32
          %cond3A_120 = arith.constant 0 : i32
          %cond3A_121 = arith.cmpi ne, %convert_element_type3A_119, %cond3A_120 : i32
          scf.if %cond3A_121 {
            %add3A_122 = vector.broadcast %mul3A_117 : i32 to vector<16xi32>
            %add3A_123 = arith.addi %add3A_122, %iota3A : vector<16xi32>
            %lt3A_124 = arith.cmpi slt, %add3A_123, %scan3A_98 : vector<16xi32>
            %get3A = arith.index_cast %mul3A_117 : i32 to index
            %get3A_125 = tpu.vector_load %arg12[%get3A] {strides = array<i32>} : memref<64xi32, #tpu.memory_space<vmem>>, vector<16xi32>,
            %get3A_126 = arith.index_cast %mul3A_117 : i32 to index
            %get3A_127 = tpu.vector_load %arg13[%get3A_126] {strides = array<i32>} : memref<64xi32, #tpu.memory_space<vmem>>, vector<16xi32>,
            %scan3A_128 = arith.constant 0 : i32
            %scan3A_129 = arith.constant 64 : i32
            %scan3A_130 = arith.addi %scan3A_128, %scan3A_129 : i32
            %scan3A_131 = arith.constant 8 : i32
            scf.for %scan3A_133 = %scan3A_128 to %scan3A_130 step %scan3A_131  : i32 {
              %mul3A_134 = arith.constant 1 : i32
              %mul3A_135 = arith.muli %scan3A_133, %mul3A_134 : i32
              %add3A_136 = arith.constant 0 : i32
              %add3A_137 = arith.addi %add3A_136, %mul3A_135 : i32
              %broadcast_in_dim3A_138 = vector.broadcast %add3A_137 : i32 to vector<16xi32>
              %gather3A = tpu.vector_load_idx %arg7[%broadcast_in_dim3A_138, %get3A_125] masked %lt3A_124 : memref<64x256xf32, #tpu.memory_space<vmem>>[vector<16xi32>, vector<16xi32>], vector<16xf32>, vector<16xi1>
              tpu.vector_store_idx %arg11[%broadcast_in_dim3A_138, %get3A_127], %gather3A masked %lt3A_124 : memref<64x768xf32, #tpu.memory_space<vmem>>[vector<16xi32>, vector<16xi32>], vector<16xf32>, vector<16xi1>
              %scan3A_139 = arith.constant 1 : i32
              %scan3A_140 = arith.addi %scan3A_133, %scan3A_139 : i32
              %mul3A_141 = arith.constant 1 : i32
              %mul3A_142 = arith.muli %scan3A_140, %mul3A_141 : i32
              %add3A_143 = arith.constant 0 : i32
              %add3A_144 = arith.addi %add3A_143, %mul3A_142 : i32
              %broadcast_in_dim3A_145 = vector.broadcast %add3A_144 : i32 to vector<16xi32>
              %gather3A_146 = tpu.vector_load_idx %arg7[%broadcast_in_dim3A_145, %get3A_125] masked %lt3A_124 : memref<64x256xf32, #tpu.memory_space<vmem>>[vector<16xi32>, vector<16xi32>], vector<16xf32>, vector<16xi1>
              tpu.vector_store_idx %arg11[%broadcast_in_dim3A_145, %get3A_127], %gather3A_146 masked %lt3A_124 : memref<64x768xf32, #tpu.memory_space<vmem>>[vector<16xi32>, vector<16xi32>], vector<16xf32>, vector<16xi1>
              %scan3A_147 = arith.constant 2 : i32
              %scan3A_148 = arith.addi %scan3A_133, %scan3A_147 : i32
              %mul3A_149 = arith.constant 1 : i32
              %mul3A_150 = arith.muli %scan3A_148, %mul3A_149 : i32
              %add3A_151 = arith.constant 0 : i32
              %add3A_152 = arith.addi %add3A_151, %mul3A_150 : i32
              %broadcast_in_dim3A_153 = vector.broadcast %add3A_152 : i32 to vector<16xi32>
              %gather3A_154 = tpu.vector_load_idx %arg7[%broadcast_in_dim3A_153, %get3A_125] masked %lt3A_124 : memref<64x256xf32, #tpu.memory_space<vmem>>[vector<16xi32>, vector<16xi32>], vector<16xf32>, vector<16xi1>
              tpu.vector_store_idx %arg11[%broadcast_in_dim3A_153, %get3A_127], %gather3A_154 masked %lt3A_124 : memref<64x768xf32, #tpu.memory_space<vmem>>[vector<16xi32>, vector<16xi32>], vector<16xf32>, vector<16xi1>
              %scan3A_155 = arith.constant 3 : i32
              %scan3A_156 = arith.addi %scan3A_133, %scan3A_155 : i32
              %mul3A_157 = arith.constant 1 : i32
              %mul3A_158 = arith.muli %scan3A_156, %mul3A_157 : i32
              %add3A_159 = arith.constant 0 : i32
              %add3A_160 = arith.addi %add3A_159, %mul3A_158 : i32
              %broadcast_in_dim3A_161 = vector.broadcast %add3A_160 : i32 to vector<16xi32>
              %gather3A_162 = tpu.vector_load_idx %arg7[%broadcast_in_dim3A_161, %get3A_125] masked %lt3A_124 : memref<64x256xf32, #tpu.memory_space<vmem>>[vector<16xi32>, vector<16xi32>], vector<16xf32>, vector<16xi1>
              tpu.vector_store_idx %arg11[%broadcast_in_dim3A_161, %get3A_127], %gather3A_162 masked %lt3A_124 : memref<64x768xf32, #tpu.memory_space<vmem>>[vector<16xi32>, vector<16xi32>], vector<16xf32>, vector<16xi1>
              %scan3A_163 = arith.constant 4 : i32
              %scan3A_164 = arith.addi %scan3A_133, %scan3A_163 : i32
              %mul3A_165 = arith.constant 1 : i32
              %mul3A_166 = arith.muli %scan3A_164, %mul3A_165 : i32
              %add3A_167 = arith.constant 0 : i32
              %add3A_168 = arith.addi %add3A_167, %mul3A_166 : i32
              %broadcast_in_dim3A_169 = vector.broadcast %add3A_168 : i32 to vector<16xi32>
              %gather3A_170 = tpu.vector_load_idx %arg7[%broadcast_in_dim3A_169, %get3A_125] masked %lt3A_124 : memref<64x256xf32, #tpu.memory_space<vmem>>[vector<16xi32>, vector<16xi32>], vector<16xf32>, vector<16xi1>
              tpu.vector_store_idx %arg11[%broadcast_in_dim3A_169, %get3A_127], %gather3A_170 masked %lt3A_124 : memref<64x768xf32, #tpu.memory_space<vmem>>[vector<16xi32>, vector<16xi32>], vector<16xf32>, vector<16xi1>
              %scan3A_171 = arith.constant 5 : i32
              %scan3A_172 = arith.addi %scan3A_133, %scan3A_171 : i32
              %mul3A_173 = arith.constant 1 : i32
              %mul3A_174 = arith.muli %scan3A_172, %mul3A_173 : i32
              %add3A_175 = arith.constant 0 : i32
              %add3A_176 = arith.addi %add3A_175, %mul3A_174 : i32
              %broadcast_in_dim3A_177 = vector.broadcast %add3A_176 : i32 to vector<16xi32>
              %gather3A_178 = tpu.vector_load_idx %arg7[%broadcast_in_dim3A_177, %get3A_125] masked %lt3A_124 : memref<64x256xf32, #tpu.memory_space<vmem>>[vector<16xi32>, vector<16xi32>], vector<16xf32>, vector<16xi1>
              tpu.vector_store_idx %arg11[%broadcast_in_dim3A_177, %get3A_127], %gather3A_178 masked %lt3A_124 : memref<64x768xf32, #tpu.memory_space<vmem>>[vector<16xi32>, vector<16xi32>], vector<16xf32>, vector<16xi1>
              %scan3A_179 = arith.constant 6 : i32
              %scan3A_180 = arith.addi %scan3A_133, %scan3A_179 : i32
              %mul3A_181 = arith.constant 1 : i32
              %mul3A_182 = arith.muli %scan3A_180, %mul3A_181 : i32
              %add3A_183 = arith.constant 0 : i32
              %add3A_184 = arith.addi %add3A_183, %mul3A_182 : i32
              %broadcast_in_dim3A_185 = vector.broadcast %add3A_184 : i32 to vector<16xi32>
              %gather3A_186 = tpu.vector_load_idx %arg7[%broadcast_in_dim3A_185, %get3A_125] masked %lt3A_124 : memref<64x256xf32, #tpu.memory_space<vmem>>[vector<16xi32>, vector<16xi32>], vector<16xf32>, vector<16xi1>
              tpu.vector_store_idx %arg11[%broadcast_in_dim3A_185, %get3A_127], %gather3A_186 masked %lt3A_124 : memref<64x768xf32, #tpu.memory_space<vmem>>[vector<16xi32>, vector<16xi32>], vector<16xf32>, vector<16xi1>
              %scan3A_187 = arith.constant 7 : i32
              %scan3A_188 = arith.addi %scan3A_133, %scan3A_187 : i32
              %mul3A_189 = arith.constant 1 : i32
              %mul3A_190 = arith.muli %scan3A_188, %mul3A_189 : i32
              %add3A_191 = arith.constant 0 : i32
              %add3A_192 = arith.addi %add3A_191, %mul3A_190 : i32
              %broadcast_in_dim3A_193 = vector.broadcast %add3A_192 : i32 to vector<16xi32>
              %gather3A_194 = tpu.vector_load_idx %arg7[%broadcast_in_dim3A_193, %get3A_125] masked %lt3A_124 : memref<64x256xf32, #tpu.memory_space<vmem>>[vector<16xi32>, vector<16xi32>], vector<16xf32>, vector<16xi1>
              tpu.vector_store_idx %arg11[%broadcast_in_dim3A_193, %get3A_127], %gather3A_194 masked %lt3A_124 : memref<64x768xf32, #tpu.memory_space<vmem>>[vector<16xi32>, vector<16xi32>], vector<16xf32>, vector<16xi1>
            }
            %scan3A_132 = arith.constant 64 : i32
          } else {
          }
        }
        %scan3A_104 = arith.constant 4 : i32
        %add3A_105 = arith.constant 3 : i32
        %add3A_106 = arith.addi %add3A_57, %add3A_105 : i32
        %lt3A_107 = arith.cmpi slt, %add3A_106, %select_n3A_10 : i32
        %convert_element_type3A_108 = arith.extui %lt3A_107 : i1 to i32
        %cond3A_109 = arith.constant 0 : i32
        %cond3A_110 = arith.cmpi ne, %convert_element_type3A_108, %cond3A_109 : i32
        scf.if %cond3A_110 {
          %add3A_111 = arith.constant 3 : i32
          %add3A_112 = arith.addi %add3A_57, %add3A_111 : i32
          %mul3A_113 = arith.constant 256 : i32
          %mul3A_114 = arith.muli %add3A_112, %mul3A_113 : i32
          %add3A_115 = arith.addi %mul3A_2, %mul3A_114 : i32
          %multiple_of3A_116 = tpu.assume_multiple %add3A_115, 128 : i32
          %dma_start3A_117 = arith.constant 0 : i32
          %dma_start3A_118 = tpu.memref_slice %arg2[%dma_start3A_117, %multiple_of3A_116] : memref<64x1000000xf32, #tpu.memory_space<hbm>> -> memref<64x256xf32, #tpu.memory_space<hbm>>
          %dma_start3A_119 = arith.constant 0 : i32
          %dma_start3A_120 = tpu.memref_slice %arg2[%dma_start3A_119, %multiple_of3A_116] : memref<64x1000000xf32, #tpu.memory_space<hbm>> -> memref<64x256xf32, #tpu.memory_space<hbm>>
          tpu.enqueue_dma source(%dma_start3A_120 : memref<64x256xf32, #tpu.memory_space<hbm>>) target(%arg10 : memref<64x256xf32, #tpu.memory_space<vmem>>) target_semaphore(%arg17 : memref<!tpu.dma_semaphore, #tpu.memory_space<semaphore_mem>>)
        } else {
        }
      } else {
      }
      %mul3A_59 = arith.constant 4 : i32
      %mul3A_60 = arith.muli %mul3A_59, %add3A_53 : i32
      %add3A_61 = arith.constant 1 : i32
      %add3A_62 = arith.addi %mul3A_60, %add3A_61 : i32
      %lt3A_63 = arith.cmpi slt, %add3A_62, %select_n3A_10 : i32
      %convert_element_type3A_64 = arith.extui %lt3A_63 : i1 to i32
      %cond3A_65 = arith.constant 0 : i32
      %cond3A_66 = arith.cmpi ne, %convert_element_type3A_64, %cond3A_65 : i32
      scf.if %cond3A_66 {
        %dma_wait3A = arith.constant 0 : i32
        %dma_wait3A_83 = arith.constant 0 : i32
        %dma_wait3A_84 = tpu.memref_slice %arg2[%dma_wait3A, %dma_wait3A_83] : memref<64x1000000xf32, #tpu.memory_space<hbm>> -> memref<64x256xf32, #tpu.memory_space<hbm>>
        %dma_wait3A_85 = arith.constant 0 : i32
        %dma_wait3A_86 = arith.constant 0 : i32
        %dma_wait3A_87 = tpu.memref_slice %arg2[%dma_wait3A_85, %dma_wait3A_86] : memref<64x1000000xf32, #tpu.memory_space<hbm>> -> memref<64x256xf32, #tpu.memory_space<hbm>>
        tpu.wait_dma2 semaphore(%arg15 : memref<!tpu.dma_semaphore, #tpu.memory_space<semaphore_mem>>) src(%dma_wait3A_87 : memref<64x256xf32, #tpu.memory_space<hbm>>) dst(%arg8 : memref<64x256xf32, #tpu.memory_space<vmem>>)
        %mul3A_88 = arith.constant 256 : i32
        %mul3A_89 = arith.muli %add3A_62, %mul3A_88 : i32
        %add3A_90 = arith.addi %mul3A_2, %mul3A_89 : i32
        %multiple_of3A_91 = tpu.assume_multiple %add3A_90, 128 : i32
        %iota3A = tpu.iota {dimensions = array<i32: 0>} : vector<16xi32>
        %broadcast_in_dim3A_92 = arith.constant 0 : i32
        %broadcast_in_dim3A_93 = vector.broadcast %broadcast_in_dim3A_92 : i32 to vector<16xi32>
        %scan3A_94 = arith.constant 0 : i32
        %scan3A_95 = arith.constant 48 : i32
        %scan3A_96 = arith.addi %scan3A_94, %scan3A_95 : i32
        %scan3A_97 = arith.constant 1 : i32
        %scan3A_98 = scf.for %scan3A_111 = %scan3A_94 to %scan3A_96 step %scan3A_97 iter_args(%scan3A_112 = %broadcast_in_dim3A_93) -> (vector<16xi32>)  : i32 {
          %mul3A_113 = arith.constant 1 : i32
          %mul3A_114 = arith.muli %scan3A_111, %mul3A_113 : i32
          %add3A_115 = arith.constant 0 : i32
          %add3A_116 = arith.addi %add3A_115, %mul3A_114 : i32
          %mul3A_117 = arith.constant 16 : i32
          %mul3A_118 = arith.muli %add3A_116, %mul3A_117 : i32
          %add3A_119 = vector.broadcast %mul3A_118 : i32 to vector<16xi32>
          %add3A_120 = arith.addi %add3A_119, %iota3A : vector<16xi32>
          %mul3A_121 = arith.constant 16 : i32
          %mul3A_122 = arith.muli %add3A_116, %mul3A_121 : i32
          %get3A = arith.index_cast %mul3A_122 : i32 to index
          %get3A_123 = tpu.vector_load %arg6[%get3A] {strides = array<i32>} : memref<768xi32, #tpu.memory_space<vmem>>, vector<16xi32>,
          %lt3A_124 = arith.cmpi slt, %add3A_120, %scan3A_21 : vector<16xi32>
          %ge3A = vector.broadcast %multiple_of3A_91 : i32 to vector<16xi32>
          %ge3A_125 = arith.cmpi sge, %get3A_123, %ge3A : vector<16xi32>
          %and3A = arith.andi %lt3A_124, %ge3A_125 : vector<16xi1>
          %add3A_126 = arith.constant 256 : i32
          %add3A_127 = arith.addi %multiple_of3A_91, %add3A_126 : i32
          %lt3A_128 = vector.broadcast %add3A_127 : i32 to vector<16xi32>
          %lt3A_129 = arith.cmpi slt, %get3A_123, %lt3A_128 : vector<16xi32>
          %and3A_130 = arith.andi %and3A, %lt3A_129 : vector<16xi1>
          %jit3A_131 = arith.constant 1 : i32
          %jit3A_132 = arith.constant 0 : i32
          %broadcast_in_dim3A_133 = vector.broadcast %jit3A_131 : i32 to vector<16xi32>
          %broadcast_in_dim3A_134 = vector.broadcast %jit3A_132 : i32 to vector<16xi32>
          %select_n3A_135 = arith.select %and3A_130, %broadcast_in_dim3A_133, %broadcast_in_dim3A_134 : vector<16xi1>, vector<16xi32>
          %broadcast_in_dim3A_136 = arith.constant true
          %broadcast_in_dim3A_137 = vector.broadcast %broadcast_in_dim3A_136 : i1 to vector<16xi1>
          %masked_cumsum3A = tpu.scan <sum>, %select_n3A_135 masked %broadcast_in_dim3A_137 : vector<16xi32>, vector<16xi1> -> vector<16xi32>
          %add3A_138 = arith.addi %scan3A_112, %masked_cumsum3A : vector<16xi32>
          %sub3A = arith.constant 1 : i32
          %sub3A_139 = vector.broadcast %sub3A : i32 to vector<16xi32>
          %sub3A_140 = arith.subi %add3A_138, %sub3A_139 : vector<16xi32>
          %lt3A_141 = arith.constant 64 : i32
          %lt3A_142 = vector.broadcast %lt3A_141 : i32 to vector<16xi32>
          %lt3A_143 = arith.cmpi slt, %sub3A_140, %lt3A_142 : vector<16xi32>
          %and3A_144 = arith.andi %and3A_130, %lt3A_143 : vector<16xi1>
          %sub3A_145 = vector.broadcast %multiple_of3A_91 : i32 to vector<16xi32>
          %sub3A_146 = arith.subi %get3A_123, %sub3A_145 : vector<16xi32>
          tpu.vector_store_idx %arg12[%sub3A_140], %sub3A_146 masked %and3A_144 : memref<64xi32, #tpu.memory_space<vmem>>[vector<16xi32>], vector<16xi32>, vector<16xi1>
          tpu.vector_store_idx %arg13[%sub3A_140], %add3A_120 masked %and3A_144 : memref<64xi32, #tpu.memory_space<vmem>>[vector<16xi32>], vector<16xi32>, vector<16xi1>
          %all_reduce_population_count3A = tpu.all_reduce %and3A_130 {dim = 0 : i64, kind = #tpu.reduction_kind<sum>} : vector<16xi1> -> vector<16xi32>
          %add3A_147 = arith.addi %scan3A_112, %all_reduce_population_count3A : vector<16xi32>
          scf.yield %add3A_147 : vector<16xi32>
        }
        %scan3A_99 = arith.constant 48 : i32
        %scan3A_100 = arith.constant 0 : i32
        %scan3A_101 = arith.constant 4 : i32
        %scan3A_102 = arith.addi %scan3A_100, %scan3A_101 : i32
        %scan3A_103 = arith.constant 1 : i32
        scf.for %scan3A_111 = %scan3A_100 to %scan3A_102 step %scan3A_103  : i32 {
          %mul3A_112 = arith.constant 1 : i32
          %mul3A_113 = arith.muli %scan3A_111, %mul3A_112 : i32
          %add3A_114 = arith.constant 0 : i32
          %add3A_115 = arith.addi %add3A_114, %mul3A_113 : i32
          %mul3A_116 = arith.constant 16 : i32
          %mul3A_117 = arith.muli %add3A_115, %mul3A_116 : i32
          %slice3A = vector.extract_strided_slice %scan3A_98 {offsets = [0], sizes = [1], strides = [1]} : vector<16xi32> to vector<1xi32>
          %squeeze3A = vector.extract %slice3A[0] : i32 from vector<1xi32>
          %lt3A_118 = arith.cmpi slt, %mul3A_117, %squeeze3A : i32
          %convert_element_type3A_119 = arith.extui %lt3A_118 : i1 to i32
          %cond3A_120 = arith.constant 0 : i32
          %cond3A_121 = arith.cmpi ne, %convert_element_type3A_119, %cond3A_120 : i32
          scf.if %cond3A_121 {
            %add3A_122 = vector.broadcast %mul3A_117 : i32 to vector<16xi32>
            %add3A_123 = arith.addi %add3A_122, %iota3A : vector<16xi32>
            %lt3A_124 = arith.cmpi slt, %add3A_123, %scan3A_98 : vector<16xi32>
            %get3A = arith.index_cast %mul3A_117 : i32 to index
            %get3A_125 = tpu.vector_load %arg12[%get3A] {strides = array<i32>} : memref<64xi32, #tpu.memory_space<vmem>>, vector<16xi32>,
            %get3A_126 = arith.index_cast %mul3A_117 : i32 to index
            %get3A_127 = tpu.vector_load %arg13[%get3A_126] {strides = array<i32>} : memref<64xi32, #tpu.memory_space<vmem>>, vector<16xi32>,
            %scan3A_128 = arith.constant 0 : i32
            %scan3A_129 = arith.constant 64 : i32
            %scan3A_130 = arith.addi %scan3A_128, %scan3A_129 : i32
            %scan3A_131 = arith.constant 8 : i32
            scf.for %scan3A_133 = %scan3A_128 to %scan3A_130 step %scan3A_131  : i32 {
              %mul3A_134 = arith.constant 1 : i32
              %mul3A_135 = arith.muli %scan3A_133, %mul3A_134 : i32
              %add3A_136 = arith.constant 0 : i32
              %add3A_137 = arith.addi %add3A_136, %mul3A_135 : i32
              %broadcast_in_dim3A_138 = vector.broadcast %add3A_137 : i32 to vector<16xi32>
              %gather3A = tpu.vector_load_idx %arg8[%broadcast_in_dim3A_138, %get3A_125] masked %lt3A_124 : memref<64x256xf32, #tpu.memory_space<vmem>>[vector<16xi32>, vector<16xi32>], vector<16xf32>, vector<16xi1>
              tpu.vector_store_idx %arg11[%broadcast_in_dim3A_138, %get3A_127], %gather3A masked %lt3A_124 : memref<64x768xf32, #tpu.memory_space<vmem>>[vector<16xi32>, vector<16xi32>], vector<16xf32>, vector<16xi1>
              %scan3A_139 = arith.constant 1 : i32
              %scan3A_140 = arith.addi %scan3A_133, %scan3A_139 : i32
              %mul3A_141 = arith.constant 1 : i32
              %mul3A_142 = arith.muli %scan3A_140, %mul3A_141 : i32
              %add3A_143 = arith.constant 0 : i32
              %add3A_144 = arith.addi %add3A_143, %mul3A_142 : i32
              %broadcast_in_dim3A_145 = vector.broadcast %add3A_144 : i32 to vector<16xi32>
              %gather3A_146 = tpu.vector_load_idx %arg8[%broadcast_in_dim3A_145, %get3A_125] masked %lt3A_124 : memref<64x256xf32, #tpu.memory_space<vmem>>[vector<16xi32>, vector<16xi32>], vector<16xf32>, vector<16xi1>
              tpu.vector_store_idx %arg11[%broadcast_in_dim3A_145, %get3A_127], %gather3A_146 masked %lt3A_124 : memref<64x768xf32, #tpu.memory_space<vmem>>[vector<16xi32>, vector<16xi32>], vector<16xf32>, vector<16xi1>
              %scan3A_147 = arith.constant 2 : i32
              %scan3A_148 = arith.addi %scan3A_133, %scan3A_147 : i32
              %mul3A_149 = arith.constant 1 : i32
              %mul3A_150 = arith.muli %scan3A_148, %mul3A_149 : i32
              %add3A_151 = arith.constant 0 : i32
              %add3A_152 = arith.addi %add3A_151, %mul3A_150 : i32
              %broadcast_in_dim3A_153 = vector.broadcast %add3A_152 : i32 to vector<16xi32>
              %gather3A_154 = tpu.vector_load_idx %arg8[%broadcast_in_dim3A_153, %get3A_125] masked %lt3A_124 : memref<64x256xf32, #tpu.memory_space<vmem>>[vector<16xi32>, vector<16xi32>], vector<16xf32>, vector<16xi1>
              tpu.vector_store_idx %arg11[%broadcast_in_dim3A_153, %get3A_127], %gather3A_154 masked %lt3A_124 : memref<64x768xf32, #tpu.memory_space<vmem>>[vector<16xi32>, vector<16xi32>], vector<16xf32>, vector<16xi1>
              %scan3A_155 = arith.constant 3 : i32
              %scan3A_156 = arith.addi %scan3A_133, %scan3A_155 : i32
              %mul3A_157 = arith.constant 1 : i32
              %mul3A_158 = arith.muli %scan3A_156, %mul3A_157 : i32
              %add3A_159 = arith.constant 0 : i32
              %add3A_160 = arith.addi %add3A_159, %mul3A_158 : i32
              %broadcast_in_dim3A_161 = vector.broadcast %add3A_160 : i32 to vector<16xi32>
              %gather3A_162 = tpu.vector_load_idx %arg8[%broadcast_in_dim3A_161, %get3A_125] masked %lt3A_124 : memref<64x256xf32, #tpu.memory_space<vmem>>[vector<16xi32>, vector<16xi32>], vector<16xf32>, vector<16xi1>
              tpu.vector_store_idx %arg11[%broadcast_in_dim3A_161, %get3A_127], %gather3A_162 masked %lt3A_124 : memref<64x768xf32, #tpu.memory_space<vmem>>[vector<16xi32>, vector<16xi32>], vector<16xf32>, vector<16xi1>
              %scan3A_163 = arith.constant 4 : i32
              %scan3A_164 = arith.addi %scan3A_133, %scan3A_163 : i32
              %mul3A_165 = arith.constant 1 : i32
              %mul3A_166 = arith.muli %scan3A_164, %mul3A_165 : i32
              %add3A_167 = arith.constant 0 : i32
              %add3A_168 = arith.addi %add3A_167, %mul3A_166 : i32
              %broadcast_in_dim3A_169 = vector.broadcast %add3A_168 : i32 to vector<16xi32>
              %gather3A_170 = tpu.vector_load_idx %arg8[%broadcast_in_dim3A_169, %get3A_125] masked %lt3A_124 : memref<64x256xf32, #tpu.memory_space<vmem>>[vector<16xi32>, vector<16xi32>], vector<16xf32>, vector<16xi1>
              tpu.vector_store_idx %arg11[%broadcast_in_dim3A_169, %get3A_127], %gather3A_170 masked %lt3A_124 : memref<64x768xf32, #tpu.memory_space<vmem>>[vector<16xi32>, vector<16xi32>], vector<16xf32>, vector<16xi1>
              %scan3A_171 = arith.constant 5 : i32
              %scan3A_172 = arith.addi %scan3A_133, %scan3A_171 : i32
              %mul3A_173 = arith.constant 1 : i32
              %mul3A_174 = arith.muli %scan3A_172, %mul3A_173 : i32
              %add3A_175 = arith.constant 0 : i32
              %add3A_176 = arith.addi %add3A_175, %mul3A_174 : i32
              %broadcast_in_dim3A_177 = vector.broadcast %add3A_176 : i32 to vector<16xi32>
              %gather3A_178 = tpu.vector_load_idx %arg8[%broadcast_in_dim3A_177, %get3A_125] masked %lt3A_124 : memref<64x256xf32, #tpu.memory_space<vmem>>[vector<16xi32>, vector<16xi32>], vector<16xf32>, vector<16xi1>
              tpu.vector_store_idx %arg11[%broadcast_in_dim3A_177, %get3A_127], %gather3A_178 masked %lt3A_124 : memref<64x768xf32, #tpu.memory_space<vmem>>[vector<16xi32>, vector<16xi32>], vector<16xf32>, vector<16xi1>
              %scan3A_179 = arith.constant 6 : i32
              %scan3A_180 = arith.addi %scan3A_133, %scan3A_179 : i32
              %mul3A_181 = arith.constant 1 : i32
              %mul3A_182 = arith.muli %scan3A_180, %mul3A_181 : i32
              %add3A_183 = arith.constant 0 : i32
              %add3A_184 = arith.addi %add3A_183, %mul3A_182 : i32
              %broadcast_in_dim3A_185 = vector.broadcast %add3A_184 : i32 to vector<16xi32>
              %gather3A_186 = tpu.vector_load_idx %arg8[%broadcast_in_dim3A_185, %get3A_125] masked %lt3A_124 : memref<64x256xf32, #tpu.memory_space<vmem>>[vector<16xi32>, vector<16xi32>], vector<16xf32>, vector<16xi1>
              tpu.vector_store_idx %arg11[%broadcast_in_dim3A_185, %get3A_127], %gather3A_186 masked %lt3A_124 : memref<64x768xf32, #tpu.memory_space<vmem>>[vector<16xi32>, vector<16xi32>], vector<16xf32>, vector<16xi1>
              %scan3A_187 = arith.constant 7 : i32
              %scan3A_188 = arith.addi %scan3A_133, %scan3A_187 : i32
              %mul3A_189 = arith.constant 1 : i32
              %mul3A_190 = arith.muli %scan3A_188, %mul3A_189 : i32
              %add3A_191 = arith.constant 0 : i32
              %add3A_192 = arith.addi %add3A_191, %mul3A_190 : i32
              %broadcast_in_dim3A_193 = vector.broadcast %add3A_192 : i32 to vector<16xi32>
              %gather3A_194 = tpu.vector_load_idx %arg8[%broadcast_in_dim3A_193, %get3A_125] masked %lt3A_124 : memref<64x256xf32, #tpu.memory_space<vmem>>[vector<16xi32>, vector<16xi32>], vector<16xf32>, vector<16xi1>
              tpu.vector_store_idx %arg11[%broadcast_in_dim3A_193, %get3A_127], %gather3A_194 masked %lt3A_124 : memref<64x768xf32, #tpu.memory_space<vmem>>[vector<16xi32>, vector<16xi32>], vector<16xf32>, vector<16xi1>
            }
            %scan3A_132 = arith.constant 64 : i32
          } else {
          }
        }
        %scan3A_104 = arith.constant 4 : i32
        %add3A_105 = arith.constant 3 : i32
        %add3A_106 = arith.addi %add3A_62, %add3A_105 : i32
        %lt3A_107 = arith.cmpi slt, %add3A_106, %select_n3A_10 : i32
        %convert_element_type3A_108 = arith.extui %lt3A_107 : i1 to i32
        %cond3A_109 = arith.constant 0 : i32
        %cond3A_110 = arith.cmpi ne, %convert_element_type3A_108, %cond3A_109 : i32
        scf.if %cond3A_110 {
          %add3A_111 = arith.constant 3 : i32
          %add3A_112 = arith.addi %add3A_62, %add3A_111 : i32
          %mul3A_113 = arith.constant 256 : i32
          %mul3A_114 = arith.muli %add3A_112, %mul3A_113 : i32
          %add3A_115 = arith.addi %mul3A_2, %mul3A_114 : i32
          %multiple_of3A_116 = tpu.assume_multiple %add3A_115, 128 : i32
          %dma_start3A_117 = arith.constant 0 : i32
          %dma_start3A_118 = tpu.memref_slice %arg2[%dma_start3A_117, %multiple_of3A_116] : memref<64x1000000xf32, #tpu.memory_space<hbm>> -> memref<64x256xf32, #tpu.memory_space<hbm>>
          %dma_start3A_119 = arith.constant 0 : i32
          %dma_start3A_120 = tpu.memref_slice %arg2[%dma_start3A_119, %multiple_of3A_116] : memref<64x1000000xf32, #tpu.memory_space<hbm>> -> memref<64x256xf32, #tpu.memory_space<hbm>>
          tpu.enqueue_dma source(%dma_start3A_120 : memref<64x256xf32, #tpu.memory_space<hbm>>) target(%arg7 : memref<64x256xf32, #tpu.memory_space<vmem>>) target_semaphore(%arg14 : memref<!tpu.dma_semaphore, #tpu.memory_space<semaphore_mem>>)
        } else {
        }
      } else {
      }
      %mul3A_67 = arith.constant 4 : i32
      %mul3A_68 = arith.muli %mul3A_67, %add3A_53 : i32
      %add3A_69 = arith.constant 2 : i32
      %add3A_70 = arith.addi %mul3A_68, %add3A_69 : i32
      %lt3A_71 = arith.cmpi slt, %add3A_70, %select_n3A_10 : i32
      %convert_element_type3A_72 = arith.extui %lt3A_71 : i1 to i32
      %cond3A_73 = arith.constant 0 : i32
      %cond3A_74 = arith.cmpi ne, %convert_element_type3A_72, %cond3A_73 : i32
      scf.if %cond3A_74 {
        %dma_wait3A = arith.constant 0 : i32
        %dma_wait3A_83 = arith.constant 0 : i32
        %dma_wait3A_84 = tpu.memref_slice %arg2[%dma_wait3A, %dma_wait3A_83] : memref<64x1000000xf32, #tpu.memory_space<hbm>> -> memref<64x256xf32, #tpu.memory_space<hbm>>
        %dma_wait3A_85 = arith.constant 0 : i32
        %dma_wait3A_86 = arith.constant 0 : i32
        %dma_wait3A_87 = tpu.memref_slice %arg2[%dma_wait3A_85, %dma_wait3A_86] : memref<64x1000000xf32, #tpu.memory_space<hbm>> -> memref<64x256xf32, #tpu.memory_space<hbm>>
        tpu.wait_dma2 semaphore(%arg16 : memref<!tpu.dma_semaphore, #tpu.memory_space<semaphore_mem>>) src(%dma_wait3A_87 : memref<64x256xf32, #tpu.memory_space<hbm>>) dst(%arg9 : memref<64x256xf32, #tpu.memory_space<vmem>>)
        %mul3A_88 = arith.constant 256 : i32
        %mul3A_89 = arith.muli %add3A_70, %mul3A_88 : i32
        %add3A_90 = arith.addi %mul3A_2, %mul3A_89 : i32
        %multiple_of3A_91 = tpu.assume_multiple %add3A_90, 128 : i32
        %iota3A = tpu.iota {dimensions = array<i32: 0>} : vector<16xi32>
        %broadcast_in_dim3A_92 = arith.constant 0 : i32
        %broadcast_in_dim3A_93 = vector.broadcast %broadcast_in_dim3A_92 : i32 to vector<16xi32>
        %scan3A_94 = arith.constant 0 : i32
        %scan3A_95 = arith.constant 48 : i32
        %scan3A_96 = arith.addi %scan3A_94, %scan3A_95 : i32
        %scan3A_97 = arith.constant 1 : i32
        %scan3A_98 = scf.for %scan3A_111 = %scan3A_94 to %scan3A_96 step %scan3A_97 iter_args(%scan3A_112 = %broadcast_in_dim3A_93) -> (vector<16xi32>)  : i32 {
          %mul3A_113 = arith.constant 1 : i32
          %mul3A_114 = arith.muli %scan3A_111, %mul3A_113 : i32
          %add3A_115 = arith.constant 0 : i32
          %add3A_116 = arith.addi %add3A_115, %mul3A_114 : i32
          %mul3A_117 = arith.constant 16 : i32
          %mul3A_118 = arith.muli %add3A_116, %mul3A_117 : i32
          %add3A_119 = vector.broadcast %mul3A_118 : i32 to vector<16xi32>
          %add3A_120 = arith.addi %add3A_119, %iota3A : vector<16xi32>
          %mul3A_121 = arith.constant 16 : i32
          %mul3A_122 = arith.muli %add3A_116, %mul3A_121 : i32
          %get3A = arith.index_cast %mul3A_122 : i32 to index
          %get3A_123 = tpu.vector_load %arg6[%get3A] {strides = array<i32>} : memref<768xi32, #tpu.memory_space<vmem>>, vector<16xi32>,
          %lt3A_124 = arith.cmpi slt, %add3A_120, %scan3A_21 : vector<16xi32>
          %ge3A = vector.broadcast %multiple_of3A_91 : i32 to vector<16xi32>
          %ge3A_125 = arith.cmpi sge, %get3A_123, %ge3A : vector<16xi32>
          %and3A = arith.andi %lt3A_124, %ge3A_125 : vector<16xi1>
          %add3A_126 = arith.constant 256 : i32
          %add3A_127 = arith.addi %multiple_of3A_91, %add3A_126 : i32
          %lt3A_128 = vector.broadcast %add3A_127 : i32 to vector<16xi32>
          %lt3A_129 = arith.cmpi slt, %get3A_123, %lt3A_128 : vector<16xi32>
          %and3A_130 = arith.andi %and3A, %lt3A_129 : vector<16xi1>
          %jit3A_131 = arith.constant 1 : i32
          %jit3A_132 = arith.constant 0 : i32
          %broadcast_in_dim3A_133 = vector.broadcast %jit3A_131 : i32 to vector<16xi32>
          %broadcast_in_dim3A_134 = vector.broadcast %jit3A_132 : i32 to vector<16xi32>
          %select_n3A_135 = arith.select %and3A_130, %broadcast_in_dim3A_133, %broadcast_in_dim3A_134 : vector<16xi1>, vector<16xi32>
          %broadcast_in_dim3A_136 = arith.constant true
          %broadcast_in_dim3A_137 = vector.broadcast %broadcast_in_dim3A_136 : i1 to vector<16xi1>
          %masked_cumsum3A = tpu.scan <sum>, %select_n3A_135 masked %broadcast_in_dim3A_137 : vector<16xi32>, vector<16xi1> -> vector<16xi32>
          %add3A_138 = arith.addi %scan3A_112, %masked_cumsum3A : vector<16xi32>
          %sub3A = arith.constant 1 : i32
          %sub3A_139 = vector.broadcast %sub3A : i32 to vector<16xi32>
          %sub3A_140 = arith.subi %add3A_138, %sub3A_139 : vector<16xi32>
          %lt3A_141 = arith.constant 64 : i32
          %lt3A_142 = vector.broadcast %lt3A_141 : i32 to vector<16xi32>
          %lt3A_143 = arith.cmpi slt, %sub3A_140, %lt3A_142 : vector<16xi32>
          %and3A_144 = arith.andi %and3A_130, %lt3A_143 : vector<16xi1>
          %sub3A_145 = vector.broadcast %multiple_of3A_91 : i32 to vector<16xi32>
          %sub3A_146 = arith.subi %get3A_123, %sub3A_145 : vector<16xi32>
          tpu.vector_store_idx %arg12[%sub3A_140], %sub3A_146 masked %and3A_144 : memref<64xi32, #tpu.memory_space<vmem>>[vector<16xi32>], vector<16xi32>, vector<16xi1>
          tpu.vector_store_idx %arg13[%sub3A_140], %add3A_120 masked %and3A_144 : memref<64xi32, #tpu.memory_space<vmem>>[vector<16xi32>], vector<16xi32>, vector<16xi1>
          %all_reduce_population_count3A = tpu.all_reduce %and3A_130 {dim = 0 : i64, kind = #tpu.reduction_kind<sum>} : vector<16xi1> -> vector<16xi32>
          %add3A_147 = arith.addi %scan3A_112, %all_reduce_population_count3A : vector<16xi32>
          scf.yield %add3A_147 : vector<16xi32>
        }
        %scan3A_99 = arith.constant 48 : i32
        %scan3A_100 = arith.constant 0 : i32
        %scan3A_101 = arith.constant 4 : i32
        %scan3A_102 = arith.addi %scan3A_100, %scan3A_101 : i32
        %scan3A_103 = arith.constant 1 : i32
        scf.for %scan3A_111 = %scan3A_100 to %scan3A_102 step %scan3A_103  : i32 {
          %mul3A_112 = arith.constant 1 : i32
          %mul3A_113 = arith.muli %scan3A_111, %mul3A_112 : i32
          %add3A_114 = arith.constant 0 : i32
          %add3A_115 = arith.addi %add3A_114, %mul3A_113 : i32
          %mul3A_116 = arith.constant 16 : i32
          %mul3A_117 = arith.muli %add3A_115, %mul3A_116 : i32
          %slice3A = vector.extract_strided_slice %scan3A_98 {offsets = [0], sizes = [1], strides = [1]} : vector<16xi32> to vector<1xi32>
          %squeeze3A = vector.extract %slice3A[0] : i32 from vector<1xi32>
          %lt3A_118 = arith.cmpi slt, %mul3A_117, %squeeze3A : i32
          %convert_element_type3A_119 = arith.extui %lt3A_118 : i1 to i32
          %cond3A_120 = arith.constant 0 : i32
          %cond3A_121 = arith.cmpi ne, %convert_element_type3A_119, %cond3A_120 : i32
          scf.if %cond3A_121 {
            %add3A_122 = vector.broadcast %mul3A_117 : i32 to vector<16xi32>
            %add3A_123 = arith.addi %add3A_122, %iota3A : vector<16xi32>
            %lt3A_124 = arith.cmpi slt, %add3A_123, %scan3A_98 : vector<16xi32>
            %get3A = arith.index_cast %mul3A_117 : i32 to index
            %get3A_125 = tpu.vector_load %arg12[%get3A] {strides = array<i32>} : memref<64xi32, #tpu.memory_space<vmem>>, vector<16xi32>,
            %get3A_126 = arith.index_cast %mul3A_117 : i32 to index
            %get3A_127 = tpu.vector_load %arg13[%get3A_126] {strides = array<i32>} : memref<64xi32, #tpu.memory_space<vmem>>, vector<16xi32>,
            %scan3A_128 = arith.constant 0 : i32
            %scan3A_129 = arith.constant 64 : i32
            %scan3A_130 = arith.addi %scan3A_128, %scan3A_129 : i32
            %scan3A_131 = arith.constant 8 : i32
            scf.for %scan3A_133 = %scan3A_128 to %scan3A_130 step %scan3A_131  : i32 {
              %mul3A_134 = arith.constant 1 : i32
              %mul3A_135 = arith.muli %scan3A_133, %mul3A_134 : i32
              %add3A_136 = arith.constant 0 : i32
              %add3A_137 = arith.addi %add3A_136, %mul3A_135 : i32
              %broadcast_in_dim3A_138 = vector.broadcast %add3A_137 : i32 to vector<16xi32>
              %gather3A = tpu.vector_load_idx %arg9[%broadcast_in_dim3A_138, %get3A_125] masked %lt3A_124 : memref<64x256xf32, #tpu.memory_space<vmem>>[vector<16xi32>, vector<16xi32>], vector<16xf32>, vector<16xi1>
              tpu.vector_store_idx %arg11[%broadcast_in_dim3A_138, %get3A_127], %gather3A masked %lt3A_124 : memref<64x768xf32, #tpu.memory_space<vmem>>[vector<16xi32>, vector<16xi32>], vector<16xf32>, vector<16xi1>
              %scan3A_139 = arith.constant 1 : i32
              %scan3A_140 = arith.addi %scan3A_133, %scan3A_139 : i32
              %mul3A_141 = arith.constant 1 : i32
              %mul3A_142 = arith.muli %scan3A_140, %mul3A_141 : i32
              %add3A_143 = arith.constant 0 : i32
              %add3A_144 = arith.addi %add3A_143, %mul3A_142 : i32
              %broadcast_in_dim3A_145 = vector.broadcast %add3A_144 : i32 to vector<16xi32>
              %gather3A_146 = tpu.vector_load_idx %arg9[%broadcast_in_dim3A_145, %get3A_125] masked %lt3A_124 : memref<64x256xf32, #tpu.memory_space<vmem>>[vector<16xi32>, vector<16xi32>], vector<16xf32>, vector<16xi1>
              tpu.vector_store_idx %arg11[%broadcast_in_dim3A_145, %get3A_127], %gather3A_146 masked %lt3A_124 : memref<64x768xf32, #tpu.memory_space<vmem>>[vector<16xi32>, vector<16xi32>], vector<16xf32>, vector<16xi1>
              %scan3A_147 = arith.constant 2 : i32
              %scan3A_148 = arith.addi %scan3A_133, %scan3A_147 : i32
              %mul3A_149 = arith.constant 1 : i32
              %mul3A_150 = arith.muli %scan3A_148, %mul3A_149 : i32
              %add3A_151 = arith.constant 0 : i32
              %add3A_152 = arith.addi %add3A_151, %mul3A_150 : i32
              %broadcast_in_dim3A_153 = vector.broadcast %add3A_152 : i32 to vector<16xi32>
              %gather3A_154 = tpu.vector_load_idx %arg9[%broadcast_in_dim3A_153, %get3A_125] masked %lt3A_124 : memref<64x256xf32, #tpu.memory_space<vmem>>[vector<16xi32>, vector<16xi32>], vector<16xf32>, vector<16xi1>
              tpu.vector_store_idx %arg11[%broadcast_in_dim3A_153, %get3A_127], %gather3A_154 masked %lt3A_124 : memref<64x768xf32, #tpu.memory_space<vmem>>[vector<16xi32>, vector<16xi32>], vector<16xf32>, vector<16xi1>
              %scan3A_155 = arith.constant 3 : i32
              %scan3A_156 = arith.addi %scan3A_133, %scan3A_155 : i32
              %mul3A_157 = arith.constant 1 : i32
              %mul3A_158 = arith.muli %scan3A_156, %mul3A_157 : i32
              %add3A_159 = arith.constant 0 : i32
              %add3A_160 = arith.addi %add3A_159, %mul3A_158 : i32
              %broadcast_in_dim3A_161 = vector.broadcast %add3A_160 : i32 to vector<16xi32>
              %gather3A_162 = tpu.vector_load_idx %arg9[%broadcast_in_dim3A_161, %get3A_125] masked %lt3A_124 : memref<64x256xf32, #tpu.memory_space<vmem>>[vector<16xi32>, vector<16xi32>], vector<16xf32>, vector<16xi1>
              tpu.vector_store_idx %arg11[%broadcast_in_dim3A_161, %get3A_127], %gather3A_162 masked %lt3A_124 : memref<64x768xf32, #tpu.memory_space<vmem>>[vector<16xi32>, vector<16xi32>], vector<16xf32>, vector<16xi1>
              %scan3A_163 = arith.constant 4 : i32
              %scan3A_164 = arith.addi %scan3A_133, %scan3A_163 : i32
              %mul3A_165 = arith.constant 1 : i32
              %mul3A_166 = arith.muli %scan3A_164, %mul3A_165 : i32
              %add3A_167 = arith.constant 0 : i32
              %add3A_168 = arith.addi %add3A_167, %mul3A_166 : i32
              %broadcast_in_dim3A_169 = vector.broadcast %add3A_168 : i32 to vector<16xi32>
              %gather3A_170 = tpu.vector_load_idx %arg9[%broadcast_in_dim3A_169, %get3A_125] masked %lt3A_124 : memref<64x256xf32, #tpu.memory_space<vmem>>[vector<16xi32>, vector<16xi32>], vector<16xf32>, vector<16xi1>
              tpu.vector_store_idx %arg11[%broadcast_in_dim3A_169, %get3A_127], %gather3A_170 masked %lt3A_124 : memref<64x768xf32, #tpu.memory_space<vmem>>[vector<16xi32>, vector<16xi32>], vector<16xf32>, vector<16xi1>
              %scan3A_171 = arith.constant 5 : i32
              %scan3A_172 = arith.addi %scan3A_133, %scan3A_171 : i32
              %mul3A_173 = arith.constant 1 : i32
              %mul3A_174 = arith.muli %scan3A_172, %mul3A_173 : i32
              %add3A_175 = arith.constant 0 : i32
              %add3A_176 = arith.addi %add3A_175, %mul3A_174 : i32
              %broadcast_in_dim3A_177 = vector.broadcast %add3A_176 : i32 to vector<16xi32>
              %gather3A_178 = tpu.vector_load_idx %arg9[%broadcast_in_dim3A_177, %get3A_125] masked %lt3A_124 : memref<64x256xf32, #tpu.memory_space<vmem>>[vector<16xi32>, vector<16xi32>], vector<16xf32>, vector<16xi1>
              tpu.vector_store_idx %arg11[%broadcast_in_dim3A_177, %get3A_127], %gather3A_178 masked %lt3A_124 : memref<64x768xf32, #tpu.memory_space<vmem>>[vector<16xi32>, vector<16xi32>], vector<16xf32>, vector<16xi1>
              %scan3A_179 = arith.constant 6 : i32
              %scan3A_180 = arith.addi %scan3A_133, %scan3A_179 : i32
              %mul3A_181 = arith.constant 1 : i32
              %mul3A_182 = arith.muli %scan3A_180, %mul3A_181 : i32
              %add3A_183 = arith.constant 0 : i32
              %add3A_184 = arith.addi %add3A_183, %mul3A_182 : i32
              %broadcast_in_dim3A_185 = vector.broadcast %add3A_184 : i32 to vector<16xi32>
              %gather3A_186 = tpu.vector_load_idx %arg9[%broadcast_in_dim3A_185, %get3A_125] masked %lt3A_124 : memref<64x256xf32, #tpu.memory_space<vmem>>[vector<16xi32>, vector<16xi32>], vector<16xf32>, vector<16xi1>
              tpu.vector_store_idx %arg11[%broadcast_in_dim3A_185, %get3A_127], %gather3A_186 masked %lt3A_124 : memref<64x768xf32, #tpu.memory_space<vmem>>[vector<16xi32>, vector<16xi32>], vector<16xf32>, vector<16xi1>
              %scan3A_187 = arith.constant 7 : i32
              %scan3A_188 = arith.addi %scan3A_133, %scan3A_187 : i32
              %mul3A_189 = arith.constant 1 : i32
              %mul3A_190 = arith.muli %scan3A_188, %mul3A_189 : i32
              %add3A_191 = arith.constant 0 : i32
              %add3A_192 = arith.addi %add3A_191, %mul3A_190 : i32
              %broadcast_in_dim3A_193 = vector.broadcast %add3A_192 : i32 to vector<16xi32>
              %gather3A_194 = tpu.vector_load_idx %arg9[%broadcast_in_dim3A_193, %get3A_125] masked %lt3A_124 : memref<64x256xf32, #tpu.memory_space<vmem>>[vector<16xi32>, vector<16xi32>], vector<16xf32>, vector<16xi1>
              tpu.vector_store_idx %arg11[%broadcast_in_dim3A_193, %get3A_127], %gather3A_194 masked %lt3A_124 : memref<64x768xf32, #tpu.memory_space<vmem>>[vector<16xi32>, vector<16xi32>], vector<16xf32>, vector<16xi1>
            }
            %scan3A_132 = arith.constant 64 : i32
          } else {
          }
        }
        %scan3A_104 = arith.constant 4 : i32
        %add3A_105 = arith.constant 3 : i32
        %add3A_106 = arith.addi %add3A_70, %add3A_105 : i32
        %lt3A_107 = arith.cmpi slt, %add3A_106, %select_n3A_10 : i32
        %convert_element_type3A_108 = arith.extui %lt3A_107 : i1 to i32
        %cond3A_109 = arith.constant 0 : i32
        %cond3A_110 = arith.cmpi ne, %convert_element_type3A_108, %cond3A_109 : i32
        scf.if %cond3A_110 {
          %add3A_111 = arith.constant 3 : i32
          %add3A_112 = arith.addi %add3A_70, %add3A_111 : i32
          %mul3A_113 = arith.constant 256 : i32
          %mul3A_114 = arith.muli %add3A_112, %mul3A_113 : i32
          %add3A_115 = arith.addi %mul3A_2, %mul3A_114 : i32
          %multiple_of3A_116 = tpu.assume_multiple %add3A_115, 128 : i32
          %dma_start3A_117 = arith.constant 0 : i32
          %dma_start3A_118 = tpu.memref_slice %arg2[%dma_start3A_117, %multiple_of3A_116] : memref<64x1000000xf32, #tpu.memory_space<hbm>> -> memref<64x256xf32, #tpu.memory_space<hbm>>
          %dma_start3A_119 = arith.constant 0 : i32
          %dma_start3A_120 = tpu.memref_slice %arg2[%dma_start3A_119, %multiple_of3A_116] : memref<64x1000000xf32, #tpu.memory_space<hbm>> -> memref<64x256xf32, #tpu.memory_space<hbm>>
          tpu.enqueue_dma source(%dma_start3A_120 : memref<64x256xf32, #tpu.memory_space<hbm>>) target(%arg8 : memref<64x256xf32, #tpu.memory_space<vmem>>) target_semaphore(%arg15 : memref<!tpu.dma_semaphore, #tpu.memory_space<semaphore_mem>>)
        } else {
        }
      } else {
      }
      %mul3A_75 = arith.constant 4 : i32
      %mul3A_76 = arith.muli %mul3A_75, %add3A_53 : i32
      %add3A_77 = arith.constant 3 : i32
      %add3A_78 = arith.addi %mul3A_76, %add3A_77 : i32
      %lt3A_79 = arith.cmpi slt, %add3A_78, %select_n3A_10 : i32
      %convert_element_type3A_80 = arith.extui %lt3A_79 : i1 to i32
      %cond3A_81 = arith.constant 0 : i32
      %cond3A_82 = arith.cmpi ne, %convert_element_type3A_80, %cond3A_81 : i32
      scf.if %cond3A_82 {
        %dma_wait3A = arith.constant 0 : i32
        %dma_wait3A_83 = arith.constant 0 : i32
        %dma_wait3A_84 = tpu.memref_slice %arg2[%dma_wait3A, %dma_wait3A_83] : memref<64x1000000xf32, #tpu.memory_space<hbm>> -> memref<64x256xf32, #tpu.memory_space<hbm>>
        %dma_wait3A_85 = arith.constant 0 : i32
        %dma_wait3A_86 = arith.constant 0 : i32
        %dma_wait3A_87 = tpu.memref_slice %arg2[%dma_wait3A_85, %dma_wait3A_86] : memref<64x1000000xf32, #tpu.memory_space<hbm>> -> memref<64x256xf32, #tpu.memory_space<hbm>>
        tpu.wait_dma2 semaphore(%arg17 : memref<!tpu.dma_semaphore, #tpu.memory_space<semaphore_mem>>) src(%dma_wait3A_87 : memref<64x256xf32, #tpu.memory_space<hbm>>) dst(%arg10 : memref<64x256xf32, #tpu.memory_space<vmem>>)
        %mul3A_88 = arith.constant 256 : i32
        %mul3A_89 = arith.muli %add3A_78, %mul3A_88 : i32
        %add3A_90 = arith.addi %mul3A_2, %mul3A_89 : i32
        %multiple_of3A_91 = tpu.assume_multiple %add3A_90, 128 : i32
        %iota3A = tpu.iota {dimensions = array<i32: 0>} : vector<16xi32>
        %broadcast_in_dim3A_92 = arith.constant 0 : i32
        %broadcast_in_dim3A_93 = vector.broadcast %broadcast_in_dim3A_92 : i32 to vector<16xi32>
        %scan3A_94 = arith.constant 0 : i32
        %scan3A_95 = arith.constant 48 : i32
        %scan3A_96 = arith.addi %scan3A_94, %scan3A_95 : i32
        %scan3A_97 = arith.constant 1 : i32
        %scan3A_98 = scf.for %scan3A_111 = %scan3A_94 to %scan3A_96 step %scan3A_97 iter_args(%scan3A_112 = %broadcast_in_dim3A_93) -> (vector<16xi32>)  : i32 {
          %mul3A_113 = arith.constant 1 : i32
          %mul3A_114 = arith.muli %scan3A_111, %mul3A_113 : i32
          %add3A_115 = arith.constant 0 : i32
          %add3A_116 = arith.addi %add3A_115, %mul3A_114 : i32
          %mul3A_117 = arith.constant 16 : i32
          %mul3A_118 = arith.muli %add3A_116, %mul3A_117 : i32
          %add3A_119 = vector.broadcast %mul3A_118 : i32 to vector<16xi32>
          %add3A_120 = arith.addi %add3A_119, %iota3A : vector<16xi32>
          %mul3A_121 = arith.constant 16 : i32
          %mul3A_122 = arith.muli %add3A_116, %mul3A_121 : i32
          %get3A = arith.index_cast %mul3A_122 : i32 to index
          %get3A_123 = tpu.vector_load %arg6[%get3A] {strides = array<i32>} : memref<768xi32, #tpu.memory_space<vmem>>, vector<16xi32>,
          %lt3A_124 = arith.cmpi slt, %add3A_120, %scan3A_21 : vector<16xi32>
          %ge3A = vector.broadcast %multiple_of3A_91 : i32 to vector<16xi32>
          %ge3A_125 = arith.cmpi sge, %get3A_123, %ge3A : vector<16xi32>
          %and3A = arith.andi %lt3A_124, %ge3A_125 : vector<16xi1>
          %add3A_126 = arith.constant 256 : i32
          %add3A_127 = arith.addi %multiple_of3A_91, %add3A_126 : i32
          %lt3A_128 = vector.broadcast %add3A_127 : i32 to vector<16xi32>
          %lt3A_129 = arith.cmpi slt, %get3A_123, %lt3A_128 : vector<16xi32>
          %and3A_130 = arith.andi %and3A, %lt3A_129 : vector<16xi1>
          %jit3A_131 = arith.constant 1 : i32
          %jit3A_132 = arith.constant 0 : i32
          %broadcast_in_dim3A_133 = vector.broadcast %jit3A_131 : i32 to vector<16xi32>
          %broadcast_in_dim3A_134 = vector.broadcast %jit3A_132 : i32 to vector<16xi32>
          %select_n3A_135 = arith.select %and3A_130, %broadcast_in_dim3A_133, %broadcast_in_dim3A_134 : vector<16xi1>, vector<16xi32>
          %broadcast_in_dim3A_136 = arith.constant true
          %broadcast_in_dim3A_137 = vector.broadcast %broadcast_in_dim3A_136 : i1 to vector<16xi1>
          %masked_cumsum3A = tpu.scan <sum>, %select_n3A_135 masked %broadcast_in_dim3A_137 : vector<16xi32>, vector<16xi1> -> vector<16xi32>
          %add3A_138 = arith.addi %scan3A_112, %masked_cumsum3A : vector<16xi32>
          %sub3A = arith.constant 1 : i32
          %sub3A_139 = vector.broadcast %sub3A : i32 to vector<16xi32>
          %sub3A_140 = arith.subi %add3A_138, %sub3A_139 : vector<16xi32>
          %lt3A_141 = arith.constant 64 : i32
          %lt3A_142 = vector.broadcast %lt3A_141 : i32 to vector<16xi32>
          %lt3A_143 = arith.cmpi slt, %sub3A_140, %lt3A_142 : vector<16xi32>
          %and3A_144 = arith.andi %and3A_130, %lt3A_143 : vector<16xi1>
          %sub3A_145 = vector.broadcast %multiple_of3A_91 : i32 to vector<16xi32>
          %sub3A_146 = arith.subi %get3A_123, %sub3A_145 : vector<16xi32>
          tpu.vector_store_idx %arg12[%sub3A_140], %sub3A_146 masked %and3A_144 : memref<64xi32, #tpu.memory_space<vmem>>[vector<16xi32>], vector<16xi32>, vector<16xi1>
          tpu.vector_store_idx %arg13[%sub3A_140], %add3A_120 masked %and3A_144 : memref<64xi32, #tpu.memory_space<vmem>>[vector<16xi32>], vector<16xi32>, vector<16xi1>
          %all_reduce_population_count3A = tpu.all_reduce %and3A_130 {dim = 0 : i64, kind = #tpu.reduction_kind<sum>} : vector<16xi1> -> vector<16xi32>
          %add3A_147 = arith.addi %scan3A_112, %all_reduce_population_count3A : vector<16xi32>
          scf.yield %add3A_147 : vector<16xi32>
        }
        %scan3A_99 = arith.constant 48 : i32
        %scan3A_100 = arith.constant 0 : i32
        %scan3A_101 = arith.constant 4 : i32
        %scan3A_102 = arith.addi %scan3A_100, %scan3A_101 : i32
        %scan3A_103 = arith.constant 1 : i32
        scf.for %scan3A_111 = %scan3A_100 to %scan3A_102 step %scan3A_103  : i32 {
          %mul3A_112 = arith.constant 1 : i32
          %mul3A_113 = arith.muli %scan3A_111, %mul3A_112 : i32
          %add3A_114 = arith.constant 0 : i32
          %add3A_115 = arith.addi %add3A_114, %mul3A_113 : i32
          %mul3A_116 = arith.constant 16 : i32
          %mul3A_117 = arith.muli %add3A_115, %mul3A_116 : i32
          %slice3A = vector.extract_strided_slice %scan3A_98 {offsets = [0], sizes = [1], strides = [1]} : vector<16xi32> to vector<1xi32>
          %squeeze3A = vector.extract %slice3A[0] : i32 from vector<1xi32>
          %lt3A_118 = arith.cmpi slt, %mul3A_117, %squeeze3A : i32
          %convert_element_type3A_119 = arith.extui %lt3A_118 : i1 to i32
          %cond3A_120 = arith.constant 0 : i32
          %cond3A_121 = arith.cmpi ne, %convert_element_type3A_119, %cond3A_120 : i32
          scf.if %cond3A_121 {
            %add3A_122 = vector.broadcast %mul3A_117 : i32 to vector<16xi32>
            %add3A_123 = arith.addi %add3A_122, %iota3A : vector<16xi32>
            %lt3A_124 = arith.cmpi slt, %add3A_123, %scan3A_98 : vector<16xi32>
            %get3A = arith.index_cast %mul3A_117 : i32 to index
            %get3A_125 = tpu.vector_load %arg12[%get3A] {strides = array<i32>} : memref<64xi32, #tpu.memory_space<vmem>>, vector<16xi32>,
            %get3A_126 = arith.index_cast %mul3A_117 : i32 to index
            %get3A_127 = tpu.vector_load %arg13[%get3A_126] {strides = array<i32>} : memref<64xi32, #tpu.memory_space<vmem>>, vector<16xi32>,
            %scan3A_128 = arith.constant 0 : i32
            %scan3A_129 = arith.constant 64 : i32
            %scan3A_130 = arith.addi %scan3A_128, %scan3A_129 : i32
            %scan3A_131 = arith.constant 8 : i32
            scf.for %scan3A_133 = %scan3A_128 to %scan3A_130 step %scan3A_131  : i32 {
              %mul3A_134 = arith.constant 1 : i32
              %mul3A_135 = arith.muli %scan3A_133, %mul3A_134 : i32
              %add3A_136 = arith.constant 0 : i32
              %add3A_137 = arith.addi %add3A_136, %mul3A_135 : i32
              %broadcast_in_dim3A_138 = vector.broadcast %add3A_137 : i32 to vector<16xi32>
              %gather3A = tpu.vector_load_idx %arg10[%broadcast_in_dim3A_138, %get3A_125] masked %lt3A_124 : memref<64x256xf32, #tpu.memory_space<vmem>>[vector<16xi32>, vector<16xi32>], vector<16xf32>, vector<16xi1>
              tpu.vector_store_idx %arg11[%broadcast_in_dim3A_138, %get3A_127], %gather3A masked %lt3A_124 : memref<64x768xf32, #tpu.memory_space<vmem>>[vector<16xi32>, vector<16xi32>], vector<16xf32>, vector<16xi1>
              %scan3A_139 = arith.constant 1 : i32
              %scan3A_140 = arith.addi %scan3A_133, %scan3A_139 : i32
              %mul3A_141 = arith.constant 1 : i32
              %mul3A_142 = arith.muli %scan3A_140, %mul3A_141 : i32
              %add3A_143 = arith.constant 0 : i32
              %add3A_144 = arith.addi %add3A_143, %mul3A_142 : i32
              %broadcast_in_dim3A_145 = vector.broadcast %add3A_144 : i32 to vector<16xi32>
              %gather3A_146 = tpu.vector_load_idx %arg10[%broadcast_in_dim3A_145, %get3A_125] masked %lt3A_124 : memref<64x256xf32, #tpu.memory_space<vmem>>[vector<16xi32>, vector<16xi32>], vector<16xf32>, vector<16xi1>
              tpu.vector_store_idx %arg11[%broadcast_in_dim3A_145, %get3A_127], %gather3A_146 masked %lt3A_124 : memref<64x768xf32, #tpu.memory_space<vmem>>[vector<16xi32>, vector<16xi32>], vector<16xf32>, vector<16xi1>
              %scan3A_147 = arith.constant 2 : i32
              %scan3A_148 = arith.addi %scan3A_133, %scan3A_147 : i32
              %mul3A_149 = arith.constant 1 : i32
              %mul3A_150 = arith.muli %scan3A_148, %mul3A_149 : i32
              %add3A_151 = arith.constant 0 : i32
              %add3A_152 = arith.addi %add3A_151, %mul3A_150 : i32
              %broadcast_in_dim3A_153 = vector.broadcast %add3A_152 : i32 to vector<16xi32>
              %gather3A_154 = tpu.vector_load_idx %arg10[%broadcast_in_dim3A_153, %get3A_125] masked %lt3A_124 : memref<64x256xf32, #tpu.memory_space<vmem>>[vector<16xi32>, vector<16xi32>], vector<16xf32>, vector<16xi1>
              tpu.vector_store_idx %arg11[%broadcast_in_dim3A_153, %get3A_127], %gather3A_154 masked %lt3A_124 : memref<64x768xf32, #tpu.memory_space<vmem>>[vector<16xi32>, vector<16xi32>], vector<16xf32>, vector<16xi1>
              %scan3A_155 = arith.constant 3 : i32
              %scan3A_156 = arith.addi %scan3A_133, %scan3A_155 : i32
              %mul3A_157 = arith.constant 1 : i32
              %mul3A_158 = arith.muli %scan3A_156, %mul3A_157 : i32
              %add3A_159 = arith.constant 0 : i32
              %add3A_160 = arith.addi %add3A_159, %mul3A_158 : i32
              %broadcast_in_dim3A_161 = vector.broadcast %add3A_160 : i32 to vector<16xi32>
              %gather3A_162 = tpu.vector_load_idx %arg10[%broadcast_in_dim3A_161, %get3A_125] masked %lt3A_124 : memref<64x256xf32, #tpu.memory_space<vmem>>[vector<16xi32>, vector<16xi32>], vector<16xf32>, vector<16xi1>
              tpu.vector_store_idx %arg11[%broadcast_in_dim3A_161, %get3A_127], %gather3A_162 masked %lt3A_124 : memref<64x768xf32, #tpu.memory_space<vmem>>[vector<16xi32>, vector<16xi32>], vector<16xf32>, vector<16xi1>
              %scan3A_163 = arith.constant 4 : i32
              %scan3A_164 = arith.addi %scan3A_133, %scan3A_163 : i32
              %mul3A_165 = arith.constant 1 : i32
              %mul3A_166 = arith.muli %scan3A_164, %mul3A_165 : i32
              %add3A_167 = arith.constant 0 : i32
              %add3A_168 = arith.addi %add3A_167, %mul3A_166 : i32
              %broadcast_in_dim3A_169 = vector.broadcast %add3A_168 : i32 to vector<16xi32>
              %gather3A_170 = tpu.vector_load_idx %arg10[%broadcast_in_dim3A_169, %get3A_125] masked %lt3A_124 : memref<64x256xf32, #tpu.memory_space<vmem>>[vector<16xi32>, vector<16xi32>], vector<16xf32>, vector<16xi1>
              tpu.vector_store_idx %arg11[%broadcast_in_dim3A_169, %get3A_127], %gather3A_170 masked %lt3A_124 : memref<64x768xf32, #tpu.memory_space<vmem>>[vector<16xi32>, vector<16xi32>], vector<16xf32>, vector<16xi1>
              %scan3A_171 = arith.constant 5 : i32
              %scan3A_172 = arith.addi %scan3A_133, %scan3A_171 : i32
              %mul3A_173 = arith.constant 1 : i32
              %mul3A_174 = arith.muli %scan3A_172, %mul3A_173 : i32
              %add3A_175 = arith.constant 0 : i32
              %add3A_176 = arith.addi %add3A_175, %mul3A_174 : i32
              %broadcast_in_dim3A_177 = vector.broadcast %add3A_176 : i32 to vector<16xi32>
              %gather3A_178 = tpu.vector_load_idx %arg10[%broadcast_in_dim3A_177, %get3A_125] masked %lt3A_124 : memref<64x256xf32, #tpu.memory_space<vmem>>[vector<16xi32>, vector<16xi32>], vector<16xf32>, vector<16xi1>
              tpu.vector_store_idx %arg11[%broadcast_in_dim3A_177, %get3A_127], %gather3A_178 masked %lt3A_124 : memref<64x768xf32, #tpu.memory_space<vmem>>[vector<16xi32>, vector<16xi32>], vector<16xf32>, vector<16xi1>
              %scan3A_179 = arith.constant 6 : i32
              %scan3A_180 = arith.addi %scan3A_133, %scan3A_179 : i32
              %mul3A_181 = arith.constant 1 : i32
              %mul3A_182 = arith.muli %scan3A_180, %mul3A_181 : i32
              %add3A_183 = arith.constant 0 : i32
              %add3A_184 = arith.addi %add3A_183, %mul3A_182 : i32
              %broadcast_in_dim3A_185 = vector.broadcast %add3A_184 : i32 to vector<16xi32>
              %gather3A_186 = tpu.vector_load_idx %arg10[%broadcast_in_dim3A_185, %get3A_125] masked %lt3A_124 : memref<64x256xf32, #tpu.memory_space<vmem>>[vector<16xi32>, vector<16xi32>], vector<16xf32>, vector<16xi1>
              tpu.vector_store_idx %arg11[%broadcast_in_dim3A_185, %get3A_127], %gather3A_186 masked %lt3A_124 : memref<64x768xf32, #tpu.memory_space<vmem>>[vector<16xi32>, vector<16xi32>], vector<16xf32>, vector<16xi1>
              %scan3A_187 = arith.constant 7 : i32
              %scan3A_188 = arith.addi %scan3A_133, %scan3A_187 : i32
              %mul3A_189 = arith.constant 1 : i32
              %mul3A_190 = arith.muli %scan3A_188, %mul3A_189 : i32
              %add3A_191 = arith.constant 0 : i32
              %add3A_192 = arith.addi %add3A_191, %mul3A_190 : i32
              %broadcast_in_dim3A_193 = vector.broadcast %add3A_192 : i32 to vector<16xi32>
              %gather3A_194 = tpu.vector_load_idx %arg10[%broadcast_in_dim3A_193, %get3A_125] masked %lt3A_124 : memref<64x256xf32, #tpu.memory_space<vmem>>[vector<16xi32>, vector<16xi32>], vector<16xf32>, vector<16xi1>
              tpu.vector_store_idx %arg11[%broadcast_in_dim3A_193, %get3A_127], %gather3A_194 masked %lt3A_124 : memref<64x768xf32, #tpu.memory_space<vmem>>[vector<16xi32>, vector<16xi32>], vector<16xf32>, vector<16xi1>
            }
            %scan3A_132 = arith.constant 64 : i32
          } else {
          }
        }
        %scan3A_104 = arith.constant 4 : i32
        %add3A_105 = arith.constant 3 : i32
        %add3A_106 = arith.addi %add3A_78, %add3A_105 : i32
        %lt3A_107 = arith.cmpi slt, %add3A_106, %select_n3A_10 : i32
        %convert_element_type3A_108 = arith.extui %lt3A_107 : i1 to i32
        %cond3A_109 = arith.constant 0 : i32
        %cond3A_110 = arith.cmpi ne, %convert_element_type3A_108, %cond3A_109 : i32
        scf.if %cond3A_110 {
          %add3A_111 = arith.constant 3 : i32
          %add3A_112 = arith.addi %add3A_78, %add3A_111 : i32
          %mul3A_113 = arith.constant 256 : i32
          %mul3A_114 = arith.muli %add3A_112, %mul3A_113 : i32
          %add3A_115 = arith.addi %mul3A_2, %mul3A_114 : i32
          %multiple_of3A_116 = tpu.assume_multiple %add3A_115, 128 : i32
          %dma_start3A_117 = arith.constant 0 : i32
          %dma_start3A_118 = tpu.memref_slice %arg2[%dma_start3A_117, %multiple_of3A_116] : memref<64x1000000xf32, #tpu.memory_space<hbm>> -> memref<64x256xf32, #tpu.memory_space<hbm>>
          %dma_start3A_119 = arith.constant 0 : i32
          %dma_start3A_120 = tpu.memref_slice %arg2[%dma_start3A_119, %multiple_of3A_116] : memref<64x1000000xf32, #tpu.memory_space<hbm>> -> memref<64x256xf32, #tpu.memory_space<hbm>>
          tpu.enqueue_dma source(%dma_start3A_120 : memref<64x256xf32, #tpu.memory_space<hbm>>) target(%arg9 : memref<64x256xf32, #tpu.memory_space<vmem>>) target_semaphore(%arg16 : memref<!tpu.dma_semaphore, #tpu.memory_space<semaphore_mem>>)
        } else {
        }
      } else {
      }
    }
    %scan3A_46 = arith.constant 31 : i32
    %mul3A_47 = arith.constant 768 : i32
    %mul3A_48 = arith.muli %add3A, %mul3A_47 : i32
    "tpu.region"() ({
      %run_scoped3A = tpu.sem_alloc : memref<!tpu.dma_semaphore, #tpu.memory_space<semaphore_mem>>
      %dma_start3A_49 = arith.constant 0 : i32
      %dma_start3A_50 = tpu.memref_slice %arg4[%dma_start3A_49, %mul3A_48] : memref<64x24576xf32, #tpu.memory_space<hbm>> -> memref<64x768xf32, #tpu.memory_space<hbm>>
      %dma_start3A_51 = arith.constant 0 : i32
      %dma_start3A_52 = tpu.memref_slice %arg4[%dma_start3A_51, %mul3A_48] : memref<64x24576xf32, #tpu.memory_space<hbm>> -> memref<64x768xf32, #tpu.memory_space<hbm>>
      tpu.enqueue_dma source(%arg11 : memref<64x768xf32, #tpu.memory_space<vmem>>) target(%dma_start3A_52 : memref<64x768xf32, #tpu.memory_space<hbm>>) target_semaphore(%run_scoped3A : memref<!tpu.dma_semaphore, #tpu.memory_space<semaphore_mem>>)
      %dma_wait3A = arith.constant 0 : i32
      %dma_wait3A_53 = tpu.memref_slice %arg4[%dma_wait3A, %mul3A_48] : memref<64x24576xf32, #tpu.memory_space<hbm>> -> memref<64x768xf32, #tpu.memory_space<hbm>>
      %dma_wait3A_54 = arith.constant 0 : i32
      %dma_wait3A_55 = tpu.memref_slice %arg4[%dma_wait3A_54, %mul3A_48] : memref<64x24576xf32, #tpu.memory_space<hbm>> -> memref<64x768xf32, #tpu.memory_space<hbm>>
      tpu.wait_dma2 semaphore(%run_scoped3A : memref<!tpu.dma_semaphore, #tpu.memory_space<semaphore_mem>>) src(%arg11 : memref<64x768xf32, #tpu.memory_space<vmem>>) dst(%dma_wait3A_55 : memref<64x768xf32, #tpu.memory_space<hbm>>)
      tpu.yield
    }) : () -> ()
    return
  }
}

module attributes {stable_mosaic.version = 14 : i64} {
  func.func @body(%arg0: i32, %arg1: memref<64x2048xf32, #tpu.memory_space<vmem>>, %arg2: memref<32x64xf32, #tpu.memory_space<vmem>>, %arg3: memref<32x1xf32, #tpu.memory_space<vmem>>, %arg4: memref<64x32xf32, #tpu.memory_space<vmem>>, %arg5: memref<64x1xf32, #tpu.memory_space<vmem>>, %arg6: memref<64x2048xf32, #tpu.memory_space<vmem>>) attributes {dimension_semantics = [#tpu.dimension_semantics<arbitrary>], iteration_bounds = array<i64: 12>, scalar_prefetch = 0 : i64, scratch_operands = 0 : i64, tpu.core_type = #tpu.core_type<tc>, window_params = [{transform_indices = @transform_0, window_bounds = array<i64: 64, 2048>}, {pipeline_mode = #tpu.pipeline_mode<synchronous>, transform_indices = @transform_1, window_bounds = array<i64: 32, 64>}, {pipeline_mode = #tpu.pipeline_mode<synchronous>, transform_indices = @transform_2, window_bounds = array<i64: 32, 1>}, {pipeline_mode = #tpu.pipeline_mode<synchronous>, transform_indices = @transform_3, window_bounds = array<i64: 64, 32>}, {pipeline_mode = #tpu.pipeline_mode<synchronous>, transform_indices = @transform_4, window_bounds = array<i64: 64, 1>}, {transform_indices = @transform_5, window_bounds = array<i64: 64, 2048>}]} {
    %get3A = arith.constant 0 : index
    %get3A_0 = arith.constant 0 : index
    %get3A_1 = vector.load %arg1[%get3A, %get3A_0] : memref<64x2048xf32, #tpu.memory_space<vmem>>, vector<64x2048xf32>
    %get3A_2 = arith.constant 0 : index
    %get3A_3 = arith.constant 0 : index
    %get3A_4 = vector.load %arg2[%get3A_2, %get3A_3] : memref<32x64xf32, #tpu.memory_space<vmem>>, vector<32x64xf32>
    %dot_general3A = arith.constant dense<0.000000e+00> : vector<32x2048xf32>
    %dot_general3A_5 = tpu.matmul %get3A_4, %get3A_1, %dot_general3A {dimension_numbers = #tpu.dot_dimension_numbers<[1], [0], [0], [1], [0, 0, 1, 1], [], []>, transpose_lhs_hint = false} : vector<32x64xf32>, vector<64x2048xf32>, vector<32x2048xf32> -> vector<32x2048xf32>
    %get3A_6 = arith.constant 0 : index
    %get3A_7 = arith.constant 0 : index
    %get3A_8 = vector.load %arg3[%get3A_6, %get3A_7] : memref<32x1xf32, #tpu.memory_space<vmem>>, vector<32x1xf32>
    %add3A = vector.broadcast %get3A_8 : vector<32x1xf32> to vector<32x2048xf32>
    %add3A_9 = arith.addf %dot_general3A_5, %add3A : vector<32x2048xf32>
    %ge3A = arith.constant 0.000000e+00 : f32
    %ge3A_10 = vector.broadcast %ge3A : f32 to vector<32x2048xf32>
    %ge3A_11 = arith.cmpf oge, %add3A_9, %ge3A_10 : vector<32x2048xf32>
    %mul3A = arith.constant 0.00999999977 : f32
    %mul3A_12 = vector.broadcast %mul3A : f32 to vector<32x2048xf32>
    %mul3A_13 = arith.mulf %mul3A_12, %add3A_9 : vector<32x2048xf32>
    %select_n3A = arith.select %ge3A_11, %add3A_9, %mul3A_13 : vector<32x2048xi1>, vector<32x2048xf32>
    %get3A_14 = arith.constant 0 : index
    %get3A_15 = arith.constant 0 : index
    %get3A_16 = vector.load %arg4[%get3A_14, %get3A_15] : memref<64x32xf32, #tpu.memory_space<vmem>>, vector<64x32xf32>
    %dot_general3A_17 = arith.constant dense<0.000000e+00> : vector<64x2048xf32>
    %dot_general3A_18 = tpu.matmul %get3A_16, %select_n3A, %dot_general3A_17 {dimension_numbers = #tpu.dot_dimension_numbers<[1], [0], [0], [1], [0, 0, 1, 1], [], []>, transpose_lhs_hint = false} : vector<64x32xf32>, vector<32x2048xf32>, vector<64x2048xf32> -> vector<64x2048xf32>
    %get3A_19 = arith.constant 0 : index
    %get3A_20 = arith.constant 0 : index
    %get3A_21 = vector.load %arg5[%get3A_19, %get3A_20] : memref<64x1xf32, #tpu.memory_space<vmem>>, vector<64x1xf32>
    %add3A_22 = vector.broadcast %get3A_21 : vector<64x1xf32> to vector<64x2048xf32>
    %add3A_23 = arith.addf %dot_general3A_18, %add3A_22 : vector<64x2048xf32>
    %swap3A = arith.constant 0 : index
    %swap3A_24 = arith.constant 0 : index
    %swap3A_25 = vector.load %arg6[%swap3A, %swap3A_24] : memref<64x2048xf32, #tpu.memory_space<vmem>>, vector<64x2048xf32>
    tpu.vector_store %arg6[%swap3A, %swap3A_24], %add3A_23 {strides = array<i32>} : memref<64x2048xf32, #tpu.memory_space<vmem>>, vector<64x2048xf32>,
    return
  }
  func.func @transform_0(%arg0: i32) -> (i32, i32) {
    %c0_i32 = arith.constant 0 : i32
    %c0_i32_0 = arith.constant 0 : i32
    return %c0_i32, %arg0 : i32, i32
  }
  func.func @transform_1(%arg0: i32) -> (i32, i32) {
    %c0_i32 = arith.constant 0 : i32
    %c0_i32_0 = arith.constant 0 : i32
    %c0_i32_1 = arith.constant 0 : i32
    return %c0_i32, %c0_i32_0 : i32, i32
  }
  func.func @transform_2(%arg0: i32) -> (i32, i32) {
    %c0_i32 = arith.constant 0 : i32
    %c0_i32_0 = arith.constant 0 : i32
    %c0_i32_1 = arith.constant 0 : i32
    return %c0_i32, %c0_i32_0 : i32, i32
  }
  func.func @transform_3(%arg0: i32) -> (i32, i32) {
    %c0_i32 = arith.constant 0 : i32
    %c0_i32_0 = arith.constant 0 : i32
    %c0_i32_1 = arith.constant 0 : i32
    return %c0_i32, %c0_i32_0 : i32, i32
  }
  func.func @transform_4(%arg0: i32) -> (i32, i32) {
    %c0_i32 = arith.constant 0 : i32
    %c0_i32_0 = arith.constant 0 : i32
    %c0_i32_1 = arith.constant 0 : i32
    return %c0_i32, %c0_i32_0 : i32, i32
  }
  func.func @transform_5(%arg0: i32) -> (i32, i32) {
    %c0_i32 = arith.constant 0 : i32
    %c0_i32_0 = arith.constant 0 : i32
    return %c0_i32, %arg0 : i32, i32
  }
}

module attributes {stable_mosaic.version = 14 : i64} {
  func.func @body(%arg0: i32, %arg1: memref<64x1000000xf32, #tpu.memory_space<any>>, %arg2: memref<64x128xf32, #tpu.memory_space<vmem>>, %arg3: memref<128x128xi32, #tpu.memory_space<vmem>>, %arg4: memref<32x64xf32, #tpu.memory_space<vmem>>, %arg5: memref<32x1xf32, #tpu.memory_space<vmem>>, %arg6: memref<64x32xf32, #tpu.memory_space<vmem>>, %arg7: memref<64x1xf32, #tpu.memory_space<vmem>>, %arg8: memref<64x128xf32, #tpu.memory_space<vmem>>) attributes {dimension_semantics = [#tpu.dimension_semantics<arbitrary>], iteration_bounds = array<i64: 1>, scalar_prefetch = 0 : i64, scratch_operands = 0 : i64, tpu.core_type = #tpu.core_type<tc>, window_params = [{}, {transform_indices = @transform_1, window_bounds = array<i64: 64, 128>}, {pipeline_mode = #tpu.pipeline_mode<synchronous>, transform_indices = @transform_2, window_bounds = array<i64: 128, 128>}, {pipeline_mode = #tpu.pipeline_mode<synchronous>, transform_indices = @transform_3, window_bounds = array<i64: 32, 64>}, {pipeline_mode = #tpu.pipeline_mode<synchronous>, transform_indices = @transform_4, window_bounds = array<i64: 32, 1>}, {pipeline_mode = #tpu.pipeline_mode<synchronous>, transform_indices = @transform_5, window_bounds = array<i64: 64, 32>}, {pipeline_mode = #tpu.pipeline_mode<synchronous>, transform_indices = @transform_6, window_bounds = array<i64: 64, 1>}, {transform_indices = @transform_7, window_bounds = array<i64: 64, 128>}]} {
    %get3A = arith.constant 0 : index
    %get3A_0 = arith.constant 0 : index
    %get3A_1 = vector.load %arg2[%get3A, %get3A_0] : memref<64x128xf32, #tpu.memory_space<vmem>>, vector<64x128xf32>
    %get3A_2 = arith.constant 0 : index
    %get3A_3 = arith.constant 0 : index
    %get3A_4 = vector.load %arg4[%get3A_2, %get3A_3] : memref<32x64xf32, #tpu.memory_space<vmem>>, vector<32x64xf32>
    %dot_general3A = arith.constant dense<0.000000e+00> : vector<32x128xf32>
    %dot_general3A_5 = tpu.matmul %get3A_4, %get3A_1, %dot_general3A {dimension_numbers = #tpu.dot_dimension_numbers<[1], [0], [0], [1], [0, 0, 1, 1], [], []>, transpose_lhs_hint = false} : vector<32x64xf32>, vector<64x128xf32>, vector<32x128xf32> -> vector<32x128xf32>
    %get3A_6 = arith.constant 0 : index
    %get3A_7 = arith.constant 0 : index
    %get3A_8 = vector.load %arg5[%get3A_6, %get3A_7] : memref<32x1xf32, #tpu.memory_space<vmem>>, vector<32x1xf32>
    %add3A = vector.broadcast %get3A_8 : vector<32x1xf32> to vector<32x128xf32>
    %add3A_9 = arith.addf %dot_general3A_5, %add3A : vector<32x128xf32>
    %ge3A = arith.constant 0.000000e+00 : f32
    %ge3A_10 = vector.broadcast %ge3A : f32 to vector<32x128xf32>
    %ge3A_11 = arith.cmpf oge, %add3A_9, %ge3A_10 : vector<32x128xf32>
    %mul3A = arith.constant 0.00999999977 : f32
    %mul3A_12 = vector.broadcast %mul3A : f32 to vector<32x128xf32>
    %mul3A_13 = arith.mulf %mul3A_12, %add3A_9 : vector<32x128xf32>
    %select_n3A = arith.select %ge3A_11, %add3A_9, %mul3A_13 : vector<32x128xi1>, vector<32x128xf32>
    %get3A_14 = arith.constant 0 : index
    %get3A_15 = arith.constant 0 : index
    %get3A_16 = vector.load %arg6[%get3A_14, %get3A_15] : memref<64x32xf32, #tpu.memory_space<vmem>>, vector<64x32xf32>
    %dot_general3A_17 = arith.constant dense<0.000000e+00> : vector<64x128xf32>
    %dot_general3A_18 = tpu.matmul %get3A_16, %select_n3A, %dot_general3A_17 {dimension_numbers = #tpu.dot_dimension_numbers<[1], [0], [0], [1], [0, 0, 1, 1], [], []>, transpose_lhs_hint = false} : vector<64x32xf32>, vector<32x128xf32>, vector<64x128xf32> -> vector<64x128xf32>
    %get3A_19 = arith.constant 0 : index
    %get3A_20 = arith.constant 0 : index
    %get3A_21 = vector.load %arg7[%get3A_19, %get3A_20] : memref<64x1xf32, #tpu.memory_space<vmem>>, vector<64x1xf32>
    %add3A_22 = vector.broadcast %get3A_21 : vector<64x1xf32> to vector<64x128xf32>
    %add3A_23 = arith.addf %dot_general3A_18, %add3A_22 : vector<64x128xf32>
    %get3A_24 = arith.constant 0 : index
    %get3A_25 = arith.constant 0 : index
    %get3A_26 = vector.load %arg3[%get3A_24, %get3A_25] : memref<128x128xi32, #tpu.memory_space<vmem>>, vector<128x128xi32>
    %iota3A = tpu.iota {dimensions = array<i32: 1>} : vector<1x128xi32>
    %broadcast_in_dim3A = arith.constant 0.000000e+00 : f32
    %broadcast_in_dim3A_27 = vector.broadcast %broadcast_in_dim3A : f32 to vector<1x128xf32>
    %eq3A = arith.constant 999936 : i32
    %eq3A_28 = vector.broadcast %eq3A : i32 to vector<128x128xi32>
    %eq3A_29 = arith.cmpi eq, %get3A_26, %eq3A_28 : vector<128x128xi32>
    %reduce_or3A = arith.constant 1.000000e+00 : f32
    %reduce_or3A_30 = arith.constant 0.000000e+00 : f32
    %reduce_or3A_31 = vector.broadcast %reduce_or3A : f32 to vector<128x128xf32>
    %reduce_or3A_32 = vector.broadcast %reduce_or3A_30 : f32 to vector<128x128xf32>
    %reduce_or3A_33 = arith.select %eq3A_29, %reduce_or3A_31, %reduce_or3A_32 : vector<128x128xi1>, vector<128x128xf32>
    %reduce_or3A_34 = vector.shape_cast %reduce_or3A_33 : vector<128x128xf32> to vector<1x128x128xf32>
    %reduce_or3A_35 = arith.constant dense<0xFF800000> : vector<1xf32>
    %reduce_or3A_36 = vector.multi_reduction <maximumf>, %reduce_or3A_34, %reduce_or3A_35 [1, 2] : vector<1x128x128xf32> to vector<1xf32>
    %reduce_or3A_37 = vector.shape_cast %reduce_or3A_36 : vector<1xf32> to vector<1x1x1xf32>
    %reduce_or3A_38 = vector.extract %reduce_or3A_37[0, 0, 0] : f32 from vector<1x1x1xf32>
    %reduce_or3A_39 = arith.constant 0.000000e+00 : f32
    %reduce_or3A_40 = arith.cmpf ogt, %reduce_or3A_38, %reduce_or3A_39 : f32
    %jit3A = arith.constant 1.000000e+00 : f32
    %jit3A_41 = arith.constant 0.000000e+00 : f32
    %select_n3A_42 = arith.select %reduce_or3A_40, %jit3A, %jit3A_41 : f32
    %eq3A_43 = arith.constant 0 : i32
    %eq3A_44 = vector.broadcast %eq3A_43 : i32 to vector<1x128xi32>
    %eq3A_45 = arith.cmpi eq, %iota3A, %eq3A_44 : vector<1x128xi32>
    %broadcast_in_dim3A_46 = vector.broadcast %select_n3A_42 : f32 to vector<1x128xf32>
    %select_n3A_47 = arith.select %eq3A_45, %broadcast_in_dim3A_46, %broadcast_in_dim3A_27 : vector<1x128xi1>, vector<1x128xf32>
    %eq3A_48 = arith.constant 999937 : i32
    %eq3A_49 = vector.broadcast %eq3A_48 : i32 to vector<128x128xi32>
    %eq3A_50 = arith.cmpi eq, %get3A_26, %eq3A_49 : vector<128x128xi32>
    %reduce_or3A_51 = arith.constant 1.000000e+00 : f32
    %reduce_or3A_52 = arith.constant 0.000000e+00 : f32
    %reduce_or3A_53 = vector.broadcast %reduce_or3A_51 : f32 to vector<128x128xf32>
    %reduce_or3A_54 = vector.broadcast %reduce_or3A_52 : f32 to vector<128x128xf32>
    %reduce_or3A_55 = arith.select %eq3A_50, %reduce_or3A_53, %reduce_or3A_54 : vector<128x128xi1>, vector<128x128xf32>
    %reduce_or3A_56 = vector.shape_cast %reduce_or3A_55 : vector<128x128xf32> to vector<1x128x128xf32>
    %reduce_or3A_57 = arith.constant dense<0xFF800000> : vector<1xf32>
    %reduce_or3A_58 = vector.multi_reduction <maximumf>, %reduce_or3A_56, %reduce_or3A_57 [1, 2] : vector<1x128x128xf32> to vector<1xf32>
    %reduce_or3A_59 = vector.shape_cast %reduce_or3A_58 : vector<1xf32> to vector<1x1x1xf32>
    %reduce_or3A_60 = vector.extract %reduce_or3A_59[0, 0, 0] : f32 from vector<1x1x1xf32>
    %reduce_or3A_61 = arith.constant 0.000000e+00 : f32
    %reduce_or3A_62 = arith.cmpf ogt, %reduce_or3A_60, %reduce_or3A_61 : f32
    %jit3A_63 = arith.constant 1.000000e+00 : f32
    %jit3A_64 = arith.constant 0.000000e+00 : f32
    %select_n3A_65 = arith.select %reduce_or3A_62, %jit3A_63, %jit3A_64 : f32
    %eq3A_66 = arith.constant 1 : i32
    %eq3A_67 = vector.broadcast %eq3A_66 : i32 to vector<1x128xi32>
    %eq3A_68 = arith.cmpi eq, %iota3A, %eq3A_67 : vector<1x128xi32>
    %broadcast_in_dim3A_69 = vector.broadcast %select_n3A_65 : f32 to vector<1x128xf32>
    %select_n3A_70 = arith.select %eq3A_68, %broadcast_in_dim3A_69, %select_n3A_47 : vector<1x128xi1>, vector<1x128xf32>
    %eq3A_71 = arith.constant 999938 : i32
    %eq3A_72 = vector.broadcast %eq3A_71 : i32 to vector<128x128xi32>
    %eq3A_73 = arith.cmpi eq, %get3A_26, %eq3A_72 : vector<128x128xi32>
    %reduce_or3A_74 = arith.constant 1.000000e+00 : f32
    %reduce_or3A_75 = arith.constant 0.000000e+00 : f32
    %reduce_or3A_76 = vector.broadcast %reduce_or3A_74 : f32 to vector<128x128xf32>
    %reduce_or3A_77 = vector.broadcast %reduce_or3A_75 : f32 to vector<128x128xf32>
    %reduce_or3A_78 = arith.select %eq3A_73, %reduce_or3A_76, %reduce_or3A_77 : vector<128x128xi1>, vector<128x128xf32>
    %reduce_or3A_79 = vector.shape_cast %reduce_or3A_78 : vector<128x128xf32> to vector<1x128x128xf32>
    %reduce_or3A_80 = arith.constant dense<0xFF800000> : vector<1xf32>
    %reduce_or3A_81 = vector.multi_reduction <maximumf>, %reduce_or3A_79, %reduce_or3A_80 [1, 2] : vector<1x128x128xf32> to vector<1xf32>
    %reduce_or3A_82 = vector.shape_cast %reduce_or3A_81 : vector<1xf32> to vector<1x1x1xf32>
    %reduce_or3A_83 = vector.extract %reduce_or3A_82[0, 0, 0] : f32 from vector<1x1x1xf32>
    %reduce_or3A_84 = arith.constant 0.000000e+00 : f32
    %reduce_or3A_85 = arith.cmpf ogt, %reduce_or3A_83, %reduce_or3A_84 : f32
    %jit3A_86 = arith.constant 1.000000e+00 : f32
    %jit3A_87 = arith.constant 0.000000e+00 : f32
    %select_n3A_88 = arith.select %reduce_or3A_85, %jit3A_86, %jit3A_87 : f32
    %eq3A_89 = arith.constant 2 : i32
    %eq3A_90 = vector.broadcast %eq3A_89 : i32 to vector<1x128xi32>
    %eq3A_91 = arith.cmpi eq, %iota3A, %eq3A_90 : vector<1x128xi32>
    %broadcast_in_dim3A_92 = vector.broadcast %select_n3A_88 : f32 to vector<1x128xf32>
    %select_n3A_93 = arith.select %eq3A_91, %broadcast_in_dim3A_92, %select_n3A_70 : vector<1x128xi1>, vector<1x128xf32>
    %eq3A_94 = arith.constant 999939 : i32
    %eq3A_95 = vector.broadcast %eq3A_94 : i32 to vector<128x128xi32>
    %eq3A_96 = arith.cmpi eq, %get3A_26, %eq3A_95 : vector<128x128xi32>
    %reduce_or3A_97 = arith.constant 1.000000e+00 : f32
    %reduce_or3A_98 = arith.constant 0.000000e+00 : f32
    %reduce_or3A_99 = vector.broadcast %reduce_or3A_97 : f32 to vector<128x128xf32>
    %reduce_or3A_100 = vector.broadcast %reduce_or3A_98 : f32 to vector<128x128xf32>
    %reduce_or3A_101 = arith.select %eq3A_96, %reduce_or3A_99, %reduce_or3A_100 : vector<128x128xi1>, vector<128x128xf32>
    %reduce_or3A_102 = vector.shape_cast %reduce_or3A_101 : vector<128x128xf32> to vector<1x128x128xf32>
    %reduce_or3A_103 = arith.constant dense<0xFF800000> : vector<1xf32>
    %reduce_or3A_104 = vector.multi_reduction <maximumf>, %reduce_or3A_102, %reduce_or3A_103 [1, 2] : vector<1x128x128xf32> to vector<1xf32>
    %reduce_or3A_105 = vector.shape_cast %reduce_or3A_104 : vector<1xf32> to vector<1x1x1xf32>
    %reduce_or3A_106 = vector.extract %reduce_or3A_105[0, 0, 0] : f32 from vector<1x1x1xf32>
    %reduce_or3A_107 = arith.constant 0.000000e+00 : f32
    %reduce_or3A_108 = arith.cmpf ogt, %reduce_or3A_106, %reduce_or3A_107 : f32
    %jit3A_109 = arith.constant 1.000000e+00 : f32
    %jit3A_110 = arith.constant 0.000000e+00 : f32
    %select_n3A_111 = arith.select %reduce_or3A_108, %jit3A_109, %jit3A_110 : f32
    %eq3A_112 = arith.constant 3 : i32
    %eq3A_113 = vector.broadcast %eq3A_112 : i32 to vector<1x128xi32>
    %eq3A_114 = arith.cmpi eq, %iota3A, %eq3A_113 : vector<1x128xi32>
    %broadcast_in_dim3A_115 = vector.broadcast %select_n3A_111 : f32 to vector<1x128xf32>
    %select_n3A_116 = arith.select %eq3A_114, %broadcast_in_dim3A_115, %select_n3A_93 : vector<1x128xi1>, vector<1x128xf32>
    %eq3A_117 = arith.constant 999940 : i32
    %eq3A_118 = vector.broadcast %eq3A_117 : i32 to vector<128x128xi32>
    %eq3A_119 = arith.cmpi eq, %get3A_26, %eq3A_118 : vector<128x128xi32>
    %reduce_or3A_120 = arith.constant 1.000000e+00 : f32
    %reduce_or3A_121 = arith.constant 0.000000e+00 : f32
    %reduce_or3A_122 = vector.broadcast %reduce_or3A_120 : f32 to vector<128x128xf32>
    %reduce_or3A_123 = vector.broadcast %reduce_or3A_121 : f32 to vector<128x128xf32>
    %reduce_or3A_124 = arith.select %eq3A_119, %reduce_or3A_122, %reduce_or3A_123 : vector<128x128xi1>, vector<128x128xf32>
    %reduce_or3A_125 = vector.shape_cast %reduce_or3A_124 : vector<128x128xf32> to vector<1x128x128xf32>
    %reduce_or3A_126 = arith.constant dense<0xFF800000> : vector<1xf32>
    %reduce_or3A_127 = vector.multi_reduction <maximumf>, %reduce_or3A_125, %reduce_or3A_126 [1, 2] : vector<1x128x128xf32> to vector<1xf32>
    %reduce_or3A_128 = vector.shape_cast %reduce_or3A_127 : vector<1xf32> to vector<1x1x1xf32>
    %reduce_or3A_129 = vector.extract %reduce_or3A_128[0, 0, 0] : f32 from vector<1x1x1xf32>
    %reduce_or3A_130 = arith.constant 0.000000e+00 : f32
    %reduce_or3A_131 = arith.cmpf ogt, %reduce_or3A_129, %reduce_or3A_130 : f32
    %jit3A_132 = arith.constant 1.000000e+00 : f32
    %jit3A_133 = arith.constant 0.000000e+00 : f32
    %select_n3A_134 = arith.select %reduce_or3A_131, %jit3A_132, %jit3A_133 : f32
    %eq3A_135 = arith.constant 4 : i32
    %eq3A_136 = vector.broadcast %eq3A_135 : i32 to vector<1x128xi32>
    %eq3A_137 = arith.cmpi eq, %iota3A, %eq3A_136 : vector<1x128xi32>
    %broadcast_in_dim3A_138 = vector.broadcast %select_n3A_134 : f32 to vector<1x128xf32>
    %select_n3A_139 = arith.select %eq3A_137, %broadcast_in_dim3A_138, %select_n3A_116 : vector<1x128xi1>, vector<1x128xf32>
    %eq3A_140 = arith.constant 999941 : i32
    %eq3A_141 = vector.broadcast %eq3A_140 : i32 to vector<128x128xi32>
    %eq3A_142 = arith.cmpi eq, %get3A_26, %eq3A_141 : vector<128x128xi32>
    %reduce_or3A_143 = arith.constant 1.000000e+00 : f32
    %reduce_or3A_144 = arith.constant 0.000000e+00 : f32
    %reduce_or3A_145 = vector.broadcast %reduce_or3A_143 : f32 to vector<128x128xf32>
    %reduce_or3A_146 = vector.broadcast %reduce_or3A_144 : f32 to vector<128x128xf32>
    %reduce_or3A_147 = arith.select %eq3A_142, %reduce_or3A_145, %reduce_or3A_146 : vector<128x128xi1>, vector<128x128xf32>
    %reduce_or3A_148 = vector.shape_cast %reduce_or3A_147 : vector<128x128xf32> to vector<1x128x128xf32>
    %reduce_or3A_149 = arith.constant dense<0xFF800000> : vector<1xf32>
    %reduce_or3A_150 = vector.multi_reduction <maximumf>, %reduce_or3A_148, %reduce_or3A_149 [1, 2] : vector<1x128x128xf32> to vector<1xf32>
    %reduce_or3A_151 = vector.shape_cast %reduce_or3A_150 : vector<1xf32> to vector<1x1x1xf32>
    %reduce_or3A_152 = vector.extract %reduce_or3A_151[0, 0, 0] : f32 from vector<1x1x1xf32>
    %reduce_or3A_153 = arith.constant 0.000000e+00 : f32
    %reduce_or3A_154 = arith.cmpf ogt, %reduce_or3A_152, %reduce_or3A_153 : f32
    %jit3A_155 = arith.constant 1.000000e+00 : f32
    %jit3A_156 = arith.constant 0.000000e+00 : f32
    %select_n3A_157 = arith.select %reduce_or3A_154, %jit3A_155, %jit3A_156 : f32
    %eq3A_158 = arith.constant 5 : i32
    %eq3A_159 = vector.broadcast %eq3A_158 : i32 to vector<1x128xi32>
    %eq3A_160 = arith.cmpi eq, %iota3A, %eq3A_159 : vector<1x128xi32>
    %broadcast_in_dim3A_161 = vector.broadcast %select_n3A_157 : f32 to vector<1x128xf32>
    %select_n3A_162 = arith.select %eq3A_160, %broadcast_in_dim3A_161, %select_n3A_139 : vector<1x128xi1>, vector<1x128xf32>
    %eq3A_163 = arith.constant 999942 : i32
    %eq3A_164 = vector.broadcast %eq3A_163 : i32 to vector<128x128xi32>
    %eq3A_165 = arith.cmpi eq, %get3A_26, %eq3A_164 : vector<128x128xi32>
    %reduce_or3A_166 = arith.constant 1.000000e+00 : f32
    %reduce_or3A_167 = arith.constant 0.000000e+00 : f32
    %reduce_or3A_168 = vector.broadcast %reduce_or3A_166 : f32 to vector<128x128xf32>
    %reduce_or3A_169 = vector.broadcast %reduce_or3A_167 : f32 to vector<128x128xf32>
    %reduce_or3A_170 = arith.select %eq3A_165, %reduce_or3A_168, %reduce_or3A_169 : vector<128x128xi1>, vector<128x128xf32>
    %reduce_or3A_171 = vector.shape_cast %reduce_or3A_170 : vector<128x128xf32> to vector<1x128x128xf32>
    %reduce_or3A_172 = arith.constant dense<0xFF800000> : vector<1xf32>
    %reduce_or3A_173 = vector.multi_reduction <maximumf>, %reduce_or3A_171, %reduce_or3A_172 [1, 2] : vector<1x128x128xf32> to vector<1xf32>
    %reduce_or3A_174 = vector.shape_cast %reduce_or3A_173 : vector<1xf32> to vector<1x1x1xf32>
    %reduce_or3A_175 = vector.extract %reduce_or3A_174[0, 0, 0] : f32 from vector<1x1x1xf32>
    %reduce_or3A_176 = arith.constant 0.000000e+00 : f32
    %reduce_or3A_177 = arith.cmpf ogt, %reduce_or3A_175, %reduce_or3A_176 : f32
    %jit3A_178 = arith.constant 1.000000e+00 : f32
    %jit3A_179 = arith.constant 0.000000e+00 : f32
    %select_n3A_180 = arith.select %reduce_or3A_177, %jit3A_178, %jit3A_179 : f32
    %eq3A_181 = arith.constant 6 : i32
    %eq3A_182 = vector.broadcast %eq3A_181 : i32 to vector<1x128xi32>
    %eq3A_183 = arith.cmpi eq, %iota3A, %eq3A_182 : vector<1x128xi32>
    %broadcast_in_dim3A_184 = vector.broadcast %select_n3A_180 : f32 to vector<1x128xf32>
    %select_n3A_185 = arith.select %eq3A_183, %broadcast_in_dim3A_184, %select_n3A_162 : vector<1x128xi1>, vector<1x128xf32>
    %eq3A_186 = arith.constant 999943 : i32
    %eq3A_187 = vector.broadcast %eq3A_186 : i32 to vector<128x128xi32>
    %eq3A_188 = arith.cmpi eq, %get3A_26, %eq3A_187 : vector<128x128xi32>
    %reduce_or3A_189 = arith.constant 1.000000e+00 : f32
    %reduce_or3A_190 = arith.constant 0.000000e+00 : f32
    %reduce_or3A_191 = vector.broadcast %reduce_or3A_189 : f32 to vector<128x128xf32>
    %reduce_or3A_192 = vector.broadcast %reduce_or3A_190 : f32 to vector<128x128xf32>
    %reduce_or3A_193 = arith.select %eq3A_188, %reduce_or3A_191, %reduce_or3A_192 : vector<128x128xi1>, vector<128x128xf32>
    %reduce_or3A_194 = vector.shape_cast %reduce_or3A_193 : vector<128x128xf32> to vector<1x128x128xf32>
    %reduce_or3A_195 = arith.constant dense<0xFF800000> : vector<1xf32>
    %reduce_or3A_196 = vector.multi_reduction <maximumf>, %reduce_or3A_194, %reduce_or3A_195 [1, 2] : vector<1x128x128xf32> to vector<1xf32>
    %reduce_or3A_197 = vector.shape_cast %reduce_or3A_196 : vector<1xf32> to vector<1x1x1xf32>
    %reduce_or3A_198 = vector.extract %reduce_or3A_197[0, 0, 0] : f32 from vector<1x1x1xf32>
    %reduce_or3A_199 = arith.constant 0.000000e+00 : f32
    %reduce_or3A_200 = arith.cmpf ogt, %reduce_or3A_198, %reduce_or3A_199 : f32
    %jit3A_201 = arith.constant 1.000000e+00 : f32
    %jit3A_202 = arith.constant 0.000000e+00 : f32
    %select_n3A_203 = arith.select %reduce_or3A_200, %jit3A_201, %jit3A_202 : f32
    %eq3A_204 = arith.constant 7 : i32
    %eq3A_205 = vector.broadcast %eq3A_204 : i32 to vector<1x128xi32>
    %eq3A_206 = arith.cmpi eq, %iota3A, %eq3A_205 : vector<1x128xi32>
    %broadcast_in_dim3A_207 = vector.broadcast %select_n3A_203 : f32 to vector<1x128xf32>
    %select_n3A_208 = arith.select %eq3A_206, %broadcast_in_dim3A_207, %select_n3A_185 : vector<1x128xi1>, vector<1x128xf32>
    %eq3A_209 = arith.constant 999944 : i32
    %eq3A_210 = vector.broadcast %eq3A_209 : i32 to vector<128x128xi32>
    %eq3A_211 = arith.cmpi eq, %get3A_26, %eq3A_210 : vector<128x128xi32>
    %reduce_or3A_212 = arith.constant 1.000000e+00 : f32
    %reduce_or3A_213 = arith.constant 0.000000e+00 : f32
    %reduce_or3A_214 = vector.broadcast %reduce_or3A_212 : f32 to vector<128x128xf32>
    %reduce_or3A_215 = vector.broadcast %reduce_or3A_213 : f32 to vector<128x128xf32>
    %reduce_or3A_216 = arith.select %eq3A_211, %reduce_or3A_214, %reduce_or3A_215 : vector<128x128xi1>, vector<128x128xf32>
    %reduce_or3A_217 = vector.shape_cast %reduce_or3A_216 : vector<128x128xf32> to vector<1x128x128xf32>
    %reduce_or3A_218 = arith.constant dense<0xFF800000> : vector<1xf32>
    %reduce_or3A_219 = vector.multi_reduction <maximumf>, %reduce_or3A_217, %reduce_or3A_218 [1, 2] : vector<1x128x128xf32> to vector<1xf32>
    %reduce_or3A_220 = vector.shape_cast %reduce_or3A_219 : vector<1xf32> to vector<1x1x1xf32>
    %reduce_or3A_221 = vector.extract %reduce_or3A_220[0, 0, 0] : f32 from vector<1x1x1xf32>
    %reduce_or3A_222 = arith.constant 0.000000e+00 : f32
    %reduce_or3A_223 = arith.cmpf ogt, %reduce_or3A_221, %reduce_or3A_222 : f32
    %jit3A_224 = arith.constant 1.000000e+00 : f32
    %jit3A_225 = arith.constant 0.000000e+00 : f32
    %select_n3A_226 = arith.select %reduce_or3A_223, %jit3A_224, %jit3A_225 : f32
    %eq3A_227 = arith.constant 8 : i32
    %eq3A_228 = vector.broadcast %eq3A_227 : i32 to vector<1x128xi32>
    %eq3A_229 = arith.cmpi eq, %iota3A, %eq3A_228 : vector<1x128xi32>
    %broadcast_in_dim3A_230 = vector.broadcast %select_n3A_226 : f32 to vector<1x128xf32>
    %select_n3A_231 = arith.select %eq3A_229, %broadcast_in_dim3A_230, %select_n3A_208 : vector<1x128xi1>, vector<1x128xf32>
    %eq3A_232 = arith.constant 999945 : i32
    %eq3A_233 = vector.broadcast %eq3A_232 : i32 to vector<128x128xi32>
    %eq3A_234 = arith.cmpi eq, %get3A_26, %eq3A_233 : vector<128x128xi32>
    %reduce_or3A_235 = arith.constant 1.000000e+00 : f32
    %reduce_or3A_236 = arith.constant 0.000000e+00 : f32
    %reduce_or3A_237 = vector.broadcast %reduce_or3A_235 : f32 to vector<128x128xf32>
    %reduce_or3A_238 = vector.broadcast %reduce_or3A_236 : f32 to vector<128x128xf32>
    %reduce_or3A_239 = arith.select %eq3A_234, %reduce_or3A_237, %reduce_or3A_238 : vector<128x128xi1>, vector<128x128xf32>
    %reduce_or3A_240 = vector.shape_cast %reduce_or3A_239 : vector<128x128xf32> to vector<1x128x128xf32>
    %reduce_or3A_241 = arith.constant dense<0xFF800000> : vector<1xf32>
    %reduce_or3A_242 = vector.multi_reduction <maximumf>, %reduce_or3A_240, %reduce_or3A_241 [1, 2] : vector<1x128x128xf32> to vector<1xf32>
    %reduce_or3A_243 = vector.shape_cast %reduce_or3A_242 : vector<1xf32> to vector<1x1x1xf32>
    %reduce_or3A_244 = vector.extract %reduce_or3A_243[0, 0, 0] : f32 from vector<1x1x1xf32>
    %reduce_or3A_245 = arith.constant 0.000000e+00 : f32
    %reduce_or3A_246 = arith.cmpf ogt, %reduce_or3A_244, %reduce_or3A_245 : f32
    %jit3A_247 = arith.constant 1.000000e+00 : f32
    %jit3A_248 = arith.constant 0.000000e+00 : f32
    %select_n3A_249 = arith.select %reduce_or3A_246, %jit3A_247, %jit3A_248 : f32
    %eq3A_250 = arith.constant 9 : i32
    %eq3A_251 = vector.broadcast %eq3A_250 : i32 to vector<1x128xi32>
    %eq3A_252 = arith.cmpi eq, %iota3A, %eq3A_251 : vector<1x128xi32>
    %broadcast_in_dim3A_253 = vector.broadcast %select_n3A_249 : f32 to vector<1x128xf32>
    %select_n3A_254 = arith.select %eq3A_252, %broadcast_in_dim3A_253, %select_n3A_231 : vector<1x128xi1>, vector<1x128xf32>
    %eq3A_255 = arith.constant 999946 : i32
    %eq3A_256 = vector.broadcast %eq3A_255 : i32 to vector<128x128xi32>
    %eq3A_257 = arith.cmpi eq, %get3A_26, %eq3A_256 : vector<128x128xi32>
    %reduce_or3A_258 = arith.constant 1.000000e+00 : f32
    %reduce_or3A_259 = arith.constant 0.000000e+00 : f32
    %reduce_or3A_260 = vector.broadcast %reduce_or3A_258 : f32 to vector<128x128xf32>
    %reduce_or3A_261 = vector.broadcast %reduce_or3A_259 : f32 to vector<128x128xf32>
    %reduce_or3A_262 = arith.select %eq3A_257, %reduce_or3A_260, %reduce_or3A_261 : vector<128x128xi1>, vector<128x128xf32>
    %reduce_or3A_263 = vector.shape_cast %reduce_or3A_262 : vector<128x128xf32> to vector<1x128x128xf32>
    %reduce_or3A_264 = arith.constant dense<0xFF800000> : vector<1xf32>
    %reduce_or3A_265 = vector.multi_reduction <maximumf>, %reduce_or3A_263, %reduce_or3A_264 [1, 2] : vector<1x128x128xf32> to vector<1xf32>
    %reduce_or3A_266 = vector.shape_cast %reduce_or3A_265 : vector<1xf32> to vector<1x1x1xf32>
    %reduce_or3A_267 = vector.extract %reduce_or3A_266[0, 0, 0] : f32 from vector<1x1x1xf32>
    %reduce_or3A_268 = arith.constant 0.000000e+00 : f32
    %reduce_or3A_269 = arith.cmpf ogt, %reduce_or3A_267, %reduce_or3A_268 : f32
    %jit3A_270 = arith.constant 1.000000e+00 : f32
    %jit3A_271 = arith.constant 0.000000e+00 : f32
    %select_n3A_272 = arith.select %reduce_or3A_269, %jit3A_270, %jit3A_271 : f32
    %eq3A_273 = arith.constant 10 : i32
    %eq3A_274 = vector.broadcast %eq3A_273 : i32 to vector<1x128xi32>
    %eq3A_275 = arith.cmpi eq, %iota3A, %eq3A_274 : vector<1x128xi32>
    %broadcast_in_dim3A_276 = vector.broadcast %select_n3A_272 : f32 to vector<1x128xf32>
    %select_n3A_277 = arith.select %eq3A_275, %broadcast_in_dim3A_276, %select_n3A_254 : vector<1x128xi1>, vector<1x128xf32>
    %eq3A_278 = arith.constant 999947 : i32
    %eq3A_279 = vector.broadcast %eq3A_278 : i32 to vector<128x128xi32>
    %eq3A_280 = arith.cmpi eq, %get3A_26, %eq3A_279 : vector<128x128xi32>
    %reduce_or3A_281 = arith.constant 1.000000e+00 : f32
    %reduce_or3A_282 = arith.constant 0.000000e+00 : f32
    %reduce_or3A_283 = vector.broadcast %reduce_or3A_281 : f32 to vector<128x128xf32>
    %reduce_or3A_284 = vector.broadcast %reduce_or3A_282 : f32 to vector<128x128xf32>
    %reduce_or3A_285 = arith.select %eq3A_280, %reduce_or3A_283, %reduce_or3A_284 : vector<128x128xi1>, vector<128x128xf32>
    %reduce_or3A_286 = vector.shape_cast %reduce_or3A_285 : vector<128x128xf32> to vector<1x128x128xf32>
    %reduce_or3A_287 = arith.constant dense<0xFF800000> : vector<1xf32>
    %reduce_or3A_288 = vector.multi_reduction <maximumf>, %reduce_or3A_286, %reduce_or3A_287 [1, 2] : vector<1x128x128xf32> to vector<1xf32>
    %reduce_or3A_289 = vector.shape_cast %reduce_or3A_288 : vector<1xf32> to vector<1x1x1xf32>
    %reduce_or3A_290 = vector.extract %reduce_or3A_289[0, 0, 0] : f32 from vector<1x1x1xf32>
    %reduce_or3A_291 = arith.constant 0.000000e+00 : f32
    %reduce_or3A_292 = arith.cmpf ogt, %reduce_or3A_290, %reduce_or3A_291 : f32
    %jit3A_293 = arith.constant 1.000000e+00 : f32
    %jit3A_294 = arith.constant 0.000000e+00 : f32
    %select_n3A_295 = arith.select %reduce_or3A_292, %jit3A_293, %jit3A_294 : f32
    %eq3A_296 = arith.constant 11 : i32
    %eq3A_297 = vector.broadcast %eq3A_296 : i32 to vector<1x128xi32>
    %eq3A_298 = arith.cmpi eq, %iota3A, %eq3A_297 : vector<1x128xi32>
    %broadcast_in_dim3A_299 = vector.broadcast %select_n3A_295 : f32 to vector<1x128xf32>
    %select_n3A_300 = arith.select %eq3A_298, %broadcast_in_dim3A_299, %select_n3A_277 : vector<1x128xi1>, vector<1x128xf32>
    %eq3A_301 = arith.constant 999948 : i32
    %eq3A_302 = vector.broadcast %eq3A_301 : i32 to vector<128x128xi32>
    %eq3A_303 = arith.cmpi eq, %get3A_26, %eq3A_302 : vector<128x128xi32>
    %reduce_or3A_304 = arith.constant 1.000000e+00 : f32
    %reduce_or3A_305 = arith.constant 0.000000e+00 : f32
    %reduce_or3A_306 = vector.broadcast %reduce_or3A_304 : f32 to vector<128x128xf32>
    %reduce_or3A_307 = vector.broadcast %reduce_or3A_305 : f32 to vector<128x128xf32>
    %reduce_or3A_308 = arith.select %eq3A_303, %reduce_or3A_306, %reduce_or3A_307 : vector<128x128xi1>, vector<128x128xf32>
    %reduce_or3A_309 = vector.shape_cast %reduce_or3A_308 : vector<128x128xf32> to vector<1x128x128xf32>
    %reduce_or3A_310 = arith.constant dense<0xFF800000> : vector<1xf32>
    %reduce_or3A_311 = vector.multi_reduction <maximumf>, %reduce_or3A_309, %reduce_or3A_310 [1, 2] : vector<1x128x128xf32> to vector<1xf32>
    %reduce_or3A_312 = vector.shape_cast %reduce_or3A_311 : vector<1xf32> to vector<1x1x1xf32>
    %reduce_or3A_313 = vector.extract %reduce_or3A_312[0, 0, 0] : f32 from vector<1x1x1xf32>
    %reduce_or3A_314 = arith.constant 0.000000e+00 : f32
    %reduce_or3A_315 = arith.cmpf ogt, %reduce_or3A_313, %reduce_or3A_314 : f32
    %jit3A_316 = arith.constant 1.000000e+00 : f32
    %jit3A_317 = arith.constant 0.000000e+00 : f32
    %select_n3A_318 = arith.select %reduce_or3A_315, %jit3A_316, %jit3A_317 : f32
    %eq3A_319 = arith.constant 12 : i32
    %eq3A_320 = vector.broadcast %eq3A_319 : i32 to vector<1x128xi32>
    %eq3A_321 = arith.cmpi eq, %iota3A, %eq3A_320 : vector<1x128xi32>
    %broadcast_in_dim3A_322 = vector.broadcast %select_n3A_318 : f32 to vector<1x128xf32>
    %select_n3A_323 = arith.select %eq3A_321, %broadcast_in_dim3A_322, %select_n3A_300 : vector<1x128xi1>, vector<1x128xf32>
    %eq3A_324 = arith.constant 999949 : i32
    %eq3A_325 = vector.broadcast %eq3A_324 : i32 to vector<128x128xi32>
    %eq3A_326 = arith.cmpi eq, %get3A_26, %eq3A_325 : vector<128x128xi32>
    %reduce_or3A_327 = arith.constant 1.000000e+00 : f32
    %reduce_or3A_328 = arith.constant 0.000000e+00 : f32
    %reduce_or3A_329 = vector.broadcast %reduce_or3A_327 : f32 to vector<128x128xf32>
    %reduce_or3A_330 = vector.broadcast %reduce_or3A_328 : f32 to vector<128x128xf32>
    %reduce_or3A_331 = arith.select %eq3A_326, %reduce_or3A_329, %reduce_or3A_330 : vector<128x128xi1>, vector<128x128xf32>
    %reduce_or3A_332 = vector.shape_cast %reduce_or3A_331 : vector<128x128xf32> to vector<1x128x128xf32>
    %reduce_or3A_333 = arith.constant dense<0xFF800000> : vector<1xf32>
    %reduce_or3A_334 = vector.multi_reduction <maximumf>, %reduce_or3A_332, %reduce_or3A_333 [1, 2] : vector<1x128x128xf32> to vector<1xf32>
    %reduce_or3A_335 = vector.shape_cast %reduce_or3A_334 : vector<1xf32> to vector<1x1x1xf32>
    %reduce_or3A_336 = vector.extract %reduce_or3A_335[0, 0, 0] : f32 from vector<1x1x1xf32>
    %reduce_or3A_337 = arith.constant 0.000000e+00 : f32
    %reduce_or3A_338 = arith.cmpf ogt, %reduce_or3A_336, %reduce_or3A_337 : f32
    %jit3A_339 = arith.constant 1.000000e+00 : f32
    %jit3A_340 = arith.constant 0.000000e+00 : f32
    %select_n3A_341 = arith.select %reduce_or3A_338, %jit3A_339, %jit3A_340 : f32
    %eq3A_342 = arith.constant 13 : i32
    %eq3A_343 = vector.broadcast %eq3A_342 : i32 to vector<1x128xi32>
    %eq3A_344 = arith.cmpi eq, %iota3A, %eq3A_343 : vector<1x128xi32>
    %broadcast_in_dim3A_345 = vector.broadcast %select_n3A_341 : f32 to vector<1x128xf32>
    %select_n3A_346 = arith.select %eq3A_344, %broadcast_in_dim3A_345, %select_n3A_323 : vector<1x128xi1>, vector<1x128xf32>
    %eq3A_347 = arith.constant 999950 : i32
    %eq3A_348 = vector.broadcast %eq3A_347 : i32 to vector<128x128xi32>
    %eq3A_349 = arith.cmpi eq, %get3A_26, %eq3A_348 : vector<128x128xi32>
    %reduce_or3A_350 = arith.constant 1.000000e+00 : f32
    %reduce_or3A_351 = arith.constant 0.000000e+00 : f32
    %reduce_or3A_352 = vector.broadcast %reduce_or3A_350 : f32 to vector<128x128xf32>
    %reduce_or3A_353 = vector.broadcast %reduce_or3A_351 : f32 to vector<128x128xf32>
    %reduce_or3A_354 = arith.select %eq3A_349, %reduce_or3A_352, %reduce_or3A_353 : vector<128x128xi1>, vector<128x128xf32>
    %reduce_or3A_355 = vector.shape_cast %reduce_or3A_354 : vector<128x128xf32> to vector<1x128x128xf32>
    %reduce_or3A_356 = arith.constant dense<0xFF800000> : vector<1xf32>
    %reduce_or3A_357 = vector.multi_reduction <maximumf>, %reduce_or3A_355, %reduce_or3A_356 [1, 2] : vector<1x128x128xf32> to vector<1xf32>
    %reduce_or3A_358 = vector.shape_cast %reduce_or3A_357 : vector<1xf32> to vector<1x1x1xf32>
    %reduce_or3A_359 = vector.extract %reduce_or3A_358[0, 0, 0] : f32 from vector<1x1x1xf32>
    %reduce_or3A_360 = arith.constant 0.000000e+00 : f32
    %reduce_or3A_361 = arith.cmpf ogt, %reduce_or3A_359, %reduce_or3A_360 : f32
    %jit3A_362 = arith.constant 1.000000e+00 : f32
    %jit3A_363 = arith.constant 0.000000e+00 : f32
    %select_n3A_364 = arith.select %reduce_or3A_361, %jit3A_362, %jit3A_363 : f32
    %eq3A_365 = arith.constant 14 : i32
    %eq3A_366 = vector.broadcast %eq3A_365 : i32 to vector<1x128xi32>
    %eq3A_367 = arith.cmpi eq, %iota3A, %eq3A_366 : vector<1x128xi32>
    %broadcast_in_dim3A_368 = vector.broadcast %select_n3A_364 : f32 to vector<1x128xf32>
    %select_n3A_369 = arith.select %eq3A_367, %broadcast_in_dim3A_368, %select_n3A_346 : vector<1x128xi1>, vector<1x128xf32>
    %eq3A_370 = arith.constant 999951 : i32
    %eq3A_371 = vector.broadcast %eq3A_370 : i32 to vector<128x128xi32>
    %eq3A_372 = arith.cmpi eq, %get3A_26, %eq3A_371 : vector<128x128xi32>
    %reduce_or3A_373 = arith.constant 1.000000e+00 : f32
    %reduce_or3A_374 = arith.constant 0.000000e+00 : f32
    %reduce_or3A_375 = vector.broadcast %reduce_or3A_373 : f32 to vector<128x128xf32>
    %reduce_or3A_376 = vector.broadcast %reduce_or3A_374 : f32 to vector<128x128xf32>
    %reduce_or3A_377 = arith.select %eq3A_372, %reduce_or3A_375, %reduce_or3A_376 : vector<128x128xi1>, vector<128x128xf32>
    %reduce_or3A_378 = vector.shape_cast %reduce_or3A_377 : vector<128x128xf32> to vector<1x128x128xf32>
    %reduce_or3A_379 = arith.constant dense<0xFF800000> : vector<1xf32>
    %reduce_or3A_380 = vector.multi_reduction <maximumf>, %reduce_or3A_378, %reduce_or3A_379 [1, 2] : vector<1x128x128xf32> to vector<1xf32>
    %reduce_or3A_381 = vector.shape_cast %reduce_or3A_380 : vector<1xf32> to vector<1x1x1xf32>
    %reduce_or3A_382 = vector.extract %reduce_or3A_381[0, 0, 0] : f32 from vector<1x1x1xf32>
    %reduce_or3A_383 = arith.constant 0.000000e+00 : f32
    %reduce_or3A_384 = arith.cmpf ogt, %reduce_or3A_382, %reduce_or3A_383 : f32
    %jit3A_385 = arith.constant 1.000000e+00 : f32
    %jit3A_386 = arith.constant 0.000000e+00 : f32
    %select_n3A_387 = arith.select %reduce_or3A_384, %jit3A_385, %jit3A_386 : f32
    %eq3A_388 = arith.constant 15 : i32
    %eq3A_389 = vector.broadcast %eq3A_388 : i32 to vector<1x128xi32>
    %eq3A_390 = arith.cmpi eq, %iota3A, %eq3A_389 : vector<1x128xi32>
    %broadcast_in_dim3A_391 = vector.broadcast %select_n3A_387 : f32 to vector<1x128xf32>
    %select_n3A_392 = arith.select %eq3A_390, %broadcast_in_dim3A_391, %select_n3A_369 : vector<1x128xi1>, vector<1x128xf32>
    %eq3A_393 = arith.constant 999952 : i32
    %eq3A_394 = vector.broadcast %eq3A_393 : i32 to vector<128x128xi32>
    %eq3A_395 = arith.cmpi eq, %get3A_26, %eq3A_394 : vector<128x128xi32>
    %reduce_or3A_396 = arith.constant 1.000000e+00 : f32
    %reduce_or3A_397 = arith.constant 0.000000e+00 : f32
    %reduce_or3A_398 = vector.broadcast %reduce_or3A_396 : f32 to vector<128x128xf32>
    %reduce_or3A_399 = vector.broadcast %reduce_or3A_397 : f32 to vector<128x128xf32>
    %reduce_or3A_400 = arith.select %eq3A_395, %reduce_or3A_398, %reduce_or3A_399 : vector<128x128xi1>, vector<128x128xf32>
    %reduce_or3A_401 = vector.shape_cast %reduce_or3A_400 : vector<128x128xf32> to vector<1x128x128xf32>
    %reduce_or3A_402 = arith.constant dense<0xFF800000> : vector<1xf32>
    %reduce_or3A_403 = vector.multi_reduction <maximumf>, %reduce_or3A_401, %reduce_or3A_402 [1, 2] : vector<1x128x128xf32> to vector<1xf32>
    %reduce_or3A_404 = vector.shape_cast %reduce_or3A_403 : vector<1xf32> to vector<1x1x1xf32>
    %reduce_or3A_405 = vector.extract %reduce_or3A_404[0, 0, 0] : f32 from vector<1x1x1xf32>
    %reduce_or3A_406 = arith.constant 0.000000e+00 : f32
    %reduce_or3A_407 = arith.cmpf ogt, %reduce_or3A_405, %reduce_or3A_406 : f32
    %jit3A_408 = arith.constant 1.000000e+00 : f32
    %jit3A_409 = arith.constant 0.000000e+00 : f32
    %select_n3A_410 = arith.select %reduce_or3A_407, %jit3A_408, %jit3A_409 : f32
    %eq3A_411 = arith.constant 16 : i32
    %eq3A_412 = vector.broadcast %eq3A_411 : i32 to vector<1x128xi32>
    %eq3A_413 = arith.cmpi eq, %iota3A, %eq3A_412 : vector<1x128xi32>
    %broadcast_in_dim3A_414 = vector.broadcast %select_n3A_410 : f32 to vector<1x128xf32>
    %select_n3A_415 = arith.select %eq3A_413, %broadcast_in_dim3A_414, %select_n3A_392 : vector<1x128xi1>, vector<1x128xf32>
    %eq3A_416 = arith.constant 999953 : i32
    %eq3A_417 = vector.broadcast %eq3A_416 : i32 to vector<128x128xi32>
    %eq3A_418 = arith.cmpi eq, %get3A_26, %eq3A_417 : vector<128x128xi32>
    %reduce_or3A_419 = arith.constant 1.000000e+00 : f32
    %reduce_or3A_420 = arith.constant 0.000000e+00 : f32
    %reduce_or3A_421 = vector.broadcast %reduce_or3A_419 : f32 to vector<128x128xf32>
    %reduce_or3A_422 = vector.broadcast %reduce_or3A_420 : f32 to vector<128x128xf32>
    %reduce_or3A_423 = arith.select %eq3A_418, %reduce_or3A_421, %reduce_or3A_422 : vector<128x128xi1>, vector<128x128xf32>
    %reduce_or3A_424 = vector.shape_cast %reduce_or3A_423 : vector<128x128xf32> to vector<1x128x128xf32>
    %reduce_or3A_425 = arith.constant dense<0xFF800000> : vector<1xf32>
    %reduce_or3A_426 = vector.multi_reduction <maximumf>, %reduce_or3A_424, %reduce_or3A_425 [1, 2] : vector<1x128x128xf32> to vector<1xf32>
    %reduce_or3A_427 = vector.shape_cast %reduce_or3A_426 : vector<1xf32> to vector<1x1x1xf32>
    %reduce_or3A_428 = vector.extract %reduce_or3A_427[0, 0, 0] : f32 from vector<1x1x1xf32>
    %reduce_or3A_429 = arith.constant 0.000000e+00 : f32
    %reduce_or3A_430 = arith.cmpf ogt, %reduce_or3A_428, %reduce_or3A_429 : f32
    %jit3A_431 = arith.constant 1.000000e+00 : f32
    %jit3A_432 = arith.constant 0.000000e+00 : f32
    %select_n3A_433 = arith.select %reduce_or3A_430, %jit3A_431, %jit3A_432 : f32
    %eq3A_434 = arith.constant 17 : i32
    %eq3A_435 = vector.broadcast %eq3A_434 : i32 to vector<1x128xi32>
    %eq3A_436 = arith.cmpi eq, %iota3A, %eq3A_435 : vector<1x128xi32>
    %broadcast_in_dim3A_437 = vector.broadcast %select_n3A_433 : f32 to vector<1x128xf32>
    %select_n3A_438 = arith.select %eq3A_436, %broadcast_in_dim3A_437, %select_n3A_415 : vector<1x128xi1>, vector<1x128xf32>
    %eq3A_439 = arith.constant 999954 : i32
    %eq3A_440 = vector.broadcast %eq3A_439 : i32 to vector<128x128xi32>
    %eq3A_441 = arith.cmpi eq, %get3A_26, %eq3A_440 : vector<128x128xi32>
    %reduce_or3A_442 = arith.constant 1.000000e+00 : f32
    %reduce_or3A_443 = arith.constant 0.000000e+00 : f32
    %reduce_or3A_444 = vector.broadcast %reduce_or3A_442 : f32 to vector<128x128xf32>
    %reduce_or3A_445 = vector.broadcast %reduce_or3A_443 : f32 to vector<128x128xf32>
    %reduce_or3A_446 = arith.select %eq3A_441, %reduce_or3A_444, %reduce_or3A_445 : vector<128x128xi1>, vector<128x128xf32>
    %reduce_or3A_447 = vector.shape_cast %reduce_or3A_446 : vector<128x128xf32> to vector<1x128x128xf32>
    %reduce_or3A_448 = arith.constant dense<0xFF800000> : vector<1xf32>
    %reduce_or3A_449 = vector.multi_reduction <maximumf>, %reduce_or3A_447, %reduce_or3A_448 [1, 2] : vector<1x128x128xf32> to vector<1xf32>
    %reduce_or3A_450 = vector.shape_cast %reduce_or3A_449 : vector<1xf32> to vector<1x1x1xf32>
    %reduce_or3A_451 = vector.extract %reduce_or3A_450[0, 0, 0] : f32 from vector<1x1x1xf32>
    %reduce_or3A_452 = arith.constant 0.000000e+00 : f32
    %reduce_or3A_453 = arith.cmpf ogt, %reduce_or3A_451, %reduce_or3A_452 : f32
    %jit3A_454 = arith.constant 1.000000e+00 : f32
    %jit3A_455 = arith.constant 0.000000e+00 : f32
    %select_n3A_456 = arith.select %reduce_or3A_453, %jit3A_454, %jit3A_455 : f32
    %eq3A_457 = arith.constant 18 : i32
    %eq3A_458 = vector.broadcast %eq3A_457 : i32 to vector<1x128xi32>
    %eq3A_459 = arith.cmpi eq, %iota3A, %eq3A_458 : vector<1x128xi32>
    %broadcast_in_dim3A_460 = vector.broadcast %select_n3A_456 : f32 to vector<1x128xf32>
    %select_n3A_461 = arith.select %eq3A_459, %broadcast_in_dim3A_460, %select_n3A_438 : vector<1x128xi1>, vector<1x128xf32>
    %eq3A_462 = arith.constant 999955 : i32
    %eq3A_463 = vector.broadcast %eq3A_462 : i32 to vector<128x128xi32>
    %eq3A_464 = arith.cmpi eq, %get3A_26, %eq3A_463 : vector<128x128xi32>
    %reduce_or3A_465 = arith.constant 1.000000e+00 : f32
    %reduce_or3A_466 = arith.constant 0.000000e+00 : f32
    %reduce_or3A_467 = vector.broadcast %reduce_or3A_465 : f32 to vector<128x128xf32>
    %reduce_or3A_468 = vector.broadcast %reduce_or3A_466 : f32 to vector<128x128xf32>
    %reduce_or3A_469 = arith.select %eq3A_464, %reduce_or3A_467, %reduce_or3A_468 : vector<128x128xi1>, vector<128x128xf32>
    %reduce_or3A_470 = vector.shape_cast %reduce_or3A_469 : vector<128x128xf32> to vector<1x128x128xf32>
    %reduce_or3A_471 = arith.constant dense<0xFF800000> : vector<1xf32>
    %reduce_or3A_472 = vector.multi_reduction <maximumf>, %reduce_or3A_470, %reduce_or3A_471 [1, 2] : vector<1x128x128xf32> to vector<1xf32>
    %reduce_or3A_473 = vector.shape_cast %reduce_or3A_472 : vector<1xf32> to vector<1x1x1xf32>
    %reduce_or3A_474 = vector.extract %reduce_or3A_473[0, 0, 0] : f32 from vector<1x1x1xf32>
    %reduce_or3A_475 = arith.constant 0.000000e+00 : f32
    %reduce_or3A_476 = arith.cmpf ogt, %reduce_or3A_474, %reduce_or3A_475 : f32
    %jit3A_477 = arith.constant 1.000000e+00 : f32
    %jit3A_478 = arith.constant 0.000000e+00 : f32
    %select_n3A_479 = arith.select %reduce_or3A_476, %jit3A_477, %jit3A_478 : f32
    %eq3A_480 = arith.constant 19 : i32
    %eq3A_481 = vector.broadcast %eq3A_480 : i32 to vector<1x128xi32>
    %eq3A_482 = arith.cmpi eq, %iota3A, %eq3A_481 : vector<1x128xi32>
    %broadcast_in_dim3A_483 = vector.broadcast %select_n3A_479 : f32 to vector<1x128xf32>
    %select_n3A_484 = arith.select %eq3A_482, %broadcast_in_dim3A_483, %select_n3A_461 : vector<1x128xi1>, vector<1x128xf32>
    %eq3A_485 = arith.constant 999956 : i32
    %eq3A_486 = vector.broadcast %eq3A_485 : i32 to vector<128x128xi32>
    %eq3A_487 = arith.cmpi eq, %get3A_26, %eq3A_486 : vector<128x128xi32>
    %reduce_or3A_488 = arith.constant 1.000000e+00 : f32
    %reduce_or3A_489 = arith.constant 0.000000e+00 : f32
    %reduce_or3A_490 = vector.broadcast %reduce_or3A_488 : f32 to vector<128x128xf32>
    %reduce_or3A_491 = vector.broadcast %reduce_or3A_489 : f32 to vector<128x128xf32>
    %reduce_or3A_492 = arith.select %eq3A_487, %reduce_or3A_490, %reduce_or3A_491 : vector<128x128xi1>, vector<128x128xf32>
    %reduce_or3A_493 = vector.shape_cast %reduce_or3A_492 : vector<128x128xf32> to vector<1x128x128xf32>
    %reduce_or3A_494 = arith.constant dense<0xFF800000> : vector<1xf32>
    %reduce_or3A_495 = vector.multi_reduction <maximumf>, %reduce_or3A_493, %reduce_or3A_494 [1, 2] : vector<1x128x128xf32> to vector<1xf32>
    %reduce_or3A_496 = vector.shape_cast %reduce_or3A_495 : vector<1xf32> to vector<1x1x1xf32>
    %reduce_or3A_497 = vector.extract %reduce_or3A_496[0, 0, 0] : f32 from vector<1x1x1xf32>
    %reduce_or3A_498 = arith.constant 0.000000e+00 : f32
    %reduce_or3A_499 = arith.cmpf ogt, %reduce_or3A_497, %reduce_or3A_498 : f32
    %jit3A_500 = arith.constant 1.000000e+00 : f32
    %jit3A_501 = arith.constant 0.000000e+00 : f32
    %select_n3A_502 = arith.select %reduce_or3A_499, %jit3A_500, %jit3A_501 : f32
    %eq3A_503 = arith.constant 20 : i32
    %eq3A_504 = vector.broadcast %eq3A_503 : i32 to vector<1x128xi32>
    %eq3A_505 = arith.cmpi eq, %iota3A, %eq3A_504 : vector<1x128xi32>
    %broadcast_in_dim3A_506 = vector.broadcast %select_n3A_502 : f32 to vector<1x128xf32>
    %select_n3A_507 = arith.select %eq3A_505, %broadcast_in_dim3A_506, %select_n3A_484 : vector<1x128xi1>, vector<1x128xf32>
    %eq3A_508 = arith.constant 999957 : i32
    %eq3A_509 = vector.broadcast %eq3A_508 : i32 to vector<128x128xi32>
    %eq3A_510 = arith.cmpi eq, %get3A_26, %eq3A_509 : vector<128x128xi32>
    %reduce_or3A_511 = arith.constant 1.000000e+00 : f32
    %reduce_or3A_512 = arith.constant 0.000000e+00 : f32
    %reduce_or3A_513 = vector.broadcast %reduce_or3A_511 : f32 to vector<128x128xf32>
    %reduce_or3A_514 = vector.broadcast %reduce_or3A_512 : f32 to vector<128x128xf32>
    %reduce_or3A_515 = arith.select %eq3A_510, %reduce_or3A_513, %reduce_or3A_514 : vector<128x128xi1>, vector<128x128xf32>
    %reduce_or3A_516 = vector.shape_cast %reduce_or3A_515 : vector<128x128xf32> to vector<1x128x128xf32>
    %reduce_or3A_517 = arith.constant dense<0xFF800000> : vector<1xf32>
    %reduce_or3A_518 = vector.multi_reduction <maximumf>, %reduce_or3A_516, %reduce_or3A_517 [1, 2] : vector<1x128x128xf32> to vector<1xf32>
    %reduce_or3A_519 = vector.shape_cast %reduce_or3A_518 : vector<1xf32> to vector<1x1x1xf32>
    %reduce_or3A_520 = vector.extract %reduce_or3A_519[0, 0, 0] : f32 from vector<1x1x1xf32>
    %reduce_or3A_521 = arith.constant 0.000000e+00 : f32
    %reduce_or3A_522 = arith.cmpf ogt, %reduce_or3A_520, %reduce_or3A_521 : f32
    %jit3A_523 = arith.constant 1.000000e+00 : f32
    %jit3A_524 = arith.constant 0.000000e+00 : f32
    %select_n3A_525 = arith.select %reduce_or3A_522, %jit3A_523, %jit3A_524 : f32
    %eq3A_526 = arith.constant 21 : i32
    %eq3A_527 = vector.broadcast %eq3A_526 : i32 to vector<1x128xi32>
    %eq3A_528 = arith.cmpi eq, %iota3A, %eq3A_527 : vector<1x128xi32>
    %broadcast_in_dim3A_529 = vector.broadcast %select_n3A_525 : f32 to vector<1x128xf32>
    %select_n3A_530 = arith.select %eq3A_528, %broadcast_in_dim3A_529, %select_n3A_507 : vector<1x128xi1>, vector<1x128xf32>
    %eq3A_531 = arith.constant 999958 : i32
    %eq3A_532 = vector.broadcast %eq3A_531 : i32 to vector<128x128xi32>
    %eq3A_533 = arith.cmpi eq, %get3A_26, %eq3A_532 : vector<128x128xi32>
    %reduce_or3A_534 = arith.constant 1.000000e+00 : f32
    %reduce_or3A_535 = arith.constant 0.000000e+00 : f32
    %reduce_or3A_536 = vector.broadcast %reduce_or3A_534 : f32 to vector<128x128xf32>
    %reduce_or3A_537 = vector.broadcast %reduce_or3A_535 : f32 to vector<128x128xf32>
    %reduce_or3A_538 = arith.select %eq3A_533, %reduce_or3A_536, %reduce_or3A_537 : vector<128x128xi1>, vector<128x128xf32>
    %reduce_or3A_539 = vector.shape_cast %reduce_or3A_538 : vector<128x128xf32> to vector<1x128x128xf32>
    %reduce_or3A_540 = arith.constant dense<0xFF800000> : vector<1xf32>
    %reduce_or3A_541 = vector.multi_reduction <maximumf>, %reduce_or3A_539, %reduce_or3A_540 [1, 2] : vector<1x128x128xf32> to vector<1xf32>
    %reduce_or3A_542 = vector.shape_cast %reduce_or3A_541 : vector<1xf32> to vector<1x1x1xf32>
    %reduce_or3A_543 = vector.extract %reduce_or3A_542[0, 0, 0] : f32 from vector<1x1x1xf32>
    %reduce_or3A_544 = arith.constant 0.000000e+00 : f32
    %reduce_or3A_545 = arith.cmpf ogt, %reduce_or3A_543, %reduce_or3A_544 : f32
    %jit3A_546 = arith.constant 1.000000e+00 : f32
    %jit3A_547 = arith.constant 0.000000e+00 : f32
    %select_n3A_548 = arith.select %reduce_or3A_545, %jit3A_546, %jit3A_547 : f32
    %eq3A_549 = arith.constant 22 : i32
    %eq3A_550 = vector.broadcast %eq3A_549 : i32 to vector<1x128xi32>
    %eq3A_551 = arith.cmpi eq, %iota3A, %eq3A_550 : vector<1x128xi32>
    %broadcast_in_dim3A_552 = vector.broadcast %select_n3A_548 : f32 to vector<1x128xf32>
    %select_n3A_553 = arith.select %eq3A_551, %broadcast_in_dim3A_552, %select_n3A_530 : vector<1x128xi1>, vector<1x128xf32>
    %eq3A_554 = arith.constant 999959 : i32
    %eq3A_555 = vector.broadcast %eq3A_554 : i32 to vector<128x128xi32>
    %eq3A_556 = arith.cmpi eq, %get3A_26, %eq3A_555 : vector<128x128xi32>
    %reduce_or3A_557 = arith.constant 1.000000e+00 : f32
    %reduce_or3A_558 = arith.constant 0.000000e+00 : f32
    %reduce_or3A_559 = vector.broadcast %reduce_or3A_557 : f32 to vector<128x128xf32>
    %reduce_or3A_560 = vector.broadcast %reduce_or3A_558 : f32 to vector<128x128xf32>
    %reduce_or3A_561 = arith.select %eq3A_556, %reduce_or3A_559, %reduce_or3A_560 : vector<128x128xi1>, vector<128x128xf32>
    %reduce_or3A_562 = vector.shape_cast %reduce_or3A_561 : vector<128x128xf32> to vector<1x128x128xf32>
    %reduce_or3A_563 = arith.constant dense<0xFF800000> : vector<1xf32>
    %reduce_or3A_564 = vector.multi_reduction <maximumf>, %reduce_or3A_562, %reduce_or3A_563 [1, 2] : vector<1x128x128xf32> to vector<1xf32>
    %reduce_or3A_565 = vector.shape_cast %reduce_or3A_564 : vector<1xf32> to vector<1x1x1xf32>
    %reduce_or3A_566 = vector.extract %reduce_or3A_565[0, 0, 0] : f32 from vector<1x1x1xf32>
    %reduce_or3A_567 = arith.constant 0.000000e+00 : f32
    %reduce_or3A_568 = arith.cmpf ogt, %reduce_or3A_566, %reduce_or3A_567 : f32
    %jit3A_569 = arith.constant 1.000000e+00 : f32
    %jit3A_570 = arith.constant 0.000000e+00 : f32
    %select_n3A_571 = arith.select %reduce_or3A_568, %jit3A_569, %jit3A_570 : f32
    %eq3A_572 = arith.constant 23 : i32
    %eq3A_573 = vector.broadcast %eq3A_572 : i32 to vector<1x128xi32>
    %eq3A_574 = arith.cmpi eq, %iota3A, %eq3A_573 : vector<1x128xi32>
    %broadcast_in_dim3A_575 = vector.broadcast %select_n3A_571 : f32 to vector<1x128xf32>
    %select_n3A_576 = arith.select %eq3A_574, %broadcast_in_dim3A_575, %select_n3A_553 : vector<1x128xi1>, vector<1x128xf32>
    %eq3A_577 = arith.constant 999960 : i32
    %eq3A_578 = vector.broadcast %eq3A_577 : i32 to vector<128x128xi32>
    %eq3A_579 = arith.cmpi eq, %get3A_26, %eq3A_578 : vector<128x128xi32>
    %reduce_or3A_580 = arith.constant 1.000000e+00 : f32
    %reduce_or3A_581 = arith.constant 0.000000e+00 : f32
    %reduce_or3A_582 = vector.broadcast %reduce_or3A_580 : f32 to vector<128x128xf32>
    %reduce_or3A_583 = vector.broadcast %reduce_or3A_581 : f32 to vector<128x128xf32>
    %reduce_or3A_584 = arith.select %eq3A_579, %reduce_or3A_582, %reduce_or3A_583 : vector<128x128xi1>, vector<128x128xf32>
    %reduce_or3A_585 = vector.shape_cast %reduce_or3A_584 : vector<128x128xf32> to vector<1x128x128xf32>
    %reduce_or3A_586 = arith.constant dense<0xFF800000> : vector<1xf32>
    %reduce_or3A_587 = vector.multi_reduction <maximumf>, %reduce_or3A_585, %reduce_or3A_586 [1, 2] : vector<1x128x128xf32> to vector<1xf32>
    %reduce_or3A_588 = vector.shape_cast %reduce_or3A_587 : vector<1xf32> to vector<1x1x1xf32>
    %reduce_or3A_589 = vector.extract %reduce_or3A_588[0, 0, 0] : f32 from vector<1x1x1xf32>
    %reduce_or3A_590 = arith.constant 0.000000e+00 : f32
    %reduce_or3A_591 = arith.cmpf ogt, %reduce_or3A_589, %reduce_or3A_590 : f32
    %jit3A_592 = arith.constant 1.000000e+00 : f32
    %jit3A_593 = arith.constant 0.000000e+00 : f32
    %select_n3A_594 = arith.select %reduce_or3A_591, %jit3A_592, %jit3A_593 : f32
    %eq3A_595 = arith.constant 24 : i32
    %eq3A_596 = vector.broadcast %eq3A_595 : i32 to vector<1x128xi32>
    %eq3A_597 = arith.cmpi eq, %iota3A, %eq3A_596 : vector<1x128xi32>
    %broadcast_in_dim3A_598 = vector.broadcast %select_n3A_594 : f32 to vector<1x128xf32>
    %select_n3A_599 = arith.select %eq3A_597, %broadcast_in_dim3A_598, %select_n3A_576 : vector<1x128xi1>, vector<1x128xf32>
    %eq3A_600 = arith.constant 999961 : i32
    %eq3A_601 = vector.broadcast %eq3A_600 : i32 to vector<128x128xi32>
    %eq3A_602 = arith.cmpi eq, %get3A_26, %eq3A_601 : vector<128x128xi32>
    %reduce_or3A_603 = arith.constant 1.000000e+00 : f32
    %reduce_or3A_604 = arith.constant 0.000000e+00 : f32
    %reduce_or3A_605 = vector.broadcast %reduce_or3A_603 : f32 to vector<128x128xf32>
    %reduce_or3A_606 = vector.broadcast %reduce_or3A_604 : f32 to vector<128x128xf32>
    %reduce_or3A_607 = arith.select %eq3A_602, %reduce_or3A_605, %reduce_or3A_606 : vector<128x128xi1>, vector<128x128xf32>
    %reduce_or3A_608 = vector.shape_cast %reduce_or3A_607 : vector<128x128xf32> to vector<1x128x128xf32>
    %reduce_or3A_609 = arith.constant dense<0xFF800000> : vector<1xf32>
    %reduce_or3A_610 = vector.multi_reduction <maximumf>, %reduce_or3A_608, %reduce_or3A_609 [1, 2] : vector<1x128x128xf32> to vector<1xf32>
    %reduce_or3A_611 = vector.shape_cast %reduce_or3A_610 : vector<1xf32> to vector<1x1x1xf32>
    %reduce_or3A_612 = vector.extract %reduce_or3A_611[0, 0, 0] : f32 from vector<1x1x1xf32>
    %reduce_or3A_613 = arith.constant 0.000000e+00 : f32
    %reduce_or3A_614 = arith.cmpf ogt, %reduce_or3A_612, %reduce_or3A_613 : f32
    %jit3A_615 = arith.constant 1.000000e+00 : f32
    %jit3A_616 = arith.constant 0.000000e+00 : f32
    %select_n3A_617 = arith.select %reduce_or3A_614, %jit3A_615, %jit3A_616 : f32
    %eq3A_618 = arith.constant 25 : i32
    %eq3A_619 = vector.broadcast %eq3A_618 : i32 to vector<1x128xi32>
    %eq3A_620 = arith.cmpi eq, %iota3A, %eq3A_619 : vector<1x128xi32>
    %broadcast_in_dim3A_621 = vector.broadcast %select_n3A_617 : f32 to vector<1x128xf32>
    %select_n3A_622 = arith.select %eq3A_620, %broadcast_in_dim3A_621, %select_n3A_599 : vector<1x128xi1>, vector<1x128xf32>
    %eq3A_623 = arith.constant 999962 : i32
    %eq3A_624 = vector.broadcast %eq3A_623 : i32 to vector<128x128xi32>
    %eq3A_625 = arith.cmpi eq, %get3A_26, %eq3A_624 : vector<128x128xi32>
    %reduce_or3A_626 = arith.constant 1.000000e+00 : f32
    %reduce_or3A_627 = arith.constant 0.000000e+00 : f32
    %reduce_or3A_628 = vector.broadcast %reduce_or3A_626 : f32 to vector<128x128xf32>
    %reduce_or3A_629 = vector.broadcast %reduce_or3A_627 : f32 to vector<128x128xf32>
    %reduce_or3A_630 = arith.select %eq3A_625, %reduce_or3A_628, %reduce_or3A_629 : vector<128x128xi1>, vector<128x128xf32>
    %reduce_or3A_631 = vector.shape_cast %reduce_or3A_630 : vector<128x128xf32> to vector<1x128x128xf32>
    %reduce_or3A_632 = arith.constant dense<0xFF800000> : vector<1xf32>
    %reduce_or3A_633 = vector.multi_reduction <maximumf>, %reduce_or3A_631, %reduce_or3A_632 [1, 2] : vector<1x128x128xf32> to vector<1xf32>
    %reduce_or3A_634 = vector.shape_cast %reduce_or3A_633 : vector<1xf32> to vector<1x1x1xf32>
    %reduce_or3A_635 = vector.extract %reduce_or3A_634[0, 0, 0] : f32 from vector<1x1x1xf32>
    %reduce_or3A_636 = arith.constant 0.000000e+00 : f32
    %reduce_or3A_637 = arith.cmpf ogt, %reduce_or3A_635, %reduce_or3A_636 : f32
    %jit3A_638 = arith.constant 1.000000e+00 : f32
    %jit3A_639 = arith.constant 0.000000e+00 : f32
    %select_n3A_640 = arith.select %reduce_or3A_637, %jit3A_638, %jit3A_639 : f32
    %eq3A_641 = arith.constant 26 : i32
    %eq3A_642 = vector.broadcast %eq3A_641 : i32 to vector<1x128xi32>
    %eq3A_643 = arith.cmpi eq, %iota3A, %eq3A_642 : vector<1x128xi32>
    %broadcast_in_dim3A_644 = vector.broadcast %select_n3A_640 : f32 to vector<1x128xf32>
    %select_n3A_645 = arith.select %eq3A_643, %broadcast_in_dim3A_644, %select_n3A_622 : vector<1x128xi1>, vector<1x128xf32>
    %eq3A_646 = arith.constant 999963 : i32
    %eq3A_647 = vector.broadcast %eq3A_646 : i32 to vector<128x128xi32>
    %eq3A_648 = arith.cmpi eq, %get3A_26, %eq3A_647 : vector<128x128xi32>
    %reduce_or3A_649 = arith.constant 1.000000e+00 : f32
    %reduce_or3A_650 = arith.constant 0.000000e+00 : f32
    %reduce_or3A_651 = vector.broadcast %reduce_or3A_649 : f32 to vector<128x128xf32>
    %reduce_or3A_652 = vector.broadcast %reduce_or3A_650 : f32 to vector<128x128xf32>
    %reduce_or3A_653 = arith.select %eq3A_648, %reduce_or3A_651, %reduce_or3A_652 : vector<128x128xi1>, vector<128x128xf32>
    %reduce_or3A_654 = vector.shape_cast %reduce_or3A_653 : vector<128x128xf32> to vector<1x128x128xf32>
    %reduce_or3A_655 = arith.constant dense<0xFF800000> : vector<1xf32>
    %reduce_or3A_656 = vector.multi_reduction <maximumf>, %reduce_or3A_654, %reduce_or3A_655 [1, 2] : vector<1x128x128xf32> to vector<1xf32>
    %reduce_or3A_657 = vector.shape_cast %reduce_or3A_656 : vector<1xf32> to vector<1x1x1xf32>
    %reduce_or3A_658 = vector.extract %reduce_or3A_657[0, 0, 0] : f32 from vector<1x1x1xf32>
    %reduce_or3A_659 = arith.constant 0.000000e+00 : f32
    %reduce_or3A_660 = arith.cmpf ogt, %reduce_or3A_658, %reduce_or3A_659 : f32
    %jit3A_661 = arith.constant 1.000000e+00 : f32
    %jit3A_662 = arith.constant 0.000000e+00 : f32
    %select_n3A_663 = arith.select %reduce_or3A_660, %jit3A_661, %jit3A_662 : f32
    %eq3A_664 = arith.constant 27 : i32
    %eq3A_665 = vector.broadcast %eq3A_664 : i32 to vector<1x128xi32>
    %eq3A_666 = arith.cmpi eq, %iota3A, %eq3A_665 : vector<1x128xi32>
    %broadcast_in_dim3A_667 = vector.broadcast %select_n3A_663 : f32 to vector<1x128xf32>
    %select_n3A_668 = arith.select %eq3A_666, %broadcast_in_dim3A_667, %select_n3A_645 : vector<1x128xi1>, vector<1x128xf32>
    %eq3A_669 = arith.constant 999964 : i32
    %eq3A_670 = vector.broadcast %eq3A_669 : i32 to vector<128x128xi32>
    %eq3A_671 = arith.cmpi eq, %get3A_26, %eq3A_670 : vector<128x128xi32>
    %reduce_or3A_672 = arith.constant 1.000000e+00 : f32
    %reduce_or3A_673 = arith.constant 0.000000e+00 : f32
    %reduce_or3A_674 = vector.broadcast %reduce_or3A_672 : f32 to vector<128x128xf32>
    %reduce_or3A_675 = vector.broadcast %reduce_or3A_673 : f32 to vector<128x128xf32>
    %reduce_or3A_676 = arith.select %eq3A_671, %reduce_or3A_674, %reduce_or3A_675 : vector<128x128xi1>, vector<128x128xf32>
    %reduce_or3A_677 = vector.shape_cast %reduce_or3A_676 : vector<128x128xf32> to vector<1x128x128xf32>
    %reduce_or3A_678 = arith.constant dense<0xFF800000> : vector<1xf32>
    %reduce_or3A_679 = vector.multi_reduction <maximumf>, %reduce_or3A_677, %reduce_or3A_678 [1, 2] : vector<1x128x128xf32> to vector<1xf32>
    %reduce_or3A_680 = vector.shape_cast %reduce_or3A_679 : vector<1xf32> to vector<1x1x1xf32>
    %reduce_or3A_681 = vector.extract %reduce_or3A_680[0, 0, 0] : f32 from vector<1x1x1xf32>
    %reduce_or3A_682 = arith.constant 0.000000e+00 : f32
    %reduce_or3A_683 = arith.cmpf ogt, %reduce_or3A_681, %reduce_or3A_682 : f32
    %jit3A_684 = arith.constant 1.000000e+00 : f32
    %jit3A_685 = arith.constant 0.000000e+00 : f32
    %select_n3A_686 = arith.select %reduce_or3A_683, %jit3A_684, %jit3A_685 : f32
    %eq3A_687 = arith.constant 28 : i32
    %eq3A_688 = vector.broadcast %eq3A_687 : i32 to vector<1x128xi32>
    %eq3A_689 = arith.cmpi eq, %iota3A, %eq3A_688 : vector<1x128xi32>
    %broadcast_in_dim3A_690 = vector.broadcast %select_n3A_686 : f32 to vector<1x128xf32>
    %select_n3A_691 = arith.select %eq3A_689, %broadcast_in_dim3A_690, %select_n3A_668 : vector<1x128xi1>, vector<1x128xf32>
    %eq3A_692 = arith.constant 999965 : i32
    %eq3A_693 = vector.broadcast %eq3A_692 : i32 to vector<128x128xi32>
    %eq3A_694 = arith.cmpi eq, %get3A_26, %eq3A_693 : vector<128x128xi32>
    %reduce_or3A_695 = arith.constant 1.000000e+00 : f32
    %reduce_or3A_696 = arith.constant 0.000000e+00 : f32
    %reduce_or3A_697 = vector.broadcast %reduce_or3A_695 : f32 to vector<128x128xf32>
    %reduce_or3A_698 = vector.broadcast %reduce_or3A_696 : f32 to vector<128x128xf32>
    %reduce_or3A_699 = arith.select %eq3A_694, %reduce_or3A_697, %reduce_or3A_698 : vector<128x128xi1>, vector<128x128xf32>
    %reduce_or3A_700 = vector.shape_cast %reduce_or3A_699 : vector<128x128xf32> to vector<1x128x128xf32>
    %reduce_or3A_701 = arith.constant dense<0xFF800000> : vector<1xf32>
    %reduce_or3A_702 = vector.multi_reduction <maximumf>, %reduce_or3A_700, %reduce_or3A_701 [1, 2] : vector<1x128x128xf32> to vector<1xf32>
    %reduce_or3A_703 = vector.shape_cast %reduce_or3A_702 : vector<1xf32> to vector<1x1x1xf32>
    %reduce_or3A_704 = vector.extract %reduce_or3A_703[0, 0, 0] : f32 from vector<1x1x1xf32>
    %reduce_or3A_705 = arith.constant 0.000000e+00 : f32
    %reduce_or3A_706 = arith.cmpf ogt, %reduce_or3A_704, %reduce_or3A_705 : f32
    %jit3A_707 = arith.constant 1.000000e+00 : f32
    %jit3A_708 = arith.constant 0.000000e+00 : f32
    %select_n3A_709 = arith.select %reduce_or3A_706, %jit3A_707, %jit3A_708 : f32
    %eq3A_710 = arith.constant 29 : i32
    %eq3A_711 = vector.broadcast %eq3A_710 : i32 to vector<1x128xi32>
    %eq3A_712 = arith.cmpi eq, %iota3A, %eq3A_711 : vector<1x128xi32>
    %broadcast_in_dim3A_713 = vector.broadcast %select_n3A_709 : f32 to vector<1x128xf32>
    %select_n3A_714 = arith.select %eq3A_712, %broadcast_in_dim3A_713, %select_n3A_691 : vector<1x128xi1>, vector<1x128xf32>
    %eq3A_715 = arith.constant 999966 : i32
    %eq3A_716 = vector.broadcast %eq3A_715 : i32 to vector<128x128xi32>
    %eq3A_717 = arith.cmpi eq, %get3A_26, %eq3A_716 : vector<128x128xi32>
    %reduce_or3A_718 = arith.constant 1.000000e+00 : f32
    %reduce_or3A_719 = arith.constant 0.000000e+00 : f32
    %reduce_or3A_720 = vector.broadcast %reduce_or3A_718 : f32 to vector<128x128xf32>
    %reduce_or3A_721 = vector.broadcast %reduce_or3A_719 : f32 to vector<128x128xf32>
    %reduce_or3A_722 = arith.select %eq3A_717, %reduce_or3A_720, %reduce_or3A_721 : vector<128x128xi1>, vector<128x128xf32>
    %reduce_or3A_723 = vector.shape_cast %reduce_or3A_722 : vector<128x128xf32> to vector<1x128x128xf32>
    %reduce_or3A_724 = arith.constant dense<0xFF800000> : vector<1xf32>
    %reduce_or3A_725 = vector.multi_reduction <maximumf>, %reduce_or3A_723, %reduce_or3A_724 [1, 2] : vector<1x128x128xf32> to vector<1xf32>
    %reduce_or3A_726 = vector.shape_cast %reduce_or3A_725 : vector<1xf32> to vector<1x1x1xf32>
    %reduce_or3A_727 = vector.extract %reduce_or3A_726[0, 0, 0] : f32 from vector<1x1x1xf32>
    %reduce_or3A_728 = arith.constant 0.000000e+00 : f32
    %reduce_or3A_729 = arith.cmpf ogt, %reduce_or3A_727, %reduce_or3A_728 : f32
    %jit3A_730 = arith.constant 1.000000e+00 : f32
    %jit3A_731 = arith.constant 0.000000e+00 : f32
    %select_n3A_732 = arith.select %reduce_or3A_729, %jit3A_730, %jit3A_731 : f32
    %eq3A_733 = arith.constant 30 : i32
    %eq3A_734 = vector.broadcast %eq3A_733 : i32 to vector<1x128xi32>
    %eq3A_735 = arith.cmpi eq, %iota3A, %eq3A_734 : vector<1x128xi32>
    %broadcast_in_dim3A_736 = vector.broadcast %select_n3A_732 : f32 to vector<1x128xf32>
    %select_n3A_737 = arith.select %eq3A_735, %broadcast_in_dim3A_736, %select_n3A_714 : vector<1x128xi1>, vector<1x128xf32>
    %eq3A_738 = arith.constant 999967 : i32
    %eq3A_739 = vector.broadcast %eq3A_738 : i32 to vector<128x128xi32>
    %eq3A_740 = arith.cmpi eq, %get3A_26, %eq3A_739 : vector<128x128xi32>
    %reduce_or3A_741 = arith.constant 1.000000e+00 : f32
    %reduce_or3A_742 = arith.constant 0.000000e+00 : f32
    %reduce_or3A_743 = vector.broadcast %reduce_or3A_741 : f32 to vector<128x128xf32>
    %reduce_or3A_744 = vector.broadcast %reduce_or3A_742 : f32 to vector<128x128xf32>
    %reduce_or3A_745 = arith.select %eq3A_740, %reduce_or3A_743, %reduce_or3A_744 : vector<128x128xi1>, vector<128x128xf32>
    %reduce_or3A_746 = vector.shape_cast %reduce_or3A_745 : vector<128x128xf32> to vector<1x128x128xf32>
    %reduce_or3A_747 = arith.constant dense<0xFF800000> : vector<1xf32>
    %reduce_or3A_748 = vector.multi_reduction <maximumf>, %reduce_or3A_746, %reduce_or3A_747 [1, 2] : vector<1x128x128xf32> to vector<1xf32>
    %reduce_or3A_749 = vector.shape_cast %reduce_or3A_748 : vector<1xf32> to vector<1x1x1xf32>
    %reduce_or3A_750 = vector.extract %reduce_or3A_749[0, 0, 0] : f32 from vector<1x1x1xf32>
    %reduce_or3A_751 = arith.constant 0.000000e+00 : f32
    %reduce_or3A_752 = arith.cmpf ogt, %reduce_or3A_750, %reduce_or3A_751 : f32
    %jit3A_753 = arith.constant 1.000000e+00 : f32
    %jit3A_754 = arith.constant 0.000000e+00 : f32
    %select_n3A_755 = arith.select %reduce_or3A_752, %jit3A_753, %jit3A_754 : f32
    %eq3A_756 = arith.constant 31 : i32
    %eq3A_757 = vector.broadcast %eq3A_756 : i32 to vector<1x128xi32>
    %eq3A_758 = arith.cmpi eq, %iota3A, %eq3A_757 : vector<1x128xi32>
    %broadcast_in_dim3A_759 = vector.broadcast %select_n3A_755 : f32 to vector<1x128xf32>
    %select_n3A_760 = arith.select %eq3A_758, %broadcast_in_dim3A_759, %select_n3A_737 : vector<1x128xi1>, vector<1x128xf32>
    %eq3A_761 = arith.constant 999968 : i32
    %eq3A_762 = vector.broadcast %eq3A_761 : i32 to vector<128x128xi32>
    %eq3A_763 = arith.cmpi eq, %get3A_26, %eq3A_762 : vector<128x128xi32>
    %reduce_or3A_764 = arith.constant 1.000000e+00 : f32
    %reduce_or3A_765 = arith.constant 0.000000e+00 : f32
    %reduce_or3A_766 = vector.broadcast %reduce_or3A_764 : f32 to vector<128x128xf32>
    %reduce_or3A_767 = vector.broadcast %reduce_or3A_765 : f32 to vector<128x128xf32>
    %reduce_or3A_768 = arith.select %eq3A_763, %reduce_or3A_766, %reduce_or3A_767 : vector<128x128xi1>, vector<128x128xf32>
    %reduce_or3A_769 = vector.shape_cast %reduce_or3A_768 : vector<128x128xf32> to vector<1x128x128xf32>
    %reduce_or3A_770 = arith.constant dense<0xFF800000> : vector<1xf32>
    %reduce_or3A_771 = vector.multi_reduction <maximumf>, %reduce_or3A_769, %reduce_or3A_770 [1, 2] : vector<1x128x128xf32> to vector<1xf32>
    %reduce_or3A_772 = vector.shape_cast %reduce_or3A_771 : vector<1xf32> to vector<1x1x1xf32>
    %reduce_or3A_773 = vector.extract %reduce_or3A_772[0, 0, 0] : f32 from vector<1x1x1xf32>
    %reduce_or3A_774 = arith.constant 0.000000e+00 : f32
    %reduce_or3A_775 = arith.cmpf ogt, %reduce_or3A_773, %reduce_or3A_774 : f32
    %jit3A_776 = arith.constant 1.000000e+00 : f32
    %jit3A_777 = arith.constant 0.000000e+00 : f32
    %select_n3A_778 = arith.select %reduce_or3A_775, %jit3A_776, %jit3A_777 : f32
    %eq3A_779 = arith.constant 32 : i32
    %eq3A_780 = vector.broadcast %eq3A_779 : i32 to vector<1x128xi32>
    %eq3A_781 = arith.cmpi eq, %iota3A, %eq3A_780 : vector<1x128xi32>
    %broadcast_in_dim3A_782 = vector.broadcast %select_n3A_778 : f32 to vector<1x128xf32>
    %select_n3A_783 = arith.select %eq3A_781, %broadcast_in_dim3A_782, %select_n3A_760 : vector<1x128xi1>, vector<1x128xf32>
    %eq3A_784 = arith.constant 999969 : i32
    %eq3A_785 = vector.broadcast %eq3A_784 : i32 to vector<128x128xi32>
    %eq3A_786 = arith.cmpi eq, %get3A_26, %eq3A_785 : vector<128x128xi32>
    %reduce_or3A_787 = arith.constant 1.000000e+00 : f32
    %reduce_or3A_788 = arith.constant 0.000000e+00 : f32
    %reduce_or3A_789 = vector.broadcast %reduce_or3A_787 : f32 to vector<128x128xf32>
    %reduce_or3A_790 = vector.broadcast %reduce_or3A_788 : f32 to vector<128x128xf32>
    %reduce_or3A_791 = arith.select %eq3A_786, %reduce_or3A_789, %reduce_or3A_790 : vector<128x128xi1>, vector<128x128xf32>
    %reduce_or3A_792 = vector.shape_cast %reduce_or3A_791 : vector<128x128xf32> to vector<1x128x128xf32>
    %reduce_or3A_793 = arith.constant dense<0xFF800000> : vector<1xf32>
    %reduce_or3A_794 = vector.multi_reduction <maximumf>, %reduce_or3A_792, %reduce_or3A_793 [1, 2] : vector<1x128x128xf32> to vector<1xf32>
    %reduce_or3A_795 = vector.shape_cast %reduce_or3A_794 : vector<1xf32> to vector<1x1x1xf32>
    %reduce_or3A_796 = vector.extract %reduce_or3A_795[0, 0, 0] : f32 from vector<1x1x1xf32>
    %reduce_or3A_797 = arith.constant 0.000000e+00 : f32
    %reduce_or3A_798 = arith.cmpf ogt, %reduce_or3A_796, %reduce_or3A_797 : f32
    %jit3A_799 = arith.constant 1.000000e+00 : f32
    %jit3A_800 = arith.constant 0.000000e+00 : f32
    %select_n3A_801 = arith.select %reduce_or3A_798, %jit3A_799, %jit3A_800 : f32
    %eq3A_802 = arith.constant 33 : i32
    %eq3A_803 = vector.broadcast %eq3A_802 : i32 to vector<1x128xi32>
    %eq3A_804 = arith.cmpi eq, %iota3A, %eq3A_803 : vector<1x128xi32>
    %broadcast_in_dim3A_805 = vector.broadcast %select_n3A_801 : f32 to vector<1x128xf32>
    %select_n3A_806 = arith.select %eq3A_804, %broadcast_in_dim3A_805, %select_n3A_783 : vector<1x128xi1>, vector<1x128xf32>
    %eq3A_807 = arith.constant 999970 : i32
    %eq3A_808 = vector.broadcast %eq3A_807 : i32 to vector<128x128xi32>
    %eq3A_809 = arith.cmpi eq, %get3A_26, %eq3A_808 : vector<128x128xi32>
    %reduce_or3A_810 = arith.constant 1.000000e+00 : f32
    %reduce_or3A_811 = arith.constant 0.000000e+00 : f32
    %reduce_or3A_812 = vector.broadcast %reduce_or3A_810 : f32 to vector<128x128xf32>
    %reduce_or3A_813 = vector.broadcast %reduce_or3A_811 : f32 to vector<128x128xf32>
    %reduce_or3A_814 = arith.select %eq3A_809, %reduce_or3A_812, %reduce_or3A_813 : vector<128x128xi1>, vector<128x128xf32>
    %reduce_or3A_815 = vector.shape_cast %reduce_or3A_814 : vector<128x128xf32> to vector<1x128x128xf32>
    %reduce_or3A_816 = arith.constant dense<0xFF800000> : vector<1xf32>
    %reduce_or3A_817 = vector.multi_reduction <maximumf>, %reduce_or3A_815, %reduce_or3A_816 [1, 2] : vector<1x128x128xf32> to vector<1xf32>
    %reduce_or3A_818 = vector.shape_cast %reduce_or3A_817 : vector<1xf32> to vector<1x1x1xf32>
    %reduce_or3A_819 = vector.extract %reduce_or3A_818[0, 0, 0] : f32 from vector<1x1x1xf32>
    %reduce_or3A_820 = arith.constant 0.000000e+00 : f32
    %reduce_or3A_821 = arith.cmpf ogt, %reduce_or3A_819, %reduce_or3A_820 : f32
    %jit3A_822 = arith.constant 1.000000e+00 : f32
    %jit3A_823 = arith.constant 0.000000e+00 : f32
    %select_n3A_824 = arith.select %reduce_or3A_821, %jit3A_822, %jit3A_823 : f32
    %eq3A_825 = arith.constant 34 : i32
    %eq3A_826 = vector.broadcast %eq3A_825 : i32 to vector<1x128xi32>
    %eq3A_827 = arith.cmpi eq, %iota3A, %eq3A_826 : vector<1x128xi32>
    %broadcast_in_dim3A_828 = vector.broadcast %select_n3A_824 : f32 to vector<1x128xf32>
    %select_n3A_829 = arith.select %eq3A_827, %broadcast_in_dim3A_828, %select_n3A_806 : vector<1x128xi1>, vector<1x128xf32>
    %eq3A_830 = arith.constant 999971 : i32
    %eq3A_831 = vector.broadcast %eq3A_830 : i32 to vector<128x128xi32>
    %eq3A_832 = arith.cmpi eq, %get3A_26, %eq3A_831 : vector<128x128xi32>
    %reduce_or3A_833 = arith.constant 1.000000e+00 : f32
    %reduce_or3A_834 = arith.constant 0.000000e+00 : f32
    %reduce_or3A_835 = vector.broadcast %reduce_or3A_833 : f32 to vector<128x128xf32>
    %reduce_or3A_836 = vector.broadcast %reduce_or3A_834 : f32 to vector<128x128xf32>
    %reduce_or3A_837 = arith.select %eq3A_832, %reduce_or3A_835, %reduce_or3A_836 : vector<128x128xi1>, vector<128x128xf32>
    %reduce_or3A_838 = vector.shape_cast %reduce_or3A_837 : vector<128x128xf32> to vector<1x128x128xf32>
    %reduce_or3A_839 = arith.constant dense<0xFF800000> : vector<1xf32>
    %reduce_or3A_840 = vector.multi_reduction <maximumf>, %reduce_or3A_838, %reduce_or3A_839 [1, 2] : vector<1x128x128xf32> to vector<1xf32>
    %reduce_or3A_841 = vector.shape_cast %reduce_or3A_840 : vector<1xf32> to vector<1x1x1xf32>
    %reduce_or3A_842 = vector.extract %reduce_or3A_841[0, 0, 0] : f32 from vector<1x1x1xf32>
    %reduce_or3A_843 = arith.constant 0.000000e+00 : f32
    %reduce_or3A_844 = arith.cmpf ogt, %reduce_or3A_842, %reduce_or3A_843 : f32
    %jit3A_845 = arith.constant 1.000000e+00 : f32
    %jit3A_846 = arith.constant 0.000000e+00 : f32
    %select_n3A_847 = arith.select %reduce_or3A_844, %jit3A_845, %jit3A_846 : f32
    %eq3A_848 = arith.constant 35 : i32
    %eq3A_849 = vector.broadcast %eq3A_848 : i32 to vector<1x128xi32>
    %eq3A_850 = arith.cmpi eq, %iota3A, %eq3A_849 : vector<1x128xi32>
    %broadcast_in_dim3A_851 = vector.broadcast %select_n3A_847 : f32 to vector<1x128xf32>
    %select_n3A_852 = arith.select %eq3A_850, %broadcast_in_dim3A_851, %select_n3A_829 : vector<1x128xi1>, vector<1x128xf32>
    %eq3A_853 = arith.constant 999972 : i32
    %eq3A_854 = vector.broadcast %eq3A_853 : i32 to vector<128x128xi32>
    %eq3A_855 = arith.cmpi eq, %get3A_26, %eq3A_854 : vector<128x128xi32>
    %reduce_or3A_856 = arith.constant 1.000000e+00 : f32
    %reduce_or3A_857 = arith.constant 0.000000e+00 : f32
    %reduce_or3A_858 = vector.broadcast %reduce_or3A_856 : f32 to vector<128x128xf32>
    %reduce_or3A_859 = vector.broadcast %reduce_or3A_857 : f32 to vector<128x128xf32>
    %reduce_or3A_860 = arith.select %eq3A_855, %reduce_or3A_858, %reduce_or3A_859 : vector<128x128xi1>, vector<128x128xf32>
    %reduce_or3A_861 = vector.shape_cast %reduce_or3A_860 : vector<128x128xf32> to vector<1x128x128xf32>
    %reduce_or3A_862 = arith.constant dense<0xFF800000> : vector<1xf32>
    %reduce_or3A_863 = vector.multi_reduction <maximumf>, %reduce_or3A_861, %reduce_or3A_862 [1, 2] : vector<1x128x128xf32> to vector<1xf32>
    %reduce_or3A_864 = vector.shape_cast %reduce_or3A_863 : vector<1xf32> to vector<1x1x1xf32>
    %reduce_or3A_865 = vector.extract %reduce_or3A_864[0, 0, 0] : f32 from vector<1x1x1xf32>
    %reduce_or3A_866 = arith.constant 0.000000e+00 : f32
    %reduce_or3A_867 = arith.cmpf ogt, %reduce_or3A_865, %reduce_or3A_866 : f32
    %jit3A_868 = arith.constant 1.000000e+00 : f32
    %jit3A_869 = arith.constant 0.000000e+00 : f32
    %select_n3A_870 = arith.select %reduce_or3A_867, %jit3A_868, %jit3A_869 : f32
    %eq3A_871 = arith.constant 36 : i32
    %eq3A_872 = vector.broadcast %eq3A_871 : i32 to vector<1x128xi32>
    %eq3A_873 = arith.cmpi eq, %iota3A, %eq3A_872 : vector<1x128xi32>
    %broadcast_in_dim3A_874 = vector.broadcast %select_n3A_870 : f32 to vector<1x128xf32>
    %select_n3A_875 = arith.select %eq3A_873, %broadcast_in_dim3A_874, %select_n3A_852 : vector<1x128xi1>, vector<1x128xf32>
    %eq3A_876 = arith.constant 999973 : i32
    %eq3A_877 = vector.broadcast %eq3A_876 : i32 to vector<128x128xi32>
    %eq3A_878 = arith.cmpi eq, %get3A_26, %eq3A_877 : vector<128x128xi32>
    %reduce_or3A_879 = arith.constant 1.000000e+00 : f32
    %reduce_or3A_880 = arith.constant 0.000000e+00 : f32
    %reduce_or3A_881 = vector.broadcast %reduce_or3A_879 : f32 to vector<128x128xf32>
    %reduce_or3A_882 = vector.broadcast %reduce_or3A_880 : f32 to vector<128x128xf32>
    %reduce_or3A_883 = arith.select %eq3A_878, %reduce_or3A_881, %reduce_or3A_882 : vector<128x128xi1>, vector<128x128xf32>
    %reduce_or3A_884 = vector.shape_cast %reduce_or3A_883 : vector<128x128xf32> to vector<1x128x128xf32>
    %reduce_or3A_885 = arith.constant dense<0xFF800000> : vector<1xf32>
    %reduce_or3A_886 = vector.multi_reduction <maximumf>, %reduce_or3A_884, %reduce_or3A_885 [1, 2] : vector<1x128x128xf32> to vector<1xf32>
    %reduce_or3A_887 = vector.shape_cast %reduce_or3A_886 : vector<1xf32> to vector<1x1x1xf32>
    %reduce_or3A_888 = vector.extract %reduce_or3A_887[0, 0, 0] : f32 from vector<1x1x1xf32>
    %reduce_or3A_889 = arith.constant 0.000000e+00 : f32
    %reduce_or3A_890 = arith.cmpf ogt, %reduce_or3A_888, %reduce_or3A_889 : f32
    %jit3A_891 = arith.constant 1.000000e+00 : f32
    %jit3A_892 = arith.constant 0.000000e+00 : f32
    %select_n3A_893 = arith.select %reduce_or3A_890, %jit3A_891, %jit3A_892 : f32
    %eq3A_894 = arith.constant 37 : i32
    %eq3A_895 = vector.broadcast %eq3A_894 : i32 to vector<1x128xi32>
    %eq3A_896 = arith.cmpi eq, %iota3A, %eq3A_895 : vector<1x128xi32>
    %broadcast_in_dim3A_897 = vector.broadcast %select_n3A_893 : f32 to vector<1x128xf32>
    %select_n3A_898 = arith.select %eq3A_896, %broadcast_in_dim3A_897, %select_n3A_875 : vector<1x128xi1>, vector<1x128xf32>
    %eq3A_899 = arith.constant 999974 : i32
    %eq3A_900 = vector.broadcast %eq3A_899 : i32 to vector<128x128xi32>
    %eq3A_901 = arith.cmpi eq, %get3A_26, %eq3A_900 : vector<128x128xi32>
    %reduce_or3A_902 = arith.constant 1.000000e+00 : f32
    %reduce_or3A_903 = arith.constant 0.000000e+00 : f32
    %reduce_or3A_904 = vector.broadcast %reduce_or3A_902 : f32 to vector<128x128xf32>
    %reduce_or3A_905 = vector.broadcast %reduce_or3A_903 : f32 to vector<128x128xf32>
    %reduce_or3A_906 = arith.select %eq3A_901, %reduce_or3A_904, %reduce_or3A_905 : vector<128x128xi1>, vector<128x128xf32>
    %reduce_or3A_907 = vector.shape_cast %reduce_or3A_906 : vector<128x128xf32> to vector<1x128x128xf32>
    %reduce_or3A_908 = arith.constant dense<0xFF800000> : vector<1xf32>
    %reduce_or3A_909 = vector.multi_reduction <maximumf>, %reduce_or3A_907, %reduce_or3A_908 [1, 2] : vector<1x128x128xf32> to vector<1xf32>
    %reduce_or3A_910 = vector.shape_cast %reduce_or3A_909 : vector<1xf32> to vector<1x1x1xf32>
    %reduce_or3A_911 = vector.extract %reduce_or3A_910[0, 0, 0] : f32 from vector<1x1x1xf32>
    %reduce_or3A_912 = arith.constant 0.000000e+00 : f32
    %reduce_or3A_913 = arith.cmpf ogt, %reduce_or3A_911, %reduce_or3A_912 : f32
    %jit3A_914 = arith.constant 1.000000e+00 : f32
    %jit3A_915 = arith.constant 0.000000e+00 : f32
    %select_n3A_916 = arith.select %reduce_or3A_913, %jit3A_914, %jit3A_915 : f32
    %eq3A_917 = arith.constant 38 : i32
    %eq3A_918 = vector.broadcast %eq3A_917 : i32 to vector<1x128xi32>
    %eq3A_919 = arith.cmpi eq, %iota3A, %eq3A_918 : vector<1x128xi32>
    %broadcast_in_dim3A_920 = vector.broadcast %select_n3A_916 : f32 to vector<1x128xf32>
    %select_n3A_921 = arith.select %eq3A_919, %broadcast_in_dim3A_920, %select_n3A_898 : vector<1x128xi1>, vector<1x128xf32>
    %eq3A_922 = arith.constant 999975 : i32
    %eq3A_923 = vector.broadcast %eq3A_922 : i32 to vector<128x128xi32>
    %eq3A_924 = arith.cmpi eq, %get3A_26, %eq3A_923 : vector<128x128xi32>
    %reduce_or3A_925 = arith.constant 1.000000e+00 : f32
    %reduce_or3A_926 = arith.constant 0.000000e+00 : f32
    %reduce_or3A_927 = vector.broadcast %reduce_or3A_925 : f32 to vector<128x128xf32>
    %reduce_or3A_928 = vector.broadcast %reduce_or3A_926 : f32 to vector<128x128xf32>
    %reduce_or3A_929 = arith.select %eq3A_924, %reduce_or3A_927, %reduce_or3A_928 : vector<128x128xi1>, vector<128x128xf32>
    %reduce_or3A_930 = vector.shape_cast %reduce_or3A_929 : vector<128x128xf32> to vector<1x128x128xf32>
    %reduce_or3A_931 = arith.constant dense<0xFF800000> : vector<1xf32>
    %reduce_or3A_932 = vector.multi_reduction <maximumf>, %reduce_or3A_930, %reduce_or3A_931 [1, 2] : vector<1x128x128xf32> to vector<1xf32>
    %reduce_or3A_933 = vector.shape_cast %reduce_or3A_932 : vector<1xf32> to vector<1x1x1xf32>
    %reduce_or3A_934 = vector.extract %reduce_or3A_933[0, 0, 0] : f32 from vector<1x1x1xf32>
    %reduce_or3A_935 = arith.constant 0.000000e+00 : f32
    %reduce_or3A_936 = arith.cmpf ogt, %reduce_or3A_934, %reduce_or3A_935 : f32
    %jit3A_937 = arith.constant 1.000000e+00 : f32
    %jit3A_938 = arith.constant 0.000000e+00 : f32
    %select_n3A_939 = arith.select %reduce_or3A_936, %jit3A_937, %jit3A_938 : f32
    %eq3A_940 = arith.constant 39 : i32
    %eq3A_941 = vector.broadcast %eq3A_940 : i32 to vector<1x128xi32>
    %eq3A_942 = arith.cmpi eq, %iota3A, %eq3A_941 : vector<1x128xi32>
    %broadcast_in_dim3A_943 = vector.broadcast %select_n3A_939 : f32 to vector<1x128xf32>
    %select_n3A_944 = arith.select %eq3A_942, %broadcast_in_dim3A_943, %select_n3A_921 : vector<1x128xi1>, vector<1x128xf32>
    %eq3A_945 = arith.constant 999976 : i32
    %eq3A_946 = vector.broadcast %eq3A_945 : i32 to vector<128x128xi32>
    %eq3A_947 = arith.cmpi eq, %get3A_26, %eq3A_946 : vector<128x128xi32>
    %reduce_or3A_948 = arith.constant 1.000000e+00 : f32
    %reduce_or3A_949 = arith.constant 0.000000e+00 : f32
    %reduce_or3A_950 = vector.broadcast %reduce_or3A_948 : f32 to vector<128x128xf32>
    %reduce_or3A_951 = vector.broadcast %reduce_or3A_949 : f32 to vector<128x128xf32>
    %reduce_or3A_952 = arith.select %eq3A_947, %reduce_or3A_950, %reduce_or3A_951 : vector<128x128xi1>, vector<128x128xf32>
    %reduce_or3A_953 = vector.shape_cast %reduce_or3A_952 : vector<128x128xf32> to vector<1x128x128xf32>
    %reduce_or3A_954 = arith.constant dense<0xFF800000> : vector<1xf32>
    %reduce_or3A_955 = vector.multi_reduction <maximumf>, %reduce_or3A_953, %reduce_or3A_954 [1, 2] : vector<1x128x128xf32> to vector<1xf32>
    %reduce_or3A_956 = vector.shape_cast %reduce_or3A_955 : vector<1xf32> to vector<1x1x1xf32>
    %reduce_or3A_957 = vector.extract %reduce_or3A_956[0, 0, 0] : f32 from vector<1x1x1xf32>
    %reduce_or3A_958 = arith.constant 0.000000e+00 : f32
    %reduce_or3A_959 = arith.cmpf ogt, %reduce_or3A_957, %reduce_or3A_958 : f32
    %jit3A_960 = arith.constant 1.000000e+00 : f32
    %jit3A_961 = arith.constant 0.000000e+00 : f32
    %select_n3A_962 = arith.select %reduce_or3A_959, %jit3A_960, %jit3A_961 : f32
    %eq3A_963 = arith.constant 40 : i32
    %eq3A_964 = vector.broadcast %eq3A_963 : i32 to vector<1x128xi32>
    %eq3A_965 = arith.cmpi eq, %iota3A, %eq3A_964 : vector<1x128xi32>
    %broadcast_in_dim3A_966 = vector.broadcast %select_n3A_962 : f32 to vector<1x128xf32>
    %select_n3A_967 = arith.select %eq3A_965, %broadcast_in_dim3A_966, %select_n3A_944 : vector<1x128xi1>, vector<1x128xf32>
    %eq3A_968 = arith.constant 999977 : i32
    %eq3A_969 = vector.broadcast %eq3A_968 : i32 to vector<128x128xi32>
    %eq3A_970 = arith.cmpi eq, %get3A_26, %eq3A_969 : vector<128x128xi32>
    %reduce_or3A_971 = arith.constant 1.000000e+00 : f32
    %reduce_or3A_972 = arith.constant 0.000000e+00 : f32
    %reduce_or3A_973 = vector.broadcast %reduce_or3A_971 : f32 to vector<128x128xf32>
    %reduce_or3A_974 = vector.broadcast %reduce_or3A_972 : f32 to vector<128x128xf32>
    %reduce_or3A_975 = arith.select %eq3A_970, %reduce_or3A_973, %reduce_or3A_974 : vector<128x128xi1>, vector<128x128xf32>
    %reduce_or3A_976 = vector.shape_cast %reduce_or3A_975 : vector<128x128xf32> to vector<1x128x128xf32>
    %reduce_or3A_977 = arith.constant dense<0xFF800000> : vector<1xf32>
    %reduce_or3A_978 = vector.multi_reduction <maximumf>, %reduce_or3A_976, %reduce_or3A_977 [1, 2] : vector<1x128x128xf32> to vector<1xf32>
    %reduce_or3A_979 = vector.shape_cast %reduce_or3A_978 : vector<1xf32> to vector<1x1x1xf32>
    %reduce_or3A_980 = vector.extract %reduce_or3A_979[0, 0, 0] : f32 from vector<1x1x1xf32>
    %reduce_or3A_981 = arith.constant 0.000000e+00 : f32
    %reduce_or3A_982 = arith.cmpf ogt, %reduce_or3A_980, %reduce_or3A_981 : f32
    %jit3A_983 = arith.constant 1.000000e+00 : f32
    %jit3A_984 = arith.constant 0.000000e+00 : f32
    %select_n3A_985 = arith.select %reduce_or3A_982, %jit3A_983, %jit3A_984 : f32
    %eq3A_986 = arith.constant 41 : i32
    %eq3A_987 = vector.broadcast %eq3A_986 : i32 to vector<1x128xi32>
    %eq3A_988 = arith.cmpi eq, %iota3A, %eq3A_987 : vector<1x128xi32>
    %broadcast_in_dim3A_989 = vector.broadcast %select_n3A_985 : f32 to vector<1x128xf32>
    %select_n3A_990 = arith.select %eq3A_988, %broadcast_in_dim3A_989, %select_n3A_967 : vector<1x128xi1>, vector<1x128xf32>
    %eq3A_991 = arith.constant 999978 : i32
    %eq3A_992 = vector.broadcast %eq3A_991 : i32 to vector<128x128xi32>
    %eq3A_993 = arith.cmpi eq, %get3A_26, %eq3A_992 : vector<128x128xi32>
    %reduce_or3A_994 = arith.constant 1.000000e+00 : f32
    %reduce_or3A_995 = arith.constant 0.000000e+00 : f32
    %reduce_or3A_996 = vector.broadcast %reduce_or3A_994 : f32 to vector<128x128xf32>
    %reduce_or3A_997 = vector.broadcast %reduce_or3A_995 : f32 to vector<128x128xf32>
    %reduce_or3A_998 = arith.select %eq3A_993, %reduce_or3A_996, %reduce_or3A_997 : vector<128x128xi1>, vector<128x128xf32>
    %reduce_or3A_999 = vector.shape_cast %reduce_or3A_998 : vector<128x128xf32> to vector<1x128x128xf32>
    %reduce_or3A_1000 = arith.constant dense<0xFF800000> : vector<1xf32>
    %reduce_or3A_1001 = vector.multi_reduction <maximumf>, %reduce_or3A_999, %reduce_or3A_1000 [1, 2] : vector<1x128x128xf32> to vector<1xf32>
    %reduce_or3A_1002 = vector.shape_cast %reduce_or3A_1001 : vector<1xf32> to vector<1x1x1xf32>
    %reduce_or3A_1003 = vector.extract %reduce_or3A_1002[0, 0, 0] : f32 from vector<1x1x1xf32>
    %reduce_or3A_1004 = arith.constant 0.000000e+00 : f32
    %reduce_or3A_1005 = arith.cmpf ogt, %reduce_or3A_1003, %reduce_or3A_1004 : f32
    %jit3A_1006 = arith.constant 1.000000e+00 : f32
    %jit3A_1007 = arith.constant 0.000000e+00 : f32
    %select_n3A_1008 = arith.select %reduce_or3A_1005, %jit3A_1006, %jit3A_1007 : f32
    %eq3A_1009 = arith.constant 42 : i32
    %eq3A_1010 = vector.broadcast %eq3A_1009 : i32 to vector<1x128xi32>
    %eq3A_1011 = arith.cmpi eq, %iota3A, %eq3A_1010 : vector<1x128xi32>
    %broadcast_in_dim3A_1012 = vector.broadcast %select_n3A_1008 : f32 to vector<1x128xf32>
    %select_n3A_1013 = arith.select %eq3A_1011, %broadcast_in_dim3A_1012, %select_n3A_990 : vector<1x128xi1>, vector<1x128xf32>
    %eq3A_1014 = arith.constant 999979 : i32
    %eq3A_1015 = vector.broadcast %eq3A_1014 : i32 to vector<128x128xi32>
    %eq3A_1016 = arith.cmpi eq, %get3A_26, %eq3A_1015 : vector<128x128xi32>
    %reduce_or3A_1017 = arith.constant 1.000000e+00 : f32
    %reduce_or3A_1018 = arith.constant 0.000000e+00 : f32
    %reduce_or3A_1019 = vector.broadcast %reduce_or3A_1017 : f32 to vector<128x128xf32>
    %reduce_or3A_1020 = vector.broadcast %reduce_or3A_1018 : f32 to vector<128x128xf32>
    %reduce_or3A_1021 = arith.select %eq3A_1016, %reduce_or3A_1019, %reduce_or3A_1020 : vector<128x128xi1>, vector<128x128xf32>
    %reduce_or3A_1022 = vector.shape_cast %reduce_or3A_1021 : vector<128x128xf32> to vector<1x128x128xf32>
    %reduce_or3A_1023 = arith.constant dense<0xFF800000> : vector<1xf32>
    %reduce_or3A_1024 = vector.multi_reduction <maximumf>, %reduce_or3A_1022, %reduce_or3A_1023 [1, 2] : vector<1x128x128xf32> to vector<1xf32>
    %reduce_or3A_1025 = vector.shape_cast %reduce_or3A_1024 : vector<1xf32> to vector<1x1x1xf32>
    %reduce_or3A_1026 = vector.extract %reduce_or3A_1025[0, 0, 0] : f32 from vector<1x1x1xf32>
    %reduce_or3A_1027 = arith.constant 0.000000e+00 : f32
    %reduce_or3A_1028 = arith.cmpf ogt, %reduce_or3A_1026, %reduce_or3A_1027 : f32
    %jit3A_1029 = arith.constant 1.000000e+00 : f32
    %jit3A_1030 = arith.constant 0.000000e+00 : f32
    %select_n3A_1031 = arith.select %reduce_or3A_1028, %jit3A_1029, %jit3A_1030 : f32
    %eq3A_1032 = arith.constant 43 : i32
    %eq3A_1033 = vector.broadcast %eq3A_1032 : i32 to vector<1x128xi32>
    %eq3A_1034 = arith.cmpi eq, %iota3A, %eq3A_1033 : vector<1x128xi32>
    %broadcast_in_dim3A_1035 = vector.broadcast %select_n3A_1031 : f32 to vector<1x128xf32>
    %select_n3A_1036 = arith.select %eq3A_1034, %broadcast_in_dim3A_1035, %select_n3A_1013 : vector<1x128xi1>, vector<1x128xf32>
    %eq3A_1037 = arith.constant 999980 : i32
    %eq3A_1038 = vector.broadcast %eq3A_1037 : i32 to vector<128x128xi32>
    %eq3A_1039 = arith.cmpi eq, %get3A_26, %eq3A_1038 : vector<128x128xi32>
    %reduce_or3A_1040 = arith.constant 1.000000e+00 : f32
    %reduce_or3A_1041 = arith.constant 0.000000e+00 : f32
    %reduce_or3A_1042 = vector.broadcast %reduce_or3A_1040 : f32 to vector<128x128xf32>
    %reduce_or3A_1043 = vector.broadcast %reduce_or3A_1041 : f32 to vector<128x128xf32>
    %reduce_or3A_1044 = arith.select %eq3A_1039, %reduce_or3A_1042, %reduce_or3A_1043 : vector<128x128xi1>, vector<128x128xf32>
    %reduce_or3A_1045 = vector.shape_cast %reduce_or3A_1044 : vector<128x128xf32> to vector<1x128x128xf32>
    %reduce_or3A_1046 = arith.constant dense<0xFF800000> : vector<1xf32>
    %reduce_or3A_1047 = vector.multi_reduction <maximumf>, %reduce_or3A_1045, %reduce_or3A_1046 [1, 2] : vector<1x128x128xf32> to vector<1xf32>
    %reduce_or3A_1048 = vector.shape_cast %reduce_or3A_1047 : vector<1xf32> to vector<1x1x1xf32>
    %reduce_or3A_1049 = vector.extract %reduce_or3A_1048[0, 0, 0] : f32 from vector<1x1x1xf32>
    %reduce_or3A_1050 = arith.constant 0.000000e+00 : f32
    %reduce_or3A_1051 = arith.cmpf ogt, %reduce_or3A_1049, %reduce_or3A_1050 : f32
    %jit3A_1052 = arith.constant 1.000000e+00 : f32
    %jit3A_1053 = arith.constant 0.000000e+00 : f32
    %select_n3A_1054 = arith.select %reduce_or3A_1051, %jit3A_1052, %jit3A_1053 : f32
    %eq3A_1055 = arith.constant 44 : i32
    %eq3A_1056 = vector.broadcast %eq3A_1055 : i32 to vector<1x128xi32>
    %eq3A_1057 = arith.cmpi eq, %iota3A, %eq3A_1056 : vector<1x128xi32>
    %broadcast_in_dim3A_1058 = vector.broadcast %select_n3A_1054 : f32 to vector<1x128xf32>
    %select_n3A_1059 = arith.select %eq3A_1057, %broadcast_in_dim3A_1058, %select_n3A_1036 : vector<1x128xi1>, vector<1x128xf32>
    %eq3A_1060 = arith.constant 999981 : i32
    %eq3A_1061 = vector.broadcast %eq3A_1060 : i32 to vector<128x128xi32>
    %eq3A_1062 = arith.cmpi eq, %get3A_26, %eq3A_1061 : vector<128x128xi32>
    %reduce_or3A_1063 = arith.constant 1.000000e+00 : f32
    %reduce_or3A_1064 = arith.constant 0.000000e+00 : f32
    %reduce_or3A_1065 = vector.broadcast %reduce_or3A_1063 : f32 to vector<128x128xf32>
    %reduce_or3A_1066 = vector.broadcast %reduce_or3A_1064 : f32 to vector<128x128xf32>
    %reduce_or3A_1067 = arith.select %eq3A_1062, %reduce_or3A_1065, %reduce_or3A_1066 : vector<128x128xi1>, vector<128x128xf32>
    %reduce_or3A_1068 = vector.shape_cast %reduce_or3A_1067 : vector<128x128xf32> to vector<1x128x128xf32>
    %reduce_or3A_1069 = arith.constant dense<0xFF800000> : vector<1xf32>
    %reduce_or3A_1070 = vector.multi_reduction <maximumf>, %reduce_or3A_1068, %reduce_or3A_1069 [1, 2] : vector<1x128x128xf32> to vector<1xf32>
    %reduce_or3A_1071 = vector.shape_cast %reduce_or3A_1070 : vector<1xf32> to vector<1x1x1xf32>
    %reduce_or3A_1072 = vector.extract %reduce_or3A_1071[0, 0, 0] : f32 from vector<1x1x1xf32>
    %reduce_or3A_1073 = arith.constant 0.000000e+00 : f32
    %reduce_or3A_1074 = arith.cmpf ogt, %reduce_or3A_1072, %reduce_or3A_1073 : f32
    %jit3A_1075 = arith.constant 1.000000e+00 : f32
    %jit3A_1076 = arith.constant 0.000000e+00 : f32
    %select_n3A_1077 = arith.select %reduce_or3A_1074, %jit3A_1075, %jit3A_1076 : f32
    %eq3A_1078 = arith.constant 45 : i32
    %eq3A_1079 = vector.broadcast %eq3A_1078 : i32 to vector<1x128xi32>
    %eq3A_1080 = arith.cmpi eq, %iota3A, %eq3A_1079 : vector<1x128xi32>
    %broadcast_in_dim3A_1081 = vector.broadcast %select_n3A_1077 : f32 to vector<1x128xf32>
    %select_n3A_1082 = arith.select %eq3A_1080, %broadcast_in_dim3A_1081, %select_n3A_1059 : vector<1x128xi1>, vector<1x128xf32>
    %eq3A_1083 = arith.constant 999982 : i32
    %eq3A_1084 = vector.broadcast %eq3A_1083 : i32 to vector<128x128xi32>
    %eq3A_1085 = arith.cmpi eq, %get3A_26, %eq3A_1084 : vector<128x128xi32>
    %reduce_or3A_1086 = arith.constant 1.000000e+00 : f32
    %reduce_or3A_1087 = arith.constant 0.000000e+00 : f32
    %reduce_or3A_1088 = vector.broadcast %reduce_or3A_1086 : f32 to vector<128x128xf32>
    %reduce_or3A_1089 = vector.broadcast %reduce_or3A_1087 : f32 to vector<128x128xf32>
    %reduce_or3A_1090 = arith.select %eq3A_1085, %reduce_or3A_1088, %reduce_or3A_1089 : vector<128x128xi1>, vector<128x128xf32>
    %reduce_or3A_1091 = vector.shape_cast %reduce_or3A_1090 : vector<128x128xf32> to vector<1x128x128xf32>
    %reduce_or3A_1092 = arith.constant dense<0xFF800000> : vector<1xf32>
    %reduce_or3A_1093 = vector.multi_reduction <maximumf>, %reduce_or3A_1091, %reduce_or3A_1092 [1, 2] : vector<1x128x128xf32> to vector<1xf32>
    %reduce_or3A_1094 = vector.shape_cast %reduce_or3A_1093 : vector<1xf32> to vector<1x1x1xf32>
    %reduce_or3A_1095 = vector.extract %reduce_or3A_1094[0, 0, 0] : f32 from vector<1x1x1xf32>
    %reduce_or3A_1096 = arith.constant 0.000000e+00 : f32
    %reduce_or3A_1097 = arith.cmpf ogt, %reduce_or3A_1095, %reduce_or3A_1096 : f32
    %jit3A_1098 = arith.constant 1.000000e+00 : f32
    %jit3A_1099 = arith.constant 0.000000e+00 : f32
    %select_n3A_1100 = arith.select %reduce_or3A_1097, %jit3A_1098, %jit3A_1099 : f32
    %eq3A_1101 = arith.constant 46 : i32
    %eq3A_1102 = vector.broadcast %eq3A_1101 : i32 to vector<1x128xi32>
    %eq3A_1103 = arith.cmpi eq, %iota3A, %eq3A_1102 : vector<1x128xi32>
    %broadcast_in_dim3A_1104 = vector.broadcast %select_n3A_1100 : f32 to vector<1x128xf32>
    %select_n3A_1105 = arith.select %eq3A_1103, %broadcast_in_dim3A_1104, %select_n3A_1082 : vector<1x128xi1>, vector<1x128xf32>
    %eq3A_1106 = arith.constant 999983 : i32
    %eq3A_1107 = vector.broadcast %eq3A_1106 : i32 to vector<128x128xi32>
    %eq3A_1108 = arith.cmpi eq, %get3A_26, %eq3A_1107 : vector<128x128xi32>
    %reduce_or3A_1109 = arith.constant 1.000000e+00 : f32
    %reduce_or3A_1110 = arith.constant 0.000000e+00 : f32
    %reduce_or3A_1111 = vector.broadcast %reduce_or3A_1109 : f32 to vector<128x128xf32>
    %reduce_or3A_1112 = vector.broadcast %reduce_or3A_1110 : f32 to vector<128x128xf32>
    %reduce_or3A_1113 = arith.select %eq3A_1108, %reduce_or3A_1111, %reduce_or3A_1112 : vector<128x128xi1>, vector<128x128xf32>
    %reduce_or3A_1114 = vector.shape_cast %reduce_or3A_1113 : vector<128x128xf32> to vector<1x128x128xf32>
    %reduce_or3A_1115 = arith.constant dense<0xFF800000> : vector<1xf32>
    %reduce_or3A_1116 = vector.multi_reduction <maximumf>, %reduce_or3A_1114, %reduce_or3A_1115 [1, 2] : vector<1x128x128xf32> to vector<1xf32>
    %reduce_or3A_1117 = vector.shape_cast %reduce_or3A_1116 : vector<1xf32> to vector<1x1x1xf32>
    %reduce_or3A_1118 = vector.extract %reduce_or3A_1117[0, 0, 0] : f32 from vector<1x1x1xf32>
    %reduce_or3A_1119 = arith.constant 0.000000e+00 : f32
    %reduce_or3A_1120 = arith.cmpf ogt, %reduce_or3A_1118, %reduce_or3A_1119 : f32
    %jit3A_1121 = arith.constant 1.000000e+00 : f32
    %jit3A_1122 = arith.constant 0.000000e+00 : f32
    %select_n3A_1123 = arith.select %reduce_or3A_1120, %jit3A_1121, %jit3A_1122 : f32
    %eq3A_1124 = arith.constant 47 : i32
    %eq3A_1125 = vector.broadcast %eq3A_1124 : i32 to vector<1x128xi32>
    %eq3A_1126 = arith.cmpi eq, %iota3A, %eq3A_1125 : vector<1x128xi32>
    %broadcast_in_dim3A_1127 = vector.broadcast %select_n3A_1123 : f32 to vector<1x128xf32>
    %select_n3A_1128 = arith.select %eq3A_1126, %broadcast_in_dim3A_1127, %select_n3A_1105 : vector<1x128xi1>, vector<1x128xf32>
    %eq3A_1129 = arith.constant 999984 : i32
    %eq3A_1130 = vector.broadcast %eq3A_1129 : i32 to vector<128x128xi32>
    %eq3A_1131 = arith.cmpi eq, %get3A_26, %eq3A_1130 : vector<128x128xi32>
    %reduce_or3A_1132 = arith.constant 1.000000e+00 : f32
    %reduce_or3A_1133 = arith.constant 0.000000e+00 : f32
    %reduce_or3A_1134 = vector.broadcast %reduce_or3A_1132 : f32 to vector<128x128xf32>
    %reduce_or3A_1135 = vector.broadcast %reduce_or3A_1133 : f32 to vector<128x128xf32>
    %reduce_or3A_1136 = arith.select %eq3A_1131, %reduce_or3A_1134, %reduce_or3A_1135 : vector<128x128xi1>, vector<128x128xf32>
    %reduce_or3A_1137 = vector.shape_cast %reduce_or3A_1136 : vector<128x128xf32> to vector<1x128x128xf32>
    %reduce_or3A_1138 = arith.constant dense<0xFF800000> : vector<1xf32>
    %reduce_or3A_1139 = vector.multi_reduction <maximumf>, %reduce_or3A_1137, %reduce_or3A_1138 [1, 2] : vector<1x128x128xf32> to vector<1xf32>
    %reduce_or3A_1140 = vector.shape_cast %reduce_or3A_1139 : vector<1xf32> to vector<1x1x1xf32>
    %reduce_or3A_1141 = vector.extract %reduce_or3A_1140[0, 0, 0] : f32 from vector<1x1x1xf32>
    %reduce_or3A_1142 = arith.constant 0.000000e+00 : f32
    %reduce_or3A_1143 = arith.cmpf ogt, %reduce_or3A_1141, %reduce_or3A_1142 : f32
    %jit3A_1144 = arith.constant 1.000000e+00 : f32
    %jit3A_1145 = arith.constant 0.000000e+00 : f32
    %select_n3A_1146 = arith.select %reduce_or3A_1143, %jit3A_1144, %jit3A_1145 : f32
    %eq3A_1147 = arith.constant 48 : i32
    %eq3A_1148 = vector.broadcast %eq3A_1147 : i32 to vector<1x128xi32>
    %eq3A_1149 = arith.cmpi eq, %iota3A, %eq3A_1148 : vector<1x128xi32>
    %broadcast_in_dim3A_1150 = vector.broadcast %select_n3A_1146 : f32 to vector<1x128xf32>
    %select_n3A_1151 = arith.select %eq3A_1149, %broadcast_in_dim3A_1150, %select_n3A_1128 : vector<1x128xi1>, vector<1x128xf32>
    %eq3A_1152 = arith.constant 999985 : i32
    %eq3A_1153 = vector.broadcast %eq3A_1152 : i32 to vector<128x128xi32>
    %eq3A_1154 = arith.cmpi eq, %get3A_26, %eq3A_1153 : vector<128x128xi32>
    %reduce_or3A_1155 = arith.constant 1.000000e+00 : f32
    %reduce_or3A_1156 = arith.constant 0.000000e+00 : f32
    %reduce_or3A_1157 = vector.broadcast %reduce_or3A_1155 : f32 to vector<128x128xf32>
    %reduce_or3A_1158 = vector.broadcast %reduce_or3A_1156 : f32 to vector<128x128xf32>
    %reduce_or3A_1159 = arith.select %eq3A_1154, %reduce_or3A_1157, %reduce_or3A_1158 : vector<128x128xi1>, vector<128x128xf32>
    %reduce_or3A_1160 = vector.shape_cast %reduce_or3A_1159 : vector<128x128xf32> to vector<1x128x128xf32>
    %reduce_or3A_1161 = arith.constant dense<0xFF800000> : vector<1xf32>
    %reduce_or3A_1162 = vector.multi_reduction <maximumf>, %reduce_or3A_1160, %reduce_or3A_1161 [1, 2] : vector<1x128x128xf32> to vector<1xf32>
    %reduce_or3A_1163 = vector.shape_cast %reduce_or3A_1162 : vector<1xf32> to vector<1x1x1xf32>
    %reduce_or3A_1164 = vector.extract %reduce_or3A_1163[0, 0, 0] : f32 from vector<1x1x1xf32>
    %reduce_or3A_1165 = arith.constant 0.000000e+00 : f32
    %reduce_or3A_1166 = arith.cmpf ogt, %reduce_or3A_1164, %reduce_or3A_1165 : f32
    %jit3A_1167 = arith.constant 1.000000e+00 : f32
    %jit3A_1168 = arith.constant 0.000000e+00 : f32
    %select_n3A_1169 = arith.select %reduce_or3A_1166, %jit3A_1167, %jit3A_1168 : f32
    %eq3A_1170 = arith.constant 49 : i32
    %eq3A_1171 = vector.broadcast %eq3A_1170 : i32 to vector<1x128xi32>
    %eq3A_1172 = arith.cmpi eq, %iota3A, %eq3A_1171 : vector<1x128xi32>
    %broadcast_in_dim3A_1173 = vector.broadcast %select_n3A_1169 : f32 to vector<1x128xf32>
    %select_n3A_1174 = arith.select %eq3A_1172, %broadcast_in_dim3A_1173, %select_n3A_1151 : vector<1x128xi1>, vector<1x128xf32>
    %eq3A_1175 = arith.constant 999986 : i32
    %eq3A_1176 = vector.broadcast %eq3A_1175 : i32 to vector<128x128xi32>
    %eq3A_1177 = arith.cmpi eq, %get3A_26, %eq3A_1176 : vector<128x128xi32>
    %reduce_or3A_1178 = arith.constant 1.000000e+00 : f32
    %reduce_or3A_1179 = arith.constant 0.000000e+00 : f32
    %reduce_or3A_1180 = vector.broadcast %reduce_or3A_1178 : f32 to vector<128x128xf32>
    %reduce_or3A_1181 = vector.broadcast %reduce_or3A_1179 : f32 to vector<128x128xf32>
    %reduce_or3A_1182 = arith.select %eq3A_1177, %reduce_or3A_1180, %reduce_or3A_1181 : vector<128x128xi1>, vector<128x128xf32>
    %reduce_or3A_1183 = vector.shape_cast %reduce_or3A_1182 : vector<128x128xf32> to vector<1x128x128xf32>
    %reduce_or3A_1184 = arith.constant dense<0xFF800000> : vector<1xf32>
    %reduce_or3A_1185 = vector.multi_reduction <maximumf>, %reduce_or3A_1183, %reduce_or3A_1184 [1, 2] : vector<1x128x128xf32> to vector<1xf32>
    %reduce_or3A_1186 = vector.shape_cast %reduce_or3A_1185 : vector<1xf32> to vector<1x1x1xf32>
    %reduce_or3A_1187 = vector.extract %reduce_or3A_1186[0, 0, 0] : f32 from vector<1x1x1xf32>
    %reduce_or3A_1188 = arith.constant 0.000000e+00 : f32
    %reduce_or3A_1189 = arith.cmpf ogt, %reduce_or3A_1187, %reduce_or3A_1188 : f32
    %jit3A_1190 = arith.constant 1.000000e+00 : f32
    %jit3A_1191 = arith.constant 0.000000e+00 : f32
    %select_n3A_1192 = arith.select %reduce_or3A_1189, %jit3A_1190, %jit3A_1191 : f32
    %eq3A_1193 = arith.constant 50 : i32
    %eq3A_1194 = vector.broadcast %eq3A_1193 : i32 to vector<1x128xi32>
    %eq3A_1195 = arith.cmpi eq, %iota3A, %eq3A_1194 : vector<1x128xi32>
    %broadcast_in_dim3A_1196 = vector.broadcast %select_n3A_1192 : f32 to vector<1x128xf32>
    %select_n3A_1197 = arith.select %eq3A_1195, %broadcast_in_dim3A_1196, %select_n3A_1174 : vector<1x128xi1>, vector<1x128xf32>
    %eq3A_1198 = arith.constant 999987 : i32
    %eq3A_1199 = vector.broadcast %eq3A_1198 : i32 to vector<128x128xi32>
    %eq3A_1200 = arith.cmpi eq, %get3A_26, %eq3A_1199 : vector<128x128xi32>
    %reduce_or3A_1201 = arith.constant 1.000000e+00 : f32
    %reduce_or3A_1202 = arith.constant 0.000000e+00 : f32
    %reduce_or3A_1203 = vector.broadcast %reduce_or3A_1201 : f32 to vector<128x128xf32>
    %reduce_or3A_1204 = vector.broadcast %reduce_or3A_1202 : f32 to vector<128x128xf32>
    %reduce_or3A_1205 = arith.select %eq3A_1200, %reduce_or3A_1203, %reduce_or3A_1204 : vector<128x128xi1>, vector<128x128xf32>
    %reduce_or3A_1206 = vector.shape_cast %reduce_or3A_1205 : vector<128x128xf32> to vector<1x128x128xf32>
    %reduce_or3A_1207 = arith.constant dense<0xFF800000> : vector<1xf32>
    %reduce_or3A_1208 = vector.multi_reduction <maximumf>, %reduce_or3A_1206, %reduce_or3A_1207 [1, 2] : vector<1x128x128xf32> to vector<1xf32>
    %reduce_or3A_1209 = vector.shape_cast %reduce_or3A_1208 : vector<1xf32> to vector<1x1x1xf32>
    %reduce_or3A_1210 = vector.extract %reduce_or3A_1209[0, 0, 0] : f32 from vector<1x1x1xf32>
    %reduce_or3A_1211 = arith.constant 0.000000e+00 : f32
    %reduce_or3A_1212 = arith.cmpf ogt, %reduce_or3A_1210, %reduce_or3A_1211 : f32
    %jit3A_1213 = arith.constant 1.000000e+00 : f32
    %jit3A_1214 = arith.constant 0.000000e+00 : f32
    %select_n3A_1215 = arith.select %reduce_or3A_1212, %jit3A_1213, %jit3A_1214 : f32
    %eq3A_1216 = arith.constant 51 : i32
    %eq3A_1217 = vector.broadcast %eq3A_1216 : i32 to vector<1x128xi32>
    %eq3A_1218 = arith.cmpi eq, %iota3A, %eq3A_1217 : vector<1x128xi32>
    %broadcast_in_dim3A_1219 = vector.broadcast %select_n3A_1215 : f32 to vector<1x128xf32>
    %select_n3A_1220 = arith.select %eq3A_1218, %broadcast_in_dim3A_1219, %select_n3A_1197 : vector<1x128xi1>, vector<1x128xf32>
    %eq3A_1221 = arith.constant 999988 : i32
    %eq3A_1222 = vector.broadcast %eq3A_1221 : i32 to vector<128x128xi32>
    %eq3A_1223 = arith.cmpi eq, %get3A_26, %eq3A_1222 : vector<128x128xi32>
    %reduce_or3A_1224 = arith.constant 1.000000e+00 : f32
    %reduce_or3A_1225 = arith.constant 0.000000e+00 : f32
    %reduce_or3A_1226 = vector.broadcast %reduce_or3A_1224 : f32 to vector<128x128xf32>
    %reduce_or3A_1227 = vector.broadcast %reduce_or3A_1225 : f32 to vector<128x128xf32>
    %reduce_or3A_1228 = arith.select %eq3A_1223, %reduce_or3A_1226, %reduce_or3A_1227 : vector<128x128xi1>, vector<128x128xf32>
    %reduce_or3A_1229 = vector.shape_cast %reduce_or3A_1228 : vector<128x128xf32> to vector<1x128x128xf32>
    %reduce_or3A_1230 = arith.constant dense<0xFF800000> : vector<1xf32>
    %reduce_or3A_1231 = vector.multi_reduction <maximumf>, %reduce_or3A_1229, %reduce_or3A_1230 [1, 2] : vector<1x128x128xf32> to vector<1xf32>
    %reduce_or3A_1232 = vector.shape_cast %reduce_or3A_1231 : vector<1xf32> to vector<1x1x1xf32>
    %reduce_or3A_1233 = vector.extract %reduce_or3A_1232[0, 0, 0] : f32 from vector<1x1x1xf32>
    %reduce_or3A_1234 = arith.constant 0.000000e+00 : f32
    %reduce_or3A_1235 = arith.cmpf ogt, %reduce_or3A_1233, %reduce_or3A_1234 : f32
    %jit3A_1236 = arith.constant 1.000000e+00 : f32
    %jit3A_1237 = arith.constant 0.000000e+00 : f32
    %select_n3A_1238 = arith.select %reduce_or3A_1235, %jit3A_1236, %jit3A_1237 : f32
    %eq3A_1239 = arith.constant 52 : i32
    %eq3A_1240 = vector.broadcast %eq3A_1239 : i32 to vector<1x128xi32>
    %eq3A_1241 = arith.cmpi eq, %iota3A, %eq3A_1240 : vector<1x128xi32>
    %broadcast_in_dim3A_1242 = vector.broadcast %select_n3A_1238 : f32 to vector<1x128xf32>
    %select_n3A_1243 = arith.select %eq3A_1241, %broadcast_in_dim3A_1242, %select_n3A_1220 : vector<1x128xi1>, vector<1x128xf32>
    %eq3A_1244 = arith.constant 999989 : i32
    %eq3A_1245 = vector.broadcast %eq3A_1244 : i32 to vector<128x128xi32>
    %eq3A_1246 = arith.cmpi eq, %get3A_26, %eq3A_1245 : vector<128x128xi32>
    %reduce_or3A_1247 = arith.constant 1.000000e+00 : f32
    %reduce_or3A_1248 = arith.constant 0.000000e+00 : f32
    %reduce_or3A_1249 = vector.broadcast %reduce_or3A_1247 : f32 to vector<128x128xf32>
    %reduce_or3A_1250 = vector.broadcast %reduce_or3A_1248 : f32 to vector<128x128xf32>
    %reduce_or3A_1251 = arith.select %eq3A_1246, %reduce_or3A_1249, %reduce_or3A_1250 : vector<128x128xi1>, vector<128x128xf32>
    %reduce_or3A_1252 = vector.shape_cast %reduce_or3A_1251 : vector<128x128xf32> to vector<1x128x128xf32>
    %reduce_or3A_1253 = arith.constant dense<0xFF800000> : vector<1xf32>
    %reduce_or3A_1254 = vector.multi_reduction <maximumf>, %reduce_or3A_1252, %reduce_or3A_1253 [1, 2] : vector<1x128x128xf32> to vector<1xf32>
    %reduce_or3A_1255 = vector.shape_cast %reduce_or3A_1254 : vector<1xf32> to vector<1x1x1xf32>
    %reduce_or3A_1256 = vector.extract %reduce_or3A_1255[0, 0, 0] : f32 from vector<1x1x1xf32>
    %reduce_or3A_1257 = arith.constant 0.000000e+00 : f32
    %reduce_or3A_1258 = arith.cmpf ogt, %reduce_or3A_1256, %reduce_or3A_1257 : f32
    %jit3A_1259 = arith.constant 1.000000e+00 : f32
    %jit3A_1260 = arith.constant 0.000000e+00 : f32
    %select_n3A_1261 = arith.select %reduce_or3A_1258, %jit3A_1259, %jit3A_1260 : f32
    %eq3A_1262 = arith.constant 53 : i32
    %eq3A_1263 = vector.broadcast %eq3A_1262 : i32 to vector<1x128xi32>
    %eq3A_1264 = arith.cmpi eq, %iota3A, %eq3A_1263 : vector<1x128xi32>
    %broadcast_in_dim3A_1265 = vector.broadcast %select_n3A_1261 : f32 to vector<1x128xf32>
    %select_n3A_1266 = arith.select %eq3A_1264, %broadcast_in_dim3A_1265, %select_n3A_1243 : vector<1x128xi1>, vector<1x128xf32>
    %eq3A_1267 = arith.constant 999990 : i32
    %eq3A_1268 = vector.broadcast %eq3A_1267 : i32 to vector<128x128xi32>
    %eq3A_1269 = arith.cmpi eq, %get3A_26, %eq3A_1268 : vector<128x128xi32>
    %reduce_or3A_1270 = arith.constant 1.000000e+00 : f32
    %reduce_or3A_1271 = arith.constant 0.000000e+00 : f32
    %reduce_or3A_1272 = vector.broadcast %reduce_or3A_1270 : f32 to vector<128x128xf32>
    %reduce_or3A_1273 = vector.broadcast %reduce_or3A_1271 : f32 to vector<128x128xf32>
    %reduce_or3A_1274 = arith.select %eq3A_1269, %reduce_or3A_1272, %reduce_or3A_1273 : vector<128x128xi1>, vector<128x128xf32>
    %reduce_or3A_1275 = vector.shape_cast %reduce_or3A_1274 : vector<128x128xf32> to vector<1x128x128xf32>
    %reduce_or3A_1276 = arith.constant dense<0xFF800000> : vector<1xf32>
    %reduce_or3A_1277 = vector.multi_reduction <maximumf>, %reduce_or3A_1275, %reduce_or3A_1276 [1, 2] : vector<1x128x128xf32> to vector<1xf32>
    %reduce_or3A_1278 = vector.shape_cast %reduce_or3A_1277 : vector<1xf32> to vector<1x1x1xf32>
    %reduce_or3A_1279 = vector.extract %reduce_or3A_1278[0, 0, 0] : f32 from vector<1x1x1xf32>
    %reduce_or3A_1280 = arith.constant 0.000000e+00 : f32
    %reduce_or3A_1281 = arith.cmpf ogt, %reduce_or3A_1279, %reduce_or3A_1280 : f32
    %jit3A_1282 = arith.constant 1.000000e+00 : f32
    %jit3A_1283 = arith.constant 0.000000e+00 : f32
    %select_n3A_1284 = arith.select %reduce_or3A_1281, %jit3A_1282, %jit3A_1283 : f32
    %eq3A_1285 = arith.constant 54 : i32
    %eq3A_1286 = vector.broadcast %eq3A_1285 : i32 to vector<1x128xi32>
    %eq3A_1287 = arith.cmpi eq, %iota3A, %eq3A_1286 : vector<1x128xi32>
    %broadcast_in_dim3A_1288 = vector.broadcast %select_n3A_1284 : f32 to vector<1x128xf32>
    %select_n3A_1289 = arith.select %eq3A_1287, %broadcast_in_dim3A_1288, %select_n3A_1266 : vector<1x128xi1>, vector<1x128xf32>
    %eq3A_1290 = arith.constant 999991 : i32
    %eq3A_1291 = vector.broadcast %eq3A_1290 : i32 to vector<128x128xi32>
    %eq3A_1292 = arith.cmpi eq, %get3A_26, %eq3A_1291 : vector<128x128xi32>
    %reduce_or3A_1293 = arith.constant 1.000000e+00 : f32
    %reduce_or3A_1294 = arith.constant 0.000000e+00 : f32
    %reduce_or3A_1295 = vector.broadcast %reduce_or3A_1293 : f32 to vector<128x128xf32>
    %reduce_or3A_1296 = vector.broadcast %reduce_or3A_1294 : f32 to vector<128x128xf32>
    %reduce_or3A_1297 = arith.select %eq3A_1292, %reduce_or3A_1295, %reduce_or3A_1296 : vector<128x128xi1>, vector<128x128xf32>
    %reduce_or3A_1298 = vector.shape_cast %reduce_or3A_1297 : vector<128x128xf32> to vector<1x128x128xf32>
    %reduce_or3A_1299 = arith.constant dense<0xFF800000> : vector<1xf32>
    %reduce_or3A_1300 = vector.multi_reduction <maximumf>, %reduce_or3A_1298, %reduce_or3A_1299 [1, 2] : vector<1x128x128xf32> to vector<1xf32>
    %reduce_or3A_1301 = vector.shape_cast %reduce_or3A_1300 : vector<1xf32> to vector<1x1x1xf32>
    %reduce_or3A_1302 = vector.extract %reduce_or3A_1301[0, 0, 0] : f32 from vector<1x1x1xf32>
    %reduce_or3A_1303 = arith.constant 0.000000e+00 : f32
    %reduce_or3A_1304 = arith.cmpf ogt, %reduce_or3A_1302, %reduce_or3A_1303 : f32
    %jit3A_1305 = arith.constant 1.000000e+00 : f32
    %jit3A_1306 = arith.constant 0.000000e+00 : f32
    %select_n3A_1307 = arith.select %reduce_or3A_1304, %jit3A_1305, %jit3A_1306 : f32
    %eq3A_1308 = arith.constant 55 : i32
    %eq3A_1309 = vector.broadcast %eq3A_1308 : i32 to vector<1x128xi32>
    %eq3A_1310 = arith.cmpi eq, %iota3A, %eq3A_1309 : vector<1x128xi32>
    %broadcast_in_dim3A_1311 = vector.broadcast %select_n3A_1307 : f32 to vector<1x128xf32>
    %select_n3A_1312 = arith.select %eq3A_1310, %broadcast_in_dim3A_1311, %select_n3A_1289 : vector<1x128xi1>, vector<1x128xf32>
    %eq3A_1313 = arith.constant 999992 : i32
    %eq3A_1314 = vector.broadcast %eq3A_1313 : i32 to vector<128x128xi32>
    %eq3A_1315 = arith.cmpi eq, %get3A_26, %eq3A_1314 : vector<128x128xi32>
    %reduce_or3A_1316 = arith.constant 1.000000e+00 : f32
    %reduce_or3A_1317 = arith.constant 0.000000e+00 : f32
    %reduce_or3A_1318 = vector.broadcast %reduce_or3A_1316 : f32 to vector<128x128xf32>
    %reduce_or3A_1319 = vector.broadcast %reduce_or3A_1317 : f32 to vector<128x128xf32>
    %reduce_or3A_1320 = arith.select %eq3A_1315, %reduce_or3A_1318, %reduce_or3A_1319 : vector<128x128xi1>, vector<128x128xf32>
    %reduce_or3A_1321 = vector.shape_cast %reduce_or3A_1320 : vector<128x128xf32> to vector<1x128x128xf32>
    %reduce_or3A_1322 = arith.constant dense<0xFF800000> : vector<1xf32>
    %reduce_or3A_1323 = vector.multi_reduction <maximumf>, %reduce_or3A_1321, %reduce_or3A_1322 [1, 2] : vector<1x128x128xf32> to vector<1xf32>
    %reduce_or3A_1324 = vector.shape_cast %reduce_or3A_1323 : vector<1xf32> to vector<1x1x1xf32>
    %reduce_or3A_1325 = vector.extract %reduce_or3A_1324[0, 0, 0] : f32 from vector<1x1x1xf32>
    %reduce_or3A_1326 = arith.constant 0.000000e+00 : f32
    %reduce_or3A_1327 = arith.cmpf ogt, %reduce_or3A_1325, %reduce_or3A_1326 : f32
    %jit3A_1328 = arith.constant 1.000000e+00 : f32
    %jit3A_1329 = arith.constant 0.000000e+00 : f32
    %select_n3A_1330 = arith.select %reduce_or3A_1327, %jit3A_1328, %jit3A_1329 : f32
    %eq3A_1331 = arith.constant 56 : i32
    %eq3A_1332 = vector.broadcast %eq3A_1331 : i32 to vector<1x128xi32>
    %eq3A_1333 = arith.cmpi eq, %iota3A, %eq3A_1332 : vector<1x128xi32>
    %broadcast_in_dim3A_1334 = vector.broadcast %select_n3A_1330 : f32 to vector<1x128xf32>
    %select_n3A_1335 = arith.select %eq3A_1333, %broadcast_in_dim3A_1334, %select_n3A_1312 : vector<1x128xi1>, vector<1x128xf32>
    %eq3A_1336 = arith.constant 999993 : i32
    %eq3A_1337 = vector.broadcast %eq3A_1336 : i32 to vector<128x128xi32>
    %eq3A_1338 = arith.cmpi eq, %get3A_26, %eq3A_1337 : vector<128x128xi32>
    %reduce_or3A_1339 = arith.constant 1.000000e+00 : f32
    %reduce_or3A_1340 = arith.constant 0.000000e+00 : f32
    %reduce_or3A_1341 = vector.broadcast %reduce_or3A_1339 : f32 to vector<128x128xf32>
    %reduce_or3A_1342 = vector.broadcast %reduce_or3A_1340 : f32 to vector<128x128xf32>
    %reduce_or3A_1343 = arith.select %eq3A_1338, %reduce_or3A_1341, %reduce_or3A_1342 : vector<128x128xi1>, vector<128x128xf32>
    %reduce_or3A_1344 = vector.shape_cast %reduce_or3A_1343 : vector<128x128xf32> to vector<1x128x128xf32>
    %reduce_or3A_1345 = arith.constant dense<0xFF800000> : vector<1xf32>
    %reduce_or3A_1346 = vector.multi_reduction <maximumf>, %reduce_or3A_1344, %reduce_or3A_1345 [1, 2] : vector<1x128x128xf32> to vector<1xf32>
    %reduce_or3A_1347 = vector.shape_cast %reduce_or3A_1346 : vector<1xf32> to vector<1x1x1xf32>
    %reduce_or3A_1348 = vector.extract %reduce_or3A_1347[0, 0, 0] : f32 from vector<1x1x1xf32>
    %reduce_or3A_1349 = arith.constant 0.000000e+00 : f32
    %reduce_or3A_1350 = arith.cmpf ogt, %reduce_or3A_1348, %reduce_or3A_1349 : f32
    %jit3A_1351 = arith.constant 1.000000e+00 : f32
    %jit3A_1352 = arith.constant 0.000000e+00 : f32
    %select_n3A_1353 = arith.select %reduce_or3A_1350, %jit3A_1351, %jit3A_1352 : f32
    %eq3A_1354 = arith.constant 57 : i32
    %eq3A_1355 = vector.broadcast %eq3A_1354 : i32 to vector<1x128xi32>
    %eq3A_1356 = arith.cmpi eq, %iota3A, %eq3A_1355 : vector<1x128xi32>
    %broadcast_in_dim3A_1357 = vector.broadcast %select_n3A_1353 : f32 to vector<1x128xf32>
    %select_n3A_1358 = arith.select %eq3A_1356, %broadcast_in_dim3A_1357, %select_n3A_1335 : vector<1x128xi1>, vector<1x128xf32>
    %eq3A_1359 = arith.constant 999994 : i32
    %eq3A_1360 = vector.broadcast %eq3A_1359 : i32 to vector<128x128xi32>
    %eq3A_1361 = arith.cmpi eq, %get3A_26, %eq3A_1360 : vector<128x128xi32>
    %reduce_or3A_1362 = arith.constant 1.000000e+00 : f32
    %reduce_or3A_1363 = arith.constant 0.000000e+00 : f32
    %reduce_or3A_1364 = vector.broadcast %reduce_or3A_1362 : f32 to vector<128x128xf32>
    %reduce_or3A_1365 = vector.broadcast %reduce_or3A_1363 : f32 to vector<128x128xf32>
    %reduce_or3A_1366 = arith.select %eq3A_1361, %reduce_or3A_1364, %reduce_or3A_1365 : vector<128x128xi1>, vector<128x128xf32>
    %reduce_or3A_1367 = vector.shape_cast %reduce_or3A_1366 : vector<128x128xf32> to vector<1x128x128xf32>
    %reduce_or3A_1368 = arith.constant dense<0xFF800000> : vector<1xf32>
    %reduce_or3A_1369 = vector.multi_reduction <maximumf>, %reduce_or3A_1367, %reduce_or3A_1368 [1, 2] : vector<1x128x128xf32> to vector<1xf32>
    %reduce_or3A_1370 = vector.shape_cast %reduce_or3A_1369 : vector<1xf32> to vector<1x1x1xf32>
    %reduce_or3A_1371 = vector.extract %reduce_or3A_1370[0, 0, 0] : f32 from vector<1x1x1xf32>
    %reduce_or3A_1372 = arith.constant 0.000000e+00 : f32
    %reduce_or3A_1373 = arith.cmpf ogt, %reduce_or3A_1371, %reduce_or3A_1372 : f32
    %jit3A_1374 = arith.constant 1.000000e+00 : f32
    %jit3A_1375 = arith.constant 0.000000e+00 : f32
    %select_n3A_1376 = arith.select %reduce_or3A_1373, %jit3A_1374, %jit3A_1375 : f32
    %eq3A_1377 = arith.constant 58 : i32
    %eq3A_1378 = vector.broadcast %eq3A_1377 : i32 to vector<1x128xi32>
    %eq3A_1379 = arith.cmpi eq, %iota3A, %eq3A_1378 : vector<1x128xi32>
    %broadcast_in_dim3A_1380 = vector.broadcast %select_n3A_1376 : f32 to vector<1x128xf32>
    %select_n3A_1381 = arith.select %eq3A_1379, %broadcast_in_dim3A_1380, %select_n3A_1358 : vector<1x128xi1>, vector<1x128xf32>
    %eq3A_1382 = arith.constant 999995 : i32
    %eq3A_1383 = vector.broadcast %eq3A_1382 : i32 to vector<128x128xi32>
    %eq3A_1384 = arith.cmpi eq, %get3A_26, %eq3A_1383 : vector<128x128xi32>
    %reduce_or3A_1385 = arith.constant 1.000000e+00 : f32
    %reduce_or3A_1386 = arith.constant 0.000000e+00 : f32
    %reduce_or3A_1387 = vector.broadcast %reduce_or3A_1385 : f32 to vector<128x128xf32>
    %reduce_or3A_1388 = vector.broadcast %reduce_or3A_1386 : f32 to vector<128x128xf32>
    %reduce_or3A_1389 = arith.select %eq3A_1384, %reduce_or3A_1387, %reduce_or3A_1388 : vector<128x128xi1>, vector<128x128xf32>
    %reduce_or3A_1390 = vector.shape_cast %reduce_or3A_1389 : vector<128x128xf32> to vector<1x128x128xf32>
    %reduce_or3A_1391 = arith.constant dense<0xFF800000> : vector<1xf32>
    %reduce_or3A_1392 = vector.multi_reduction <maximumf>, %reduce_or3A_1390, %reduce_or3A_1391 [1, 2] : vector<1x128x128xf32> to vector<1xf32>
    %reduce_or3A_1393 = vector.shape_cast %reduce_or3A_1392 : vector<1xf32> to vector<1x1x1xf32>
    %reduce_or3A_1394 = vector.extract %reduce_or3A_1393[0, 0, 0] : f32 from vector<1x1x1xf32>
    %reduce_or3A_1395 = arith.constant 0.000000e+00 : f32
    %reduce_or3A_1396 = arith.cmpf ogt, %reduce_or3A_1394, %reduce_or3A_1395 : f32
    %jit3A_1397 = arith.constant 1.000000e+00 : f32
    %jit3A_1398 = arith.constant 0.000000e+00 : f32
    %select_n3A_1399 = arith.select %reduce_or3A_1396, %jit3A_1397, %jit3A_1398 : f32
    %eq3A_1400 = arith.constant 59 : i32
    %eq3A_1401 = vector.broadcast %eq3A_1400 : i32 to vector<1x128xi32>
    %eq3A_1402 = arith.cmpi eq, %iota3A, %eq3A_1401 : vector<1x128xi32>
    %broadcast_in_dim3A_1403 = vector.broadcast %select_n3A_1399 : f32 to vector<1x128xf32>
    %select_n3A_1404 = arith.select %eq3A_1402, %broadcast_in_dim3A_1403, %select_n3A_1381 : vector<1x128xi1>, vector<1x128xf32>
    %eq3A_1405 = arith.constant 999996 : i32
    %eq3A_1406 = vector.broadcast %eq3A_1405 : i32 to vector<128x128xi32>
    %eq3A_1407 = arith.cmpi eq, %get3A_26, %eq3A_1406 : vector<128x128xi32>
    %reduce_or3A_1408 = arith.constant 1.000000e+00 : f32
    %reduce_or3A_1409 = arith.constant 0.000000e+00 : f32
    %reduce_or3A_1410 = vector.broadcast %reduce_or3A_1408 : f32 to vector<128x128xf32>
    %reduce_or3A_1411 = vector.broadcast %reduce_or3A_1409 : f32 to vector<128x128xf32>
    %reduce_or3A_1412 = arith.select %eq3A_1407, %reduce_or3A_1410, %reduce_or3A_1411 : vector<128x128xi1>, vector<128x128xf32>
    %reduce_or3A_1413 = vector.shape_cast %reduce_or3A_1412 : vector<128x128xf32> to vector<1x128x128xf32>
    %reduce_or3A_1414 = arith.constant dense<0xFF800000> : vector<1xf32>
    %reduce_or3A_1415 = vector.multi_reduction <maximumf>, %reduce_or3A_1413, %reduce_or3A_1414 [1, 2] : vector<1x128x128xf32> to vector<1xf32>
    %reduce_or3A_1416 = vector.shape_cast %reduce_or3A_1415 : vector<1xf32> to vector<1x1x1xf32>
    %reduce_or3A_1417 = vector.extract %reduce_or3A_1416[0, 0, 0] : f32 from vector<1x1x1xf32>
    %reduce_or3A_1418 = arith.constant 0.000000e+00 : f32
    %reduce_or3A_1419 = arith.cmpf ogt, %reduce_or3A_1417, %reduce_or3A_1418 : f32
    %jit3A_1420 = arith.constant 1.000000e+00 : f32
    %jit3A_1421 = arith.constant 0.000000e+00 : f32
    %select_n3A_1422 = arith.select %reduce_or3A_1419, %jit3A_1420, %jit3A_1421 : f32
    %eq3A_1423 = arith.constant 60 : i32
    %eq3A_1424 = vector.broadcast %eq3A_1423 : i32 to vector<1x128xi32>
    %eq3A_1425 = arith.cmpi eq, %iota3A, %eq3A_1424 : vector<1x128xi32>
    %broadcast_in_dim3A_1426 = vector.broadcast %select_n3A_1422 : f32 to vector<1x128xf32>
    %select_n3A_1427 = arith.select %eq3A_1425, %broadcast_in_dim3A_1426, %select_n3A_1404 : vector<1x128xi1>, vector<1x128xf32>
    %eq3A_1428 = arith.constant 999997 : i32
    %eq3A_1429 = vector.broadcast %eq3A_1428 : i32 to vector<128x128xi32>
    %eq3A_1430 = arith.cmpi eq, %get3A_26, %eq3A_1429 : vector<128x128xi32>
    %reduce_or3A_1431 = arith.constant 1.000000e+00 : f32
    %reduce_or3A_1432 = arith.constant 0.000000e+00 : f32
    %reduce_or3A_1433 = vector.broadcast %reduce_or3A_1431 : f32 to vector<128x128xf32>
    %reduce_or3A_1434 = vector.broadcast %reduce_or3A_1432 : f32 to vector<128x128xf32>
    %reduce_or3A_1435 = arith.select %eq3A_1430, %reduce_or3A_1433, %reduce_or3A_1434 : vector<128x128xi1>, vector<128x128xf32>
    %reduce_or3A_1436 = vector.shape_cast %reduce_or3A_1435 : vector<128x128xf32> to vector<1x128x128xf32>
    %reduce_or3A_1437 = arith.constant dense<0xFF800000> : vector<1xf32>
    %reduce_or3A_1438 = vector.multi_reduction <maximumf>, %reduce_or3A_1436, %reduce_or3A_1437 [1, 2] : vector<1x128x128xf32> to vector<1xf32>
    %reduce_or3A_1439 = vector.shape_cast %reduce_or3A_1438 : vector<1xf32> to vector<1x1x1xf32>
    %reduce_or3A_1440 = vector.extract %reduce_or3A_1439[0, 0, 0] : f32 from vector<1x1x1xf32>
    %reduce_or3A_1441 = arith.constant 0.000000e+00 : f32
    %reduce_or3A_1442 = arith.cmpf ogt, %reduce_or3A_1440, %reduce_or3A_1441 : f32
    %jit3A_1443 = arith.constant 1.000000e+00 : f32
    %jit3A_1444 = arith.constant 0.000000e+00 : f32
    %select_n3A_1445 = arith.select %reduce_or3A_1442, %jit3A_1443, %jit3A_1444 : f32
    %eq3A_1446 = arith.constant 61 : i32
    %eq3A_1447 = vector.broadcast %eq3A_1446 : i32 to vector<1x128xi32>
    %eq3A_1448 = arith.cmpi eq, %iota3A, %eq3A_1447 : vector<1x128xi32>
    %broadcast_in_dim3A_1449 = vector.broadcast %select_n3A_1445 : f32 to vector<1x128xf32>
    %select_n3A_1450 = arith.select %eq3A_1448, %broadcast_in_dim3A_1449, %select_n3A_1427 : vector<1x128xi1>, vector<1x128xf32>
    %eq3A_1451 = arith.constant 999998 : i32
    %eq3A_1452 = vector.broadcast %eq3A_1451 : i32 to vector<128x128xi32>
    %eq3A_1453 = arith.cmpi eq, %get3A_26, %eq3A_1452 : vector<128x128xi32>
    %reduce_or3A_1454 = arith.constant 1.000000e+00 : f32
    %reduce_or3A_1455 = arith.constant 0.000000e+00 : f32
    %reduce_or3A_1456 = vector.broadcast %reduce_or3A_1454 : f32 to vector<128x128xf32>
    %reduce_or3A_1457 = vector.broadcast %reduce_or3A_1455 : f32 to vector<128x128xf32>
    %reduce_or3A_1458 = arith.select %eq3A_1453, %reduce_or3A_1456, %reduce_or3A_1457 : vector<128x128xi1>, vector<128x128xf32>
    %reduce_or3A_1459 = vector.shape_cast %reduce_or3A_1458 : vector<128x128xf32> to vector<1x128x128xf32>
    %reduce_or3A_1460 = arith.constant dense<0xFF800000> : vector<1xf32>
    %reduce_or3A_1461 = vector.multi_reduction <maximumf>, %reduce_or3A_1459, %reduce_or3A_1460 [1, 2] : vector<1x128x128xf32> to vector<1xf32>
    %reduce_or3A_1462 = vector.shape_cast %reduce_or3A_1461 : vector<1xf32> to vector<1x1x1xf32>
    %reduce_or3A_1463 = vector.extract %reduce_or3A_1462[0, 0, 0] : f32 from vector<1x1x1xf32>
    %reduce_or3A_1464 = arith.constant 0.000000e+00 : f32
    %reduce_or3A_1465 = arith.cmpf ogt, %reduce_or3A_1463, %reduce_or3A_1464 : f32
    %jit3A_1466 = arith.constant 1.000000e+00 : f32
    %jit3A_1467 = arith.constant 0.000000e+00 : f32
    %select_n3A_1468 = arith.select %reduce_or3A_1465, %jit3A_1466, %jit3A_1467 : f32
    %eq3A_1469 = arith.constant 62 : i32
    %eq3A_1470 = vector.broadcast %eq3A_1469 : i32 to vector<1x128xi32>
    %eq3A_1471 = arith.cmpi eq, %iota3A, %eq3A_1470 : vector<1x128xi32>
    %broadcast_in_dim3A_1472 = vector.broadcast %select_n3A_1468 : f32 to vector<1x128xf32>
    %select_n3A_1473 = arith.select %eq3A_1471, %broadcast_in_dim3A_1472, %select_n3A_1450 : vector<1x128xi1>, vector<1x128xf32>
    %eq3A_1474 = arith.constant 999999 : i32
    %eq3A_1475 = vector.broadcast %eq3A_1474 : i32 to vector<128x128xi32>
    %eq3A_1476 = arith.cmpi eq, %get3A_26, %eq3A_1475 : vector<128x128xi32>
    %reduce_or3A_1477 = arith.constant 1.000000e+00 : f32
    %reduce_or3A_1478 = arith.constant 0.000000e+00 : f32
    %reduce_or3A_1479 = vector.broadcast %reduce_or3A_1477 : f32 to vector<128x128xf32>
    %reduce_or3A_1480 = vector.broadcast %reduce_or3A_1478 : f32 to vector<128x128xf32>
    %reduce_or3A_1481 = arith.select %eq3A_1476, %reduce_or3A_1479, %reduce_or3A_1480 : vector<128x128xi1>, vector<128x128xf32>
    %reduce_or3A_1482 = vector.shape_cast %reduce_or3A_1481 : vector<128x128xf32> to vector<1x128x128xf32>
    %reduce_or3A_1483 = arith.constant dense<0xFF800000> : vector<1xf32>
    %reduce_or3A_1484 = vector.multi_reduction <maximumf>, %reduce_or3A_1482, %reduce_or3A_1483 [1, 2] : vector<1x128x128xf32> to vector<1xf32>
    %reduce_or3A_1485 = vector.shape_cast %reduce_or3A_1484 : vector<1xf32> to vector<1x1x1xf32>
    %reduce_or3A_1486 = vector.extract %reduce_or3A_1485[0, 0, 0] : f32 from vector<1x1x1xf32>
    %reduce_or3A_1487 = arith.constant 0.000000e+00 : f32
    %reduce_or3A_1488 = arith.cmpf ogt, %reduce_or3A_1486, %reduce_or3A_1487 : f32
    %jit3A_1489 = arith.constant 1.000000e+00 : f32
    %jit3A_1490 = arith.constant 0.000000e+00 : f32
    %select_n3A_1491 = arith.select %reduce_or3A_1488, %jit3A_1489, %jit3A_1490 : f32
    %eq3A_1492 = arith.constant 63 : i32
    %eq3A_1493 = vector.broadcast %eq3A_1492 : i32 to vector<1x128xi32>
    %eq3A_1494 = arith.cmpi eq, %iota3A, %eq3A_1493 : vector<1x128xi32>
    %broadcast_in_dim3A_1495 = vector.broadcast %select_n3A_1491 : f32 to vector<1x128xf32>
    %select_n3A_1496 = arith.select %eq3A_1494, %broadcast_in_dim3A_1495, %select_n3A_1473 : vector<1x128xi1>, vector<1x128xf32>
    %gt3A = arith.constant 0.000000e+00 : f32
    %gt3A_1497 = vector.broadcast %gt3A : f32 to vector<1x128xf32>
    %gt3A_1498 = arith.cmpf ogt, %select_n3A_1496, %gt3A_1497 : vector<1x128xf32>
    %broadcast_in_dim3A_1499 = vector.shape_cast %gt3A_1498 : vector<1x128xi1> to vector<1x128xi1>
    %broadcast_in_dim3A_1500 = vector.broadcast %broadcast_in_dim3A_1499 : vector<1x128xi1> to vector<64x128xi1>
    %select_n3A_1501 = arith.select %broadcast_in_dim3A_1500, %add3A_23, %get3A_1 : vector<64x128xi1>, vector<64x128xf32>
    %swap3A = arith.constant 0 : index
    %swap3A_1502 = arith.constant 0 : index
    %swap3A_1503 = vector.load %arg8[%swap3A, %swap3A_1502] : memref<64x128xf32, #tpu.memory_space<vmem>>, vector<64x128xf32>
    tpu.vector_store %arg8[%swap3A, %swap3A_1502], %select_n3A_1501 {strides = array<i32>} : memref<64x128xf32, #tpu.memory_space<vmem>>, vector<64x128xf32>,
    return
  }
  func.func @transform_1(%arg0: i32) -> (i32, i32) {
    %c0_i32 = arith.constant 0 : i32
    %c7812_i32 = arith.constant 7812 : i32
    %c0_i32_0 = arith.constant 0 : i32
    return %c0_i32, %c7812_i32 : i32, i32
  }
  func.func @transform_2(%arg0: i32) -> (i32, i32) {
    %c0_i32 = arith.constant 0 : i32
    %c0_i32_0 = arith.constant 0 : i32
    %c0_i32_1 = arith.constant 0 : i32
    return %c0_i32, %c0_i32_0 : i32, i32
  }
  func.func @transform_3(%arg0: i32) -> (i32, i32) {
    %c0_i32 = arith.constant 0 : i32
    %c0_i32_0 = arith.constant 0 : i32
    %c0_i32_1 = arith.constant 0 : i32
    return %c0_i32, %c0_i32_0 : i32, i32
  }
  func.func @transform_4(%arg0: i32) -> (i32, i32) {
    %c0_i32 = arith.constant 0 : i32
    %c0_i32_0 = arith.constant 0 : i32
    %c0_i32_1 = arith.constant 0 : i32
    return %c0_i32, %c0_i32_0 : i32, i32
  }
  func.func @transform_5(%arg0: i32) -> (i32, i32) {
    %c0_i32 = arith.constant 0 : i32
    %c0_i32_0 = arith.constant 0 : i32
    %c0_i32_1 = arith.constant 0 : i32
    return %c0_i32, %c0_i32_0 : i32, i32
  }
  func.func @transform_6(%arg0: i32) -> (i32, i32) {
    %c0_i32 = arith.constant 0 : i32
    %c0_i32_0 = arith.constant 0 : i32
    %c0_i32_1 = arith.constant 0 : i32
    return %c0_i32, %c0_i32_0 : i32, i32
  }
  func.func @transform_7(%arg0: i32) -> (i32, i32) {
    %c0_i32 = arith.constant 0 : i32
    %c7812_i32 = arith.constant 7812 : i32
    %c0_i32_0 = arith.constant 0 : i32
    return %c0_i32, %c7812_i32 : i32, i32
  }
}

</mosaic_0001>

<sc_bundles>
// kernel: kernel.6.cloned.1.call-start
scs
__scs_entry_jumppad:
0x0: {  	(pc) =	sbr.rel $0x88, $3  }
0x1: {  	(tag) =	ssettag $0x0;
	lr =	simm.s32 $0x1  }
0x2: {  	[smem:$0x3F9B] =	sst lr;
	_ =	strace $0xD0000000  }
0x3: {  	_ = 	snop  }
0x4: {  	_ = 	snop  }
0x5: {  	_ = 	snop  }
0x6: {  	_ = 	snop  }
0x7: {  	_ = 	snop  }
__scs_overlays_trampoline_lowered:
0x8: {  	[smem:$0x3FAA] =	sst s0  }
0x9: {  	[smem:$0x3FAB] =	sst s1  }
0xa: {  	[smem:$0x3FAC] =	sst s2  }
0xb: {  	[smem:$0x3FAD] =	sst s3  }
0xc: {  	[smem:$0x3FAE] =	sst s4  }
0xd: {  	[smem:$0x3FAF] =	sst s5  }
0xe: {  	[smem:$0x3FB0] =	sst s6  }
0xf: {  	[smem:$0x3FB1] =	sst s7  }
0x10: {  	[smem:$0x3FB2] =	sst s8  }
0x11: {  	[smem:$0x3FB3] =	sst s9;
	s0 =	simm.s32 @!p0 $0x0  }
0x12: {  	s1 =	sld [smem:$0x3F99];
	s0 =	simm.s32 @p0 $0x1  }
0x13: {  	[smem:$0x3FB4] =	sst s0;
	s0 =	simm.s32 @!p1 $0x0  }
0x14: {  	s2 =	sld [smem:$0x3F98];
	s0 =	simm.s32 @p1 $0x1  }
0x15: {  	[smem:$0x3FB5] =	sst s0;
	s0 =	simm.s32 @!p2 $0x0  }
0x16: {  	s3 =	sld [smem:$0x3FDB];
	s0 =	simm.s32 @p2 $0x1  }
0x17: {  	s4 =	simm.s32 $0x1BF5;
	[smem:$0x3FB7] =	sst s0  }
0x18: {  	s0 =	sld [smem:$0x3F9A];
	_ =	swait.ge [sflag:s4], $0x0  }
0x19: {  	s7 =	sld [smem:$0x3F9B]  }
0x1a: {  	s8 =	sadd.s32 $0xFFFFE003, lr  }
0x1b: {  	s9 =	sadd.s32 $0xFFFFFEF7, lr;
	s5 =	simm.s32 $0xFFFFFFFF;
	p2 =	slt.u32 s8, $0xFFFFF086  }
0x1c: {  	p1 =	slt.u32 s9, $0xF7A;
	s5 =	simm.s32 @!p2 $0x0  }
0x1d: {  	s5 =	simm.s32 @p1 $0x1;
	p0 =	seq.s32 s7, s2  }
0x1e: {  	s7 =	smul.u32 @!p0 $0xF7A, s2;
	p2 =	seq.s32 @!p0 s5, $0x0  }
0x1f: {  	s9 =	smul.u32 $0xF7A, s1;
	s8 =	simm.s32 @!p0 $0x1BF5;
	p2 =	por !p2, p0  }
0x20: {  	[sflag:s8] =	ssyncset.s32 @!p0 $0xFFFFF086;
	s6 =	sadd.s32 @!p0 s3, s7;
	s7 =	simm.s32 @!p0 $0x108  }
0x21: {  	s3 =	sadd.s32 s3, s9;
	s6 =	sadd.s32 @!p0 $0x88, s6;
	s7 =	simm.s32 @p2 $0x1082  }
0x22: {  	[simem:s7], [sflag:s8] =	dma.local @!p0 [hbm:s6], $0xF7A  }
0x23: {  	s9 =	sor.u32 $0xD0000000, s2;
	s6 =	simm.s32 $0x108;
	_ =	swait.ge @!p0 [sflag:s8], $0x0  }
0x24: {  	s3 =	sadd.s32 $0x88, s3;
	s6 =	simm.s32 @!p1 $0x1082;
	[sflag:s4] =	ssyncset.s32 $0xFFFFF086  }
0x25: {  	[simem:s6], [sflag:s4] =	dma.local [hbm:s3], $0xF7A  }
0x26: {  	[smem:$0x3F9B] =	sst s1;
	(tag) =	ssettag s2;
	_ =	strace s9  }
0x27: {  	s1 =	sld [smem:$0x3FAB]  }
0x28: {  	s2 =	sld [smem:$0x3FAC]  }
0x29: {  	s4 =	sld [smem:$0x3FAE]  }
0x2a: {  	p0 =	seq.s32 s5, $0x0;
	s5 =	sld [smem:$0x3FAF]  }
0x2b: {  	s6 =	sld [smem:$0x3FB0]  }
0x2c: {  	s7 =	sld [smem:$0x3FB1]  }
0x2d: {  	s3 =	simm.s32 $0x108;
	s8 =	sld [smem:$0x3FB2]  }
0x2e: {  	s3 =	simm.s32 @!p0 $0x1082;
	s9 =	sld [smem:$0x3FB3]  }
0x2f: {  	lr =	sadd.s32 s0, s3;
	s0 =	sld [smem:$0x3FAA]  }
0x30: {  	s3 =	sld [smem:$0x3FAD]  }
0x31: {  	[smem:$0x3FB6] =	sst s10  }
0x32: {  	s10 =	sld [smem:$0x3FB4];
	_ =	sdelay $0x3  }
0x33: {  	p0 =	seq.s32 s10, $0x1;
	s10 =	sld [smem:$0x3FB6];
	_ =	sdelay $0x3  }
0x34: {  	[smem:$0x3FB6] =	sst s10  }
0x35: {  	s10 =	sld [smem:$0x3FB5];
	_ =	sdelay $0x3  }
0x36: {  	p1 =	seq.s32 s10, $0x1;
	s10 =	sld [smem:$0x3FB6];
	_ =	sdelay $0x3  }
0x37: {  	[smem:$0x3FB6] =	sst s10  }
0x38: {  	s10 =	sld [smem:$0x3FB7]  }
0x39: {  	_ = 	snop;
	(pc) =	sbr.ind lr, $3  }
0x3a: {  	_ = 	snop  }
0x3b: {  	_ = 	snop  }
0x3c: {  	p2 =	seq.s32 s10, $0x1;
	s10 =	sld [smem:$0x3FB6]  }
0x3d: {  	_ =	shalt  }
0x3e: {  	_ =	shalt  }
0x3f: {  	_ =	shalt  }
0x40: {  	_ =	shalt  }
0x41: {  	_ =	shalt  }
0x42: {  	_ =	shalt  }
0x43: {  	_ =	shalt  }
0x44: {  	_ =	shalt  }
0x45: {  	_ =	shalt  }
0x46: {  	_ =	shalt  }
0x47: {  	_ =	shalt  }
0x48: {  	_ =	shalt  }
0x49: {  	_ =	shalt  }
0x4a: {  	_ =	shalt  }
0x4b: {  	_ =	shalt  }
0x4c: {  	_ =	shalt  }
0x4d: {  	_ =	shalt  }
0x4e: {  	_ =	shalt  }
0x4f: {  	_ =	shalt  }
0x50: {  	_ =	shalt  }
0x51: {  	_ =	shalt  }
0x52: {  	_ =	shalt  }
0x53: {  	_ =	shalt  }
0x54: {  	_ =	shalt  }
0x55: {  	_ =	shalt  }
0x56: {  	_ =	shalt  }
0x57: {  	_ =	shalt  }
0x58: {  	_ =	shalt  }
0x59: {  	_ =	shalt  }
0x5a: {  	_ =	shalt  }
0x5b: {  	_ =	shalt  }
0x5c: {  	_ =	shalt  }
0x5d: {  	_ =	shalt  }
0x5e: {  	_ =	shalt  }
0x5f: {  	_ =	shalt  }
0x60: {  	_ =	shalt  }
0x61: {  	_ =	shalt  }
0x62: {  	_ =	shalt  }
0x63: {  	_ =	shalt  }
0x64: {  	_ =	shalt  }
0x65: {  	_ =	shalt  }
0x66: {  	_ =	shalt  }
0x67: {  	_ =	shalt  }
0x68: {  	_ =	shalt  }
0x69: {  	_ =	shalt  }
0x6a: {  	_ =	shalt  }
0x6b: {  	_ =	shalt  }
0x6c: {  	_ =	shalt  }
0x6d: {  	_ =	shalt  }
0x6e: {  	_ =	shalt  }
0x6f: {  	_ =	shalt  }
0x70: {  	_ =	shalt  }
0x71: {  	_ =	shalt  }
0x72: {  	_ =	shalt  }
0x73: {  	_ =	shalt  }
0x74: {  	_ =	shalt  }
0x75: {  	_ =	shalt  }
0x76: {  	_ =	shalt  }
0x77: {  	_ =	shalt  }
0x78: {  	_ =	shalt  }
0x79: {  	_ =	shalt  }
0x7a: {  	_ =	shalt  }
0x7b: {  	_ =	shalt  }
0x7c: {  	_ =	shalt  }
0x7d: {  	_ =	shalt  }
0x7e: {  	_ =	shalt  }
0x7f: {  	_ =	shalt  }
0x80: {  	_ =	shalt  }
0x81: {  	_ =	shalt  }
0x82: {  	_ =	shalt  }
0x83: {  	_ =	shalt  }
0x84: {  	_ =	shalt  }
0x85: {  	_ =	shalt  }
0x86: {  	_ =	shalt  }
0x87: {  	_ =	shalt  }
.Lfunc_end0:
.L_simem_size_0:
called_computation_lowered:
.L_overlay_start_0:
0x88: {  	s2 =	sld [smem:$0x3FD9]  }
0x89: {  	s3 =	sld [smem:$0x3FFE];
	_ =	sdelay $0x1  }
0x8a: {  	s1 =	srdreg.scid  }
0x8b: {  	s0 =	sand.u32 $0x1, s1  }
0x8c: {  	s18 =	sshll.u32 s0, $0xA;
	s2 =	sadd.s32 s3, s2  }
0x8d: {  	s2 =	sadd.s32 s2, s18  }
0x8e: {  	[smem:$0x3FC2] =	sst s2  }
0x8f: {  	_ = 	snop  }
0x90: {  	s2 =	sld [smem:$0x3FC9]  }
0x91: {  	s19 =	sld [smem:$0x3FC8]  }
0x92: {  	s4 =	sld [smem:$0x3FD0];
	(tm) =	ssettm $0x1  }
0x93: {  	s5 =	sld [smem:$0x3FFB];
	_ =	sdelay $0x3  }
0x94: {  	_ =	strace s5  }
0x95: {  	s5 =	sld [smem:$0x3FFC];
	_ =	sdelay $0x3  }
0x96: {  	_ =	strace s5  }
0x97: {  	s5 =	sld [smem:$0x3FFD];
	_ =	sdelay $0x3  }
0x98: {  	_ =	strace s5  }
0x99: {  	_ =	strace $0x8FFFFFFF  }
0x9a: {  	s20 =	sld [smem:$0x3FDB];
	_ =	sdelay $0x1  }
0x9b: {  	s6 =	simm.s32 $_scs_section_size  }
0x9c: {  	s7 =	simm.s32 $_size__tile_overlayer_lowered;
	s8 =	simm.s32 $_tile_overlayer_lowered  }
0x9d: {  	s23 =	simm.s32 $0x1BFF;
	s22 =	sshll.u32 s8, $0x1;
	s5 =	sadd.s32 s6, s20  }
0x9e: {  	s9 =	simm.s32 $0x0;
	s21 =	sshll.u32 s7, $0x1;
	s7 =	sadd.s32 s22, s5  }
0x9f: {  	[timem:s9], [sflag:s23] =	dma.local [hbm:s7], s21  }
0xa0: {  	_ =	swait.ge [sflag:s23], s21  }
0xa1: {  	s6 =	ssub.s32 $0x0, s21;
	[sflag:s23] =	ssyncset.done $0x0  }
0xa2: {  	[sflag:s23] =	ssyncadd.s32 s6;
	_ =	sdelay $0x1  }
0xa3: {  	s24 =	simm.s32 $0x1B8B  }
0xa4: {  	_ =	swait.ge [sflag:s24], $0x1  }
0xa5: {  	[sflag:s24] =	ssyncset.done $0x0  }
0xa6: {  	s25 =	simm.s32 $0x1B8E;
	[sflag:s24] =	ssyncadd.s32 $0xFFFFFFFF  }
0xa7: {  	s26 =	simm.s32 $execute0_lowered;
	[smem:$0x3FD2] =	sst s25  }
0xa8: {  	s6 =	sshll.u32 s26, $0x1;
	_ =	strace $0x80000046;
	[dreg:$0x1] =	wrdreg $0xFFFFFFFF  }
0xa9: {  	s28 =	simm.s32 $_size_execute0_lowered;
	s5 =	sadd.s32 s5, s6;
	[dreg:$0x0] =	wrdreg $0x0  }
0xaa: {  	s6 =	sshll.u32 s28, $0x1;
	[dreg:$0x2] =	wrdreg s5  }
0xab: {  	[dreg:$0x3] =	wrdreg s6  }
0xac: {  	[dreg:$0x4] =	wrdreg $0xC0  }
0xad: {  	_ =	task [dreg:s9], $0x5FFFF  }
0xae: {  	[dreg:$0x1] =	wrdreg $0xFFFFFFFF  }
0xaf: {  	[dreg:$0x0] =	wrdreg $0x60  }
0xb0: {  	[dreg:$0x2] =	wrdreg s2  }
0xb1: {  	[dreg:$0x3] =	wrdreg s19  }
0xb2: {  	[dreg:$0x4] =	wrdreg s4  }
0xb3: {  	[dreg:$0x5] =	wrdreg $0x9  }
0xb4: {  	_ =	task.clear_ibuf [dreg:s9], $0x6FFFF;
	_ =	strace $0x90000046  }
0xb5: {  	s29 =	simm.s32 $0x9;
	_ =	strace $0x80000048  }
0xb6: {  	_ =	swait.ge [sflag:s29], $0x1  }
0xb7: {  	[sflag:s29] =	ssyncadd.s32 $0xFFFFFFFF  }
0xb8: {  	_ =	strace $0x90000048  }
0xb9: {  	_ =	sfence  }
0xba: {  	s30 =	sld [smem:$0x0];
	_ =	sdelay $0x2  }
0xbb: {  	s31 =	sshll.u32 s1, $0xD;
	s1 =	sshrl.u32 s1, $0x2  }
0xbc: {  	s3 =	sand.u32 $0x4000, s31;
	s1 =	sadd.s32 s1, s30  }
0xbd: {  	s0 =	sor.u32 s3, s0;
	s1 =	sshll.u32 s1, $0x11  }
0xbe: {  	s0 =	sor.u32 s1, s0  }
0xbf: {  	s0 =	sadd.s32 $0x8F2B, s0  }
0xc0: {  	[sflag:s0] =	ssyncadd.remote.s32 $0x1  }
0xc1: {  	_ =	sfence.sel $0xFFFF  }
0xc2: {  	[dreg:$0x0] =	wrdreg $0xFFFFFFFF;
	(pc) =	sbr.abs _section_cstart, $3  }
0xc3: {  	[dreg:$0x1] =	wrdreg $0xFFFFFFFF  }
0xc4: {  	_ =	task.clear_ibuf [dreg:s9], $0x2FFFF;
	_ =	strace $0x9FFFFFFF  }
0xc5: {  	(tm) =	ssettm $0x7FFFFFFF  }
tec
execute0_lowered:
.L_overlay_start_1:
0x0: {  	(tag) =	ssettag $0x1  }
0x1: {  	s1 =	rddreg [dreg:$0x0]  }
0x2: {  	s10 =	rddreg [dreg:$0x1];
	s0 =	srdreg.scid  }
0x3: {  	s3 =	stileid.u32;
	s2 =	rddreg [dreg:$0x2];
	s4 =	simm.s32 $0x0  }
0x4: {  	s6 =	simm.s32 $0x7C;
	s14 =	simm.s32 $0x5;
	s15 =	simm.s32 $0x2000  }
0x5: {  	s16 =	simm.s32 $0x800;
	s17 =	simm.s32 $0x7A1400;
	s18 =	simm.s32 $0x2300  }
0x6: {  	s19 =	simm.s32 $0x6300;
	s20 =	simm.s32 $0xA300;
	s21 =	simm.s32 $0x1  }
0x7: {  	s22 =	simm.s32 $0x1E300;
	s23 =	simm.s32 $0x1E380;
	s24 =	simm.s32 $0x12300  }
0x8: {  	s25 =	simm.s32 $0x2;
	s0 =	sand.u32 $0x1, s0;
	s3 =	sshll.u32 s3, $0x1  }
0x9: {  	s26 =	simm.s32 $0x3;
	s28 =	simm.s32 $0x4;
	s3 =	sor.u32 s0, s3  }
0xa: {  	s29 =	simm.s32 $0xE300;
	[smem:$0x7FF] =	sst s4;
	s5 =	smul.u32 $0x7A00, s3  }
0xb: {  	s10 =	sadd.s32 $0x400, s10;
	s0 =	ssub.s32 $0x2, s0;
	s7 =	smul.u32 $0x3D000, s3  }
0xc: {  	_ =	strace $0x80000047;
	p0 =	seq.s32 s3, $0x1F;
	s3 =	smul.u32 $0x300, s3  }
.Ltmp0:
0xd: {  	[dreg:$0x4] =	wrdreg s10;
	s30 =	sshrl.u32 s0, $0x1;
	(pc) =	sbr.rel .LBB2_1-.Ltmp0, $4  }
0xe: {  	s0 =	ssub.s32 s0, s30;
	s6 =	simm.s32 @!p0 $0x7A;
	s9 =	sadd.s32 $0x7A00, s5  }
0xf: {  	s8 =	sadd.s32 s1, s5;
	s31 =	sshrl.u32 s7, $0x3;
	s12 =	sadd.s32 s2, s3  }
0x10: {  	v2 =	vimm.s32 $0x0;
	s13 =	smax.u32 s0, $0x1;
	s9 =	simm.s32 @p0 $0xF4200;
	s4 =	sadd.s32 s1, s31  }
0x11: {  	v3 =	vlaneseq.u32;
	v1 =	vmov s5;
	s2 =	simm.s32 $0x0;
	s10 =	sadd.s32 $0x100, s8;
	s11 =	sadd.s32 $0x200, s4;
	v0 =	vmov s9  }
.LBB2_47:
0x12: {  	s2 =	sadd.s32 $0x1, s2  }
0x13: {  	p0 =	sne.s32 s2, s13  }
.Ltmp1:
0x14: {  	s0 =	simm.s32 $0x1800;
	s3 =	simm.s32 $0x30000;
	(pc) =	sbr.rel @!p0 .LBB2_48-.Ltmp1, $4  }
0x15: {  	[hbm4b:s12+s0] =	stream.strided.scatter [tilespmem:s24], [sflag:$0x5], $0xC000, s3, s0, $0x38;
	[tilespmem:$0x1E400] =	vst v63  }
0x16: {  	_ =	swait.ge [sflag:s14], $0xC000  }
0x17: {  	[sflag:s14] =	ssyncset.done $0x0  }
0x18: {  	[sflag:s14] =	ssyncadd.s32 $0xFFFF4000  }
.LBB2_1:
0x19: {  	s0 =	rddreg [dreg:$0x1];
	s3 =	simm.s32 $0x0  }
0x1a: {  	[tilespmem:s3], [sflag:$0x5] =	stream.linear.gather [hbm4b:s0+s3], $0x2000, $0x38;
	[tilespmem:$0x1E400] =	vst v63  }
0x1b: {  	_ =	swait.ge [sflag:s14], $0x2000  }
0x1c: {  	[sflag:s14] =	ssyncset.done $0x0  }
0x1d: {  	v4 =	vimm.s32 $0x0;
	v5 =	vimm.s32 $0x0;
	s3 =	simm.s32 $0x0;
	s0 =	simm.s32 $0x40;
	[sflag:s14] =	ssyncadd.s32 $0xFFFFE000  }
.LBB2_2:
0x1e: {  	p0 =	sne.s32 s0, $0x7FC0;
	v6 =	vld [tilespmem:s3+$0x0];
	_ =	sdelay $0x4  }
0x1f: {  	vm0 =	vge.s32 v6, v1;
	vm1 =	vlt.s32 v6, v0  }
0x20: {  	vm0 =	vmand vm0, vm1  }
0x21: {  	v7 =	vsel vm0, $0x1, v2;
	v8 =	vmpcnt.ones.xlane vm0  }
0x22: {  	(xrf0) =	vadd.scan.msk.s32 $0xffff, v7  }
0x23: {  	v4 =	vadd.s32 v4, v8;
	_ =	sdelay $0x4  }
0x24: {  	v7, _, _ =	vpop (xrf0)  }
0x25: {  	v7 =	vadd.s32 v7, v5;
	v5 =	vmov v4  }
0x26: {  	v7 =	vadd.s32 $0xFFFFFFFF, v7  }
0x27: {  	vm1 =	vlt.s32 v7, $0x300  }
0x28: {  	vm0 =	vmand vm0, vm1;
	_ =	sdelay $0x1  }
.Ltmp2:
0x29: {  	(pc) =	sbr.rel @p0 .LBB2_2-.Ltmp2, $2  }
0x2a: {  	_ =	sdelay $0x2  }
0x2b: {  	s3 =	sshra.s32 s0, $0x2;
	s0 =	sadd.s32 $0x40, s0;
	[tilespmem:v7+s15+$0x0] =	vst.idx.msk vm0, v6  }
0x2c: {  	v6 =	vld [tilespmem:s3+$0x0];
	_ =	sdelay $0x4  }
0x2d: {  	vm0 =	vge.s32 v6, v1;
	vm1 =	vlt.s32 v6, v0  }
0x2e: {  	vm0 =	vmand vm0, vm1  }
0x2f: {  	v7 =	vsel vm0, $0x1, v2  }
0x30: {  	(xrf0) =	vadd.scan.msk.s32 $0xffff, v7;
	_ =	sdelay $0x5  }
0x31: {  	v7, _, _ =	vpop (xrf0)  }
0x32: {  	v5 =	vadd.s32 v7, v5  }
0x33: {  	v5 =	vadd.s32 $0xFFFFFFFF, v5  }
0x34: {  	vm15 =	vlt.s32 v5, $0x300  }
0x35: {  	vm1 =	vmand vm0, vm15;
	_ =	sdelay $0x5  }
0x36: {  	s0 =	simm.s32 $0x0;
	s31 =	rddreg [dreg:$0x4];
	[tilespmem:v5+s15+$0x0] =	vst.idx.msk vm1, v6;
	v5 =	vmpcnt.ones.xlane vm0  }
0x37: {  	[tilespmem:s0], [sflag:$0x5] =	stream.linear.gather [hbm4b:s31+s0], $0x2000, $0x38;
	[tilespmem:$0x1E400] =	vst v63  }
0x38: {  	_ =	swait.ge [sflag:s14], $0x2000  }
0x39: {  	v4 =	vadd.s32 v4, v5;
	[sflag:s14] =	ssyncset.done $0x0  }
0x3a: {  	s3 =	simm.s32 $0x0;
	s0 =	simm.s32 $0x40;
	[sflag:s14] =	ssyncadd.s32 $0xFFFFE000;
	v5 =	vmov v4  }
.LBB2_4:
0x3b: {  	p0 =	sne.s32 s0, $0x7FC0;
	v6 =	vld [tilespmem:s3+$0x0];
	_ =	sdelay $0x4  }
0x3c: {  	vm0 =	vge.s32 v6, v1;
	vm1 =	vlt.s32 v6, v0  }
0x3d: {  	vm0 =	vmand vm0, vm1  }
0x3e: {  	v7 =	vsel vm0, $0x1, v2;
	v8 =	vmpcnt.ones.xlane vm0  }
0x3f: {  	(xrf0) =	vadd.scan.msk.s32 $0xffff, v7  }
0x40: {  	v4 =	vadd.s32 v4, v8;
	_ =	sdelay $0x4  }
0x41: {  	v7, _, _ =	vpop (xrf0)  }
0x42: {  	v7 =	vadd.s32 v7, v5;
	v5 =	vmov v4  }
0x43: {  	v7 =	vadd.s32 $0xFFFFFFFF, v7  }
0x44: {  	vm1 =	vlt.s32 v7, $0x300  }
0x45: {  	vm0 =	vmand vm0, vm1;
	_ =	sdelay $0x1  }
.Ltmp3:
0x46: {  	(pc) =	sbr.rel @p0 .LBB2_4-.Ltmp3, $2  }
0x47: {  	_ =	sdelay $0x2  }
0x48: {  	s3 =	sshra.s32 s0, $0x2;
	s0 =	sadd.s32 $0x40, s0;
	[tilespmem:v7+s15+$0x0] =	vst.idx.msk vm0, v6  }
0x49: {  	v6 =	vld [tilespmem:s3+$0x0];
	_ =	sdelay $0x4  }
0x4a: {  	vm0 =	vge.s32 v6, v1;
	vm1 =	vlt.s32 v6, v0  }
0x4b: {  	vm0 =	vmand vm0, vm1  }
0x4c: {  	v7 =	vsel vm0, $0x1, v2  }
0x4d: {  	(xrf0) =	vadd.scan.msk.s32 $0xffff, v7;
	_ =	sdelay $0x5  }
0x4e: {  	v7, _, _ =	vpop (xrf0)  }
0x4f: {  	v5 =	vadd.s32 v7, v5  }
0x50: {  	v5 =	vadd.s32 $0xFFFFFFFF, v5  }
0x51: {  	vm15 =	vlt.s32 v5, $0x300  }
0x52: {  	vm1 =	vmand vm0, vm15;
	_ =	sdelay $0x5  }
0x53: {  	[tilespmem:v5+s15+$0x0] =	vst.idx.msk vm1, v6  }
0x54: {  	[tilespmem:s18], [sflag:$0x1] =	stream.strided.gather [hbm4b:s8+s16], $0x4000, s17, s16, $0x38;
	[tilespmem:$0x1E400] =	vst v63  }
.Ltmp4:
0x55: {  	_ = 	snop;
	(pc) =	sbr.rel .LBB2_6-.Ltmp4, $4  }
0x56: {  	_ = 	snop  }
0x57: {  	v5 =	vmpcnt.ones.xlane vm0;
	[tilespmem:s19], [sflag:$0x2] =	stream.strided.gather [hbm4b:s10+s16], $0x4000, s17, s16, $0x38;
	[tilespmem:$0x1E400] =	vst v63  }
0x58: {  	s0 =	simm.s32 $0x0  }
0x59: {  	v4 =	vadd.s32 v4, v5;
	[tilespmem:s20], [sflag:$0x3] =	stream.strided.gather [hbm4b:s11+s16], $0x4000, s17, s16, $0x38;
	[tilespmem:$0x1E400] =	vst v63  }
.LBB2_45:
0x5a: {  	s3 =	sadd.s32 $0x6, s3  }
0x5b: {  	p0 =	sge.u32 s3, s6  }
0x5c: {  	s3 =	sshll.u32 @!p0 s3, $0xB  }
0x5d: {  	s3 =	sadd.s32 @!p0 s7, s3  }
0x5e: {  	s4 =	simm.s32 @!p0 $0x800;
	s3 =	sshrl.u32 @!p0 s3, $0x3  }
0x5f: {  	s9 =	simm.s32 @!p0 $0x7A1400;
	s30 =	simm.s32 @!p0 $0xA300;
	s3 =	sadd.s32 @!p0 s1, s3  }
0x60: {  	[tilespmem:s30], [sflag:$0x3] =	stream.strided.gather @!p0 [hbm4b:s3+s4], $0x4000, s9, s4, $0x38;
	[tilespmem:$0x1E400] =	vst v63  }
.LBB2_46:
0x61: {  	s0 =	sadd.s32 $0x1, s0  }
0x62: {  	p0 =	sne.s32 s0, $0x1F  }
.Ltmp5:
0x63: {  	_ = 	snop;
	(pc) =	sbr.rel @!p0 .LBB2_47-.Ltmp5, $1  }
0x64: {  	_ =	sdelay $0x3  }
.LBB2_6:
0x65: {  	s3 =	sshll.u32 s0, $0x2  }
0x66: {  	p0 =	sge.u32 s3, s6  }
.Ltmp6:
0x67: {  	_ = 	snop;
	(pc) =	sbr.rel @p0 .LBB2_16-.Ltmp6, $1  }
0x68: {  	_ =	sdelay $0x3  }
0x69: {  	_ =	swait.ge [sflag:s21], $0x4000  }
0x6a: {  	s4 =	sshll.u32 s0, $0xA;
	[sflag:s21] =	ssyncset.done $0x0  }
0x6b: {  	s30 =	simm.s32 $0x2000;
	s4 =	sadd.s32 s5, s4;
	[sflag:s21] =	ssyncadd.s32 $0xFFFFC000  }
0x6c: {  	v6 =	vimm.s32 $0x0;
	s9 =	sor.u32 $0x100, s4;
	v8 =	vld [tilespmem:s30+$0x0]  }
0x6d: {  	s31 =	simm.s32 $0x10;
	v9 =	vimm.s32 $0x0;
	v5 =	vmov s4;
	s4 =	simm.s32 $0x0;
	v7 =	vmov s9  }
.LBB2_8:
0x6e: {  	p0 =	seq.s32 s31, $0x2F0;
	_ =	sdelay $0x1  }
0x6f: {  	v10 =	vor.u32 s4, v3;
	s4 =	smov.u32 s31  }
0x70: {  	vm0 =	vlt.s32 v10, v4;
	vm1 =	vlt.s32 v8, v7  }
0x71: {  	vm2 =	vge.s32 v8, v5;
	vm0 =	vmand vm0, vm1  }
0x72: {  	vm0 =	vmand vm0, vm2  }
0x73: {  	v11 =	vsel vm0, $0x1, v2;
	v12 =	vmpcnt.ones.xlane vm0  }
0x74: {  	(xrf0) =	vadd.scan.msk.s32 $0xffff, v11  }
0x75: {  	v6 =	vadd.s32 v6, v12;
	_ =	sdelay $0x4  }
0x76: {  	v11, _, _ =	vpop (xrf0)  }
0x77: {  	v11 =	vadd.s32 v11, v9;
	v9 =	vmov v6  }
0x78: {  	v11 =	vadd.s32 $0xFFFFFFFF, v11  }
0x79: {  	vm1 =	vlt.s32 v11, $0x40  }
0x7a: {  	vm0 =	vmand vm0, vm1;
	_ =	sdelay $0x4  }
.Ltmp7:
0x7b: {  	v8 =	vsub.s32 v8, v5;
	(pc) =	sbr.rel @!p0 .LBB2_8-.Ltmp7, $4  }
0x7c: {  	[tilespmem:v11+s22+$0x0] =	vst.idx.msk vm0, v8  }
0x7d: {  	s30 =	sadd.s32 $0x10, s30;
	[tilespmem:v11+s23+$0x0] =	vst.idx.msk vm0, v10  }
0x7e: {  	v8 =	vld [tilespmem:s30+$0x0]  }
0x7f: {  	s31 =	sadd.s32 $0x10, s31  }
0x80: {  	_ =	sdelay $0x1  }
0x81: {  	v10 =	vor.u32 s4, v3  }
0x82: {  	vm0 =	vlt.s32 v10, v4;
	vm1 =	vlt.s32 v8, v7  }
0x83: {  	vm2 =	vge.s32 v8, v5;
	vm0 =	vmand vm0, vm1  }
0x84: {  	vm0 =	vmand vm0, vm2  }
0x85: {  	v7 =	vsel vm0, $0x1, v2  }
0x86: {  	(xrf0) =	vadd.scan.msk.s32 $0xffff, v7;
	_ =	sdelay $0x5  }
0x87: {  	v7, _, _ =	vpop (xrf0)  }
0x88: {  	v7 =	vadd.s32 v7, v9  }
0x89: {  	v7 =	vadd.s32 $0xFFFFFFFF, v7  }
0x8a: {  	vm15 =	vlt.s32 v7, $0x40  }
0x8b: {  	vm1 =	vmand vm0, vm15;
	_ =	sdelay $0x3  }
0x8c: {  	v63 =	vmpcnt.ones.xlane vm0  }
0x8d: {  	v5 =	vsub.s32 v8, v5  }
0x8e: {  	[tilespmem:v7+s22+$0x0] =	vst.idx.msk vm1, v5;
	v5 =	vadd.s32 v6, v63  }
0x8f: {  	(v2sf) =	vpush v5, $0x0;
	_ =	sdelay $0xa  }
.Ltmp8:
0x90: {  	_ = 	snop;
	(pc) =	sbr.rel .LBB2_10-.Ltmp8, $2  }
0x91: {  	_ =	sdelay $0x2  }
0x92: {  	s30 =	simm.s32 $0x0;
	[tilespmem:v7+s23+$0x0] =	vst.idx.msk vm1, v10;
	s4 =	spop (v2sf)  }
.LBB2_13:
0x93: {  	_ =	sdelay $0x4  }
0x94: {  	[tilespmem:v24+s24+$0x0] =	vst.idx.msk vm0, v23  }
0x95: {  	v7 =	vadd.s32 v20, v9;
	v6 =	vld.idx.msk [tilespmem:v25+s18+$0x0], vm0;
	_ =	sdelay $0x4  }
0x96: {  	[tilespmem:v7+s24+$0x0] =	vst.idx.msk vm0, v6  }
.LBB2_14:
0x97: {  	s30 =	sadd.s32 $0x1, s30  }
0x98: {  	p0 =	sne.s32 s30, $0x4  }
.Ltmp9:
0x99: {  	_ = 	snop;
	(pc) =	sbr.rel @!p0 .LBB2_15-.Ltmp9, $1  }
0x9a: {  	_ =	sdelay $0x3  }
.LBB2_10:
0x9b: {  	s9 =	sshll.u32 s30, $0x4  }
0x9c: {  	p0 =	sge.s32 s9, s4  }
.Ltmp10:
0x9d: {  	_ = 	snop;
	(pc) =	sbr.rel @p0 .LBB2_14-.Ltmp10, $1  }
0x9e: {  	_ =	sdelay $0x3  }
0x9f: {  	v6 =	vld [tilespmem:s9+$0x1E300];
	_ =	sdelay $0x1  }
0xa0: {  	s31 =	simm.s32 $0x0  }
0xa1: {  	v7 =	vmov s31  }
0xa2: {  	v7 =	vshrl.u32 v7, $0x3  }
0xa3: {  	v8 =	vld [tilespmem:s9+$0x1E380];
	v7 =	vbroadcast v7, $0x0;
	v9 =	vshll.u32 v6, $0x3  }
0xa4: {  	v10 =	vor.u32 s9, v3;
	v6 =	vand.u32 $0x7F, v6;
	v9 =	vand.u32 $0xFFFFFC00, v9  }
0xa5: {  	vm0 =	vlt.s32 v10, v5;
	v25 =	vshll.u32 v7, $0xB;
	v6 =	vor.u32 v6, v9  }
0xa6: {  	v10 =	vadd.s32 v6, v25;
	_ =	sdelay $0x1  }
0xa7: {  	v9 =	vshll.u32 v8, $0x3  }
0xa8: {  	v8 =	vand.u32 $0x7F, v8;
	v11 =	vand.u32 $0xFFFFFC00, v9;
	v9 =	vmul.u32 $0x1800, v7  }
0xa9: {  	v7 =	vor.u32 v8, v11  }
0xaa: {  	v8 =	vor.u32 $0x80, v6;
	v12 =	vadd.s32 v7, v9;
	v11 =	vld.idx.msk [tilespmem:v10+s18+$0x0], vm0  }
0xab: {  	v13 =	vadd.s32 v8, v25;
	_ =	sdelay $0x3  }
0xac: {  	v10 =	vor.u32 $0x80, v7;
	[tilespmem:v12+s24+$0x0] =	vst.idx.msk vm0, v11  }
0xad: {  	v14 =	vadd.s32 v10, v9;
	v11 =	vor.u32 $0x100, v6;
	v13 =	vld.idx.msk [tilespmem:v13+s18+$0x0], vm0  }
0xae: {  	v15 =	vadd.s32 v11, v25;
	_ =	sdelay $0x3  }
0xaf: {  	v12 =	vor.u32 $0x100, v7;
	[tilespmem:v14+s24+$0x0] =	vst.idx.msk vm0, v13  }
0xb0: {  	v16 =	vadd.s32 v12, v9;
	v13 =	vor.u32 $0x180, v6;
	v15 =	vld.idx.msk [tilespmem:v15+s18+$0x0], vm0  }
0xb1: {  	v17 =	vadd.s32 v13, v25;
	_ =	sdelay $0x3  }
0xb2: {  	v14 =	vor.u32 $0x180, v7;
	[tilespmem:v16+s24+$0x0] =	vst.idx.msk vm0, v15  }
0xb3: {  	v18 =	vadd.s32 v14, v9;
	v15 =	vor.u32 $0x200, v6;
	v17 =	vld.idx.msk [tilespmem:v17+s18+$0x0], vm0  }
0xb4: {  	v19 =	vadd.s32 v15, v25;
	_ =	sdelay $0x3  }
0xb5: {  	v16 =	vor.u32 $0x200, v7;
	[tilespmem:v18+s24+$0x0] =	vst.idx.msk vm0, v17  }
0xb6: {  	v20 =	vadd.s32 v16, v9;
	v17 =	vor.u32 $0x280, v6;
	v19 =	vld.idx.msk [tilespmem:v19+s18+$0x0], vm0  }
0xb7: {  	v21 =	vadd.s32 v17, v25;
	_ =	sdelay $0x3  }
0xb8: {  	v18 =	vor.u32 $0x280, v7;
	[tilespmem:v20+s24+$0x0] =	vst.idx.msk vm0, v19  }
0xb9: {  	v23 =	vadd.s32 v18, v9;
	v19 =	vor.u32 $0x300, v6;
	v20 =	vld.idx.msk [tilespmem:v21+s18+$0x0], vm0  }
0xba: {  	v24 =	vadd.s32 v19, v25;
	_ =	sdelay $0x3  }
0xbb: {  	v22 =	vor.u32 $0x300, v7;
	[tilespmem:v23+s24+$0x0] =	vst.idx.msk vm0, v20  }
0xbc: {  	v21 =	vor.u32 $0x380, v6;
	v23 =	vld.idx.msk [tilespmem:v24+s18+$0x0], vm0;
	v24 =	vadd.s32 v22, v9  }
0xbd: {  	v25 =	vadd.s32 v21, v25;
	v20 =	vor.u32 $0x380, v7  }
.LBB2_12:
0xbe: {  	s31 =	sadd.s32 $0x8, s31  }
0xbf: {  	v26 =	vmov s31;
	p0 =	slt.u32 s31, $0x38  }
0xc0: {  	v26 =	vshrl.u32 v26, $0x3  }
0xc1: {  	v26 =	vbroadcast v26, $0x0;
	[tilespmem:v24+s24+$0x0] =	vst.idx.msk vm0, v23  }
0xc2: {  	v23 =	vld.idx.msk [tilespmem:v25+s18+$0x0], vm0  }
0xc3: {  	v24 =	vadd.s32 v20, v9;
	v25 =	vshll.u32 v26, $0xB  }
0xc4: {  	v27 =	vadd.s32 v6, v25;
	_ =	sdelay $0x3  }
0xc5: {  	v9 =	vmul.u32 $0x1800, v26;
	[tilespmem:v24+s24+$0x0] =	vst.idx.msk vm0, v23  }
0xc6: {  	v23 =	vld.idx.msk [tilespmem:v27+s18+$0x0], vm0  }
0xc7: {  	v24 =	vadd.s32 v7, v9  }
0xc8: {  	v26 =	vadd.s32 v8, v25;
	_ =	sdelay $0x3  }
0xc9: {  	[tilespmem:v24+s24+$0x0] =	vst.idx.msk vm0, v23  }
0xca: {  	v23 =	vld.idx.msk [tilespmem:v26+s18+$0x0], vm0  }
0xcb: {  	v24 =	vadd.s32 v10, v9  }
0xcc: {  	v26 =	vadd.s32 v11, v25;
	_ =	sdelay $0x3  }
0xcd: {  	[tilespmem:v24+s24+$0x0] =	vst.idx.msk vm0, v23  }
0xce: {  	v23 =	vld.idx.msk [tilespmem:v26+s18+$0x0], vm0  }
0xcf: {  	v24 =	vadd.s32 v12, v9  }
0xd0: {  	v26 =	vadd.s32 v13, v25;
	_ =	sdelay $0x3  }
0xd1: {  	[tilespmem:v24+s24+$0x0] =	vst.idx.msk vm0, v23  }
0xd2: {  	v23 =	vld.idx.msk [tilespmem:v26+s18+$0x0], vm0  }
0xd3: {  	v24 =	vadd.s32 v14, v9  }
0xd4: {  	v26 =	vadd.s32 v15, v25;
	_ =	sdelay $0x3  }
0xd5: {  	[tilespmem:v24+s24+$0x0] =	vst.idx.msk vm0, v23  }
0xd6: {  	v23 =	vld.idx.msk [tilespmem:v26+s18+$0x0], vm0  }
0xd7: {  	v24 =	vadd.s32 v16, v9  }
0xd8: {  	v26 =	vadd.s32 v17, v25;
	_ =	sdelay $0x3  }
0xd9: {  	[tilespmem:v24+s24+$0x0] =	vst.idx.msk vm0, v23  }
0xda: {  	v23 =	vld.idx.msk [tilespmem:v26+s18+$0x0], vm0  }
0xdb: {  	v24 =	vadd.s32 v18, v9  }
0xdc: {  	v26 =	vadd.s32 v19, v25;
	_ =	sdelay $0x2  }
.Ltmp11:
0xdd: {  	(pc) =	sbr.rel @p0 .LBB2_12-.Ltmp11, $4  }
0xde: {  	[tilespmem:v24+s24+$0x0] =	vst.idx.msk vm0, v23  }
0xdf: {  	v23 =	vld.idx.msk [tilespmem:v26+s18+$0x0], vm0  }
0xe0: {  	v24 =	vadd.s32 v22, v9  }
0xe1: {  	v25 =	vadd.s32 v21, v25  }
.Ltmp12:
0xe2: {  	_ = 	snop;
	(pc) =	sbr.rel .LBB2_13-.Ltmp12, $1  }
0xe3: {  	_ =	sdelay $0x3  }
.LBB2_15:
0xe4: {  	s4 =	sor.u32 $0x3, s3  }
0xe5: {  	p0 =	sge.u32 s4, s6  }
0xe6: {  	s4 =	sshll.u32 @!p0 s4, $0xB  }
0xe7: {  	s4 =	sadd.s32 @!p0 s7, s4  }
0xe8: {  	s9 =	simm.s32 @!p0 $0x800;
	s4 =	sshrl.u32 @!p0 s4, $0x3  }
0xe9: {  	s30 =	simm.s32 @!p0 $0x7A1400;
	s31 =	simm.s32 @!p0 $0xE300;
	s4 =	sadd.s32 @!p0 s1, s4  }
0xea: {  	[tilespmem:s31], [sflag:$0x4] =	stream.strided.gather @!p0 [hbm4b:s4+s9], $0x4000, s30, s9, $0x38;
	[tilespmem:$0x1E400] =	vst v63  }
.LBB2_16:
0xeb: {  	s4 =	sor.u32 $0x1, s3  }
0xec: {  	p0 =	sge.u32 s4, s6  }
.Ltmp13:
0xed: {  	_ = 	snop;
	(pc) =	sbr.rel @p0 .LBB2_26-.Ltmp13, $1  }
0xee: {  	_ =	sdelay $0x3  }
0xef: {  	_ =	swait.ge [sflag:s25], $0x4000  }
0xf0: {  	s4 =	sshll.u32 s4, $0x8;
	[sflag:s25] =	ssyncset.done $0x0  }
0xf1: {  	s30 =	simm.s32 $0x2000;
	s4 =	sadd.s32 s5, s4;
	[sflag:s25] =	ssyncadd.s32 $0xFFFFC000  }
0xf2: {  	v6 =	vimm.s32 $0x0;
	s9 =	sadd.s32 $0x100, s4;
	v8 =	vld [tilespmem:s30+$0x0]  }
0xf3: {  	s31 =	simm.s32 $0x10;
	v9 =	vimm.s32 $0x0;
	v5 =	vmov s4;
	s4 =	simm.s32 $0x0;
	v7 =	vmov s9  }
.LBB2_18:
0xf4: {  	p0 =	seq.s32 s31, $0x2F0;
	_ =	sdelay $0x1  }
0xf5: {  	v10 =	vor.u32 s4, v3;
	s4 =	smov.u32 s31  }
0xf6: {  	vm0 =	vlt.s32 v10, v4;
	vm1 =	vlt.s32 v8, v7  }
0xf7: {  	vm2 =	vge.s32 v8, v5;
	vm0 =	vmand vm0, vm1  }
0xf8: {  	vm0 =	vmand vm0, vm2  }
0xf9: {  	v11 =	vsel vm0, $0x1, v2;
	v12 =	vmpcnt.ones.xlane vm0  }
0xfa: {  	(xrf0) =	vadd.scan.msk.s32 $0xffff, v11  }
0xfb: {  	v6 =	vadd.s32 v6, v12;
	_ =	sdelay $0x4  }
0xfc: {  	v11, _, _ =	vpop (xrf0)  }
0xfd: {  	v11 =	vadd.s32 v11, v9;
	v9 =	vmov v6  }
0xfe: {  	v11 =	vadd.s32 $0xFFFFFFFF, v11  }
0xff: {  	vm1 =	vlt.s32 v11, $0x40  }
0x100: {  	vm0 =	vmand vm0, vm1;
	_ =	sdelay $0x4  }
.Ltmp14:
0x101: {  	v8 =	vsub.s32 v8, v5;
	(pc) =	sbr.rel @!p0 .LBB2_18-.Ltmp14, $4  }
0x102: {  	[tilespmem:v11+s22+$0x0] =	vst.idx.msk vm0, v8  }
0x103: {  	s30 =	sadd.s32 $0x10, s30;
	[tilespmem:v11+s23+$0x0] =	vst.idx.msk vm0, v10  }
0x104: {  	v8 =	vld [tilespmem:s30+$0x0]  }
0x105: {  	s31 =	sadd.s32 $0x10, s31  }
0x106: {  	_ =	sdelay $0x1  }
0x107: {  	v10 =	vor.u32 s4, v3  }
0x108: {  	vm0 =	vlt.s32 v10, v4;
	vm1 =	vlt.s32 v8, v7  }
0x109: {  	vm2 =	vge.s32 v8, v5;
	vm0 =	vmand vm0, vm1  }
0x10a: {  	vm0 =	vmand vm0, vm2  }
0x10b: {  	v7 =	vsel vm0, $0x1, v2  }
0x10c: {  	(xrf0) =	vadd.scan.msk.s32 $0xffff, v7;
	_ =	sdelay $0x5  }
0x10d: {  	v7, _, _ =	vpop (xrf0)  }
0x10e: {  	v7 =	vadd.s32 v7, v9  }
0x10f: {  	v7 =	vadd.s32 $0xFFFFFFFF, v7  }
0x110: {  	vm15 =	vlt.s32 v7, $0x40  }
0x111: {  	vm1 =	vmand vm0, vm15;
	_ =	sdelay $0x3  }
0x112: {  	v63 =	vmpcnt.ones.xlane vm0  }
0x113: {  	v5 =	vsub.s32 v8, v5  }
0x114: {  	[tilespmem:v7+s22+$0x0] =	vst.idx.msk vm1, v5;
	v5 =	vadd.s32 v6, v63  }
0x115: {  	(v2sf) =	vpush v5, $0x0;
	_ =	sdelay $0xa  }
.Ltmp15:
0x116: {  	_ = 	snop;
	(pc) =	sbr.rel .LBB2_20-.Ltmp15, $2  }
0x117: {  	_ =	sdelay $0x2  }
0x118: {  	s30 =	simm.s32 $0x0;
	[tilespmem:v7+s23+$0x0] =	vst.idx.msk vm1, v10;
	s4 =	spop (v2sf)  }
.LBB2_23:
0x119: {  	_ =	sdelay $0x4  }
0x11a: {  	[tilespmem:v24+s24+$0x0] =	vst.idx.msk vm0, v23  }
0x11b: {  	v7 =	vadd.s32 v20, v9;
	v6 =	vld.idx.msk [tilespmem:v25+s19+$0x0], vm0;
	_ =	sdelay $0x4  }
0x11c: {  	[tilespmem:v7+s24+$0x0] =	vst.idx.msk vm0, v6  }
.LBB2_24:
0x11d: {  	s30 =	sadd.s32 $0x1, s30  }
0x11e: {  	p0 =	sne.s32 s30, $0x4  }
.Ltmp16:
0x11f: {  	_ = 	snop;
	(pc) =	sbr.rel @!p0 .LBB2_25-.Ltmp16, $1  }
0x120: {  	_ =	sdelay $0x3  }
.LBB2_20:
0x121: {  	s9 =	sshll.u32 s30, $0x4  }
0x122: {  	p0 =	sge.s32 s9, s4  }
.Ltmp17:
0x123: {  	_ = 	snop;
	(pc) =	sbr.rel @p0 .LBB2_24-.Ltmp17, $1  }
0x124: {  	_ =	sdelay $0x3  }
0x125: {  	v6 =	vld [tilespmem:s9+$0x1E300];
	_ =	sdelay $0x1  }
0x126: {  	s31 =	simm.s32 $0x0  }
0x127: {  	v7 =	vmov s31  }
0x128: {  	v7 =	vshrl.u32 v7, $0x3  }
0x129: {  	v8 =	vld [tilespmem:s9+$0x1E380];
	v7 =	vbroadcast v7, $0x0;
	v9 =	vshll.u32 v6, $0x3  }
0x12a: {  	v10 =	vor.u32 s9, v3;
	v6 =	vand.u32 $0x7F, v6;
	v9 =	vand.u32 $0xFFFFFC00, v9  }
0x12b: {  	vm0 =	vlt.s32 v10, v5;
	v25 =	vshll.u32 v7, $0xB;
	v6 =	vor.u32 v6, v9  }
0x12c: {  	v10 =	vadd.s32 v6, v25;
	_ =	sdelay $0x1  }
0x12d: {  	v9 =	vshll.u32 v8, $0x3  }
0x12e: {  	v8 =	vand.u32 $0x7F, v8;
	v11 =	vand.u32 $0xFFFFFC00, v9;
	v9 =	vmul.u32 $0x1800, v7  }
0x12f: {  	v7 =	vor.u32 v8, v11  }
0x130: {  	v8 =	vor.u32 $0x80, v6;
	v12 =	vadd.s32 v7, v9;
	v11 =	vld.idx.msk [tilespmem:v10+s19+$0x0], vm0  }
0x131: {  	v13 =	vadd.s32 v8, v25;
	_ =	sdelay $0x3  }
0x132: {  	v10 =	vor.u32 $0x80, v7;
	[tilespmem:v12+s24+$0x0] =	vst.idx.msk vm0, v11  }
0x133: {  	v14 =	vadd.s32 v10, v9;
	v11 =	vor.u32 $0x100, v6;
	v13 =	vld.idx.msk [tilespmem:v13+s19+$0x0], vm0  }
0x134: {  	v15 =	vadd.s32 v11, v25;
	_ =	sdelay $0x3  }
0x135: {  	v12 =	vor.u32 $0x100, v7;
	[tilespmem:v14+s24+$0x0] =	vst.idx.msk vm0, v13  }
0x136: {  	v16 =	vadd.s32 v12, v9;
	v13 =	vor.u32 $0x180, v6;
	v15 =	vld.idx.msk [tilespmem:v15+s19+$0x0], vm0  }
0x137: {  	v17 =	vadd.s32 v13, v25;
	_ =	sdelay $0x3  }
0x138: {  	v14 =	vor.u32 $0x180, v7;
	[tilespmem:v16+s24+$0x0] =	vst.idx.msk vm0, v15  }
0x139: {  	v18 =	vadd.s32 v14, v9;
	v15 =	vor.u32 $0x200, v6;
	v17 =	vld.idx.msk [tilespmem:v17+s19+$0x0], vm0  }
0x13a: {  	v19 =	vadd.s32 v15, v25;
	_ =	sdelay $0x3  }
0x13b: {  	v16 =	vor.u32 $0x200, v7;
	[tilespmem:v18+s24+$0x0] =	vst.idx.msk vm0, v17  }
0x13c: {  	v20 =	vadd.s32 v16, v9;
	v17 =	vor.u32 $0x280, v6;
	v19 =	vld.idx.msk [tilespmem:v19+s19+$0x0], vm0  }
0x13d: {  	v21 =	vadd.s32 v17, v25;
	_ =	sdelay $0x3  }
0x13e: {  	v18 =	vor.u32 $0x280, v7;
	[tilespmem:v20+s24+$0x0] =	vst.idx.msk vm0, v19  }
0x13f: {  	v23 =	vadd.s32 v18, v9;
	v19 =	vor.u32 $0x300, v6;
	v20 =	vld.idx.msk [tilespmem:v21+s19+$0x0], vm0  }
0x140: {  	v24 =	vadd.s32 v19, v25;
	_ =	sdelay $0x3  }
0x141: {  	v22 =	vor.u32 $0x300, v7;
	[tilespmem:v23+s24+$0x0] =	vst.idx.msk vm0, v20  }
0x142: {  	v21 =	vor.u32 $0x380, v6;
	v23 =	vld.idx.msk [tilespmem:v24+s19+$0x0], vm0;
	v24 =	vadd.s32 v22, v9  }
0x143: {  	v25 =	vadd.s32 v21, v25;
	v20 =	vor.u32 $0x380, v7  }
.LBB2_22:
0x144: {  	s31 =	sadd.s32 $0x8, s31  }
0x145: {  	v26 =	vmov s31;
	p0 =	slt.u32 s31, $0x38  }
0x146: {  	v26 =	vshrl.u32 v26, $0x3  }
0x147: {  	v26 =	vbroadcast v26, $0x0;
	[tilespmem:v24+s24+$0x0] =	vst.idx.msk vm0, v23  }
0x148: {  	v23 =	vld.idx.msk [tilespmem:v25+s19+$0x0], vm0  }
0x149: {  	v24 =	vadd.s32 v20, v9;
	v25 =	vshll.u32 v26, $0xB  }
0x14a: {  	v27 =	vadd.s32 v6, v25;
	_ =	sdelay $0x3  }
0x14b: {  	v9 =	vmul.u32 $0x1800, v26;
	[tilespmem:v24+s24+$0x0] =	vst.idx.msk vm0, v23  }
0x14c: {  	v23 =	vld.idx.msk [tilespmem:v27+s19+$0x0], vm0  }
0x14d: {  	v24 =	vadd.s32 v7, v9  }
0x14e: {  	v26 =	vadd.s32 v8, v25;
	_ =	sdelay $0x3  }
0x14f: {  	[tilespmem:v24+s24+$0x0] =	vst.idx.msk vm0, v23  }
0x150: {  	v23 =	vld.idx.msk [tilespmem:v26+s19+$0x0], vm0  }
0x151: {  	v24 =	vadd.s32 v10, v9  }
0x152: {  	v26 =	vadd.s32 v11, v25;
	_ =	sdelay $0x3  }
0x153: {  	[tilespmem:v24+s24+$0x0] =	vst.idx.msk vm0, v23  }
0x154: {  	v23 =	vld.idx.msk [tilespmem:v26+s19+$0x0], vm0  }
0x155: {  	v24 =	vadd.s32 v12, v9  }
0x156: {  	v26 =	vadd.s32 v13, v25;
	_ =	sdelay $0x3  }
0x157: {  	[tilespmem:v24+s24+$0x0] =	vst.idx.msk vm0, v23  }
0x158: {  	v23 =	vld.idx.msk [tilespmem:v26+s19+$0x0], vm0  }
0x159: {  	v24 =	vadd.s32 v14, v9  }
0x15a: {  	v26 =	vadd.s32 v15, v25;
	_ =	sdelay $0x3  }
0x15b: {  	[tilespmem:v24+s24+$0x0] =	vst.idx.msk vm0, v23  }
0x15c: {  	v23 =	vld.idx.msk [tilespmem:v26+s19+$0x0], vm0  }
0x15d: {  	v24 =	vadd.s32 v16, v9  }
0x15e: {  	v26 =	vadd.s32 v17, v25;
	_ =	sdelay $0x3  }
0x15f: {  	[tilespmem:v24+s24+$0x0] =	vst.idx.msk vm0, v23  }
0x160: {  	v23 =	vld.idx.msk [tilespmem:v26+s19+$0x0], vm0  }
0x161: {  	v24 =	vadd.s32 v18, v9  }
0x162: {  	v26 =	vadd.s32 v19, v25;
	_ =	sdelay $0x2  }
.Ltmp18:
0x163: {  	(pc) =	sbr.rel @p0 .LBB2_22-.Ltmp18, $4  }
0x164: {  	[tilespmem:v24+s24+$0x0] =	vst.idx.msk vm0, v23  }
0x165: {  	v23 =	vld.idx.msk [tilespmem:v26+s19+$0x0], vm0  }
0x166: {  	v24 =	vadd.s32 v22, v9  }
0x167: {  	v25 =	vadd.s32 v21, v25  }
.Ltmp19:
0x168: {  	_ = 	snop;
	(pc) =	sbr.rel .LBB2_23-.Ltmp19, $1  }
0x169: {  	_ =	sdelay $0x3  }
.LBB2_25:
0x16a: {  	s4 =	sadd.s32 $0x4, s3  }
0x16b: {  	p0 =	sge.u32 s4, s6  }
0x16c: {  	s4 =	sshll.u32 @!p0 s4, $0xB  }
0x16d: {  	s4 =	sadd.s32 @!p0 s7, s4  }
0x16e: {  	s9 =	simm.s32 @!p0 $0x800;
	s4 =	sshrl.u32 @!p0 s4, $0x3  }
0x16f: {  	s30 =	simm.s32 @!p0 $0x7A1400;
	s31 =	simm.s32 @!p0 $0x2300;
	s4 =	sadd.s32 @!p0 s1, s4  }
0x170: {  	[tilespmem:s31], [sflag:$0x1] =	stream.strided.gather @!p0 [hbm4b:s4+s9], $0x4000, s30, s9, $0x38;
	[tilespmem:$0x1E400] =	vst v63  }
.LBB2_26:
0x171: {  	s4 =	sor.u32 $0x2, s3  }
0x172: {  	p0 =	sge.u32 s4, s6  }
.Ltmp20:
0x173: {  	_ = 	snop;
	(pc) =	sbr.rel @p0 .LBB2_36-.Ltmp20, $1  }
0x174: {  	_ =	sdelay $0x3  }
0x175: {  	_ =	swait.ge [sflag:s26], $0x4000  }
0x176: {  	s4 =	sshll.u32 s4, $0x8;
	[sflag:s26] =	ssyncset.done $0x0  }
0x177: {  	s30 =	simm.s32 $0x2000;
	s4 =	sadd.s32 s5, s4;
	[sflag:s26] =	ssyncadd.s32 $0xFFFFC000  }
0x178: {  	v6 =	vimm.s32 $0x0;
	s9 =	sor.u32 $0x100, s4;
	v8 =	vld [tilespmem:s30+$0x0]  }
0x179: {  	s31 =	simm.s32 $0x10;
	v9 =	vimm.s32 $0x0;
	v5 =	vmov s4;
	s4 =	simm.s32 $0x0;
	v7 =	vmov s9  }
.LBB2_28:
0x17a: {  	p0 =	seq.s32 s31, $0x2F0;
	_ =	sdelay $0x1  }
0x17b: {  	v10 =	vor.u32 s4, v3;
	s4 =	smov.u32 s31  }
0x17c: {  	vm0 =	vlt.s32 v10, v4;
	vm1 =	vlt.s32 v8, v7  }
0x17d: {  	vm2 =	vge.s32 v8, v5;
	vm0 =	vmand vm0, vm1  }
0x17e: {  	vm0 =	vmand vm0, vm2  }
0x17f: {  	v11 =	vsel vm0, $0x1, v2;
	v12 =	vmpcnt.ones.xlane vm0  }
0x180: {  	(xrf0) =	vadd.scan.msk.s32 $0xffff, v11  }
0x181: {  	v6 =	vadd.s32 v6, v12;
	_ =	sdelay $0x4  }
0x182: {  	v11, _, _ =	vpop (xrf0)  }
0x183: {  	v11 =	vadd.s32 v11, v9;
	v9 =	vmov v6  }
0x184: {  	v11 =	vadd.s32 $0xFFFFFFFF, v11  }
0x185: {  	vm1 =	vlt.s32 v11, $0x40  }
0x186: {  	vm0 =	vmand vm0, vm1;
	_ =	sdelay $0x4  }
.Ltmp21:
0x187: {  	v8 =	vsub.s32 v8, v5;
	(pc) =	sbr.rel @!p0 .LBB2_28-.Ltmp21, $4  }
0x188: {  	[tilespmem:v11+s22+$0x0] =	vst.idx.msk vm0, v8  }
0x189: {  	s30 =	sadd.s32 $0x10, s30;
	[tilespmem:v11+s23+$0x0] =	vst.idx.msk vm0, v10  }
0x18a: {  	v8 =	vld [tilespmem:s30+$0x0]  }
0x18b: {  	s31 =	sadd.s32 $0x10, s31  }
0x18c: {  	_ =	sdelay $0x1  }
0x18d: {  	v10 =	vor.u32 s4, v3  }
0x18e: {  	vm0 =	vlt.s32 v10, v4;
	vm1 =	vlt.s32 v8, v7  }
0x18f: {  	vm2 =	vge.s32 v8, v5;
	vm0 =	vmand vm0, vm1  }
0x190: {  	vm0 =	vmand vm0, vm2  }
0x191: {  	v7 =	vsel vm0, $0x1, v2  }
0x192: {  	(xrf0) =	vadd.scan.msk.s32 $0xffff, v7;
	_ =	sdelay $0x5  }
0x193: {  	v7, _, _ =	vpop (xrf0)  }
0x194: {  	v7 =	vadd.s32 v7, v9  }
0x195: {  	v7 =	vadd.s32 $0xFFFFFFFF, v7  }
0x196: {  	vm15 =	vlt.s32 v7, $0x40  }
0x197: {  	vm1 =	vmand vm0, vm15;
	_ =	sdelay $0x3  }
0x198: {  	v63 =	vmpcnt.ones.xlane vm0  }
0x199: {  	v5 =	vsub.s32 v8, v5  }
0x19a: {  	[tilespmem:v7+s22+$0x0] =	vst.idx.msk vm1, v5;
	v5 =	vadd.s32 v6, v63  }
0x19b: {  	(v2sf) =	vpush v5, $0x0;
	_ =	sdelay $0xa  }
.Ltmp22:
0x19c: {  	_ = 	snop;
	(pc) =	sbr.rel .LBB2_30-.Ltmp22, $2  }
0x19d: {  	_ =	sdelay $0x2  }
0x19e: {  	s30 =	simm.s32 $0x0;
	[tilespmem:v7+s23+$0x0] =	vst.idx.msk vm1, v10;
	s4 =	spop (v2sf)  }
.LBB2_33:
0x19f: {  	_ =	sdelay $0x4  }
0x1a0: {  	[tilespmem:v24+s24+$0x0] =	vst.idx.msk vm0, v23  }
0x1a1: {  	v7 =	vadd.s32 v20, v9;
	v6 =	vld.idx.msk [tilespmem:v25+s20+$0x0], vm0;
	_ =	sdelay $0x4  }
0x1a2: {  	[tilespmem:v7+s24+$0x0] =	vst.idx.msk vm0, v6  }
.LBB2_34:
0x1a3: {  	s30 =	sadd.s32 $0x1, s30  }
0x1a4: {  	p0 =	sne.s32 s30, $0x4  }
.Ltmp23:
0x1a5: {  	_ = 	snop;
	(pc) =	sbr.rel @!p0 .LBB2_35-.Ltmp23, $1  }
0x1a6: {  	_ =	sdelay $0x3  }
.LBB2_30:
0x1a7: {  	s9 =	sshll.u32 s30, $0x4  }
0x1a8: {  	p0 =	sge.s32 s9, s4  }
.Ltmp24:
0x1a9: {  	_ = 	snop;
	(pc) =	sbr.rel @p0 .LBB2_34-.Ltmp24, $1  }
0x1aa: {  	_ =	sdelay $0x3  }
0x1ab: {  	v6 =	vld [tilespmem:s9+$0x1E300];
	_ =	sdelay $0x1  }
0x1ac: {  	s31 =	simm.s32 $0x0  }
0x1ad: {  	v7 =	vmov s31  }
0x1ae: {  	v7 =	vshrl.u32 v7, $0x3  }
0x1af: {  	v8 =	vld [tilespmem:s9+$0x1E380];
	v7 =	vbroadcast v7, $0x0;
	v9 =	vshll.u32 v6, $0x3  }
0x1b0: {  	v10 =	vor.u32 s9, v3;
	v6 =	vand.u32 $0x7F, v6;
	v9 =	vand.u32 $0xFFFFFC00, v9  }
0x1b1: {  	vm0 =	vlt.s32 v10, v5;
	v25 =	vshll.u32 v7, $0xB;
	v6 =	vor.u32 v6, v9  }
0x1b2: {  	v10 =	vadd.s32 v6, v25;
	_ =	sdelay $0x1  }
0x1b3: {  	v9 =	vshll.u32 v8, $0x3  }
0x1b4: {  	v8 =	vand.u32 $0x7F, v8;
	v11 =	vand.u32 $0xFFFFFC00, v9;
	v9 =	vmul.u32 $0x1800, v7  }
0x1b5: {  	v7 =	vor.u32 v8, v11  }
0x1b6: {  	v8 =	vor.u32 $0x80, v6;
	v12 =	vadd.s32 v7, v9;
	v11 =	vld.idx.msk [tilespmem:v10+s20+$0x0], vm0  }
0x1b7: {  	v13 =	vadd.s32 v8, v25;
	_ =	sdelay $0x3  }
0x1b8: {  	v10 =	vor.u32 $0x80, v7;
	[tilespmem:v12+s24+$0x0] =	vst.idx.msk vm0, v11  }
0x1b9: {  	v14 =	vadd.s32 v10, v9;
	v11 =	vor.u32 $0x100, v6;
	v13 =	vld.idx.msk [tilespmem:v13+s20+$0x0], vm0  }
0x1ba: {  	v15 =	vadd.s32 v11, v25;
	_ =	sdelay $0x3  }
0x1bb: {  	v12 =	vor.u32 $0x100, v7;
	[tilespmem:v14+s24+$0x0] =	vst.idx.msk vm0, v13  }
0x1bc: {  	v16 =	vadd.s32 v12, v9;
	v13 =	vor.u32 $0x180, v6;
	v15 =	vld.idx.msk [tilespmem:v15+s20+$0x0], vm0  }
0x1bd: {  	v17 =	vadd.s32 v13, v25;
	_ =	sdelay $0x3  }
0x1be: {  	v14 =	vor.u32 $0x180, v7;
	[tilespmem:v16+s24+$0x0] =	vst.idx.msk vm0, v15  }
0x1bf: {  	v18 =	vadd.s32 v14, v9;
	v15 =	vor.u32 $0x200, v6;
	v17 =	vld.idx.msk [tilespmem:v17+s20+$0x0], vm0  }
0x1c0: {  	v19 =	vadd.s32 v15, v25;
	_ =	sdelay $0x3  }
0x1c1: {  	v16 =	vor.u32 $0x200, v7;
	[tilespmem:v18+s24+$0x0] =	vst.idx.msk vm0, v17  }
0x1c2: {  	v20 =	vadd.s32 v16, v9;
	v17 =	vor.u32 $0x280, v6;
	v19 =	vld.idx.msk [tilespmem:v19+s20+$0x0], vm0  }
0x1c3: {  	v21 =	vadd.s32 v17, v25;
	_ =	sdelay $0x3  }
0x1c4: {  	v18 =	vor.u32 $0x280, v7;
	[tilespmem:v20+s24+$0x0] =	vst.idx.msk vm0, v19  }
0x1c5: {  	v23 =	vadd.s32 v18, v9;
	v19 =	vor.u32 $0x300, v6;
	v20 =	vld.idx.msk [tilespmem:v21+s20+$0x0], vm0  }
0x1c6: {  	v24 =	vadd.s32 v19, v25;
	_ =	sdelay $0x3  }
0x1c7: {  	v22 =	vor.u32 $0x300, v7;
	[tilespmem:v23+s24+$0x0] =	vst.idx.msk vm0, v20  }
0x1c8: {  	v21 =	vor.u32 $0x380, v6;
	v23 =	vld.idx.msk [tilespmem:v24+s20+$0x0], vm0;
	v24 =	vadd.s32 v22, v9  }
0x1c9: {  	v25 =	vadd.s32 v21, v25;
	v20 =	vor.u32 $0x380, v7  }
.LBB2_32:
0x1ca: {  	s31 =	sadd.s32 $0x8, s31  }
0x1cb: {  	v26 =	vmov s31;
	p0 =	slt.u32 s31, $0x38  }
0x1cc: {  	v26 =	vshrl.u32 v26, $0x3  }
0x1cd: {  	v26 =	vbroadcast v26, $0x0;
	[tilespmem:v24+s24+$0x0] =	vst.idx.msk vm0, v23  }
0x1ce: {  	v23 =	vld.idx.msk [tilespmem:v25+s20+$0x0], vm0  }
0x1cf: {  	v24 =	vadd.s32 v20, v9;
	v25 =	vshll.u32 v26, $0xB  }
0x1d0: {  	v27 =	vadd.s32 v6, v25;
	_ =	sdelay $0x3  }
0x1d1: {  	v9 =	vmul.u32 $0x1800, v26;
	[tilespmem:v24+s24+$0x0] =	vst.idx.msk vm0, v23  }
0x1d2: {  	v23 =	vld.idx.msk [tilespmem:v27+s20+$0x0], vm0  }
0x1d3: {  	v24 =	vadd.s32 v7, v9  }
0x1d4: {  	v26 =	vadd.s32 v8, v25;
	_ =	sdelay $0x3  }
0x1d5: {  	[tilespmem:v24+s24+$0x0] =	vst.idx.msk vm0, v23  }
0x1d6: {  	v23 =	vld.idx.msk [tilespmem:v26+s20+$0x0], vm0  }
0x1d7: {  	v24 =	vadd.s32 v10, v9  }
0x1d8: {  	v26 =	vadd.s32 v11, v25;
	_ =	sdelay $0x3  }
0x1d9: {  	[tilespmem:v24+s24+$0x0] =	vst.idx.msk vm0, v23  }
0x1da: {  	v23 =	vld.idx.msk [tilespmem:v26+s20+$0x0], vm0  }
0x1db: {  	v24 =	vadd.s32 v12, v9  }
0x1dc: {  	v26 =	vadd.s32 v13, v25;
	_ =	sdelay $0x3  }
0x1dd: {  	[tilespmem:v24+s24+$0x0] =	vst.idx.msk vm0, v23  }
0x1de: {  	v23 =	vld.idx.msk [tilespmem:v26+s20+$0x0], vm0  }
0x1df: {  	v24 =	vadd.s32 v14, v9  }
0x1e0: {  	v26 =	vadd.s32 v15, v25;
	_ =	sdelay $0x3  }
0x1e1: {  	[tilespmem:v24+s24+$0x0] =	vst.idx.msk vm0, v23  }
0x1e2: {  	v23 =	vld.idx.msk [tilespmem:v26+s20+$0x0], vm0  }
0x1e3: {  	v24 =	vadd.s32 v16, v9  }
0x1e4: {  	v26 =	vadd.s32 v17, v25;
	_ =	sdelay $0x3  }
0x1e5: {  	[tilespmem:v24+s24+$0x0] =	vst.idx.msk vm0, v23  }
0x1e6: {  	v23 =	vld.idx.msk [tilespmem:v26+s20+$0x0], vm0  }
0x1e7: {  	v24 =	vadd.s32 v18, v9  }
0x1e8: {  	v26 =	vadd.s32 v19, v25;
	_ =	sdelay $0x2  }
.Ltmp25:
0x1e9: {  	(pc) =	sbr.rel @p0 .LBB2_32-.Ltmp25, $4  }
0x1ea: {  	[tilespmem:v24+s24+$0x0] =	vst.idx.msk vm0, v23  }
0x1eb: {  	v23 =	vld.idx.msk [tilespmem:v26+s20+$0x0], vm0  }
0x1ec: {  	v24 =	vadd.s32 v22, v9  }
0x1ed: {  	v25 =	vadd.s32 v21, v25  }
.Ltmp26:
0x1ee: {  	_ = 	snop;
	(pc) =	sbr.rel .LBB2_33-.Ltmp26, $1  }
0x1ef: {  	_ =	sdelay $0x3  }
.LBB2_35:
0x1f0: {  	s4 =	sadd.s32 $0x5, s3  }
0x1f1: {  	p0 =	sge.u32 s4, s6  }
0x1f2: {  	s4 =	sshll.u32 @!p0 s4, $0xB  }
0x1f3: {  	s4 =	sadd.s32 @!p0 s7, s4  }
0x1f4: {  	s9 =	simm.s32 @!p0 $0x800;
	s4 =	sshrl.u32 @!p0 s4, $0x3  }
0x1f5: {  	s30 =	simm.s32 @!p0 $0x7A1400;
	s31 =	simm.s32 @!p0 $0x6300;
	s4 =	sadd.s32 @!p0 s1, s4  }
0x1f6: {  	[tilespmem:s31], [sflag:$0x2] =	stream.strided.gather @!p0 [hbm4b:s4+s9], $0x4000, s30, s9, $0x38;
	[tilespmem:$0x1E400] =	vst v63  }
.LBB2_36:
0x1f7: {  	s4 =	sor.u32 $0x3, s3  }
0x1f8: {  	p0 =	sge.u32 s4, s6  }
.Ltmp27:
0x1f9: {  	_ = 	snop;
	(pc) =	sbr.rel @p0 .LBB2_46-.Ltmp27, $1  }
0x1fa: {  	_ =	sdelay $0x3  }
0x1fb: {  	_ =	swait.ge [sflag:s28], $0x4000  }
0x1fc: {  	s4 =	sshll.u32 s4, $0x8;
	[sflag:s28] =	ssyncset.done $0x0  }
0x1fd: {  	s30 =	simm.s32 $0x2000;
	s4 =	sadd.s32 s5, s4;
	[sflag:s28] =	ssyncadd.s32 $0xFFFFC000  }
0x1fe: {  	v6 =	vimm.s32 $0x0;
	s9 =	sadd.s32 $0x100, s4;
	v8 =	vld [tilespmem:s30+$0x0]  }
0x1ff: {  	s31 =	simm.s32 $0x10;
	v9 =	vimm.s32 $0x0;
	v5 =	vmov s4;
	s4 =	simm.s32 $0x0;
	v7 =	vmov s9  }
.LBB2_38:
0x200: {  	p0 =	seq.s32 s31, $0x2F0;
	_ =	sdelay $0x1  }
0x201: {  	v10 =	vor.u32 s4, v3;
	s4 =	smov.u32 s31  }
0x202: {  	vm0 =	vlt.s32 v10, v4;
	vm1 =	vlt.s32 v8, v7  }
0x203: {  	vm2 =	vge.s32 v8, v5;
	vm0 =	vmand vm0, vm1  }
0x204: {  	vm0 =	vmand vm0, vm2  }
0x205: {  	v11 =	vsel vm0, $0x1, v2;
	v12 =	vmpcnt.ones.xlane vm0  }
0x206: {  	(xrf0) =	vadd.scan.msk.s32 $0xffff, v11  }
0x207: {  	v6 =	vadd.s32 v6, v12;
	_ =	sdelay $0x4  }
0x208: {  	v11, _, _ =	vpop (xrf0)  }
0x209: {  	v11 =	vadd.s32 v11, v9;
	v9 =	vmov v6  }
0x20a: {  	v11 =	vadd.s32 $0xFFFFFFFF, v11  }
0x20b: {  	vm1 =	vlt.s32 v11, $0x40  }
0x20c: {  	vm0 =	vmand vm0, vm1;
	_ =	sdelay $0x4  }
.Ltmp28:
0x20d: {  	v8 =	vsub.s32 v8, v5;
	(pc) =	sbr.rel @!p0 .LBB2_38-.Ltmp28, $4  }
0x20e: {  	[tilespmem:v11+s22+$0x0] =	vst.idx.msk vm0, v8  }
0x20f: {  	s30 =	sadd.s32 $0x10, s30;
	[tilespmem:v11+s23+$0x0] =	vst.idx.msk vm0, v10  }
0x210: {  	v8 =	vld [tilespmem:s30+$0x0]  }
0x211: {  	s31 =	sadd.s32 $0x10, s31  }
0x212: {  	_ =	sdelay $0x1  }
0x213: {  	v10 =	vor.u32 s4, v3  }
0x214: {  	vm0 =	vlt.s32 v10, v4;
	vm1 =	vlt.s32 v8, v7  }
0x215: {  	vm2 =	vge.s32 v8, v5;
	vm0 =	vmand vm0, vm1  }
0x216: {  	vm0 =	vmand vm0, vm2  }
0x217: {  	v7 =	vsel vm0, $0x1, v2  }
0x218: {  	(xrf0) =	vadd.scan.msk.s32 $0xffff, v7;
	_ =	sdelay $0x5  }
0x219: {  	v7, _, _ =	vpop (xrf0)  }
0x21a: {  	v7 =	vadd.s32 v7, v9  }
0x21b: {  	v7 =	vadd.s32 $0xFFFFFFFF, v7  }
0x21c: {  	vm15 =	vlt.s32 v7, $0x40  }
0x21d: {  	vm1 =	vmand vm0, vm15;
	_ =	sdelay $0x3  }
0x21e: {  	v63 =	vmpcnt.ones.xlane vm0  }
0x21f: {  	v5 =	vsub.s32 v8, v5  }
0x220: {  	[tilespmem:v7+s22+$0x0] =	vst.idx.msk vm1, v5;
	v5 =	vadd.s32 v6, v63  }
0x221: {  	(v2sf) =	vpush v5, $0x0;
	_ =	sdelay $0xa  }
.Ltmp29:
0x222: {  	_ = 	snop;
	(pc) =	sbr.rel .LBB2_40-.Ltmp29, $2  }
0x223: {  	_ =	sdelay $0x2  }
0x224: {  	s30 =	simm.s32 $0x0;
	[tilespmem:v7+s23+$0x0] =	vst.idx.msk vm1, v10;
	s4 =	spop (v2sf)  }
.LBB2_43:
0x225: {  	_ =	sdelay $0x4  }
0x226: {  	[tilespmem:v24+s24+$0x0] =	vst.idx.msk vm0, v23  }
0x227: {  	v7 =	vadd.s32 v20, v9;
	v6 =	vld.idx.msk [tilespmem:v25+s29+$0x0], vm0;
	_ =	sdelay $0x4  }
0x228: {  	[tilespmem:v7+s24+$0x0] =	vst.idx.msk vm0, v6  }
.LBB2_44:
0x229: {  	s30 =	sadd.s32 $0x1, s30  }
0x22a: {  	p0 =	sne.s32 s30, $0x4  }
.Ltmp30:
0x22b: {  	_ = 	snop;
	(pc) =	sbr.rel @!p0 .LBB2_45-.Ltmp30, $1  }
0x22c: {  	_ =	sdelay $0x3  }
.LBB2_40:
0x22d: {  	s9 =	sshll.u32 s30, $0x4  }
0x22e: {  	p0 =	sge.s32 s9, s4  }
.Ltmp31:
0x22f: {  	_ = 	snop;
	(pc) =	sbr.rel @p0 .LBB2_44-.Ltmp31, $1  }
0x230: {  	_ =	sdelay $0x3  }
0x231: {  	v6 =	vld [tilespmem:s9+$0x1E300];
	_ =	sdelay $0x1  }
0x232: {  	s31 =	simm.s32 $0x0  }
0x233: {  	v7 =	vmov s31  }
0x234: {  	v7 =	vshrl.u32 v7, $0x3  }
0x235: {  	v8 =	vld [tilespmem:s9+$0x1E380];
	v7 =	vbroadcast v7, $0x0;
	v9 =	vshll.u32 v6, $0x3  }
0x236: {  	v10 =	vor.u32 s9, v3;
	v6 =	vand.u32 $0x7F, v6;
	v9 =	vand.u32 $0xFFFFFC00, v9  }
0x237: {  	vm0 =	vlt.s32 v10, v5;
	v25 =	vshll.u32 v7, $0xB;
	v6 =	vor.u32 v6, v9  }
0x238: {  	v10 =	vadd.s32 v6, v25;
	_ =	sdelay $0x1  }
0x239: {  	v9 =	vshll.u32 v8, $0x3  }
0x23a: {  	v8 =	vand.u32 $0x7F, v8;
	v11 =	vand.u32 $0xFFFFFC00, v9;
	v9 =	vmul.u32 $0x1800, v7  }
0x23b: {  	v7 =	vor.u32 v8, v11  }
0x23c: {  	v8 =	vor.u32 $0x80, v6;
	v12 =	vadd.s32 v7, v9;
	v11 =	vld.idx.msk [tilespmem:v10+s29+$0x0], vm0  }
0x23d: {  	v13 =	vadd.s32 v8, v25;
	_ =	sdelay $0x3  }
0x23e: {  	v10 =	vor.u32 $0x80, v7;
	[tilespmem:v12+s24+$0x0] =	vst.idx.msk vm0, v11  }
0x23f: {  	v14 =	vadd.s32 v10, v9;
	v11 =	vor.u32 $0x100, v6;
	v13 =	vld.idx.msk [tilespmem:v13+s29+$0x0], vm0  }
0x240: {  	v15 =	vadd.s32 v11, v25;
	_ =	sdelay $0x3  }
0x241: {  	v12 =	vor.u32 $0x100, v7;
	[tilespmem:v14+s24+$0x0] =	vst.idx.msk vm0, v13  }
0x242: {  	v16 =	vadd.s32 v12, v9;
	v13 =	vor.u32 $0x180, v6;
	v15 =	vld.idx.msk [tilespmem:v15+s29+$0x0], vm0  }
0x243: {  	v17 =	vadd.s32 v13, v25;
	_ =	sdelay $0x3  }
0x244: {  	v14 =	vor.u32 $0x180, v7;
	[tilespmem:v16+s24+$0x0] =	vst.idx.msk vm0, v15  }
0x245: {  	v18 =	vadd.s32 v14, v9;
	v15 =	vor.u32 $0x200, v6;
	v17 =	vld.idx.msk [tilespmem:v17+s29+$0x0], vm0  }
0x246: {  	v19 =	vadd.s32 v15, v25;
	_ =	sdelay $0x3  }
0x247: {  	v16 =	vor.u32 $0x200, v7;
	[tilespmem:v18+s24+$0x0] =	vst.idx.msk vm0, v17  }
0x248: {  	v20 =	vadd.s32 v16, v9;
	v17 =	vor.u32 $0x280, v6;
	v19 =	vld.idx.msk [tilespmem:v19+s29+$0x0], vm0  }
0x249: {  	v21 =	vadd.s32 v17, v25;
	_ =	sdelay $0x3  }
0x24a: {  	v18 =	vor.u32 $0x280, v7;
	[tilespmem:v20+s24+$0x0] =	vst.idx.msk vm0, v19  }
0x24b: {  	v23 =	vadd.s32 v18, v9;
	v19 =	vor.u32 $0x300, v6;
	v20 =	vld.idx.msk [tilespmem:v21+s29+$0x0], vm0  }
0x24c: {  	v24 =	vadd.s32 v19, v25;
	_ =	sdelay $0x3  }
0x24d: {  	v22 =	vor.u32 $0x300, v7;
	[tilespmem:v23+s24+$0x0] =	vst.idx.msk vm0, v20  }
0x24e: {  	v21 =	vor.u32 $0x380, v6;
	v23 =	vld.idx.msk [tilespmem:v24+s29+$0x0], vm0;
	v24 =	vadd.s32 v22, v9  }
0x24f: {  	v25 =	vadd.s32 v21, v25;
	v20 =	vor.u32 $0x380, v7  }
.LBB2_42:
0x250: {  	s31 =	sadd.s32 $0x8, s31  }
0x251: {  	v26 =	vmov s31;
	p0 =	slt.u32 s31, $0x38  }
0x252: {  	v26 =	vshrl.u32 v26, $0x3  }
0x253: {  	v26 =	vbroadcast v26, $0x0;
	[tilespmem:v24+s24+$0x0] =	vst.idx.msk vm0, v23  }
0x254: {  	v23 =	vld.idx.msk [tilespmem:v25+s29+$0x0], vm0  }
0x255: {  	v24 =	vadd.s32 v20, v9;
	v25 =	vshll.u32 v26, $0xB  }
0x256: {  	v27 =	vadd.s32 v6, v25;
	_ =	sdelay $0x3  }
0x257: {  	v9 =	vmul.u32 $0x1800, v26;
	[tilespmem:v24+s24+$0x0] =	vst.idx.msk vm0, v23  }
0x258: {  	v23 =	vld.idx.msk [tilespmem:v27+s29+$0x0], vm0  }
0x259: {  	v24 =	vadd.s32 v7, v9  }
0x25a: {  	v26 =	vadd.s32 v8, v25;
	_ =	sdelay $0x3  }
0x25b: {  	[tilespmem:v24+s24+$0x0] =	vst.idx.msk vm0, v23  }
0x25c: {  	v23 =	vld.idx.msk [tilespmem:v26+s29+$0x0], vm0  }
0x25d: {  	v24 =	vadd.s32 v10, v9  }
0x25e: {  	v26 =	vadd.s32 v11, v25;
	_ =	sdelay $0x3  }
0x25f: {  	[tilespmem:v24+s24+$0x0] =	vst.idx.msk vm0, v23  }
0x260: {  	v23 =	vld.idx.msk [tilespmem:v26+s29+$0x0], vm0  }
0x261: {  	v24 =	vadd.s32 v12, v9  }
0x262: {  	v26 =	vadd.s32 v13, v25;
	_ =	sdelay $0x3  }
0x263: {  	[tilespmem:v24+s24+$0x0] =	vst.idx.msk vm0, v23  }
0x264: {  	v23 =	vld.idx.msk [tilespmem:v26+s29+$0x0], vm0  }
0x265: {  	v24 =	vadd.s32 v14, v9  }
0x266: {  	v26 =	vadd.s32 v15, v25;
	_ =	sdelay $0x3  }
0x267: {  	[tilespmem:v24+s24+$0x0] =	vst.idx.msk vm0, v23  }
0x268: {  	v23 =	vld.idx.msk [tilespmem:v26+s29+$0x0], vm0  }
0x269: {  	v24 =	vadd.s32 v16, v9  }
0x26a: {  	v26 =	vadd.s32 v17, v25;
	_ =	sdelay $0x3  }
0x26b: {  	[tilespmem:v24+s24+$0x0] =	vst.idx.msk vm0, v23  }
0x26c: {  	v23 =	vld.idx.msk [tilespmem:v26+s29+$0x0], vm0  }
0x26d: {  	v24 =	vadd.s32 v18, v9  }
0x26e: {  	v26 =	vadd.s32 v19, v25;
	_ =	sdelay $0x2  }
.Ltmp32:
0x26f: {  	(pc) =	sbr.rel @p0 .LBB2_42-.Ltmp32, $4  }
0x270: {  	[tilespmem:v24+s24+$0x0] =	vst.idx.msk vm0, v23  }
0x271: {  	v23 =	vld.idx.msk [tilespmem:v26+s29+$0x0], vm0  }
0x272: {  	v24 =	vadd.s32 v22, v9  }
0x273: {  	v25 =	vadd.s32 v21, v25  }
.Ltmp33:
0x274: {  	_ = 	snop;
	(pc) =	sbr.rel .LBB2_43-.Ltmp33, $1  }
0x275: {  	_ =	sdelay $0x3  }
.LBB2_48:
0x276: {  	_ =	sfence.sel $0x180000  }
0x277: {  	[bflag:$0x0] =	sbarrier.arrive $0xFFFF  }
0x278: {  	_ =	strace $0x90000047  }
0x279: {  	s0 =	stileid.u32;
	[bflag:$0x2] =	sbarrier.arrive $0xFFFF  }
0x27a: {  	p0 =	sne.s32 s0, $0x0;
	s0 =	rddreg [dreg:$0x3]  }
0x27b: {  	s0 =	sadd.s32 @!p0 $0x100000, s0  }
0x27c: {  	[sflag:s0] =	ssyncadd.tile.s32 @!p0 $0x1;
	_ =	shalt  }
.Lfunc_end2:
_tile_overlayer_lowered:
.L_overlay_start_2:
0x27d: {  	(tag) =	ssettag $0x2  }
0x27e: {  	s0 =	rddreg [dreg:$0x0];
	s2 =	stileid.u32  }
0x27f: {  	s1 =	rddreg [dreg:$0x1];
	p0 =	sne.s32 s2, $0x0  }
0x280: {  	s3 =	rddreg [dreg:$0x2];
	[bflag:$0x3] =	sbarrier.arrive $0xFFFF;
	s2 =	simm.s32 @!p0 $0x1C05  }
0x281: {  	[timem:s3], [sflag:s2] =	dma.local @!p0 [hbm:s0], s1  }
0x282: {  	s0 =	simm.s32 @!p0 $0x5  }
0x283: {  	_ =	swait.ge @!p0 [sflag:s0], s1  }
0x284: {  	s1 =	ssub.s32 @!p0 $0x0, s1;
	[sflag:s0] =	ssyncset.done @!p0 $0x0  }
0x285: {  	[sflag:s0] =	ssyncadd.s32 @!p0 s1  }
0x286: {  	[bflag:$0x3] =	sbarrier.arrive $0xFFFF  }
0x287: {  	_ =	shalt  }

// kernel: kernel.9.cloned.1.call-start
scs
__scs_entry_jumppad:
0x0: {  	(pc) =	sbr.rel $0x88, $3  }
0x1: {  	(tag) =	ssettag $0x0;
	lr =	simm.s32 $0x1  }
0x2: {  	[smem:$0x3F9B] =	sst lr;
	_ =	strace $0xD0000000  }
0x3: {  	_ = 	snop  }
0x4: {  	_ = 	snop  }
0x5: {  	_ = 	snop  }
0x6: {  	_ = 	snop  }
0x7: {  	_ = 	snop  }
__scs_overlays_trampoline_lowered:
0x8: {  	[smem:$0x3FAA] =	sst s0  }
0x9: {  	[smem:$0x3FAB] =	sst s1  }
0xa: {  	[smem:$0x3FAC] =	sst s2  }
0xb: {  	[smem:$0x3FAD] =	sst s3  }
0xc: {  	[smem:$0x3FAE] =	sst s4  }
0xd: {  	[smem:$0x3FAF] =	sst s5  }
0xe: {  	[smem:$0x3FB0] =	sst s6  }
0xf: {  	[smem:$0x3FB1] =	sst s7  }
0x10: {  	[smem:$0x3FB2] =	sst s8  }
0x11: {  	[smem:$0x3FB3] =	sst s9;
	s0 =	simm.s32 @!p0 $0x0  }
0x12: {  	s1 =	sld [smem:$0x3F99];
	s0 =	simm.s32 @p0 $0x1  }
0x13: {  	[smem:$0x3FB4] =	sst s0;
	s0 =	simm.s32 @!p1 $0x0  }
0x14: {  	s2 =	sld [smem:$0x3F98];
	s0 =	simm.s32 @p1 $0x1  }
0x15: {  	[smem:$0x3FB5] =	sst s0;
	s0 =	simm.s32 @!p2 $0x0  }
0x16: {  	s3 =	sld [smem:$0x3FDB];
	s0 =	simm.s32 @p2 $0x1  }
0x17: {  	s4 =	simm.s32 $0x1BF5;
	[smem:$0x3FB7] =	sst s0  }
0x18: {  	s0 =	sld [smem:$0x3F9A];
	_ =	swait.ge [sflag:s4], $0x0  }
0x19: {  	s7 =	sld [smem:$0x3F9B]  }
0x1a: {  	s8 =	sadd.s32 $0xFFFFE003, lr  }
0x1b: {  	s9 =	sadd.s32 $0xFFFFFEF7, lr;
	s5 =	simm.s32 $0xFFFFFFFF;
	p2 =	slt.u32 s8, $0xFFFFF086  }
0x1c: {  	p1 =	slt.u32 s9, $0xF7A;
	s5 =	simm.s32 @!p2 $0x0  }
0x1d: {  	s5 =	simm.s32 @p1 $0x1;
	p0 =	seq.s32 s7, s2  }
0x1e: {  	s7 =	smul.u32 @!p0 $0xF7A, s2;
	p2 =	seq.s32 @!p0 s5, $0x0  }
0x1f: {  	s9 =	smul.u32 $0xF7A, s1;
	s8 =	simm.s32 @!p0 $0x1BF5;
	p2 =	por !p2, p0  }
0x20: {  	[sflag:s8] =	ssyncset.s32 @!p0 $0xFFFFF086;
	s6 =	sadd.s32 @!p0 s3, s7;
	s7 =	simm.s32 @!p0 $0x108  }
0x21: {  	s3 =	sadd.s32 s3, s9;
	s6 =	sadd.s32 @!p0 $0x88, s6;
	s7 =	simm.s32 @p2 $0x1082  }
0x22: {  	[simem:s7], [sflag:s8] =	dma.local @!p0 [hbm:s6], $0xF7A  }
0x23: {  	s9 =	sor.u32 $0xD0000000, s2;
	s6 =	simm.s32 $0x108;
	_ =	swait.ge @!p0 [sflag:s8], $0x0  }
0x24: {  	s3 =	sadd.s32 $0x88, s3;
	s6 =	simm.s32 @!p1 $0x1082;
	[sflag:s4] =	ssyncset.s32 $0xFFFFF086  }
0x25: {  	[simem:s6], [sflag:s4] =	dma.local [hbm:s3], $0xF7A  }
0x26: {  	[smem:$0x3F9B] =	sst s1;
	(tag) =	ssettag s2;
	_ =	strace s9  }
0x27: {  	s1 =	sld [smem:$0x3FAB]  }
0x28: {  	s2 =	sld [smem:$0x3FAC]  }
0x29: {  	s4 =	sld [smem:$0x3FAE]  }
0x2a: {  	p0 =	seq.s32 s5, $0x0;
	s5 =	sld [smem:$0x3FAF]  }
0x2b: {  	s6 =	sld [smem:$0x3FB0]  }
0x2c: {  	s7 =	sld [smem:$0x3FB1]  }
0x2d: {  	s3 =	simm.s32 $0x108;
	s8 =	sld [smem:$0x3FB2]  }
0x2e: {  	s3 =	simm.s32 @!p0 $0x1082;
	s9 =	sld [smem:$0x3FB3]  }
0x2f: {  	lr =	sadd.s32 s0, s3;
	s0 =	sld [smem:$0x3FAA]  }
0x30: {  	s3 =	sld [smem:$0x3FAD]  }
0x31: {  	[smem:$0x3FB6] =	sst s10  }
0x32: {  	s10 =	sld [smem:$0x3FB4];
	_ =	sdelay $0x3  }
0x33: {  	p0 =	seq.s32 s10, $0x1;
	s10 =	sld [smem:$0x3FB6];
	_ =	sdelay $0x3  }
0x34: {  	[smem:$0x3FB6] =	sst s10  }
0x35: {  	s10 =	sld [smem:$0x3FB5];
	_ =	sdelay $0x3  }
0x36: {  	p1 =	seq.s32 s10, $0x1;
	s10 =	sld [smem:$0x3FB6];
	_ =	sdelay $0x3  }
0x37: {  	[smem:$0x3FB6] =	sst s10  }
0x38: {  	s10 =	sld [smem:$0x3FB7]  }
0x39: {  	_ = 	snop;
	(pc) =	sbr.ind lr, $3  }
0x3a: {  	_ = 	snop  }
0x3b: {  	_ = 	snop  }
0x3c: {  	p2 =	seq.s32 s10, $0x1;
	s10 =	sld [smem:$0x3FB6]  }
0x3d: {  	_ =	shalt  }
0x3e: {  	_ =	shalt  }
0x3f: {  	_ =	shalt  }
0x40: {  	_ =	shalt  }
0x41: {  	_ =	shalt  }
0x42: {  	_ =	shalt  }
0x43: {  	_ =	shalt  }
0x44: {  	_ =	shalt  }
0x45: {  	_ =	shalt  }
0x46: {  	_ =	shalt  }
0x47: {  	_ =	shalt  }
0x48: {  	_ =	shalt  }
0x49: {  	_ =	shalt  }
0x4a: {  	_ =	shalt  }
0x4b: {  	_ =	shalt  }
0x4c: {  	_ =	shalt  }
0x4d: {  	_ =	shalt  }
0x4e: {  	_ =	shalt  }
0x4f: {  	_ =	shalt  }
0x50: {  	_ =	shalt  }
0x51: {  	_ =	shalt  }
0x52: {  	_ =	shalt  }
0x53: {  	_ =	shalt  }
0x54: {  	_ =	shalt  }
0x55: {  	_ =	shalt  }
0x56: {  	_ =	shalt  }
0x57: {  	_ =	shalt  }
0x58: {  	_ =	shalt  }
0x59: {  	_ =	shalt  }
0x5a: {  	_ =	shalt  }
0x5b: {  	_ =	shalt  }
0x5c: {  	_ =	shalt  }
0x5d: {  	_ =	shalt  }
0x5e: {  	_ =	shalt  }
0x5f: {  	_ =	shalt  }
0x60: {  	_ =	shalt  }
0x61: {  	_ =	shalt  }
0x62: {  	_ =	shalt  }
0x63: {  	_ =	shalt  }
0x64: {  	_ =	shalt  }
0x65: {  	_ =	shalt  }
0x66: {  	_ =	shalt  }
0x67: {  	_ =	shalt  }
0x68: {  	_ =	shalt  }
0x69: {  	_ =	shalt  }
0x6a: {  	_ =	shalt  }
0x6b: {  	_ =	shalt  }
0x6c: {  	_ =	shalt  }
0x6d: {  	_ =	shalt  }
0x6e: {  	_ =	shalt  }
0x6f: {  	_ =	shalt  }
0x70: {  	_ =	shalt  }
0x71: {  	_ =	shalt  }
0x72: {  	_ =	shalt  }
0x73: {  	_ =	shalt  }
0x74: {  	_ =	shalt  }
0x75: {  	_ =	shalt  }
0x76: {  	_ =	shalt  }
0x77: {  	_ =	shalt  }
0x78: {  	_ =	shalt  }
0x79: {  	_ =	shalt  }
0x7a: {  	_ =	shalt  }
0x7b: {  	_ =	shalt  }
0x7c: {  	_ =	shalt  }
0x7d: {  	_ =	shalt  }
0x7e: {  	_ =	shalt  }
0x7f: {  	_ =	shalt  }
0x80: {  	_ =	shalt  }
0x81: {  	_ =	shalt  }
0x82: {  	_ =	shalt  }
0x83: {  	_ =	shalt  }
0x84: {  	_ =	shalt  }
0x85: {  	_ =	shalt  }
0x86: {  	_ =	shalt  }
0x87: {  	_ =	shalt  }
.Lfunc_end0:
.L_simem_size_0:
called_computation.1_lowered:
.L_overlay_start_0:
0x88: {  	s2 =	sld [smem:$0x3FD9]  }
0x89: {  	s3 =	sld [smem:$0x3FFE];
	_ =	sdelay $0x1  }
0x8a: {  	s1 =	srdreg.scid  }
0x8b: {  	s0 =	sand.u32 $0x1, s1  }
0x8c: {  	s17 =	sshll.u32 s0, $0xA;
	s2 =	sadd.s32 s3, s2  }
0x8d: {  	s2 =	sadd.s32 s2, s17  }
0x8e: {  	[smem:$0x3FC2] =	sst s2  }
0x8f: {  	_ = 	snop  }
0x90: {  	s2 =	sld [smem:$0x3FC9]  }
0x91: {  	s18 =	sld [smem:$0x3FC8]  }
0x92: {  	s4 =	sld [smem:$0x3FD0];
	(tm) =	ssettm $0x1  }
0x93: {  	s5 =	sld [smem:$0x3FFB];
	_ =	sdelay $0x3  }
0x94: {  	_ =	strace s5  }
0x95: {  	s5 =	sld [smem:$0x3FFC];
	_ =	sdelay $0x3  }
0x96: {  	_ =	strace s5  }
0x97: {  	s5 =	sld [smem:$0x3FFD];
	_ =	sdelay $0x3  }
0x98: {  	_ =	strace s5  }
0x99: {  	_ =	strace $0x8FFFFFFF  }
0x9a: {  	s19 =	sld [smem:$0x3FDB];
	_ =	sdelay $0x1  }
0x9b: {  	s6 =	simm.s32 $_scs_section_size  }
0x9c: {  	s7 =	simm.s32 $_size__tile_overlayer_lowered;
	s8 =	simm.s32 $_tile_overlayer_lowered  }
0x9d: {  	s22 =	simm.s32 $0x1BFF;
	s21 =	sshll.u32 s8, $0x1;
	s5 =	sadd.s32 s6, s19  }
0x9e: {  	s9 =	simm.s32 $0x0;
	s20 =	sshll.u32 s7, $0x1;
	s7 =	sadd.s32 s21, s5  }
0x9f: {  	[timem:s9], [sflag:s22] =	dma.local [hbm:s7], s20  }
0xa0: {  	_ =	swait.ge [sflag:s22], s20  }
0xa1: {  	s6 =	ssub.s32 $0x0, s20;
	[sflag:s22] =	ssyncset.done $0x0  }
0xa2: {  	[sflag:s22] =	ssyncadd.s32 s6;
	_ =	sdelay $0x1  }
0xa3: {  	s23 =	simm.s32 $0x1B8B  }
0xa4: {  	_ =	swait.ge [sflag:s23], $0x1  }
0xa5: {  	[sflag:s23] =	ssyncset.done $0x0  }
0xa6: {  	s25 =	simm.s32 $0x1B8E;
	s24 =	sld [smem:$0x3FFE];
	[sflag:s23] =	ssyncadd.s32 $0xFFFFFFFF  }
0xa7: {  	s26 =	simm.s32 $execute0_lowered;
	[smem:$0x3FD2] =	sst s25  }
0xa8: {  	s7 =	sshll.u32 s26, $0x1;
	_ =	strace $0x80000049;
	[dreg:$0x1] =	wrdreg $0xFFFFFFFF  }
0xa9: {  	s28 =	simm.s32 $_size_execute0_lowered;
	s5 =	sadd.s32 s5, s7;
	[dreg:$0x0] =	wrdreg $0x0  }
0xaa: {  	s7 =	sshll.u32 s28, $0x1;
	[dreg:$0x2] =	wrdreg s5  }
0xab: {  	[dreg:$0x3] =	wrdreg s7  }
0xac: {  	[dreg:$0x4] =	wrdreg $0xC0  }
0xad: {  	_ =	task [dreg:s9], $0x5FFFF  }
0xae: {  	[dreg:$0x1] =	wrdreg $0xFFFFFFFF  }
0xaf: {  	[dreg:$0x0] =	wrdreg $0x60  }
0xb0: {  	[dreg:$0x2] =	wrdreg s2  }
0xb1: {  	[dreg:$0x3] =	wrdreg s18  }
0xb2: {  	[dreg:$0x4] =	wrdreg s24  }
0xb3: {  	[dreg:$0x5] =	wrdreg s4  }
0xb4: {  	[dreg:$0x6] =	wrdreg $0x9  }
0xb5: {  	_ =	task.clear_ibuf [dreg:s9], $0x7FFFF;
	_ =	strace $0x90000049  }
0xb6: {  	s29 =	simm.s32 $0x9;
	_ =	strace $0x8000004B  }
0xb7: {  	_ =	swait.ge [sflag:s29], $0x1  }
0xb8: {  	[sflag:s29] =	ssyncadd.s32 $0xFFFFFFFF  }
0xb9: {  	_ =	strace $0x9000004B  }
0xba: {  	_ =	sfence  }
0xbb: {  	s30 =	sld [smem:$0x0];
	_ =	sdelay $0x2  }
0xbc: {  	s31 =	sshll.u32 s1, $0xD;
	s1 =	sshrl.u32 s1, $0x2  }
0xbd: {  	s3 =	sand.u32 $0x4000, s31;
	s1 =	sadd.s32 s1, s30  }
0xbe: {  	s0 =	sor.u32 s3, s0;
	s1 =	sshll.u32 s1, $0x11  }
0xbf: {  	s0 =	sor.u32 s1, s0  }
0xc0: {  	s0 =	sadd.s32 $0x8F2B, s0  }
0xc1: {  	[sflag:s0] =	ssyncadd.remote.s32 $0x1  }
0xc2: {  	_ =	sfence.sel $0xFFFF  }
0xc3: {  	[dreg:$0x0] =	wrdreg $0xFFFFFFFF;
	(pc) =	sbr.abs _section_cstart, $3  }
0xc4: {  	[dreg:$0x1] =	wrdreg $0xFFFFFFFF  }
0xc5: {  	_ =	task.clear_ibuf [dreg:s9], $0x2FFFF;
	_ =	strace $0x9FFFFFFF  }
0xc6: {  	(tm) =	ssettm $0x7FFFFFFF  }
0xc7: {  	_ =	shalt  }
tec
execute0_lowered:
.L_overlay_start_1:
0x0: {  	(tag) =	ssettag $0x1  }
0x1: {  	s1 =	rddreg [dreg:$0x0]  }
0x2: {  	s9 =	rddreg [dreg:$0x1];
	s0 =	srdreg.scid  }
0x3: {  	s3 =	stileid.u32;
	s2 =	rddreg [dreg:$0x2]  }
0x4: {  	s4 =	rddreg [dreg:$0x3];
	s6 =	simm.s32 $0x0;
	s7 =	simm.s32 $0x7C  }
0x5: {  	s13 =	simm.s32 $0x7;
	s14 =	simm.s32 $0x8;
	s16 =	simm.s32 $0x9  }
0x6: {  	s17 =	simm.s32 $0x2000;
	s20 =	simm.s32 $0x12300;
	s21 =	simm.s32 $0x800  }
0x7: {  	s22 =	simm.s32 $0x7A1400;
	s28 =	simm.s32 $0x1E380;
	s29 =	simm.s32 $0x2  }
0x8: {  	s30 =	simm.s32 $0x3;
	s31 =	simm.s32 $0xA300;
	s18 =	simm.s32 $0x0  }
0x9: {  	s0 =	sand.u32 $0x1, s0;
	s3 =	sshll.u32 s3, $0x1;
	[smem:$0x7FF] =	sst s6  }
0xa: {  	s24 =	sadd.s32 $0x400, s9;
	s3 =	sor.u32 s0, s3;
	s0 =	ssub.s32 $0x2, s0  }
0xb: {  	_ =	strace $0x8000004A;
	[dreg:$0x5] =	wrdreg s24;
	s5 =	smul.u32 $0x300, s3  }
0xc: {  	s24 =	simm.s32 $0x6300;
	s6 =	smul.u32 $0x7A00, s3;
	s23 =	sshrl.u32 s0, $0x1  }
0xd: {  	p0 =	seq.s32 s3, $0x1F;
	s12 =	smul.u32 $0x3D000, s3;
	s3 =	simm.s32 $0x4  }
0xe: {  	s0 =	ssub.s32 s0, s23;
	s7 =	simm.s32 @!p0 $0x7A;
	s14 =	simm.s32 @!p0 $0x6  }
0xf: {  	s23 =	simm.s32 $0x2300;
	s2 =	sadd.s32 s5, s2;
	s8 =	sadd.s32 $0x7A00, s6  }
.Ltmp0:
0x10: {  	s10 =	sadd.s32 s1, s6;
	s26 =	sand.u32 $0x2, s7;
	(pc) =	sbr.rel .LBB2_1-.Ltmp0, $4  }
0x11: {  	s0 =	smax.u32 s0, $0x1;
	s8 =	simm.s32 @p0 $0xF4200;
	s2 =	sadd.s32 $0x2E00, s2  }
0x12: {  	s25 =	sadd.s32 $0x100, s10;
	p1 =	seq.s32 s26, $0x0;
	[dreg:$0x8] =	wrdreg s0  }
0x13: {  	v2 =	vimm.s32 $0x0;
	s26 =	simm.s32 $0x1E300;
	s0 =	simm.s32 $0xE300;
	[dreg:$0x6] =	wrdreg s2  }
0x14: {  	v3 =	vlaneseq.u32;
	v1 =	vmov s6;
	[dreg:$0x7] =	wrdreg s25;
	s13 =	simm.s32 @!p1 $0x5;
	s25 =	simm.s32 $0x1;
	v0 =	vmov s8  }
.LBB2_47:
0x15: {  	_ =	swait.ge [sflag:s13], $0x4000  }
0x16: {  	[sflag:s13] =	ssyncset.done $0x0  }
0x17: {  	[sflag:s13] =	ssyncadd.s32 $0xFFFFC000  }
0x18: {  	_ =	swait.ge [sflag:s14], $0x4000  }
0x19: {  	s18 =	sadd.s32 $0x1, s18;
	s2 =	rddreg [dreg:$0x8]  }
0x1a: {  	p0 =	sne.s32 s18, s2  }
.Ltmp1:
0x1b: {  	_ = 	snop;
	(pc) =	sbr.rel @!p0 .LBB2_48-.Ltmp1, $3  }
0x1c: {  	_ =	sdelay $0x1  }
0x1d: {  	[sflag:s14] =	ssyncset.done $0x0  }
0x1e: {  	[sflag:s14] =	ssyncadd.s32 $0xFFFFC000  }
.LBB2_1:
0x1f: {  	s2 =	rddreg [dreg:$0x1];
	s5 =	simm.s32 $0x0  }
0x20: {  	[tilespmem:s5], [sflag:$0x9] =	stream.linear.gather [hbm4b:s2+s5], $0x2000, $0x38;
	[tilespmem:$0x1E400] =	vst v63  }
0x21: {  	_ =	swait.ge [sflag:s16], $0x2000  }
0x22: {  	[sflag:s16] =	ssyncset.done $0x0  }
0x23: {  	v4 =	vimm.s32 $0x0;
	v5 =	vimm.s32 $0x0;
	s5 =	simm.s32 $0x0;
	s2 =	simm.s32 $0x40;
	[sflag:s16] =	ssyncadd.s32 $0xFFFFE000  }
.LBB2_2:
0x24: {  	p0 =	sne.s32 s2, $0x7FC0;
	v6 =	vld [tilespmem:s5+$0x0];
	_ =	sdelay $0x4  }
0x25: {  	vm0 =	vge.s32 v6, v1;
	vm1 =	vlt.s32 v6, v0  }
0x26: {  	vm0 =	vmand vm0, vm1  }
0x27: {  	v7 =	vsel vm0, $0x1, v2;
	v8 =	vmpcnt.ones.xlane vm0  }
0x28: {  	(xrf0) =	vadd.scan.msk.s32 $0xffff, v7  }
0x29: {  	v4 =	vadd.s32 v4, v8;
	_ =	sdelay $0x4  }
0x2a: {  	v7, _, _ =	vpop (xrf0)  }
0x2b: {  	v7 =	vadd.s32 v7, v5;
	v5 =	vmov v4  }
0x2c: {  	v7 =	vadd.s32 $0xFFFFFFFF, v7  }
0x2d: {  	vm1 =	vlt.s32 v7, $0x300  }
0x2e: {  	vm0 =	vmand vm0, vm1;
	_ =	sdelay $0x1  }
.Ltmp2:
0x2f: {  	(pc) =	sbr.rel @p0 .LBB2_2-.Ltmp2, $2  }
0x30: {  	_ =	sdelay $0x2  }
0x31: {  	s5 =	sshra.s32 s2, $0x2;
	s2 =	sadd.s32 $0x40, s2;
	[tilespmem:v7+s17+$0x0] =	vst.idx.msk vm0, v6  }
0x32: {  	v6 =	vld [tilespmem:s5+$0x0];
	_ =	sdelay $0x4  }
0x33: {  	vm0 =	vge.s32 v6, v1;
	vm1 =	vlt.s32 v6, v0  }
0x34: {  	vm0 =	vmand vm0, vm1  }
0x35: {  	v7 =	vsel vm0, $0x1, v2  }
0x36: {  	(xrf0) =	vadd.scan.msk.s32 $0xffff, v7;
	_ =	sdelay $0x5  }
0x37: {  	v7, _, _ =	vpop (xrf0)  }
0x38: {  	v5 =	vadd.s32 v7, v5  }
0x39: {  	v5 =	vadd.s32 $0xFFFFFFFF, v5  }
0x3a: {  	vm15 =	vlt.s32 v5, $0x300  }
0x3b: {  	vm1 =	vmand vm0, vm15;
	_ =	sdelay $0x5  }
0x3c: {  	s2 =	simm.s32 $0x0;
	s19 =	rddreg [dreg:$0x5];
	[tilespmem:v5+s17+$0x0] =	vst.idx.msk vm1, v6;
	v5 =	vmpcnt.ones.xlane vm0  }
0x3d: {  	[tilespmem:s2], [sflag:$0x9] =	stream.linear.gather [hbm4b:s19+s2], $0x2000, $0x38;
	[tilespmem:$0x1E400] =	vst v63  }
0x3e: {  	_ =	swait.ge [sflag:s16], $0x2000  }
0x3f: {  	v4 =	vadd.s32 v4, v5;
	[sflag:s16] =	ssyncset.done $0x0  }
0x40: {  	s5 =	simm.s32 $0x0;
	s2 =	simm.s32 $0x40;
	[sflag:s16] =	ssyncadd.s32 $0xFFFFE000;
	v5 =	vmov v4  }
.LBB2_4:
0x41: {  	p0 =	sne.s32 s2, $0x7FC0;
	v6 =	vld [tilespmem:s5+$0x0];
	_ =	sdelay $0x4  }
0x42: {  	vm0 =	vge.s32 v6, v1;
	vm1 =	vlt.s32 v6, v0  }
0x43: {  	vm0 =	vmand vm0, vm1  }
0x44: {  	v7 =	vsel vm0, $0x1, v2;
	v8 =	vmpcnt.ones.xlane vm0  }
0x45: {  	(xrf0) =	vadd.scan.msk.s32 $0xffff, v7  }
0x46: {  	v4 =	vadd.s32 v4, v8;
	_ =	sdelay $0x4  }
0x47: {  	v7, _, _ =	vpop (xrf0)  }
0x48: {  	v7 =	vadd.s32 v7, v5;
	v5 =	vmov v4  }
0x49: {  	v7 =	vadd.s32 $0xFFFFFFFF, v7  }
0x4a: {  	vm1 =	vlt.s32 v7, $0x300  }
0x4b: {  	vm0 =	vmand vm0, vm1;
	_ =	sdelay $0x1  }
.Ltmp3:
0x4c: {  	(pc) =	sbr.rel @p0 .LBB2_4-.Ltmp3, $2  }
0x4d: {  	_ =	sdelay $0x2  }
0x4e: {  	s5 =	sshra.s32 s2, $0x2;
	s2 =	sadd.s32 $0x40, s2;
	[tilespmem:v7+s17+$0x0] =	vst.idx.msk vm0, v6  }
0x4f: {  	v6 =	vld [tilespmem:s5+$0x0];
	_ =	sdelay $0x4  }
0x50: {  	vm0 =	vge.s32 v6, v1;
	vm1 =	vlt.s32 v6, v0  }
0x51: {  	vm0 =	vmand vm0, vm1  }
0x52: {  	v7 =	vsel vm0, $0x1, v2  }
0x53: {  	(xrf0) =	vadd.scan.msk.s32 $0xffff, v7;
	_ =	sdelay $0x5  }
0x54: {  	v7, _, _ =	vpop (xrf0)  }
0x55: {  	v5 =	vadd.s32 v7, v5  }
0x56: {  	v5 =	vadd.s32 $0xFFFFFFFF, v5  }
0x57: {  	vm15 =	vlt.s32 v5, $0x300  }
0x58: {  	vm1 =	vmand vm0, vm15;
	_ =	sdelay $0x5  }
0x59: {  	s2 =	rddreg [dreg:$0x6];
	s15 =	simm.s32 $0x1800;
	s8 =	simm.s32 $0x30000;
	[tilespmem:v5+s17+$0x0] =	vst.idx.msk vm1, v6  }
0x5a: {  	[tilespmem:s20], [sflag:$0x9] =	stream.strided.gather [hbm4b:s2+s15], $0xC000, s8, s15, $0x38;
	[tilespmem:$0x1E400] =	vst v63  }
0x5b: {  	_ =	swait.ge [sflag:s16], $0xC000  }
0x5c: {  	[sflag:s16] =	ssyncset.done $0x0  }
.Ltmp4:
0x5d: {  	[sflag:s16] =	ssyncadd.s32 $0xFFFF4000;
	(pc) =	sbr.rel .LBB2_6-.Ltmp4, $4  }
0x5e: {  	[tilespmem:s23], [sflag:$0x1] =	stream.strided.gather [hbm4b:s10+s21], $0x4000, s22, s21, $0x38;
	[tilespmem:$0x1E400] =	vst v63  }
0x5f: {  	v5 =	vmpcnt.ones.xlane vm0;
	s19 =	rddreg [dreg:$0x7]  }
0x60: {  	[tilespmem:s24], [sflag:$0x2] =	stream.strided.gather [hbm4b:s19+s21], $0x4000, s22, s21, $0x38;
	[tilespmem:$0x1E400] =	vst v63  }
0x61: {  	v4 =	vadd.s32 v4, v5;
	s19 =	simm.s32 $0x0  }
.LBB2_45:
0x62: {  	s5 =	sadd.s32 s4, s5;
	s2 =	sadd.s32 $0x5, s2  }
0x63: {  	[hbm4b:s5+s21] =	stream.strided.scatter [tilespmem:s0], [sflag:$0x8], $0x4000, s22, s21, $0x38;
	[tilespmem:$0x1E400] =	vst v63  }
0x64: {  	p0 =	sge.u32 s2, s7  }
0x65: {  	s5 =	simm.s32 @!p0 $0x6;
	s2 =	sshll.u32 @!p0 s2, $0xB  }
0x66: {  	s8 =	simm.s32 @!p0 $0x7A1400;
	_ =	swait.ge @!p0 [sflag:s5], $0x4000;
	s2 =	sadd.s32 @!p0 s12, s2  }
0x67: {  	s9 =	simm.s32 @!p0 $0x6300;
	[sflag:s5] =	ssyncset.done @!p0 $0x0;
	s2 =	sshrl.u32 @!p0 s2, $0x3  }
0x68: {  	[sflag:s5] =	ssyncadd.s32 @!p0 $0xFFFFC000;
	s2 =	sadd.s32 @!p0 s1, s2;
	s5 =	simm.s32 @!p0 $0x800  }
0x69: {  	[tilespmem:s9], [sflag:$0x2] =	stream.strided.gather @!p0 [hbm4b:s2+s5], $0x4000, s8, s5, $0x38;
	[tilespmem:$0x1E400] =	vst v63  }
.LBB2_46:
0x6a: {  	s19 =	sadd.s32 $0x1, s19  }
0x6b: {  	p0 =	sne.s32 s19, $0x1F  }
.Ltmp5:
0x6c: {  	_ = 	snop;
	(pc) =	sbr.rel @!p0 .LBB2_47-.Ltmp5, $1  }
0x6d: {  	_ =	sdelay $0x3  }
.LBB2_6:
0x6e: {  	s2 =	sshll.u32 s19, $0x2  }
0x6f: {  	p0 =	sge.u32 s2, s7  }
.Ltmp6:
0x70: {  	_ = 	snop;
	(pc) =	sbr.rel @p0 .LBB2_16-.Ltmp6, $1  }
0x71: {  	_ =	sdelay $0x3  }
0x72: {  	_ =	swait.ge [sflag:s25], $0x4000  }
0x73: {  	s5 =	sshll.u32 s19, $0xA;
	[sflag:s25] =	ssyncset.done $0x0  }
0x74: {  	s9 =	simm.s32 $0x2000;
	s5 =	sadd.s32 s6, s5;
	[sflag:s25] =	ssyncadd.s32 $0xFFFFC000  }
0x75: {  	v6 =	vimm.s32 $0x0;
	s8 =	sor.u32 $0x100, s5;
	v8 =	vld [tilespmem:s9+$0x0]  }
0x76: {  	s11 =	simm.s32 $0x10;
	v9 =	vimm.s32 $0x0;
	v5 =	vmov s5;
	v7 =	vmov s8;
	s8 =	simm.s32 $0x0  }
.LBB2_8:
0x77: {  	p0 =	seq.s32 s11, $0x2F0;
	_ =	sdelay $0x1  }
0x78: {  	v10 =	vor.u32 s8, v3;
	s8 =	smov.u32 s11  }
0x79: {  	vm0 =	vlt.s32 v10, v4;
	vm1 =	vlt.s32 v8, v7  }
0x7a: {  	vm2 =	vge.s32 v8, v5;
	vm0 =	vmand vm0, vm1  }
0x7b: {  	vm0 =	vmand vm0, vm2  }
0x7c: {  	v11 =	vsel vm0, $0x1, v2;
	v12 =	vmpcnt.ones.xlane vm0  }
0x7d: {  	(xrf0) =	vadd.scan.msk.s32 $0xffff, v11  }
0x7e: {  	v6 =	vadd.s32 v6, v12;
	_ =	sdelay $0x4  }
0x7f: {  	v11, _, _ =	vpop (xrf0)  }
0x80: {  	v11 =	vadd.s32 v11, v9;
	v9 =	vmov v6  }
0x81: {  	v11 =	vadd.s32 $0xFFFFFFFF, v11  }
0x82: {  	vm1 =	vlt.s32 v11, $0x40  }
0x83: {  	vm0 =	vmand vm0, vm1;
	_ =	sdelay $0x4  }
.Ltmp7:
0x84: {  	v8 =	vsub.s32 v8, v5;
	(pc) =	sbr.rel @!p0 .LBB2_8-.Ltmp7, $4  }
0x85: {  	[tilespmem:v11+s26+$0x0] =	vst.idx.msk vm0, v8  }
0x86: {  	s9 =	sadd.s32 $0x10, s9;
	[tilespmem:v11+s28+$0x0] =	vst.idx.msk vm0, v10  }
0x87: {  	v8 =	vld [tilespmem:s9+$0x0]  }
0x88: {  	s11 =	sadd.s32 $0x10, s11  }
0x89: {  	_ =	sdelay $0x1  }
0x8a: {  	v10 =	vor.u32 s8, v3  }
0x8b: {  	vm0 =	vlt.s32 v10, v4;
	vm1 =	vlt.s32 v8, v7  }
0x8c: {  	vm2 =	vge.s32 v8, v5;
	vm0 =	vmand vm0, vm1  }
0x8d: {  	vm0 =	vmand vm0, vm2  }
0x8e: {  	v7 =	vsel vm0, $0x1, v2  }
0x8f: {  	(xrf0) =	vadd.scan.msk.s32 $0xffff, v7;
	_ =	sdelay $0x5  }
0x90: {  	v7, _, _ =	vpop (xrf0)  }
0x91: {  	v7 =	vadd.s32 v7, v9  }
0x92: {  	v7 =	vadd.s32 $0xFFFFFFFF, v7  }
0x93: {  	vm15 =	vlt.s32 v7, $0x40  }
0x94: {  	vm1 =	vmand vm0, vm15;
	_ =	sdelay $0x3  }
0x95: {  	v63 =	vmpcnt.ones.xlane vm0  }
0x96: {  	v5 =	vsub.s32 v8, v5  }
0x97: {  	[tilespmem:v7+s26+$0x0] =	vst.idx.msk vm1, v5;
	v5 =	vadd.s32 v6, v63  }
0x98: {  	(v2sf) =	vpush v5, $0x0;
	_ =	sdelay $0xa  }
.Ltmp8:
0x99: {  	_ = 	snop;
	(pc) =	sbr.rel .LBB2_10-.Ltmp8, $2  }
0x9a: {  	_ =	sdelay $0x2  }
0x9b: {  	s9 =	simm.s32 $0x0;
	[tilespmem:v7+s28+$0x0] =	vst.idx.msk vm1, v10;
	s8 =	spop (v2sf)  }
.LBB2_13:
0x9c: {  	_ = 	snop  }
0x9d: {  	v6 =	vadd.s32 v23, v9;
	_ =	sdelay $0x3  }
0x9e: {  	[tilespmem:v25+s23+$0x0] =	vst.idx.msk vm0, v24  }
0x9f: {  	v7 =	vadd.s32 v21, v11;
	v6 =	vld.idx.msk [tilespmem:v6+s20+$0x0], vm0;
	_ =	sdelay $0x4  }
0xa0: {  	[tilespmem:v7+s23+$0x0] =	vst.idx.msk vm0, v6  }
.LBB2_14:
0xa1: {  	s9 =	sadd.s32 $0x1, s9  }
0xa2: {  	p0 =	sne.s32 s9, $0x4  }
.Ltmp9:
0xa3: {  	_ = 	snop;
	(pc) =	sbr.rel @!p0 .LBB2_15-.Ltmp9, $1  }
0xa4: {  	_ =	sdelay $0x3  }
.LBB2_10:
0xa5: {  	s15 =	sshll.u32 s9, $0x4  }
0xa6: {  	p0 =	sge.s32 s15, s8  }
.Ltmp10:
0xa7: {  	_ = 	snop;
	(pc) =	sbr.rel @p0 .LBB2_14-.Ltmp10, $1  }
0xa8: {  	_ =	sdelay $0x3  }
0xa9: {  	v6 =	vld [tilespmem:s15+$0x1E380]  }
0xaa: {  	s11 =	simm.s32 $0x0  }
0xab: {  	v7 =	vmov s11  }
0xac: {  	v7 =	vshrl.u32 v7, $0x3  }
0xad: {  	v8 =	vbroadcast v7, $0x0  }
0xae: {  	v10 =	vld [tilespmem:s15+$0x1E300];
	v7 =	vor.u32 s15, v3;
	v9 =	vshll.u32 v6, $0x3  }
0xaf: {  	v6 =	vand.u32 $0x7F, v6;
	v11 =	vand.u32 $0xFFFFFC00, v9;
	v9 =	vmul.u32 $0x1800, v8  }
0xb0: {  	vm0 =	vlt.s32 v7, v5;
	v6 =	vor.u32 v6, v11  }
0xb1: {  	v12 =	vadd.s32 v6, v9;
	_ =	sdelay $0x1  }
0xb2: {  	v7 =	vshll.u32 v10, $0x3  }
0xb3: {  	v10 =	vand.u32 $0x7F, v10;
	v7 =	vand.u32 $0xFFFFFC00, v7  }
0xb4: {  	v7 =	vor.u32 v10, v7;
	v11 =	vshll.u32 v8, $0xB  }
0xb5: {  	v8 =	vor.u32 $0x80, v6;
	v13 =	vadd.s32 v7, v11;
	v12 =	vld.idx.msk [tilespmem:v12+s20+$0x0], vm0  }
0xb6: {  	v14 =	vadd.s32 v8, v9;
	_ =	sdelay $0x3  }
0xb7: {  	v10 =	vor.u32 $0x80, v7;
	[tilespmem:v13+s23+$0x0] =	vst.idx.msk vm0, v12  }
0xb8: {  	v15 =	vadd.s32 v10, v11;
	v12 =	vor.u32 $0x100, v6;
	v14 =	vld.idx.msk [tilespmem:v14+s20+$0x0], vm0  }
0xb9: {  	v16 =	vadd.s32 v12, v9;
	_ =	sdelay $0x3  }
0xba: {  	v13 =	vor.u32 $0x100, v7;
	[tilespmem:v15+s23+$0x0] =	vst.idx.msk vm0, v14  }
0xbb: {  	v17 =	vadd.s32 v13, v11;
	v14 =	vor.u32 $0x180, v6;
	v16 =	vld.idx.msk [tilespmem:v16+s20+$0x0], vm0  }
0xbc: {  	v18 =	vadd.s32 v14, v9;
	_ =	sdelay $0x3  }
0xbd: {  	v15 =	vor.u32 $0x180, v7;
	[tilespmem:v17+s23+$0x0] =	vst.idx.msk vm0, v16  }
0xbe: {  	v19 =	vadd.s32 v15, v11;
	v16 =	vor.u32 $0x200, v6;
	v18 =	vld.idx.msk [tilespmem:v18+s20+$0x0], vm0  }
0xbf: {  	v20 =	vadd.s32 v16, v9;
	_ =	sdelay $0x3  }
0xc0: {  	v17 =	vor.u32 $0x200, v7;
	[tilespmem:v19+s23+$0x0] =	vst.idx.msk vm0, v18  }
0xc1: {  	v21 =	vadd.s32 v17, v11;
	v18 =	vor.u32 $0x280, v6;
	v20 =	vld.idx.msk [tilespmem:v20+s20+$0x0], vm0  }
0xc2: {  	v22 =	vadd.s32 v18, v9;
	_ =	sdelay $0x3  }
0xc3: {  	v19 =	vor.u32 $0x280, v7;
	[tilespmem:v21+s23+$0x0] =	vst.idx.msk vm0, v20  }
0xc4: {  	v23 =	vadd.s32 v19, v11;
	v20 =	vor.u32 $0x300, v6;
	v21 =	vld.idx.msk [tilespmem:v22+s20+$0x0], vm0  }
0xc5: {  	v24 =	vadd.s32 v20, v9;
	_ =	sdelay $0x3  }
0xc6: {  	v22 =	vor.u32 $0x300, v7;
	[tilespmem:v23+s23+$0x0] =	vst.idx.msk vm0, v21  }
0xc7: {  	v25 =	vadd.s32 v22, v11;
	v23 =	vor.u32 $0x380, v6;
	v21 =	vor.u32 $0x380, v7;
	v24 =	vld.idx.msk [tilespmem:v24+s20+$0x0], vm0  }
.LBB2_12:
0xc8: {  	s11 =	sadd.s32 $0x8, s11;
	v26 =	vadd.s32 v23, v9  }
0xc9: {  	v9 =	vmov s11;
	p0 =	slt.u32 s11, $0x38  }
0xca: {  	v9 =	vshrl.u32 v9, $0x3  }
0xcb: {  	v27 =	vbroadcast v9, $0x0  }
0xcc: {  	[tilespmem:v25+s23+$0x0] =	vst.idx.msk vm0, v24  }
0xcd: {  	v9 =	vmul.u32 $0x1800, v27;
	v24 =	vld.idx.msk [tilespmem:v26+s20+$0x0], vm0  }
0xce: {  	v11 =	vadd.s32 v21, v11  }
0xcf: {  	v25 =	vadd.s32 v6, v9;
	_ =	sdelay $0x3  }
0xd0: {  	[tilespmem:v11+s23+$0x0] =	vst.idx.msk vm0, v24  }
0xd1: {  	v11 =	vshll.u32 v27, $0xB;
	v24 =	vld.idx.msk [tilespmem:v25+s20+$0x0], vm0  }
0xd2: {  	v25 =	vadd.s32 v7, v11  }
0xd3: {  	v26 =	vadd.s32 v8, v9;
	_ =	sdelay $0x3  }
0xd4: {  	[tilespmem:v25+s23+$0x0] =	vst.idx.msk vm0, v24  }
0xd5: {  	v24 =	vld.idx.msk [tilespmem:v26+s20+$0x0], vm0  }
0xd6: {  	v25 =	vadd.s32 v10, v11  }
0xd7: {  	v26 =	vadd.s32 v12, v9;
	_ =	sdelay $0x3  }
0xd8: {  	[tilespmem:v25+s23+$0x0] =	vst.idx.msk vm0, v24  }
0xd9: {  	v24 =	vld.idx.msk [tilespmem:v26+s20+$0x0], vm0  }
0xda: {  	v25 =	vadd.s32 v13, v11  }
0xdb: {  	v26 =	vadd.s32 v14, v9;
	_ =	sdelay $0x3  }
0xdc: {  	[tilespmem:v25+s23+$0x0] =	vst.idx.msk vm0, v24  }
0xdd: {  	v24 =	vld.idx.msk [tilespmem:v26+s20+$0x0], vm0  }
0xde: {  	v25 =	vadd.s32 v15, v11  }
0xdf: {  	v26 =	vadd.s32 v16, v9;
	_ =	sdelay $0x3  }
0xe0: {  	[tilespmem:v25+s23+$0x0] =	vst.idx.msk vm0, v24  }
0xe1: {  	v24 =	vld.idx.msk [tilespmem:v26+s20+$0x0], vm0  }
0xe2: {  	v25 =	vadd.s32 v17, v11  }
0xe3: {  	v26 =	vadd.s32 v18, v9;
	_ =	sdelay $0x3  }
0xe4: {  	[tilespmem:v25+s23+$0x0] =	vst.idx.msk vm0, v24  }
0xe5: {  	v24 =	vld.idx.msk [tilespmem:v26+s20+$0x0], vm0  }
0xe6: {  	v25 =	vadd.s32 v19, v11  }
0xe7: {  	v26 =	vadd.s32 v20, v9;
	_ =	sdelay $0x1  }
.Ltmp11:
0xe8: {  	(pc) =	sbr.rel @p0 .LBB2_12-.Ltmp11, $4  }
0xe9: {  	_ = 	snop  }
0xea: {  	[tilespmem:v25+s23+$0x0] =	vst.idx.msk vm0, v24  }
0xeb: {  	v24 =	vld.idx.msk [tilespmem:v26+s20+$0x0], vm0  }
0xec: {  	v25 =	vadd.s32 v22, v11  }
.Ltmp12:
0xed: {  	_ = 	snop;
	(pc) =	sbr.rel .LBB2_13-.Ltmp12, $1  }
0xee: {  	_ =	sdelay $0x3  }
.LBB2_15:
0xef: {  	s5 =	sadd.s32 s4, s5  }
0xf0: {  	[hbm4b:s5+s21] =	stream.strided.scatter [tilespmem:s23], [sflag:$0x5], $0x4000, s22, s21, $0x38;
	[tilespmem:$0x1E400] =	vst v63  }
0xf1: {  	s5 =	sor.u32 $0x2, s2  }
0xf2: {  	p0 =	sge.u32 s5, s7  }
0xf3: {  	p1 =	seq.s32 @!p0 s19, $0x0  }
0xf4: {  	p1 =	por p1, p0  }
0xf5: {  	s5 =	sshll.u32 @!p0 s5, $0xB;
	s8 =	simm.s32 @!p1 $0x7  }
0xf6: {  	s9 =	simm.s32 @!p0 $0x7A1400;
	s5 =	sadd.s32 @!p0 s12, s5;
	_ =	swait.ge @!p1 [sflag:s8], $0x4000  }
0xf7: {  	s11 =	simm.s32 @!p0 $0xA300;
	s5 =	sshrl.u32 @!p0 s5, $0x3;
	[sflag:s8] =	ssyncset.done @!p1 $0x0  }
0xf8: {  	s5 =	sadd.s32 @!p0 s1, s5;
	[sflag:s8] =	ssyncadd.s32 @!p1 $0xFFFFC000;
	s8 =	simm.s32 @!p0 $0x800  }
0xf9: {  	[tilespmem:s11], [sflag:$0x3] =	stream.strided.gather @!p0 [hbm4b:s5+s8], $0x4000, s9, s8, $0x38;
	[tilespmem:$0x1E400] =	vst v63  }
.LBB2_16:
0xfa: {  	s5 =	sor.u32 $0x1, s2  }
0xfb: {  	p0 =	sge.u32 s5, s7  }
.Ltmp13:
0xfc: {  	_ = 	snop;
	(pc) =	sbr.rel @p0 .LBB2_26-.Ltmp13, $1  }
0xfd: {  	_ =	sdelay $0x3  }
0xfe: {  	_ =	swait.ge [sflag:s29], $0x4000  }
0xff: {  	s5 =	sshll.u32 s5, $0x8;
	[sflag:s29] =	ssyncset.done $0x0  }
0x100: {  	s9 =	simm.s32 $0x2000;
	s5 =	sadd.s32 s6, s5;
	[sflag:s29] =	ssyncadd.s32 $0xFFFFC000  }
0x101: {  	v6 =	vimm.s32 $0x0;
	s8 =	sadd.s32 $0x100, s5;
	v8 =	vld [tilespmem:s9+$0x0]  }
0x102: {  	s11 =	simm.s32 $0x10;
	v9 =	vimm.s32 $0x0;
	v5 =	vmov s5;
	v7 =	vmov s8;
	s8 =	simm.s32 $0x0  }
.LBB2_18:
0x103: {  	p0 =	seq.s32 s11, $0x2F0;
	_ =	sdelay $0x1  }
0x104: {  	v10 =	vor.u32 s8, v3;
	s8 =	smov.u32 s11  }
0x105: {  	vm0 =	vlt.s32 v10, v4;
	vm1 =	vlt.s32 v8, v7  }
0x106: {  	vm2 =	vge.s32 v8, v5;
	vm0 =	vmand vm0, vm1  }
0x107: {  	vm0 =	vmand vm0, vm2  }
0x108: {  	v11 =	vsel vm0, $0x1, v2;
	v12 =	vmpcnt.ones.xlane vm0  }
0x109: {  	(xrf0) =	vadd.scan.msk.s32 $0xffff, v11  }
0x10a: {  	v6 =	vadd.s32 v6, v12;
	_ =	sdelay $0x4  }
0x10b: {  	v11, _, _ =	vpop (xrf0)  }
0x10c: {  	v11 =	vadd.s32 v11, v9;
	v9 =	vmov v6  }
0x10d: {  	v11 =	vadd.s32 $0xFFFFFFFF, v11  }
0x10e: {  	vm1 =	vlt.s32 v11, $0x40  }
0x10f: {  	vm0 =	vmand vm0, vm1;
	_ =	sdelay $0x4  }
.Ltmp14:
0x110: {  	v8 =	vsub.s32 v8, v5;
	(pc) =	sbr.rel @!p0 .LBB2_18-.Ltmp14, $4  }
0x111: {  	[tilespmem:v11+s26+$0x0] =	vst.idx.msk vm0, v8  }
0x112: {  	s9 =	sadd.s32 $0x10, s9;
	[tilespmem:v11+s28+$0x0] =	vst.idx.msk vm0, v10  }
0x113: {  	v8 =	vld [tilespmem:s9+$0x0]  }
0x114: {  	s11 =	sadd.s32 $0x10, s11  }
0x115: {  	_ =	sdelay $0x1  }
0x116: {  	v10 =	vor.u32 s8, v3  }
0x117: {  	vm0 =	vlt.s32 v10, v4;
	vm1 =	vlt.s32 v8, v7  }
0x118: {  	vm2 =	vge.s32 v8, v5;
	vm0 =	vmand vm0, vm1  }
0x119: {  	vm0 =	vmand vm0, vm2  }
0x11a: {  	v7 =	vsel vm0, $0x1, v2  }
0x11b: {  	(xrf0) =	vadd.scan.msk.s32 $0xffff, v7;
	_ =	sdelay $0x5  }
0x11c: {  	v7, _, _ =	vpop (xrf0)  }
0x11d: {  	v7 =	vadd.s32 v7, v9  }
0x11e: {  	v7 =	vadd.s32 $0xFFFFFFFF, v7  }
0x11f: {  	vm15 =	vlt.s32 v7, $0x40  }
0x120: {  	vm1 =	vmand vm0, vm15;
	_ =	sdelay $0x3  }
0x121: {  	v63 =	vmpcnt.ones.xlane vm0  }
0x122: {  	v5 =	vsub.s32 v8, v5  }
0x123: {  	[tilespmem:v7+s26+$0x0] =	vst.idx.msk vm1, v5;
	v5 =	vadd.s32 v6, v63  }
0x124: {  	(v2sf) =	vpush v5, $0x0;
	_ =	sdelay $0xa  }
.Ltmp15:
0x125: {  	_ = 	snop;
	(pc) =	sbr.rel .LBB2_20-.Ltmp15, $2  }
0x126: {  	_ =	sdelay $0x2  }
0x127: {  	s9 =	simm.s32 $0x0;
	[tilespmem:v7+s28+$0x0] =	vst.idx.msk vm1, v10;
	s8 =	spop (v2sf)  }
.LBB2_23:
0x128: {  	_ = 	snop  }
0x129: {  	v6 =	vadd.s32 v23, v9;
	_ =	sdelay $0x3  }
0x12a: {  	[tilespmem:v25+s24+$0x0] =	vst.idx.msk vm0, v24  }
0x12b: {  	v7 =	vadd.s32 v21, v11;
	v6 =	vld.idx.msk [tilespmem:v6+s20+$0x0], vm0;
	_ =	sdelay $0x4  }
0x12c: {  	[tilespmem:v7+s24+$0x0] =	vst.idx.msk vm0, v6  }
.LBB2_24:
0x12d: {  	s9 =	sadd.s32 $0x1, s9  }
0x12e: {  	p0 =	sne.s32 s9, $0x4  }
.Ltmp16:
0x12f: {  	_ = 	snop;
	(pc) =	sbr.rel @!p0 .LBB2_25-.Ltmp16, $1  }
0x130: {  	_ =	sdelay $0x3  }
.LBB2_20:
0x131: {  	s15 =	sshll.u32 s9, $0x4  }
0x132: {  	p0 =	sge.s32 s15, s8  }
.Ltmp17:
0x133: {  	_ = 	snop;
	(pc) =	sbr.rel @p0 .LBB2_24-.Ltmp17, $1  }
0x134: {  	_ =	sdelay $0x3  }
0x135: {  	v6 =	vld [tilespmem:s15+$0x1E380]  }
0x136: {  	s11 =	simm.s32 $0x0  }
0x137: {  	v7 =	vmov s11  }
0x138: {  	v7 =	vshrl.u32 v7, $0x3  }
0x139: {  	v8 =	vbroadcast v7, $0x0  }
0x13a: {  	v10 =	vld [tilespmem:s15+$0x1E300];
	v7 =	vor.u32 s15, v3;
	v9 =	vshll.u32 v6, $0x3  }
0x13b: {  	v6 =	vand.u32 $0x7F, v6;
	v11 =	vand.u32 $0xFFFFFC00, v9;
	v9 =	vmul.u32 $0x1800, v8  }
0x13c: {  	vm0 =	vlt.s32 v7, v5;
	v6 =	vor.u32 v6, v11  }
0x13d: {  	v12 =	vadd.s32 v6, v9;
	_ =	sdelay $0x1  }
0x13e: {  	v7 =	vshll.u32 v10, $0x3  }
0x13f: {  	v10 =	vand.u32 $0x7F, v10;
	v7 =	vand.u32 $0xFFFFFC00, v7  }
0x140: {  	v7 =	vor.u32 v10, v7;
	v11 =	vshll.u32 v8, $0xB  }
0x141: {  	v8 =	vor.u32 $0x80, v6;
	v13 =	vadd.s32 v7, v11;
	v12 =	vld.idx.msk [tilespmem:v12+s20+$0x0], vm0  }
0x142: {  	v14 =	vadd.s32 v8, v9;
	_ =	sdelay $0x3  }
0x143: {  	v10 =	vor.u32 $0x80, v7;
	[tilespmem:v13+s24+$0x0] =	vst.idx.msk vm0, v12  }
0x144: {  	v15 =	vadd.s32 v10, v11;
	v12 =	vor.u32 $0x100, v6;
	v14 =	vld.idx.msk [tilespmem:v14+s20+$0x0], vm0  }
0x145: {  	v16 =	vadd.s32 v12, v9;
	_ =	sdelay $0x3  }
0x146: {  	v13 =	vor.u32 $0x100, v7;
	[tilespmem:v15+s24+$0x0] =	vst.idx.msk vm0, v14  }
0x147: {  	v17 =	vadd.s32 v13, v11;
	v14 =	vor.u32 $0x180, v6;
	v16 =	vld.idx.msk [tilespmem:v16+s20+$0x0], vm0  }
0x148: {  	v18 =	vadd.s32 v14, v9;
	_ =	sdelay $0x3  }
0x149: {  	v15 =	vor.u32 $0x180, v7;
	[tilespmem:v17+s24+$0x0] =	vst.idx.msk vm0, v16  }
0x14a: {  	v19 =	vadd.s32 v15, v11;
	v16 =	vor.u32 $0x200, v6;
	v18 =	vld.idx.msk [tilespmem:v18+s20+$0x0], vm0  }
0x14b: {  	v20 =	vadd.s32 v16, v9;
	_ =	sdelay $0x3  }
0x14c: {  	v17 =	vor.u32 $0x200, v7;
	[tilespmem:v19+s24+$0x0] =	vst.idx.msk vm0, v18  }
0x14d: {  	v21 =	vadd.s32 v17, v11;
	v18 =	vor.u32 $0x280, v6;
	v20 =	vld.idx.msk [tilespmem:v20+s20+$0x0], vm0  }
0x14e: {  	v22 =	vadd.s32 v18, v9;
	_ =	sdelay $0x3  }
0x14f: {  	v19 =	vor.u32 $0x280, v7;
	[tilespmem:v21+s24+$0x0] =	vst.idx.msk vm0, v20  }
0x150: {  	v23 =	vadd.s32 v19, v11;
	v20 =	vor.u32 $0x300, v6;
	v21 =	vld.idx.msk [tilespmem:v22+s20+$0x0], vm0  }
0x151: {  	v24 =	vadd.s32 v20, v9;
	_ =	sdelay $0x3  }
0x152: {  	v22 =	vor.u32 $0x300, v7;
	[tilespmem:v23+s24+$0x0] =	vst.idx.msk vm0, v21  }
0x153: {  	v25 =	vadd.s32 v22, v11;
	v23 =	vor.u32 $0x380, v6;
	v21 =	vor.u32 $0x380, v7;
	v24 =	vld.idx.msk [tilespmem:v24+s20+$0x0], vm0  }
.LBB2_22:
0x154: {  	s11 =	sadd.s32 $0x8, s11;
	v26 =	vadd.s32 v23, v9  }
0x155: {  	v9 =	vmov s11;
	p0 =	slt.u32 s11, $0x38  }
0x156: {  	v9 =	vshrl.u32 v9, $0x3  }
0x157: {  	v27 =	vbroadcast v9, $0x0  }
0x158: {  	[tilespmem:v25+s24+$0x0] =	vst.idx.msk vm0, v24  }
0x159: {  	v9 =	vmul.u32 $0x1800, v27;
	v24 =	vld.idx.msk [tilespmem:v26+s20+$0x0], vm0  }
0x15a: {  	v11 =	vadd.s32 v21, v11  }
0x15b: {  	v25 =	vadd.s32 v6, v9;
	_ =	sdelay $0x3  }
0x15c: {  	[tilespmem:v11+s24+$0x0] =	vst.idx.msk vm0, v24  }
0x15d: {  	v11 =	vshll.u32 v27, $0xB;
	v24 =	vld.idx.msk [tilespmem:v25+s20+$0x0], vm0  }
0x15e: {  	v25 =	vadd.s32 v7, v11  }
0x15f: {  	v26 =	vadd.s32 v8, v9;
	_ =	sdelay $0x3  }
0x160: {  	[tilespmem:v25+s24+$0x0] =	vst.idx.msk vm0, v24  }
0x161: {  	v24 =	vld.idx.msk [tilespmem:v26+s20+$0x0], vm0  }
0x162: {  	v25 =	vadd.s32 v10, v11  }
0x163: {  	v26 =	vadd.s32 v12, v9;
	_ =	sdelay $0x3  }
0x164: {  	[tilespmem:v25+s24+$0x0] =	vst.idx.msk vm0, v24  }
0x165: {  	v24 =	vld.idx.msk [tilespmem:v26+s20+$0x0], vm0  }
0x166: {  	v25 =	vadd.s32 v13, v11  }
0x167: {  	v26 =	vadd.s32 v14, v9;
	_ =	sdelay $0x3  }
0x168: {  	[tilespmem:v25+s24+$0x0] =	vst.idx.msk vm0, v24  }
0x169: {  	v24 =	vld.idx.msk [tilespmem:v26+s20+$0x0], vm0  }
0x16a: {  	v25 =	vadd.s32 v15, v11  }
0x16b: {  	v26 =	vadd.s32 v16, v9;
	_ =	sdelay $0x3  }
0x16c: {  	[tilespmem:v25+s24+$0x0] =	vst.idx.msk vm0, v24  }
0x16d: {  	v24 =	vld.idx.msk [tilespmem:v26+s20+$0x0], vm0  }
0x16e: {  	v25 =	vadd.s32 v17, v11  }
0x16f: {  	v26 =	vadd.s32 v18, v9;
	_ =	sdelay $0x3  }
0x170: {  	[tilespmem:v25+s24+$0x0] =	vst.idx.msk vm0, v24  }
0x171: {  	v24 =	vld.idx.msk [tilespmem:v26+s20+$0x0], vm0  }
0x172: {  	v25 =	vadd.s32 v19, v11  }
0x173: {  	v26 =	vadd.s32 v20, v9;
	_ =	sdelay $0x1  }
.Ltmp18:
0x174: {  	(pc) =	sbr.rel @p0 .LBB2_22-.Ltmp18, $4  }
0x175: {  	_ = 	snop  }
0x176: {  	[tilespmem:v25+s24+$0x0] =	vst.idx.msk vm0, v24  }
0x177: {  	v24 =	vld.idx.msk [tilespmem:v26+s20+$0x0], vm0  }
0x178: {  	v25 =	vadd.s32 v22, v11  }
.Ltmp19:
0x179: {  	_ = 	snop;
	(pc) =	sbr.rel .LBB2_23-.Ltmp19, $1  }
0x17a: {  	_ =	sdelay $0x3  }
.LBB2_25:
0x17b: {  	s5 =	sadd.s32 s4, s5  }
0x17c: {  	[hbm4b:s5+s21] =	stream.strided.scatter [tilespmem:s24], [sflag:$0x6], $0x4000, s22, s21, $0x38;
	[tilespmem:$0x1E400] =	vst v63  }
0x17d: {  	s5 =	sor.u32 $0x3, s2  }
0x17e: {  	p0 =	sge.u32 s5, s7  }
0x17f: {  	p1 =	seq.s32 @!p0 s19, $0x0  }
0x180: {  	p1 =	por p1, p0  }
0x181: {  	s5 =	sshll.u32 @!p0 s5, $0xB;
	s8 =	simm.s32 @!p1 $0x8  }
0x182: {  	s9 =	simm.s32 @!p0 $0x7A1400;
	s5 =	sadd.s32 @!p0 s12, s5;
	_ =	swait.ge @!p1 [sflag:s8], $0x4000  }
0x183: {  	s11 =	simm.s32 @!p0 $0xE300;
	s5 =	sshrl.u32 @!p0 s5, $0x3;
	[sflag:s8] =	ssyncset.done @!p1 $0x0  }
0x184: {  	s5 =	sadd.s32 @!p0 s1, s5;
	[sflag:s8] =	ssyncadd.s32 @!p1 $0xFFFFC000;
	s8 =	simm.s32 @!p0 $0x800  }
0x185: {  	[tilespmem:s11], [sflag:$0x4] =	stream.strided.gather @!p0 [hbm4b:s5+s8], $0x4000, s9, s8, $0x38;
	[tilespmem:$0x1E400] =	vst v63  }
.LBB2_26:
0x186: {  	s5 =	sor.u32 $0x2, s2  }
0x187: {  	p0 =	sge.u32 s5, s7  }
.Ltmp20:
0x188: {  	_ = 	snop;
	(pc) =	sbr.rel @p0 .LBB2_36-.Ltmp20, $1  }
0x189: {  	_ =	sdelay $0x3  }
0x18a: {  	_ =	swait.ge [sflag:s30], $0x4000  }
0x18b: {  	s5 =	sshll.u32 s5, $0x8;
	[sflag:s30] =	ssyncset.done $0x0  }
0x18c: {  	s9 =	simm.s32 $0x2000;
	s5 =	sadd.s32 s6, s5;
	[sflag:s30] =	ssyncadd.s32 $0xFFFFC000  }
0x18d: {  	v6 =	vimm.s32 $0x0;
	s8 =	sor.u32 $0x100, s5;
	v8 =	vld [tilespmem:s9+$0x0]  }
0x18e: {  	s11 =	simm.s32 $0x10;
	v9 =	vimm.s32 $0x0;
	v5 =	vmov s5;
	v7 =	vmov s8;
	s8 =	simm.s32 $0x0  }
.LBB2_28:
0x18f: {  	p0 =	seq.s32 s11, $0x2F0;
	_ =	sdelay $0x1  }
0x190: {  	v10 =	vor.u32 s8, v3;
	s8 =	smov.u32 s11  }
0x191: {  	vm0 =	vlt.s32 v10, v4;
	vm1 =	vlt.s32 v8, v7  }
0x192: {  	vm2 =	vge.s32 v8, v5;
	vm0 =	vmand vm0, vm1  }
0x193: {  	vm0 =	vmand vm0, vm2  }
0x194: {  	v11 =	vsel vm0, $0x1, v2;
	v12 =	vmpcnt.ones.xlane vm0  }
0x195: {  	(xrf0) =	vadd.scan.msk.s32 $0xffff, v11  }
0x196: {  	v6 =	vadd.s32 v6, v12;
	_ =	sdelay $0x4  }
0x197: {  	v11, _, _ =	vpop (xrf0)  }
0x198: {  	v11 =	vadd.s32 v11, v9;
	v9 =	vmov v6  }
0x199: {  	v11 =	vadd.s32 $0xFFFFFFFF, v11  }
0x19a: {  	vm1 =	vlt.s32 v11, $0x40  }
0x19b: {  	vm0 =	vmand vm0, vm1;
	_ =	sdelay $0x4  }
.Ltmp21:
0x19c: {  	v8 =	vsub.s32 v8, v5;
	(pc) =	sbr.rel @!p0 .LBB2_28-.Ltmp21, $4  }
0x19d: {  	[tilespmem:v11+s26+$0x0] =	vst.idx.msk vm0, v8  }
0x19e: {  	s9 =	sadd.s32 $0x10, s9;
	[tilespmem:v11+s28+$0x0] =	vst.idx.msk vm0, v10  }
0x19f: {  	v8 =	vld [tilespmem:s9+$0x0]  }
0x1a0: {  	s11 =	sadd.s32 $0x10, s11  }
0x1a1: {  	_ =	sdelay $0x1  }
0x1a2: {  	v10 =	vor.u32 s8, v3  }
0x1a3: {  	vm0 =	vlt.s32 v10, v4;
	vm1 =	vlt.s32 v8, v7  }
0x1a4: {  	vm2 =	vge.s32 v8, v5;
	vm0 =	vmand vm0, vm1  }
0x1a5: {  	vm0 =	vmand vm0, vm2  }
0x1a6: {  	v7 =	vsel vm0, $0x1, v2  }
0x1a7: {  	(xrf0) =	vadd.scan.msk.s32 $0xffff, v7;
	_ =	sdelay $0x5  }
0x1a8: {  	v7, _, _ =	vpop (xrf0)  }
0x1a9: {  	v7 =	vadd.s32 v7, v9  }
0x1aa: {  	v7 =	vadd.s32 $0xFFFFFFFF, v7  }
0x1ab: {  	vm15 =	vlt.s32 v7, $0x40  }
0x1ac: {  	vm1 =	vmand vm0, vm15;
	_ =	sdelay $0x3  }
0x1ad: {  	v63 =	vmpcnt.ones.xlane vm0  }
0x1ae: {  	v5 =	vsub.s32 v8, v5  }
0x1af: {  	[tilespmem:v7+s26+$0x0] =	vst.idx.msk vm1, v5;
	v5 =	vadd.s32 v6, v63  }
0x1b0: {  	(v2sf) =	vpush v5, $0x0;
	_ =	sdelay $0xa  }
.Ltmp22:
0x1b1: {  	_ = 	snop;
	(pc) =	sbr.rel .LBB2_30-.Ltmp22, $2  }
0x1b2: {  	_ =	sdelay $0x2  }
0x1b3: {  	s9 =	simm.s32 $0x0;
	[tilespmem:v7+s28+$0x0] =	vst.idx.msk vm1, v10;
	s8 =	spop (v2sf)  }
.LBB2_33:
0x1b4: {  	_ = 	snop  }
0x1b5: {  	v6 =	vadd.s32 v23, v9;
	_ =	sdelay $0x3  }
0x1b6: {  	[tilespmem:v25+s31+$0x0] =	vst.idx.msk vm0, v24  }
0x1b7: {  	v7 =	vadd.s32 v21, v11;
	v6 =	vld.idx.msk [tilespmem:v6+s20+$0x0], vm0;
	_ =	sdelay $0x4  }
0x1b8: {  	[tilespmem:v7+s31+$0x0] =	vst.idx.msk vm0, v6  }
.LBB2_34:
0x1b9: {  	s9 =	sadd.s32 $0x1, s9  }
0x1ba: {  	p0 =	sne.s32 s9, $0x4  }
.Ltmp23:
0x1bb: {  	_ = 	snop;
	(pc) =	sbr.rel @!p0 .LBB2_35-.Ltmp23, $1  }
0x1bc: {  	_ =	sdelay $0x3  }
.LBB2_30:
0x1bd: {  	s15 =	sshll.u32 s9, $0x4  }
0x1be: {  	p0 =	sge.s32 s15, s8  }
.Ltmp24:
0x1bf: {  	_ = 	snop;
	(pc) =	sbr.rel @p0 .LBB2_34-.Ltmp24, $1  }
0x1c0: {  	_ =	sdelay $0x3  }
0x1c1: {  	v6 =	vld [tilespmem:s15+$0x1E380]  }
0x1c2: {  	s11 =	simm.s32 $0x0  }
0x1c3: {  	v7 =	vmov s11  }
0x1c4: {  	v7 =	vshrl.u32 v7, $0x3  }
0x1c5: {  	v8 =	vbroadcast v7, $0x0  }
0x1c6: {  	v10 =	vld [tilespmem:s15+$0x1E300];
	v7 =	vor.u32 s15, v3;
	v9 =	vshll.u32 v6, $0x3  }
0x1c7: {  	v6 =	vand.u32 $0x7F, v6;
	v11 =	vand.u32 $0xFFFFFC00, v9;
	v9 =	vmul.u32 $0x1800, v8  }
0x1c8: {  	vm0 =	vlt.s32 v7, v5;
	v6 =	vor.u32 v6, v11  }
0x1c9: {  	v12 =	vadd.s32 v6, v9;
	_ =	sdelay $0x1  }
0x1ca: {  	v7 =	vshll.u32 v10, $0x3  }
0x1cb: {  	v10 =	vand.u32 $0x7F, v10;
	v7 =	vand.u32 $0xFFFFFC00, v7  }
0x1cc: {  	v7 =	vor.u32 v10, v7;
	v11 =	vshll.u32 v8, $0xB  }
0x1cd: {  	v8 =	vor.u32 $0x80, v6;
	v13 =	vadd.s32 v7, v11;
	v12 =	vld.idx.msk [tilespmem:v12+s20+$0x0], vm0  }
0x1ce: {  	v14 =	vadd.s32 v8, v9;
	_ =	sdelay $0x3  }
0x1cf: {  	v10 =	vor.u32 $0x80, v7;
	[tilespmem:v13+s31+$0x0] =	vst.idx.msk vm0, v12  }
0x1d0: {  	v15 =	vadd.s32 v10, v11;
	v12 =	vor.u32 $0x100, v6;
	v14 =	vld.idx.msk [tilespmem:v14+s20+$0x0], vm0  }
0x1d1: {  	v16 =	vadd.s32 v12, v9;
	_ =	sdelay $0x3  }
0x1d2: {  	v13 =	vor.u32 $0x100, v7;
	[tilespmem:v15+s31+$0x0] =	vst.idx.msk vm0, v14  }
0x1d3: {  	v17 =	vadd.s32 v13, v11;
	v14 =	vor.u32 $0x180, v6;
	v16 =	vld.idx.msk [tilespmem:v16+s20+$0x0], vm0  }
0x1d4: {  	v18 =	vadd.s32 v14, v9;
	_ =	sdelay $0x3  }
0x1d5: {  	v15 =	vor.u32 $0x180, v7;
	[tilespmem:v17+s31+$0x0] =	vst.idx.msk vm0, v16  }
0x1d6: {  	v19 =	vadd.s32 v15, v11;
	v16 =	vor.u32 $0x200, v6;
	v18 =	vld.idx.msk [tilespmem:v18+s20+$0x0], vm0  }
0x1d7: {  	v20 =	vadd.s32 v16, v9;
	_ =	sdelay $0x3  }
0x1d8: {  	v17 =	vor.u32 $0x200, v7;
	[tilespmem:v19+s31+$0x0] =	vst.idx.msk vm0, v18  }
0x1d9: {  	v21 =	vadd.s32 v17, v11;
	v18 =	vor.u32 $0x280, v6;
	v20 =	vld.idx.msk [tilespmem:v20+s20+$0x0], vm0  }
0x1da: {  	v22 =	vadd.s32 v18, v9;
	_ =	sdelay $0x3  }
0x1db: {  	v19 =	vor.u32 $0x280, v7;
	[tilespmem:v21+s31+$0x0] =	vst.idx.msk vm0, v20  }
0x1dc: {  	v23 =	vadd.s32 v19, v11;
	v20 =	vor.u32 $0x300, v6;
	v21 =	vld.idx.msk [tilespmem:v22+s20+$0x0], vm0  }
0x1dd: {  	v24 =	vadd.s32 v20, v9;
	_ =	sdelay $0x3  }
0x1de: {  	v22 =	vor.u32 $0x300, v7;
	[tilespmem:v23+s31+$0x0] =	vst.idx.msk vm0, v21  }
0x1df: {  	v25 =	vadd.s32 v22, v11;
	v23 =	vor.u32 $0x380, v6;
	v21 =	vor.u32 $0x380, v7;
	v24 =	vld.idx.msk [tilespmem:v24+s20+$0x0], vm0  }
.LBB2_32:
0x1e0: {  	s11 =	sadd.s32 $0x8, s11;
	v26 =	vadd.s32 v23, v9  }
0x1e1: {  	v9 =	vmov s11;
	p0 =	slt.u32 s11, $0x38  }
0x1e2: {  	v9 =	vshrl.u32 v9, $0x3  }
0x1e3: {  	v27 =	vbroadcast v9, $0x0  }
0x1e4: {  	[tilespmem:v25+s31+$0x0] =	vst.idx.msk vm0, v24  }
0x1e5: {  	v9 =	vmul.u32 $0x1800, v27;
	v24 =	vld.idx.msk [tilespmem:v26+s20+$0x0], vm0  }
0x1e6: {  	v11 =	vadd.s32 v21, v11  }
0x1e7: {  	v25 =	vadd.s32 v6, v9;
	_ =	sdelay $0x3  }
0x1e8: {  	[tilespmem:v11+s31+$0x0] =	vst.idx.msk vm0, v24  }
0x1e9: {  	v11 =	vshll.u32 v27, $0xB;
	v24 =	vld.idx.msk [tilespmem:v25+s20+$0x0], vm0  }
0x1ea: {  	v25 =	vadd.s32 v7, v11  }
0x1eb: {  	v26 =	vadd.s32 v8, v9;
	_ =	sdelay $0x3  }
0x1ec: {  	[tilespmem:v25+s31+$0x0] =	vst.idx.msk vm0, v24  }
0x1ed: {  	v24 =	vld.idx.msk [tilespmem:v26+s20+$0x0], vm0  }
0x1ee: {  	v25 =	vadd.s32 v10, v11  }
0x1ef: {  	v26 =	vadd.s32 v12, v9;
	_ =	sdelay $0x3  }
0x1f0: {  	[tilespmem:v25+s31+$0x0] =	vst.idx.msk vm0, v24  }
0x1f1: {  	v24 =	vld.idx.msk [tilespmem:v26+s20+$0x0], vm0  }
0x1f2: {  	v25 =	vadd.s32 v13, v11  }
0x1f3: {  	v26 =	vadd.s32 v14, v9;
	_ =	sdelay $0x3  }
0x1f4: {  	[tilespmem:v25+s31+$0x0] =	vst.idx.msk vm0, v24  }
0x1f5: {  	v24 =	vld.idx.msk [tilespmem:v26+s20+$0x0], vm0  }
0x1f6: {  	v25 =	vadd.s32 v15, v11  }
0x1f7: {  	v26 =	vadd.s32 v16, v9;
	_ =	sdelay $0x3  }
0x1f8: {  	[tilespmem:v25+s31+$0x0] =	vst.idx.msk vm0, v24  }
0x1f9: {  	v24 =	vld.idx.msk [tilespmem:v26+s20+$0x0], vm0  }
0x1fa: {  	v25 =	vadd.s32 v17, v11  }
0x1fb: {  	v26 =	vadd.s32 v18, v9;
	_ =	sdelay $0x3  }
0x1fc: {  	[tilespmem:v25+s31+$0x0] =	vst.idx.msk vm0, v24  }
0x1fd: {  	v24 =	vld.idx.msk [tilespmem:v26+s20+$0x0], vm0  }
0x1fe: {  	v25 =	vadd.s32 v19, v11  }
0x1ff: {  	v26 =	vadd.s32 v20, v9;
	_ =	sdelay $0x1  }
.Ltmp25:
0x200: {  	(pc) =	sbr.rel @p0 .LBB2_32-.Ltmp25, $4  }
0x201: {  	_ = 	snop  }
0x202: {  	[tilespmem:v25+s31+$0x0] =	vst.idx.msk vm0, v24  }
0x203: {  	v24 =	vld.idx.msk [tilespmem:v26+s20+$0x0], vm0  }
0x204: {  	v25 =	vadd.s32 v22, v11  }
.Ltmp26:
0x205: {  	_ = 	snop;
	(pc) =	sbr.rel .LBB2_33-.Ltmp26, $1  }
0x206: {  	_ =	sdelay $0x3  }
.LBB2_35:
0x207: {  	s5 =	sadd.s32 s4, s5  }
0x208: {  	[hbm4b:s5+s21] =	stream.strided.scatter [tilespmem:s31], [sflag:$0x7], $0x4000, s22, s21, $0x38;
	[tilespmem:$0x1E400] =	vst v63  }
0x209: {  	s5 =	sadd.s32 $0x4, s2  }
0x20a: {  	p0 =	sge.u32 s5, s7  }
0x20b: {  	s8 =	simm.s32 @!p0 $0x5;
	s5 =	sshll.u32 @!p0 s5, $0xB  }
0x20c: {  	s9 =	simm.s32 @!p0 $0x7A1400;
	_ =	swait.ge @!p0 [sflag:s8], $0x4000;
	s5 =	sadd.s32 @!p0 s12, s5  }
0x20d: {  	s11 =	simm.s32 @!p0 $0x2300;
	[sflag:s8] =	ssyncset.done @!p0 $0x0;
	s5 =	sshrl.u32 @!p0 s5, $0x3  }
0x20e: {  	[sflag:s8] =	ssyncadd.s32 @!p0 $0xFFFFC000;
	s5 =	sadd.s32 @!p0 s1, s5;
	s8 =	simm.s32 @!p0 $0x800  }
0x20f: {  	[tilespmem:s11], [sflag:$0x1] =	stream.strided.gather @!p0 [hbm4b:s5+s8], $0x4000, s9, s8, $0x38;
	[tilespmem:$0x1E400] =	vst v63  }
.LBB2_36:
0x210: {  	s5 =	sor.u32 $0x3, s2  }
0x211: {  	p0 =	sge.u32 s5, s7  }
.Ltmp27:
0x212: {  	_ = 	snop;
	(pc) =	sbr.rel @p0 .LBB2_46-.Ltmp27, $1  }
0x213: {  	_ =	sdelay $0x3  }
0x214: {  	_ =	swait.ge [sflag:s3], $0x4000  }
0x215: {  	s5 =	sshll.u32 s5, $0x8;
	[sflag:s3] =	ssyncset.done $0x0  }
0x216: {  	s9 =	simm.s32 $0x2000;
	s5 =	sadd.s32 s6, s5;
	[sflag:s3] =	ssyncadd.s32 $0xFFFFC000  }
0x217: {  	v6 =	vimm.s32 $0x0;
	s8 =	sadd.s32 $0x100, s5;
	v8 =	vld [tilespmem:s9+$0x0]  }
0x218: {  	s11 =	simm.s32 $0x10;
	v9 =	vimm.s32 $0x0;
	v5 =	vmov s5;
	v7 =	vmov s8;
	s8 =	simm.s32 $0x0  }
.LBB2_38:
0x219: {  	p0 =	seq.s32 s11, $0x2F0;
	_ =	sdelay $0x1  }
0x21a: {  	v10 =	vor.u32 s8, v3;
	s8 =	smov.u32 s11  }
0x21b: {  	vm0 =	vlt.s32 v10, v4;
	vm1 =	vlt.s32 v8, v7  }
0x21c: {  	vm2 =	vge.s32 v8, v5;
	vm0 =	vmand vm0, vm1  }
0x21d: {  	vm0 =	vmand vm0, vm2  }
0x21e: {  	v11 =	vsel vm0, $0x1, v2;
	v12 =	vmpcnt.ones.xlane vm0  }
0x21f: {  	(xrf0) =	vadd.scan.msk.s32 $0xffff, v11  }
0x220: {  	v6 =	vadd.s32 v6, v12;
	_ =	sdelay $0x4  }
0x221: {  	v11, _, _ =	vpop (xrf0)  }
0x222: {  	v11 =	vadd.s32 v11, v9;
	v9 =	vmov v6  }
0x223: {  	v11 =	vadd.s32 $0xFFFFFFFF, v11  }
0x224: {  	vm1 =	vlt.s32 v11, $0x40  }
0x225: {  	vm0 =	vmand vm0, vm1;
	_ =	sdelay $0x4  }
.Ltmp28:
0x226: {  	v8 =	vsub.s32 v8, v5;
	(pc) =	sbr.rel @!p0 .LBB2_38-.Ltmp28, $4  }
0x227: {  	[tilespmem:v11+s26+$0x0] =	vst.idx.msk vm0, v8  }
0x228: {  	s9 =	sadd.s32 $0x10, s9;
	[tilespmem:v11+s28+$0x0] =	vst.idx.msk vm0, v10  }
0x229: {  	v8 =	vld [tilespmem:s9+$0x0]  }
0x22a: {  	s11 =	sadd.s32 $0x10, s11  }
0x22b: {  	_ =	sdelay $0x1  }
0x22c: {  	v10 =	vor.u32 s8, v3  }
0x22d: {  	vm0 =	vlt.s32 v10, v4;
	vm1 =	vlt.s32 v8, v7  }
0x22e: {  	vm2 =	vge.s32 v8, v5;
	vm0 =	vmand vm0, vm1  }
0x22f: {  	vm0 =	vmand vm0, vm2  }
0x230: {  	v7 =	vsel vm0, $0x1, v2  }
0x231: {  	(xrf0) =	vadd.scan.msk.s32 $0xffff, v7;
	_ =	sdelay $0x5  }
0x232: {  	v7, _, _ =	vpop (xrf0)  }
0x233: {  	v7 =	vadd.s32 v7, v9  }
0x234: {  	v7 =	vadd.s32 $0xFFFFFFFF, v7  }
0x235: {  	vm15 =	vlt.s32 v7, $0x40  }
0x236: {  	vm1 =	vmand vm0, vm15;
	_ =	sdelay $0x3  }
0x237: {  	v63 =	vmpcnt.ones.xlane vm0  }
0x238: {  	v5 =	vsub.s32 v8, v5  }
0x239: {  	[tilespmem:v7+s26+$0x0] =	vst.idx.msk vm1, v5;
	v5 =	vadd.s32 v6, v63  }
0x23a: {  	(v2sf) =	vpush v5, $0x0;
	_ =	sdelay $0xa  }
.Ltmp29:
0x23b: {  	_ = 	snop;
	(pc) =	sbr.rel .LBB2_40-.Ltmp29, $2  }
0x23c: {  	_ =	sdelay $0x2  }
0x23d: {  	s9 =	simm.s32 $0x0;
	[tilespmem:v7+s28+$0x0] =	vst.idx.msk vm1, v10;
	s8 =	spop (v2sf)  }
.LBB2_43:
0x23e: {  	_ = 	snop  }
0x23f: {  	v6 =	vadd.s32 v23, v9;
	_ =	sdelay $0x3  }
0x240: {  	[tilespmem:v25+s0+$0x0] =	vst.idx.msk vm0, v24  }
0x241: {  	v7 =	vadd.s32 v21, v11;
	v6 =	vld.idx.msk [tilespmem:v6+s20+$0x0], vm0;
	_ =	sdelay $0x4  }
0x242: {  	[tilespmem:v7+s0+$0x0] =	vst.idx.msk vm0, v6  }
.LBB2_44:
0x243: {  	s9 =	sadd.s32 $0x1, s9  }
0x244: {  	p0 =	sne.s32 s9, $0x4  }
.Ltmp30:
0x245: {  	_ = 	snop;
	(pc) =	sbr.rel @!p0 .LBB2_45-.Ltmp30, $1  }
0x246: {  	_ =	sdelay $0x3  }
.LBB2_40:
0x247: {  	s15 =	sshll.u32 s9, $0x4  }
0x248: {  	p0 =	sge.s32 s15, s8  }
.Ltmp31:
0x249: {  	_ = 	snop;
	(pc) =	sbr.rel @p0 .LBB2_44-.Ltmp31, $1  }
0x24a: {  	_ =	sdelay $0x3  }
0x24b: {  	v6 =	vld [tilespmem:s15+$0x1E380]  }
0x24c: {  	s11 =	simm.s32 $0x0  }
0x24d: {  	v7 =	vmov s11  }
0x24e: {  	v7 =	vshrl.u32 v7, $0x3  }
0x24f: {  	v8 =	vbroadcast v7, $0x0  }
0x250: {  	v10 =	vld [tilespmem:s15+$0x1E300];
	v7 =	vor.u32 s15, v3;
	v9 =	vshll.u32 v6, $0x3  }
0x251: {  	v6 =	vand.u32 $0x7F, v6;
	v11 =	vand.u32 $0xFFFFFC00, v9;
	v9 =	vmul.u32 $0x1800, v8  }
0x252: {  	vm0 =	vlt.s32 v7, v5;
	v6 =	vor.u32 v6, v11  }
0x253: {  	v12 =	vadd.s32 v6, v9;
	_ =	sdelay $0x1  }
0x254: {  	v7 =	vshll.u32 v10, $0x3  }
0x255: {  	v10 =	vand.u32 $0x7F, v10;
	v7 =	vand.u32 $0xFFFFFC00, v7  }
0x256: {  	v7 =	vor.u32 v10, v7;
	v11 =	vshll.u32 v8, $0xB  }
0x257: {  	v8 =	vor.u32 $0x80, v6;
	v13 =	vadd.s32 v7, v11;
	v12 =	vld.idx.msk [tilespmem:v12+s20+$0x0], vm0  }
0x258: {  	v14 =	vadd.s32 v8, v9;
	_ =	sdelay $0x3  }
0x259: {  	v10 =	vor.u32 $0x80, v7;
	[tilespmem:v13+s0+$0x0] =	vst.idx.msk vm0, v12  }
0x25a: {  	v15 =	vadd.s32 v10, v11;
	v12 =	vor.u32 $0x100, v6;
	v14 =	vld.idx.msk [tilespmem:v14+s20+$0x0], vm0  }
0x25b: {  	v16 =	vadd.s32 v12, v9;
	_ =	sdelay $0x3  }
0x25c: {  	v13 =	vor.u32 $0x100, v7;
	[tilespmem:v15+s0+$0x0] =	vst.idx.msk vm0, v14  }
0x25d: {  	v17 =	vadd.s32 v13, v11;
	v14 =	vor.u32 $0x180, v6;
	v16 =	vld.idx.msk [tilespmem:v16+s20+$0x0], vm0  }
0x25e: {  	v18 =	vadd.s32 v14, v9;
	_ =	sdelay $0x3  }
0x25f: {  	v15 =	vor.u32 $0x180, v7;
	[tilespmem:v17+s0+$0x0] =	vst.idx.msk vm0, v16  }
0x260: {  	v19 =	vadd.s32 v15, v11;
	v16 =	vor.u32 $0x200, v6;
	v18 =	vld.idx.msk [tilespmem:v18+s20+$0x0], vm0  }
0x261: {  	v20 =	vadd.s32 v16, v9;
	_ =	sdelay $0x3  }
0x262: {  	v17 =	vor.u32 $0x200, v7;
	[tilespmem:v19+s0+$0x0] =	vst.idx.msk vm0, v18  }
0x263: {  	v21 =	vadd.s32 v17, v11;
	v18 =	vor.u32 $0x280, v6;
	v20 =	vld.idx.msk [tilespmem:v20+s20+$0x0], vm0  }
0x264: {  	v22 =	vadd.s32 v18, v9;
	_ =	sdelay $0x3  }
0x265: {  	v19 =	vor.u32 $0x280, v7;
	[tilespmem:v21+s0+$0x0] =	vst.idx.msk vm0, v20  }
0x266: {  	v23 =	vadd.s32 v19, v11;
	v20 =	vor.u32 $0x300, v6;
	v21 =	vld.idx.msk [tilespmem:v22+s20+$0x0], vm0  }
0x267: {  	v24 =	vadd.s32 v20, v9;
	_ =	sdelay $0x3  }
0x268: {  	v22 =	vor.u32 $0x300, v7;
	[tilespmem:v23+s0+$0x0] =	vst.idx.msk vm0, v21  }
0x269: {  	v25 =	vadd.s32 v22, v11;
	v23 =	vor.u32 $0x380, v6;
	v21 =	vor.u32 $0x380, v7;
	v24 =	vld.idx.msk [tilespmem:v24+s20+$0x0], vm0  }
.LBB2_42:
0x26a: {  	s11 =	sadd.s32 $0x8, s11;
	v26 =	vadd.s32 v23, v9  }
0x26b: {  	v9 =	vmov s11;
	p0 =	slt.u32 s11, $0x38  }
0x26c: {  	v9 =	vshrl.u32 v9, $0x3  }
0x26d: {  	v27 =	vbroadcast v9, $0x0  }
0x26e: {  	[tilespmem:v25+s0+$0x0] =	vst.idx.msk vm0, v24  }
0x26f: {  	v9 =	vmul.u32 $0x1800, v27;
	v24 =	vld.idx.msk [tilespmem:v26+s20+$0x0], vm0  }
0x270: {  	v11 =	vadd.s32 v21, v11  }
0x271: {  	v25 =	vadd.s32 v6, v9;
	_ =	sdelay $0x3  }
0x272: {  	[tilespmem:v11+s0+$0x0] =	vst.idx.msk vm0, v24  }
0x273: {  	v11 =	vshll.u32 v27, $0xB;
	v24 =	vld.idx.msk [tilespmem:v25+s20+$0x0], vm0  }
0x274: {  	v25 =	vadd.s32 v7, v11  }
0x275: {  	v26 =	vadd.s32 v8, v9;
	_ =	sdelay $0x3  }
0x276: {  	[tilespmem:v25+s0+$0x0] =	vst.idx.msk vm0, v24  }
0x277: {  	v24 =	vld.idx.msk [tilespmem:v26+s20+$0x0], vm0  }
0x278: {  	v25 =	vadd.s32 v10, v11  }
0x279: {  	v26 =	vadd.s32 v12, v9;
	_ =	sdelay $0x3  }
0x27a: {  	[tilespmem:v25+s0+$0x0] =	vst.idx.msk vm0, v24  }
0x27b: {  	v24 =	vld.idx.msk [tilespmem:v26+s20+$0x0], vm0  }
0x27c: {  	v25 =	vadd.s32 v13, v11  }
0x27d: {  	v26 =	vadd.s32 v14, v9;
	_ =	sdelay $0x3  }
0x27e: {  	[tilespmem:v25+s0+$0x0] =	vst.idx.msk vm0, v24  }
0x27f: {  	v24 =	vld.idx.msk [tilespmem:v26+s20+$0x0], vm0  }
0x280: {  	v25 =	vadd.s32 v15, v11  }
0x281: {  	v26 =	vadd.s32 v16, v9;
	_ =	sdelay $0x3  }
0x282: {  	[tilespmem:v25+s0+$0x0] =	vst.idx.msk vm0, v24  }
0x283: {  	v24 =	vld.idx.msk [tilespmem:v26+s20+$0x0], vm0  }
0x284: {  	v25 =	vadd.s32 v17, v11  }
0x285: {  	v26 =	vadd.s32 v18, v9;
	_ =	sdelay $0x3  }
0x286: {  	[tilespmem:v25+s0+$0x0] =	vst.idx.msk vm0, v24  }
0x287: {  	v24 =	vld.idx.msk [tilespmem:v26+s20+$0x0], vm0  }
0x288: {  	v25 =	vadd.s32 v19, v11  }
0x289: {  	v26 =	vadd.s32 v20, v9;
	_ =	sdelay $0x1  }
.Ltmp32:
0x28a: {  	(pc) =	sbr.rel @p0 .LBB2_42-.Ltmp32, $4  }
0x28b: {  	_ = 	snop  }
0x28c: {  	[tilespmem:v25+s0+$0x0] =	vst.idx.msk vm0, v24  }
0x28d: {  	v24 =	vld.idx.msk [tilespmem:v26+s20+$0x0], vm0  }
0x28e: {  	v25 =	vadd.s32 v22, v11  }
.Ltmp33:
0x28f: {  	_ = 	snop;
	(pc) =	sbr.rel .LBB2_43-.Ltmp33, $1  }
0x290: {  	_ =	sdelay $0x3  }
.LBB2_48:
0x291: {  	_ =	sfence.sel $0x180000  }
0x292: {  	[bflag:$0x0] =	sbarrier.arrive $0xFFFF  }
0x293: {  	_ =	strace $0x9000004A  }
0x294: {  	s0 =	stileid.u32;
	[bflag:$0x2] =	sbarrier.arrive $0xFFFF  }
0x295: {  	p0 =	sne.s32 s0, $0x0;
	s0 =	rddreg [dreg:$0x4]  }
0x296: {  	s0 =	sadd.s32 @!p0 $0x100000, s0  }
0x297: {  	[sflag:s0] =	ssyncadd.tile.s32 @!p0 $0x1;
	_ =	shalt  }
.Lfunc_end2:
_tile_overlayer_lowered:
.L_overlay_start_2:
0x298: {  	(tag) =	ssettag $0x2  }
0x299: {  	s0 =	rddreg [dreg:$0x0];
	s2 =	stileid.u32  }
0x29a: {  	s1 =	rddreg [dreg:$0x1];
	p0 =	sne.s32 s2, $0x0  }
0x29b: {  	s3 =	rddreg [dreg:$0x2];
	[bflag:$0x3] =	sbarrier.arrive $0xFFFF;
	s2 =	simm.s32 @!p0 $0x1C09  }
0x29c: {  	[timem:s3], [sflag:s2] =	dma.local @!p0 [hbm:s0], s1  }
0x29d: {  	s0 =	simm.s32 @!p0 $0x9  }
0x29e: {  	_ =	swait.ge @!p0 [sflag:s0], s1  }
0x29f: {  	s1 =	ssub.s32 @!p0 $0x0, s1;
	[sflag:s0] =	ssyncset.done @!p0 $0x0  }
0x2a0: {  	[sflag:s0] =	ssyncadd.s32 @!p0 s1  }
0x2a1: {  	[bflag:$0x3] =	sbarrier.arrive $0xFFFF  }
0x2a2: {  	_ =	shalt  }

</sc_bundles>
